<compile_context>
chip_gen: v7x
topology: tpu7x:2x2x1
jax: 0.10.2.dev20260603
libtpu: 0.0.44.dev20260713+nightly
codegen_flags: <defaults>
</compile_context>

<pallas_src>
import dataclasses
import functools

import jax
import jax.numpy as jnp
from jax import lax
from jax.experimental import pallas as pl
from jax.experimental.pallas import tpu as pltpu
from jax.experimental.pallas import tpu_sc as plsc

N = 10000
NP = 10240
E = 320000
D = 128
G = 64

NC = 2
NS = 16
NW = NC * NS
EPW = E // NW
K = 80
NCHUNK = EPW // K
HALF = NP // 2
DUMP = HALF
ACC_R = HALF + 8
RPSH = HALF // NS
CCH = NCHUNK + 2
CAP = CCH * K


def _sc_params():
  cp = pltpu.CompilerParams()
  if "needs_layout_passes" in pltpu.CompilerParams.__dataclass_fields__:
    cp = dataclasses.replace(cp, needs_layout_passes=False)
  return cp


def _partition_sc(src2, dst2):
  mesh = plsc.VectorSubcoreMesh(core_axis_name="core", subcore_axis_name="subcore")

  @functools.partial(
      pl.kernel,
      out_type=(jax.ShapeDtypeStruct((2, 2, NW, CAP), jnp.int32),
                jax.ShapeDtypeStruct((NW, 16), jnp.int32)),
      mesh=mesh,
      scratch_types=[
          pltpu.VMEM((EPW,), jnp.int32),
          pltpu.VMEM((EPW,), jnp.int32),
          pltpu.VMEM((CAP,), jnp.int32),
          pltpu.VMEM((CAP,), jnp.int32),
          pltpu.VMEM((CAP,), jnp.int32),
          pltpu.VMEM((CAP,), jnp.int32),
          pltpu.VMEM((16,), jnp.int32),
      ],
      compiler_params=_sc_params(),
  )
  def part(src_hbm, dst_hbm, lists_hbm, cnt_hbm,
           src_v, dst_v, s0_v, d0_v, s1_v, d1_v, cv):
    cid = lax.axis_index("core")
    sid = lax.axis_index("subcore")
    wid = cid * NS + sid
    pltpu.sync_copy(src_hbm.at[wid], src_v)
    pltpu.sync_copy(dst_hbm.at[wid], dst_v)

    zero16 = jnp.zeros((16,), jnp.int32)
    dump16 = jnp.full((16,), DUMP, jnp.int32)

    @pl.loop(0, CAP, step=16)
    def _(j):
      s0_v[pl.ds(j, 16)] = zero16
      s1_v[pl.ds(j, 16)] = zero16
      d0_v[pl.ds(j, 16)] = dump16
      d1_v[pl.ds(j, 16)] = dump16

    def body(i, carry):
      c0, c1 = carry
      s = src_v[pl.ds(i * 16, 16)]
      d = dst_v[pl.ds(i * 16, 16)]
      m0 = d < HALF
      m1 = jnp.logical_not(m0)
      plsc.store_compressed(s0_v.at[pl.ds(c0, 16)], s, mask=m0)
      plsc.store_compressed(d0_v.at[pl.ds(c0, 16)], d, mask=m0)
      plsc.store_compressed(s1_v.at[pl.ds(c1, 16)], s, mask=m1)
      plsc.store_compressed(d1_v.at[pl.ds(c1, 16)], d - HALF, mask=m1)
      n0 = jnp.sum(m0.astype(jnp.int32))
      return c0 + n0, c1 + (16 - n0)

    c0, c1 = lax.fori_loop(0, EPW // 16, body, (0, 0))

    nc0 = (c0 + K - 1) // K
    nc1 = (c1 + K - 1) // K
    lane = lax.iota(jnp.int32, 16)
    cv[...] = jnp.where(lane == 0, nc0, jnp.where(lane == 1, nc1, 0))

    pltpu.sync_copy(s0_v, lists_hbm.at[0, 0, wid])
    pltpu.sync_copy(d0_v, lists_hbm.at[0, 1, wid])
    pltpu.sync_copy(s1_v, lists_hbm.at[1, 0, wid])
    pltpu.sync_copy(d1_v, lists_hbm.at[1, 1, wid])
    pltpu.sync_copy(cv, cnt_hbm.at[wid])

  lists, counts = part(src2, dst2)
  return lists.reshape(2, 2, NW, CCH, K), counts


def _agg_sc(h, lists, counts):
  mesh = plsc.VectorSubcoreMesh(core_axis_name="core", subcore_axis_name="subcore")

  @functools.partial(
      pl.kernel,
      out_type=jax.ShapeDtypeStruct((NC, NP, D), jnp.float32),
      mesh=mesh,
      scratch_types=[
          pltpu.VMEM((CCH, K), jnp.int32),
          pltpu.VMEM((CCH, K), jnp.int32),
          pltpu.VMEM((16,), jnp.int32),
          pltpu.VMEM((K, D), jnp.float32),
          pltpu.VMEM((K, D), jnp.float32),
          pltpu.VMEM_SHARED((ACC_R, D), jnp.float32),
          pltpu.SemaphoreType.DMA,
          pltpu.SemaphoreType.DMA,
      ],
      compiler_params=_sc_params(),
  )
  def agg(h_hbm, lists_hbm, cnt_hbm, out_hbm,
          src_v, dst_v, cv, rows0, rows1, acc, sem0, sem1):
    cid = lax.axis_index("core")
    sid = lax.axis_index("subcore")
    wid = cid * NS + sid
    pltpu.sync_copy(cnt_hbm.at[wid], cv)
    lane = lax.iota(jnp.int32, 16)
    cvec = cv[...]

    for phase in (0, 1):
      pltpu.sync_copy(lists_hbm.at[phase, 0, wid], src_v)
      pltpu.sync_copy(lists_hbm.at[phase, 1, wid], dst_v)
      nc = jnp.sum(jnp.where(lane == phase, cvec, 0))

      row0 = pl.multiple_of(sid * RPSH, 8)
      growo = pl.multiple_of(phase * HALF + sid * RPSH, 8)
      pltpu.sync_copy(h_hbm.at[pl.ds(growo, RPSH)],
                      acc.at[pl.ds(row0, RPSH)])
      plsc.subcore_barrier()

      pltpu.async_copy(h_hbm.at[src_v.at[0]], rows0, sem0)

      @pl.loop(0, (nc + 1) // 2)
      def _(t):
        i = t * 2
        pltpu.async_copy(h_hbm.at[src_v.at[i + 1]], rows1, sem1)
        pltpu.make_async_copy(h_hbm.at[src_v.at[i]], rows0, sem0).wait()
        pltpu.sync_copy(rows0, acc.at[dst_v.at[i]], add=True)
        pltpu.async_copy(h_hbm.at[src_v.at[i + 2]], rows0, sem0)
        pltpu.make_async_copy(h_hbm.at[src_v.at[i + 1]], rows1, sem1).wait()
        pltpu.sync_copy(rows1, acc.at[dst_v.at[i + 1]], add=True)

      pltpu.make_async_copy(h_hbm.at[src_v.at[0]], rows0, sem0).wait()

      plsc.subcore_barrier()
      pltpu.sync_copy(acc.at[pl.ds(row0, RPSH)],
                      out_hbm.at[cid, pl.ds(growo, RPSH)])
      plsc.subcore_barrier()

  return agg(h, lists, counts)


BR = 640


def _mlp_tc(p0, p1, h, w1, b1, w2, b2, relu_out):

  def body(p0_ref, p1_ref, h_ref, w1_ref, b1_ref, w2_ref, b2_ref, o_ref):
    m = p0_ref[...] + p1_ref[...] - h_ref[...]
    t = jnp.dot(m, w1_ref[...], preferred_element_type=jnp.float32) + b1_ref[...]
    t = jnp.maximum(t, 0.0)
    o = jnp.dot(t, w2_ref[...], preferred_element_type=jnp.float32) + b2_ref[...]
    if relu_out:
      o = jnp.maximum(o, 0.0)
    o_ref[...] = o

  row_spec = pl.BlockSpec((BR, D), lambda i: (i, 0))
  full2 = lambda shape: pl.BlockSpec(shape, lambda i: (0, 0))
  return pl.pallas_call(
      body,
      grid=(NP // BR,),
      in_specs=[row_spec, row_spec, row_spec,
                full2((D, D)), full2((1, D)), full2((D, D)), full2((1, D))],
      out_specs=row_spec,
      out_shape=jax.ShapeDtypeStruct((NP, D), jnp.float32),
  )(p0, p1, h, w1, b1, w2, b2)


def _pool_head_tc(h, batch2, head_w, head_b2):

  def body(h_ref, b_ref, w_ref, hb_ref, o_ref):
    seg = lax.broadcasted_iota(jnp.int32, (G, N), 0)
    onehot = (seg == b_ref[...]).astype(jnp.float32)
    sums = jnp.dot(onehot, h_ref[...], preferred_element_type=jnp.float32)
    cnt = jnp.sum(onehot, axis=1, keepdims=True)
    pooled = sums / jnp.maximum(cnt, 1.0)
    o_ref[...] = (
        jnp.dot(pooled, w_ref[...], preferred_element_type=jnp.float32)
        + hb_ref[...])

  return pl.pallas_call(
      body,
      out_shape=jax.ShapeDtypeStruct((G, head_w.shape[1]), jnp.float32),
  )(h, batch2, head_w, head_b2)


def kernel(x, edge_index, batch,
           l0_w1, l0_b1, l0_w2, l0_b2,
           l1_w1, l1_b1, l1_w2, l1_b2,
           l2_w1, l2_b1, l2_w2, l2_b2,
           head_w, head_b):
  src2 = edge_index[0].reshape(NW, EPW)
  dst2 = edge_index[1].reshape(NW, EPW)
  batch2 = batch.reshape(1, N)

  lists, counts = _partition_sc(src2, dst2)

  def layer(h, w1, b1, w2, b2, relu_out):
    parts = _agg_sc(h, lists, counts)
    return _mlp_tc(parts[0], parts[1], h, w1, b1.reshape(1, D),
                   w2, b2.reshape(1, D), relu_out)

  h = jnp.pad(x, ((0, NP - N), (0, 0)))
  h = layer(h, l0_w1, l0_b1, l0_w2, l0_b2, True)
  h = layer(h, l1_w1, l1_b1, l1_w2, l1_b2, True)
  h = layer(h, l2_w1, l2_b1, l2_w2, l2_b2, False)
  return _pool_head_tc(h[:N], batch2, head_w, head_b.reshape(1, -1))

# --- scband reference (transcript-rebuilt; emitter-appended) ---
"""Pipeline reference for scband-gnnmodel-4964982194322 (READ-ONLY COPY).

The authoritative reference and input builder live on the scoring server;
editing this copy changes nothing except your own understanding.
"""

import jax, jax.numpy as jnp
import numpy as np

N = 10000
E = 320000
D = 128
H = 128
C = 10
G = 64


def _lin(key, fan_in, fan_out):
    k1, k2 = jax.random.split(key)
    bound = 1.0 / np.sqrt(fan_in)
    W = jax.random.uniform(k1, (fan_in, fan_out), minval=-bound, maxval=bound, dtype=jnp.float32)
    b = jax.random.uniform(k2, (fan_out,), minval=-bound, maxval=bound, dtype=jnp.float32)
    return W, b


def setup_inputs(seed: int = 0) -> dict:
    key = jax.random.key(seed)
    ks = jax.random.split(key, 12)
    x = jax.random.normal(ks[0], (N, D), dtype=jnp.float32)
    edge_index = jax.random.randint(ks[1], (2, E), 0, N)
    batch = jnp.sort(jax.random.randint(ks[2], (N,), 0, G))
    l0_w1, l0_b1 = _lin(ks[3], D, H)
    l0_w2, l0_b2 = _lin(ks[4], H, H)
    l1_w1, l1_b1 = _lin(ks[5], H, H)
    l1_w2, l1_b2 = _lin(ks[6], H, H)
    l2_w1, l2_b1 = _lin(ks[7], H, H)
    l2_w2, l2_b2 = _lin(ks[8], H, H)
    head_w, head_b = _lin(ks[9], H, C)
    return {
        'x': x, 'edge_index': edge_index, 'batch': batch,
        'l0_w1': l0_w1, 'l0_b1': l0_b1, 'l0_w2': l0_w2, 'l0_b2': l0_b2,
        'l1_w1': l1_w1, 'l1_b1': l1_b1, 'l1_w2': l1_w2, 'l1_b2': l1_b2,
        'l2_w1': l2_w1, 'l2_b1': l2_b1, 'l2_w2': l2_w2, 'l2_b2': l2_b2,
        'head_w': head_w, 'head_b': head_b,
    }


def reference(x, edge_index, batch,
              l0_w1, l0_b1, l0_w2, l0_b2,
              l1_w1, l1_b1, l1_w2, l1_b2,
              l2_w1, l2_b1, l2_w2, l2_b2,
              head_w, head_b):
    src = edge_index[0]
    dst = edge_index[1]

    def gin_conv(h, W1, b1, W2, b2):
        # GINConv with eps=0: MLP((1+eps)*x_i + sum_j x_j)
        agg = jnp.zeros_like(h).at[dst].add(h[src])
        m = agg + h
        m = jnp.dot(m, W1) + b1
        m = jax.nn.relu(m)
        m = jnp.dot(m, W2) + b2
        return m

    h = gin_conv(x, l0_w1, l0_b1, l0_w2, l0_b2)
    h = jax.nn.relu(h)  # dropout is identity at inference
    h = gin_conv(h, l1_w1, l1_b1, l1_w2, l1_b2)
    h = jax.nn.relu(h)
    h = gin_conv(h, l2_w1, l2_b1, l2_w2, l2_b2)
    # global_mean_pool over graph ids
    sums = jax.ops.segment_sum(h, batch, num_segments=G)
    cnt = jax.ops.segment_sum(jnp.ones((h.shape[0], 1), h.dtype), batch, num_segments=G)
    pooled = sums / jnp.maximum(cnt, 1.0)
    return jnp.dot(pooled, head_w) + head_b

if __name__ == "__main__":
    import jax
    _d = setup_inputs()
    print(jax.jit(kernel)(*tuple(_d.values())))

</pallas_src>

<mosaic_0001>
#map = affine_map<(d0, d1) -> (0, 0)>
#map1 = affine_map<(d0, d1) -> (0, 0, 0, 0, 0)>
#map2 = affine_map<(d0, d1) -> (0, 0, 0)>
module attributes {stable_mosaic.version = 14 : i64} {
  func.func @agg(%arg0: i32, %arg1: i32, %arg2: memref<10240x128xf32, #tpu.memory_space<hbm>>, %arg3: memref<2x2x32x127x80xi32, #tpu.memory_space<hbm>>, %arg4: memref<32x16xi32, #tpu.memory_space<hbm>>, %arg5: memref<2x10240x128xf32, #tpu.memory_space<hbm>>, %arg6: memref<127x80xi32, #tpu.memory_space<vmem>>, %arg7: memref<127x80xi32, #tpu.memory_space<vmem>>, %arg8: memref<16xi32, #tpu.memory_space<vmem>>, %arg9: memref<80x128xf32, #tpu.memory_space<vmem>>, %arg10: memref<80x128xf32, #tpu.memory_space<vmem>>, %arg11: memref<5128x128xf32, #tpu.memory_space<vmem_shared>>, %arg12: memref<!tpu.dma_semaphore, #tpu.memory_space<semaphore_mem>>, %arg13: memref<!tpu.dma_semaphore, #tpu.memory_space<semaphore_mem>>) attributes {dimension_semantics = [#tpu.dimension_semantics<core_parallel>, #tpu.dimension_semantics<subcore_parallel>], iteration_bounds = array<i64: 2, 16>, scalar_prefetch = 0 : i64, scratch_operands = 8 : i64, tpu.core_type = #tpu.core_type<sc_vector_subcore>, window_params = [{transform_indices = #map}, {transform_indices = #map1}, {transform_indices = #map}, {transform_indices = #map2}]} {
    %mul3A = arith.constant 16 : i32
    %mul3A_0 = arith.muli %arg0, %mul3A : i32
    %add3A = arith.addi %mul3A_0, %arg1 : i32
    "tpu.region"() ({
      %run_scoped3A_153 = tpu.sem_alloc : memref<!tpu.dma_semaphore, #tpu.memory_space<semaphore_mem>>
      %dma_start3A_154 = arith.constant 0 : i32
      %dma_start3A_155 = tpu.memref_slice %arg4[%add3A, %dma_start3A_154] : memref<32x16xi32, #tpu.memory_space<hbm>> -> memref<1x16xi32, #tpu.memory_space<hbm>>
      %dma_start3A_156 = tpu.memref_squeeze %dma_start3A_155 : memref<1x16xi32, #tpu.memory_space<hbm>> -> memref<16xi32, #tpu.memory_space<hbm>>
      %dma_start3A_157 = arith.constant 0 : i32
      %dma_start3A_158 = tpu.memref_slice %arg4[%add3A, %dma_start3A_157] : memref<32x16xi32, #tpu.memory_space<hbm>> -> memref<1x16xi32, #tpu.memory_space<hbm>>
      %dma_start3A_159 = tpu.memref_squeeze %dma_start3A_158 : memref<1x16xi32, #tpu.memory_space<hbm>> -> memref<16xi32, #tpu.memory_space<hbm>>
      tpu.enqueue_dma source(%dma_start3A_159 : memref<16xi32, #tpu.memory_space<hbm>>) target(%arg8 : memref<16xi32, #tpu.memory_space<vmem>>) target_semaphore(%run_scoped3A_153 : memref<!tpu.dma_semaphore, #tpu.memory_space<semaphore_mem>>)
      %dma_wait3A_160 = arith.constant 0 : i32
      %dma_wait3A_161 = tpu.memref_slice %arg4[%add3A, %dma_wait3A_160] : memref<32x16xi32, #tpu.memory_space<hbm>> -> memref<1x16xi32, #tpu.memory_space<hbm>>
      %dma_wait3A_162 = tpu.memref_squeeze %dma_wait3A_161 : memref<1x16xi32, #tpu.memory_space<hbm>> -> memref<16xi32, #tpu.memory_space<hbm>>
      %dma_wait3A_163 = arith.constant 0 : i32
      %dma_wait3A_164 = tpu.memref_slice %arg4[%add3A, %dma_wait3A_163] : memref<32x16xi32, #tpu.memory_space<hbm>> -> memref<1x16xi32, #tpu.memory_space<hbm>>
      %dma_wait3A_165 = tpu.memref_squeeze %dma_wait3A_164 : memref<1x16xi32, #tpu.memory_space<hbm>> -> memref<16xi32, #tpu.memory_space<hbm>>
      tpu.wait_dma2 semaphore(%run_scoped3A_153 : memref<!tpu.dma_semaphore, #tpu.memory_space<semaphore_mem>>) src(%dma_wait3A_165 : memref<16xi32, #tpu.memory_space<hbm>>) dst(%arg8 : memref<16xi32, #tpu.memory_space<vmem>>)
      tpu.yield
    }) : () -> ()
    %iota3A = tpu.iota {dimensions = array<i32: 0>} : vector<16xi32>
    %get3A = arith.constant 0 : index
    %get3A_1 = tpu.vector_load %arg8[%get3A] {strides = array<i32>} : memref<16xi32, #tpu.memory_space<vmem>>, vector<16xi32>,
    %run_scoped3A = arith.constant 0 : i32
    %run_scoped3A_2 = arith.constant 0 : i32
    "tpu.region"() ({
      %run_scoped3A_153 = tpu.sem_alloc : memref<!tpu.dma_semaphore, #tpu.memory_space<semaphore_mem>>
      %dma_start3A_154 = arith.constant 0 : i32
      %dma_start3A_155 = arith.constant 0 : i32
      %dma_start3A_156 = tpu.memref_slice %arg3[%run_scoped3A, %run_scoped3A_2, %add3A, %dma_start3A_154, %dma_start3A_155] : memref<2x2x32x127x80xi32, #tpu.memory_space<hbm>> -> memref<1x1x1x127x80xi32, #tpu.memory_space<hbm>>
      %dma_start3A_157 = tpu.memref_squeeze %dma_start3A_156 : memref<1x1x1x127x80xi32, #tpu.memory_space<hbm>> -> memref<127x80xi32, #tpu.memory_space<hbm>>
      %dma_start3A_158 = arith.constant 0 : i32
      %dma_start3A_159 = arith.constant 0 : i32
      %dma_start3A_160 = tpu.memref_slice %arg3[%run_scoped3A, %run_scoped3A_2, %add3A, %dma_start3A_158, %dma_start3A_159] : memref<2x2x32x127x80xi32, #tpu.memory_space<hbm>> -> memref<1x1x1x127x80xi32, #tpu.memory_space<hbm>>
      %dma_start3A_161 = tpu.memref_squeeze %dma_start3A_160 : memref<1x1x1x127x80xi32, #tpu.memory_space<hbm>> -> memref<127x80xi32, #tpu.memory_space<hbm>>
      tpu.enqueue_dma source(%dma_start3A_161 : memref<127x80xi32, #tpu.memory_space<hbm>>) target(%arg6 : memref<127x80xi32, #tpu.memory_space<vmem>>) target_semaphore(%run_scoped3A_153 : memref<!tpu.dma_semaphore, #tpu.memory_space<semaphore_mem>>)
      %dma_wait3A_162 = arith.constant 0 : i32
      %dma_wait3A_163 = arith.constant 0 : i32
      %dma_wait3A_164 = tpu.memref_slice %arg3[%run_scoped3A, %run_scoped3A_2, %add3A, %dma_wait3A_162, %dma_wait3A_163] : memref<2x2x32x127x80xi32, #tpu.memory_space<hbm>> -> memref<1x1x1x127x80xi32, #tpu.memory_space<hbm>>
      %dma_wait3A_165 = tpu.memref_squeeze %dma_wait3A_164 : memref<1x1x1x127x80xi32, #tpu.memory_space<hbm>> -> memref<127x80xi32, #tpu.memory_space<hbm>>
      %dma_wait3A_166 = arith.constant 0 : i32
      %dma_wait3A_167 = arith.constant 0 : i32
      %dma_wait3A_168 = tpu.memref_slice %arg3[%run_scoped3A, %run_scoped3A_2, %add3A, %dma_wait3A_166, %dma_wait3A_167] : memref<2x2x32x127x80xi32, #tpu.memory_space<hbm>> -> memref<1x1x1x127x80xi32, #tpu.memory_space<hbm>>
      %dma_wait3A_169 = tpu.memref_squeeze %dma_wait3A_168 : memref<1x1x1x127x80xi32, #tpu.memory_space<hbm>> -> memref<127x80xi32, #tpu.memory_space<hbm>>
      tpu.wait_dma2 semaphore(%run_scoped3A_153 : memref<!tpu.dma_semaphore, #tpu.memory_space<semaphore_mem>>) src(%dma_wait3A_169 : memref<127x80xi32, #tpu.memory_space<hbm>>) dst(%arg6 : memref<127x80xi32, #tpu.memory_space<vmem>>)
      tpu.yield
    }) : () -> ()
    %run_scoped3A_3 = arith.constant 0 : i32
    %run_scoped3A_4 = arith.constant 1 : i32
    "tpu.region"() ({
      %run_scoped3A_153 = tpu.sem_alloc : memref<!tpu.dma_semaphore, #tpu.memory_space<semaphore_mem>>
      %dma_start3A_154 = arith.constant 0 : i32
      %dma_start3A_155 = arith.constant 0 : i32
      %dma_start3A_156 = tpu.memref_slice %arg3[%run_scoped3A_3, %run_scoped3A_4, %add3A, %dma_start3A_154, %dma_start3A_155] : memref<2x2x32x127x80xi32, #tpu.memory_space<hbm>> -> memref<1x1x1x127x80xi32, #tpu.memory_space<hbm>>
      %dma_start3A_157 = tpu.memref_squeeze %dma_start3A_156 : memref<1x1x1x127x80xi32, #tpu.memory_space<hbm>> -> memref<127x80xi32, #tpu.memory_space<hbm>>
      %dma_start3A_158 = arith.constant 0 : i32
      %dma_start3A_159 = arith.constant 0 : i32
      %dma_start3A_160 = tpu.memref_slice %arg3[%run_scoped3A_3, %run_scoped3A_4, %add3A, %dma_start3A_158, %dma_start3A_159] : memref<2x2x32x127x80xi32, #tpu.memory_space<hbm>> -> memref<1x1x1x127x80xi32, #tpu.memory_space<hbm>>
      %dma_start3A_161 = tpu.memref_squeeze %dma_start3A_160 : memref<1x1x1x127x80xi32, #tpu.memory_space<hbm>> -> memref<127x80xi32, #tpu.memory_space<hbm>>
      tpu.enqueue_dma source(%dma_start3A_161 : memref<127x80xi32, #tpu.memory_space<hbm>>) target(%arg7 : memref<127x80xi32, #tpu.memory_space<vmem>>) target_semaphore(%run_scoped3A_153 : memref<!tpu.dma_semaphore, #tpu.memory_space<semaphore_mem>>)
      %dma_wait3A_162 = arith.constant 0 : i32
      %dma_wait3A_163 = arith.constant 0 : i32
      %dma_wait3A_164 = tpu.memref_slice %arg3[%run_scoped3A_3, %run_scoped3A_4, %add3A, %dma_wait3A_162, %dma_wait3A_163] : memref<2x2x32x127x80xi32, #tpu.memory_space<hbm>> -> memref<1x1x1x127x80xi32, #tpu.memory_space<hbm>>
      %dma_wait3A_165 = tpu.memref_squeeze %dma_wait3A_164 : memref<1x1x1x127x80xi32, #tpu.memory_space<hbm>> -> memref<127x80xi32, #tpu.memory_space<hbm>>
      %dma_wait3A_166 = arith.constant 0 : i32
      %dma_wait3A_167 = arith.constant 0 : i32
      %dma_wait3A_168 = tpu.memref_slice %arg3[%run_scoped3A_3, %run_scoped3A_4, %add3A, %dma_wait3A_166, %dma_wait3A_167] : memref<2x2x32x127x80xi32, #tpu.memory_space<hbm>> -> memref<1x1x1x127x80xi32, #tpu.memory_space<hbm>>
      %dma_wait3A_169 = tpu.memref_squeeze %dma_wait3A_168 : memref<1x1x1x127x80xi32, #tpu.memory_space<hbm>> -> memref<127x80xi32, #tpu.memory_space<hbm>>
      tpu.wait_dma2 semaphore(%run_scoped3A_153 : memref<!tpu.dma_semaphore, #tpu.memory_space<semaphore_mem>>) src(%dma_wait3A_169 : memref<127x80xi32, #tpu.memory_space<hbm>>) dst(%arg7 : memref<127x80xi32, #tpu.memory_space<vmem>>)
      tpu.yield
    }) : () -> ()
    %eq3A = arith.constant 0 : i32
    %eq3A_5 = vector.broadcast %eq3A : i32 to vector<16xi32>
    %eq3A_6 = arith.cmpi eq, %iota3A, %eq3A_5 : vector<16xi32>
    %jit3A = arith.constant 0 : i32
    %broadcast_in_dim3A = vector.broadcast %jit3A : i32 to vector<16xi32>
    %select_n3A = arith.select %eq3A_6, %get3A_1, %broadcast_in_dim3A : vector<16xi1>, vector<16xi32>
    %reduce_sum3A = arith.constant true
    %reduce_sum3A_7 = vector.broadcast %reduce_sum3A : i1 to vector<16xi1>
    %reduce_sum3A_8 = tpu.scan <sum>, %select_n3A masked %reduce_sum3A_7 : vector<16xi32>, vector<16xi1> -> vector<16xi32>
    %reduce_sum3A_9 = vector.extract %reduce_sum3A_8[15] : i32 from vector<16xi32>
    %mul3A_10 = arith.constant 320 : i32
    %mul3A_11 = arith.muli %arg1, %mul3A_10 : i32
    %multiple_of3A = tpu.assume_multiple %mul3A_11, 8 : i32
    %mul3A_12 = arith.constant 320 : i32
    %mul3A_13 = arith.muli %arg1, %mul3A_12 : i32
    %add3A_14 = arith.constant 0 : i32
    %add3A_15 = arith.addi %add3A_14, %mul3A_13 : i32
    %multiple_of3A_16 = tpu.assume_multiple %add3A_15, 8 : i32
    "tpu.region"() ({
      %run_scoped3A_153 = tpu.sem_alloc : memref<!tpu.dma_semaphore, #tpu.memory_space<semaphore_mem>>
      %dma_start3A_154 = arith.constant 0 : i32
      %dma_start3A_155 = tpu.memref_slice %arg11[%multiple_of3A, %dma_start3A_154] : memref<5128x128xf32, #tpu.memory_space<vmem_shared>> -> memref<320x128xf32, #tpu.memory_space<vmem_shared>>
      %dma_start3A_156 = arith.constant 0 : i32
      %dma_start3A_157 = tpu.memref_slice %arg2[%multiple_of3A_16, %dma_start3A_156] : memref<10240x128xf32, #tpu.memory_space<hbm>> -> memref<320x128xf32, #tpu.memory_space<hbm>>
      tpu.enqueue_dma source(%dma_start3A_157 : memref<320x128xf32, #tpu.memory_space<hbm>>) target(%dma_start3A_155 : memref<320x128xf32, #tpu.memory_space<vmem_shared>>) target_semaphore(%run_scoped3A_153 : memref<!tpu.dma_semaphore, #tpu.memory_space<semaphore_mem>>)
      %dma_wait3A_158 = arith.constant 0 : i32
      %dma_wait3A_159 = tpu.memref_slice %arg11[%multiple_of3A, %dma_wait3A_158] : memref<5128x128xf32, #tpu.memory_space<vmem_shared>> -> memref<320x128xf32, #tpu.memory_space<vmem_shared>>
      %dma_wait3A_160 = arith.constant 0 : i32
      %dma_wait3A_161 = tpu.memref_slice %arg2[%multiple_of3A_16, %dma_wait3A_160] : memref<10240x128xf32, #tpu.memory_space<hbm>> -> memref<320x128xf32, #tpu.memory_space<hbm>>
      tpu.wait_dma2 semaphore(%run_scoped3A_153 : memref<!tpu.dma_semaphore, #tpu.memory_space<semaphore_mem>>) src(%dma_wait3A_161 : memref<320x128xf32, #tpu.memory_space<hbm>>) dst(%dma_wait3A_159 : memref<320x128xf32, #tpu.memory_space<vmem_shared>>)
      tpu.yield
    }) : () -> ()
    %barrier3A = arith.constant 0 : index
    tpu.barrier barrier_id(%barrier3A)
    %dma_start3A = arith.constant 0 : i32
    %dma_start3A_17 = arith.constant 0 : i32
    %dma_start3A_18 = tpu.memref_slice %arg6[%dma_start3A, %dma_start3A_17] : memref<127x80xi32, #tpu.memory_space<vmem>> -> memref<1x80xi32, #tpu.memory_space<vmem>>
    %dma_start3A_19 = tpu.memref_squeeze %dma_start3A_18 : memref<1x80xi32, #tpu.memory_space<vmem>> -> memref<80xi32, #tpu.memory_space<vmem>>
    %dma_start3A_20 = arith.constant 0 : i32
    %dma_start3A_21 = arith.constant 0 : i32
    %dma_start3A_22 = tpu.memref_slice %arg2[%dma_start3A_20, %dma_start3A_21] : memref<10240x128xf32, #tpu.memory_space<hbm>> -> memref<10240x128xf32, #tpu.memory_space<hbm>>
    tpu.enqueue_indirect_dma source(%dma_start3A_22 : memref<10240x128xf32, #tpu.memory_space<hbm>>) target(%arg9 : memref<80x128xf32, #tpu.memory_space<vmem>>) offsets(%dma_start3A_19 : memref<80xi32, #tpu.memory_space<vmem>>) semaphore(%arg12 : memref<!tpu.dma_semaphore, #tpu.memory_space<semaphore_mem>>)
    %add3A_23 = arith.constant 1 : i32
    %add3A_24 = arith.addi %reduce_sum3A_9, %add3A_23 : i32
    %jit3A_25 = arith.constant 2 : i32
    %div3A = arith.divsi %add3A_24, %jit3A_25 : i32
    %sign3A = arith.constant 0 : i32
    %sign3A_26 = arith.cmpi sgt, %add3A_24, %sign3A : i32
    %sign3A_27 = arith.extui %sign3A_26 : i1 to i32
    %sign3A_28 = arith.constant 0 : i32
    %sign3A_29 = arith.cmpi slt, %add3A_24, %sign3A_28 : i32
    %sign3A_30 = arith.extui %sign3A_29 : i1 to i32
    %sign3A_31 = arith.subi %sign3A_27, %sign3A_30 : i32
    %sign3A_32 = arith.constant 0 : i32
    %sign3A_33 = arith.cmpi sgt, %jit3A_25, %sign3A_32 : i32
    %sign3A_34 = arith.extui %sign3A_33 : i1 to i32
    %sign3A_35 = arith.constant 0 : i32
    %sign3A_36 = arith.cmpi slt, %jit3A_25, %sign3A_35 : i32
    %sign3A_37 = arith.extui %sign3A_36 : i1 to i32
    %sign3A_38 = arith.subi %sign3A_34, %sign3A_37 : i32
    %ne3A = arith.cmpi ne, %sign3A_31, %sign3A_38 : i32
    %rem3A = arith.remsi %add3A_24, %jit3A_25 : i32
    %ne3A_39 = arith.constant 0 : i32
    %ne3A_40 = arith.cmpi ne, %rem3A, %ne3A_39 : i32
    %and3A = arith.andi %ne3A, %ne3A_40 : i1
    %sub3A = arith.constant 1 : i32
    %sub3A_41 = arith.subi %div3A, %sub3A : i32
    %select_n3A_42 = arith.select %and3A, %sub3A_41, %div3A : i32
    %sub3A_43 = arith.constant 0 : i32
    %sub3A_44 = arith.subi %select_n3A_42, %sub3A_43 : i32
    %sub3A_45 = arith.constant 1 : i32
    %sub3A_46 = arith.constant 1 : i32
    %sub3A_47 = arith.subi %sub3A_45, %sub3A_46 : i32
    %add3A_48 = arith.addi %sub3A_44, %sub3A_47 : i32
    %div3A_49 = arith.constant 1 : i32
    %div3A_50 = arith.divsi %add3A_48, %div3A_49 : i32
    %while3A = arith.constant 1 : i32
    %while3A_51 = arith.constant 0 : i32
    %while3A_52 = arith.constant 0 : i32
    %while3A_53 = arith.subi %div3A_50, %while3A_52 : i32
    %while3A_54 = arith.addi %while3A_52, %while3A_53 : i32
    %while3A_55 = arith.constant 1 : i32
    %while3A_56 = arith.divsi %while3A_53, %while3A_55 : i32
    %while3A_57 = arith.muli %while3A_56, %while3A_55 : i32
    %while3A_58 = arith.addi %while3A_52, %while3A_57 : i32
    %while3A_59 = arith.constant 1 : i32
    scf.for %while3A_153 = %while3A_52 to %while3A_58 step %while3A_59  : i32 {
      %mul3A_154 = arith.muli %while3A_153, %while3A : i32
      %add3A_155 = arith.addi %while3A_51, %mul3A_154 : i32
      %mul3A_156 = arith.constant 2 : i32
      %mul3A_157 = arith.muli %add3A_155, %mul3A_156 : i32
      %add3A_158 = arith.constant 1 : i32
      %add3A_159 = arith.addi %mul3A_157, %add3A_158 : i32
      %dma_start3A_160 = arith.constant 0 : i32
      %dma_start3A_161 = tpu.memref_slice %arg6[%add3A_159, %dma_start3A_160] : memref<127x80xi32, #tpu.memory_space<vmem>> -> memref<1x80xi32, #tpu.memory_space<vmem>>
      %dma_start3A_162 = tpu.memref_squeeze %dma_start3A_161 : memref<1x80xi32, #tpu.memory_space<vmem>> -> memref<80xi32, #tpu.memory_space<vmem>>
      %dma_start3A_163 = arith.constant 0 : i32
      %dma_start3A_164 = arith.constant 0 : i32
      %dma_start3A_165 = tpu.memref_slice %arg2[%dma_start3A_163, %dma_start3A_164] : memref<10240x128xf32, #tpu.memory_space<hbm>> -> memref<10240x128xf32, #tpu.memory_space<hbm>>
      tpu.enqueue_indirect_dma source(%dma_start3A_165 : memref<10240x128xf32, #tpu.memory_space<hbm>>) target(%arg10 : memref<80x128xf32, #tpu.memory_space<vmem>>) offsets(%dma_start3A_162 : memref<80xi32, #tpu.memory_space<vmem>>) semaphore(%arg13 : memref<!tpu.dma_semaphore, #tpu.memory_space<semaphore_mem>>)
      %dma_wait3A_166 = arith.constant 0 : i32
      %dma_wait3A_167 = tpu.memref_slice %arg6[%mul3A_157, %dma_wait3A_166] : memref<127x80xi32, #tpu.memory_space<vmem>> -> memref<1x80xi32, #tpu.memory_space<vmem>>
      %dma_wait3A_168 = tpu.memref_squeeze %dma_wait3A_167 : memref<1x80xi32, #tpu.memory_space<vmem>> -> memref<80xi32, #tpu.memory_space<vmem>>
      %dma_wait3A_169 = arith.constant 0 : i32
      %dma_wait3A_170 = arith.constant 0 : i32
      %dma_wait3A_171 = tpu.memref_slice %arg2[%dma_wait3A_169, %dma_wait3A_170] : memref<10240x128xf32, #tpu.memory_space<hbm>> -> memref<10240x128xf32, #tpu.memory_space<hbm>>
      tpu.wait_indirect_dma semaphore(%arg12 : memref<!tpu.dma_semaphore, #tpu.memory_space<semaphore_mem>>) src(%dma_wait3A_171 : memref<10240x128xf32, #tpu.memory_space<hbm>>) dst(%arg9 : memref<80x128xf32, #tpu.memory_space<vmem>>)
      "tpu.region"() ({
        %run_scoped3A_190 = tpu.sem_alloc : memref<!tpu.dma_semaphore, #tpu.memory_space<semaphore_mem>>
        %dma_start3A_191 = arith.constant 0 : i32
        %dma_start3A_192 = tpu.memref_slice %arg7[%mul3A_157, %dma_start3A_191] : memref<127x80xi32, #tpu.memory_space<vmem>> -> memref<1x80xi32, #tpu.memory_space<vmem>>
        %dma_start3A_193 = tpu.memref_squeeze %dma_start3A_192 : memref<1x80xi32, #tpu.memory_space<vmem>> -> memref<80xi32, #tpu.memory_space<vmem>>
        %dma_start3A_194 = arith.constant 0 : i32
        %dma_start3A_195 = arith.constant 0 : i32
        %dma_start3A_196 = tpu.memref_slice %arg11[%dma_start3A_194, %dma_start3A_195] : memref<5128x128xf32, #tpu.memory_space<vmem_shared>> -> memref<5128x128xf32, #tpu.memory_space<vmem_shared>>
        tpu.enqueue_indirect_dma source(%arg9 : memref<80x128xf32, #tpu.memory_space<vmem>>) target(%dma_start3A_196 : memref<5128x128xf32, #tpu.memory_space<vmem_shared>>) offsets(%dma_start3A_193 : memref<80xi32, #tpu.memory_space<vmem>>) semaphore(%run_scoped3A_190 : memref<!tpu.dma_semaphore, #tpu.memory_space<semaphore_mem>>) {add = true}
        %dma_wait3A_197 = arith.constant 0 : i32
        %dma_wait3A_198 = tpu.memref_slice %arg7[%mul3A_157, %dma_wait3A_197] : memref<127x80xi32, #tpu.memory_space<vmem>> -> memref<1x80xi32, #tpu.memory_space<vmem>>
        %dma_wait3A_199 = tpu.memref_squeeze %dma_wait3A_198 : memref<1x80xi32, #tpu.memory_space<vmem>> -> memref<80xi32, #tpu.memory_space<vmem>>
        %dma_wait3A_200 = arith.constant 0 : i32
        %dma_wait3A_201 = arith.constant 0 : i32
        %dma_wait3A_202 = tpu.memref_slice %arg11[%dma_wait3A_200, %dma_wait3A_201] : memref<5128x128xf32, #tpu.memory_space<vmem_shared>> -> memref<5128x128xf32, #tpu.memory_space<vmem_shared>>
        tpu.wait_indirect_dma semaphore(%run_scoped3A_190 : memref<!tpu.dma_semaphore, #tpu.memory_space<semaphore_mem>>) src(%arg9 : memref<80x128xf32, #tpu.memory_space<vmem>>) dst(%dma_wait3A_202 : memref<5128x128xf32, #tpu.memory_space<vmem_shared>>)
        tpu.yield
      }) : () -> ()
      %add3A_172 = arith.constant 2 : i32
      %add3A_173 = arith.addi %mul3A_157, %add3A_172 : i32
      %dma_start3A_174 = arith.constant 0 : i32
      %dma_start3A_175 = tpu.memref_slice %arg6[%add3A_173, %dma_start3A_174] : memref<127x80xi32, #tpu.memory_space<vmem>> -> memref<1x80xi32, #tpu.memory_space<vmem>>
      %dma_start3A_176 = tpu.memref_squeeze %dma_start3A_175 : memref<1x80xi32, #tpu.memory_space<vmem>> -> memref<80xi32, #tpu.memory_space<vmem>>
      %dma_start3A_177 = arith.constant 0 : i32
      %dma_start3A_178 = arith.constant 0 : i32
      %dma_start3A_179 = tpu.memref_slice %arg2[%dma_start3A_177, %dma_start3A_178] : memref<10240x128xf32, #tpu.memory_space<hbm>> -> memref<10240x128xf32, #tpu.memory_space<hbm>>
      tpu.enqueue_indirect_dma source(%dma_start3A_179 : memref<10240x128xf32, #tpu.memory_space<hbm>>) target(%arg9 : memref<80x128xf32, #tpu.memory_space<vmem>>) offsets(%dma_start3A_176 : memref<80xi32, #tpu.memory_space<vmem>>) semaphore(%arg12 : memref<!tpu.dma_semaphore, #tpu.memory_space<semaphore_mem>>)
      %add3A_180 = arith.constant 1 : i32
      %add3A_181 = arith.addi %mul3A_157, %add3A_180 : i32
      %dma_wait3A_182 = arith.constant 0 : i32
      %dma_wait3A_183 = tpu.memref_slice %arg6[%add3A_181, %dma_wait3A_182] : memref<127x80xi32, #tpu.memory_space<vmem>> -> memref<1x80xi32, #tpu.memory_space<vmem>>
      %dma_wait3A_184 = tpu.memref_squeeze %dma_wait3A_183 : memref<1x80xi32, #tpu.memory_space<vmem>> -> memref<80xi32, #tpu.memory_space<vmem>>
      %dma_wait3A_185 = arith.constant 0 : i32
      %dma_wait3A_186 = arith.constant 0 : i32
      %dma_wait3A_187 = tpu.memref_slice %arg2[%dma_wait3A_185, %dma_wait3A_186] : memref<10240x128xf32, #tpu.memory_space<hbm>> -> memref<10240x128xf32, #tpu.memory_space<hbm>>
      tpu.wait_indirect_dma semaphore(%arg13 : memref<!tpu.dma_semaphore, #tpu.memory_space<semaphore_mem>>) src(%dma_wait3A_187 : memref<10240x128xf32, #tpu.memory_space<hbm>>) dst(%arg10 : memref<80x128xf32, #tpu.memory_space<vmem>>)
      %add3A_188 = arith.constant 1 : i32
      %add3A_189 = arith.addi %mul3A_157, %add3A_188 : i32
      "tpu.region"() ({
        %run_scoped3A_190 = tpu.sem_alloc : memref<!tpu.dma_semaphore, #tpu.memory_space<semaphore_mem>>
        %dma_start3A_191 = arith.constant 0 : i32
        %dma_start3A_192 = tpu.memref_slice %arg7[%add3A_189, %dma_start3A_191] : memref<127x80xi32, #tpu.memory_space<vmem>> -> memref<1x80xi32, #tpu.memory_space<vmem>>
        %dma_start3A_193 = tpu.memref_squeeze %dma_start3A_192 : memref<1x80xi32, #tpu.memory_space<vmem>> -> memref<80xi32, #tpu.memory_space<vmem>>
        %dma_start3A_194 = arith.constant 0 : i32
        %dma_start3A_195 = arith.constant 0 : i32
        %dma_start3A_196 = tpu.memref_slice %arg11[%dma_start3A_194, %dma_start3A_195] : memref<5128x128xf32, #tpu.memory_space<vmem_shared>> -> memref<5128x128xf32, #tpu.memory_space<vmem_shared>>
        tpu.enqueue_indirect_dma source(%arg10 : memref<80x128xf32, #tpu.memory_space<vmem>>) target(%dma_start3A_196 : memref<5128x128xf32, #tpu.memory_space<vmem_shared>>) offsets(%dma_start3A_193 : memref<80xi32, #tpu.memory_space<vmem>>) semaphore(%run_scoped3A_190 : memref<!tpu.dma_semaphore, #tpu.memory_space<semaphore_mem>>) {add = true}
        %dma_wait3A_197 = arith.constant 0 : i32
        %dma_wait3A_198 = tpu.memref_slice %arg7[%add3A_189, %dma_wait3A_197] : memref<127x80xi32, #tpu.memory_space<vmem>> -> memref<1x80xi32, #tpu.memory_space<vmem>>
        %dma_wait3A_199 = tpu.memref_squeeze %dma_wait3A_198 : memref<1x80xi32, #tpu.memory_space<vmem>> -> memref<80xi32, #tpu.memory_space<vmem>>
        %dma_wait3A_200 = arith.constant 0 : i32
        %dma_wait3A_201 = arith.constant 0 : i32
        %dma_wait3A_202 = tpu.memref_slice %arg11[%dma_wait3A_200, %dma_wait3A_201] : memref<5128x128xf32, #tpu.memory_space<vmem_shared>> -> memref<5128x128xf32, #tpu.memory_space<vmem_shared>>
        tpu.wait_indirect_dma semaphore(%run_scoped3A_190 : memref<!tpu.dma_semaphore, #tpu.memory_space<semaphore_mem>>) src(%arg10 : memref<80x128xf32, #tpu.memory_space<vmem>>) dst(%dma_wait3A_202 : memref<5128x128xf32, #tpu.memory_space<vmem_shared>>)
        tpu.yield
      }) : () -> ()
    }
    %while3A_60 = arith.constant 1 : i32
    scf.for %while3A_153 = %while3A_58 to %while3A_54 step %while3A_60  : i32 {
      %mul3A_154 = arith.muli %while3A_153, %while3A : i32
      %add3A_155 = arith.addi %while3A_51, %mul3A_154 : i32
      %mul3A_156 = arith.constant 2 : i32
      %mul3A_157 = arith.muli %add3A_155, %mul3A_156 : i32
      %add3A_158 = arith.constant 1 : i32
      %add3A_159 = arith.addi %mul3A_157, %add3A_158 : i32
      %dma_start3A_160 = arith.constant 0 : i32
      %dma_start3A_161 = tpu.memref_slice %arg6[%add3A_159, %dma_start3A_160] : memref<127x80xi32, #tpu.memory_space<vmem>> -> memref<1x80xi32, #tpu.memory_space<vmem>>
      %dma_start3A_162 = tpu.memref_squeeze %dma_start3A_161 : memref<1x80xi32, #tpu.memory_space<vmem>> -> memref<80xi32, #tpu.memory_space<vmem>>
      %dma_start3A_163 = arith.constant 0 : i32
      %dma_start3A_164 = arith.constant 0 : i32
      %dma_start3A_165 = tpu.memref_slice %arg2[%dma_start3A_163, %dma_start3A_164] : memref<10240x128xf32, #tpu.memory_space<hbm>> -> memref<10240x128xf32, #tpu.memory_space<hbm>>
      tpu.enqueue_indirect_dma source(%dma_start3A_165 : memref<10240x128xf32, #tpu.memory_space<hbm>>) target(%arg10 : memref<80x128xf32, #tpu.memory_space<vmem>>) offsets(%dma_start3A_162 : memref<80xi32, #tpu.memory_space<vmem>>) semaphore(%arg13 : memref<!tpu.dma_semaphore, #tpu.memory_space<semaphore_mem>>)
      %dma_wait3A_166 = arith.constant 0 : i32
      %dma_wait3A_167 = tpu.memref_slice %arg6[%mul3A_157, %dma_wait3A_166] : memref<127x80xi32, #tpu.memory_space<vmem>> -> memref<1x80xi32, #tpu.memory_space<vmem>>
      %dma_wait3A_168 = tpu.memref_squeeze %dma_wait3A_167 : memref<1x80xi32, #tpu.memory_space<vmem>> -> memref<80xi32, #tpu.memory_space<vmem>>
      %dma_wait3A_169 = arith.constant 0 : i32
      %dma_wait3A_170 = arith.constant 0 : i32
      %dma_wait3A_171 = tpu.memref_slice %arg2[%dma_wait3A_169, %dma_wait3A_170] : memref<10240x128xf32, #tpu.memory_space<hbm>> -> memref<10240x128xf32, #tpu.memory_space<hbm>>
      tpu.wait_indirect_dma semaphore(%arg12 : memref<!tpu.dma_semaphore, #tpu.memory_space<semaphore_mem>>) src(%dma_wait3A_171 : memref<10240x128xf32, #tpu.memory_space<hbm>>) dst(%arg9 : memref<80x128xf32, #tpu.memory_space<vmem>>)
      "tpu.region"() ({
        %run_scoped3A_190 = tpu.sem_alloc : memref<!tpu.dma_semaphore, #tpu.memory_space<semaphore_mem>>
        %dma_start3A_191 = arith.constant 0 : i32
        %dma_start3A_192 = tpu.memref_slice %arg7[%mul3A_157, %dma_start3A_191] : memref<127x80xi32, #tpu.memory_space<vmem>> -> memref<1x80xi32, #tpu.memory_space<vmem>>
        %dma_start3A_193 = tpu.memref_squeeze %dma_start3A_192 : memref<1x80xi32, #tpu.memory_space<vmem>> -> memref<80xi32, #tpu.memory_space<vmem>>
        %dma_start3A_194 = arith.constant 0 : i32
        %dma_start3A_195 = arith.constant 0 : i32
        %dma_start3A_196 = tpu.memref_slice %arg11[%dma_start3A_194, %dma_start3A_195] : memref<5128x128xf32, #tpu.memory_space<vmem_shared>> -> memref<5128x128xf32, #tpu.memory_space<vmem_shared>>
        tpu.enqueue_indirect_dma source(%arg9 : memref<80x128xf32, #tpu.memory_space<vmem>>) target(%dma_start3A_196 : memref<5128x128xf32, #tpu.memory_space<vmem_shared>>) offsets(%dma_start3A_193 : memref<80xi32, #tpu.memory_space<vmem>>) semaphore(%run_scoped3A_190 : memref<!tpu.dma_semaphore, #tpu.memory_space<semaphore_mem>>) {add = true}
        %dma_wait3A_197 = arith.constant 0 : i32
        %dma_wait3A_198 = tpu.memref_slice %arg7[%mul3A_157, %dma_wait3A_197] : memref<127x80xi32, #tpu.memory_space<vmem>> -> memref<1x80xi32, #tpu.memory_space<vmem>>
        %dma_wait3A_199 = tpu.memref_squeeze %dma_wait3A_198 : memref<1x80xi32, #tpu.memory_space<vmem>> -> memref<80xi32, #tpu.memory_space<vmem>>
        %dma_wait3A_200 = arith.constant 0 : i32
        %dma_wait3A_201 = arith.constant 0 : i32
        %dma_wait3A_202 = tpu.memref_slice %arg11[%dma_wait3A_200, %dma_wait3A_201] : memref<5128x128xf32, #tpu.memory_space<vmem_shared>> -> memref<5128x128xf32, #tpu.memory_space<vmem_shared>>
        tpu.wait_indirect_dma semaphore(%run_scoped3A_190 : memref<!tpu.dma_semaphore, #tpu.memory_space<semaphore_mem>>) src(%arg9 : memref<80x128xf32, #tpu.memory_space<vmem>>) dst(%dma_wait3A_202 : memref<5128x128xf32, #tpu.memory_space<vmem_shared>>)
        tpu.yield
      }) : () -> ()
      %add3A_172 = arith.constant 2 : i32
      %add3A_173 = arith.addi %mul3A_157, %add3A_172 : i32
      %dma_start3A_174 = arith.constant 0 : i32
      %dma_start3A_175 = tpu.memref_slice %arg6[%add3A_173, %dma_start3A_174] : memref<127x80xi32, #tpu.memory_space<vmem>> -> memref<1x80xi32, #tpu.memory_space<vmem>>
      %dma_start3A_176 = tpu.memref_squeeze %dma_start3A_175 : memref<1x80xi32, #tpu.memory_space<vmem>> -> memref<80xi32, #tpu.memory_space<vmem>>
      %dma_start3A_177 = arith.constant 0 : i32
      %dma_start3A_178 = arith.constant 0 : i32
      %dma_start3A_179 = tpu.memref_slice %arg2[%dma_start3A_177, %dma_start3A_178] : memref<10240x128xf32, #tpu.memory_space<hbm>> -> memref<10240x128xf32, #tpu.memory_space<hbm>>
      tpu.enqueue_indirect_dma source(%dma_start3A_179 : memref<10240x128xf32, #tpu.memory_space<hbm>>) target(%arg9 : memref<80x128xf32, #tpu.memory_space<vmem>>) offsets(%dma_start3A_176 : memref<80xi32, #tpu.memory_space<vmem>>) semaphore(%arg12 : memref<!tpu.dma_semaphore, #tpu.memory_space<semaphore_mem>>)
      %add3A_180 = arith.constant 1 : i32
      %add3A_181 = arith.addi %mul3A_157, %add3A_180 : i32
      %dma_wait3A_182 = arith.constant 0 : i32
      %dma_wait3A_183 = tpu.memref_slice %arg6[%add3A_181, %dma_wait3A_182] : memref<127x80xi32, #tpu.memory_space<vmem>> -> memref<1x80xi32, #tpu.memory_space<vmem>>
      %dma_wait3A_184 = tpu.memref_squeeze %dma_wait3A_183 : memref<1x80xi32, #tpu.memory_space<vmem>> -> memref<80xi32, #tpu.memory_space<vmem>>
      %dma_wait3A_185 = arith.constant 0 : i32
      %dma_wait3A_186 = arith.constant 0 : i32
      %dma_wait3A_187 = tpu.memref_slice %arg2[%dma_wait3A_185, %dma_wait3A_186] : memref<10240x128xf32, #tpu.memory_space<hbm>> -> memref<10240x128xf32, #tpu.memory_space<hbm>>
      tpu.wait_indirect_dma semaphore(%arg13 : memref<!tpu.dma_semaphore, #tpu.memory_space<semaphore_mem>>) src(%dma_wait3A_187 : memref<10240x128xf32, #tpu.memory_space<hbm>>) dst(%arg10 : memref<80x128xf32, #tpu.memory_space<vmem>>)
      %add3A_188 = arith.constant 1 : i32
      %add3A_189 = arith.addi %mul3A_157, %add3A_188 : i32
      "tpu.region"() ({
        %run_scoped3A_190 = tpu.sem_alloc : memref<!tpu.dma_semaphore, #tpu.memory_space<semaphore_mem>>
        %dma_start3A_191 = arith.constant 0 : i32
        %dma_start3A_192 = tpu.memref_slice %arg7[%add3A_189, %dma_start3A_191] : memref<127x80xi32, #tpu.memory_space<vmem>> -> memref<1x80xi32, #tpu.memory_space<vmem>>
        %dma_start3A_193 = tpu.memref_squeeze %dma_start3A_192 : memref<1x80xi32, #tpu.memory_space<vmem>> -> memref<80xi32, #tpu.memory_space<vmem>>
        %dma_start3A_194 = arith.constant 0 : i32
        %dma_start3A_195 = arith.constant 0 : i32
        %dma_start3A_196 = tpu.memref_slice %arg11[%dma_start3A_194, %dma_start3A_195] : memref<5128x128xf32, #tpu.memory_space<vmem_shared>> -> memref<5128x128xf32, #tpu.memory_space<vmem_shared>>
        tpu.enqueue_indirect_dma source(%arg10 : memref<80x128xf32, #tpu.memory_space<vmem>>) target(%dma_start3A_196 : memref<5128x128xf32, #tpu.memory_space<vmem_shared>>) offsets(%dma_start3A_193 : memref<80xi32, #tpu.memory_space<vmem>>) semaphore(%run_scoped3A_190 : memref<!tpu.dma_semaphore, #tpu.memory_space<semaphore_mem>>) {add = true}
        %dma_wait3A_197 = arith.constant 0 : i32
        %dma_wait3A_198 = tpu.memref_slice %arg7[%add3A_189, %dma_wait3A_197] : memref<127x80xi32, #tpu.memory_space<vmem>> -> memref<1x80xi32, #tpu.memory_space<vmem>>
        %dma_wait3A_199 = tpu.memref_squeeze %dma_wait3A_198 : memref<1x80xi32, #tpu.memory_space<vmem>> -> memref<80xi32, #tpu.memory_space<vmem>>
        %dma_wait3A_200 = arith.constant 0 : i32
        %dma_wait3A_201 = arith.constant 0 : i32
        %dma_wait3A_202 = tpu.memref_slice %arg11[%dma_wait3A_200, %dma_wait3A_201] : memref<5128x128xf32, #tpu.memory_space<vmem_shared>> -> memref<5128x128xf32, #tpu.memory_space<vmem_shared>>
        tpu.wait_indirect_dma semaphore(%run_scoped3A_190 : memref<!tpu.dma_semaphore, #tpu.memory_space<semaphore_mem>>) src(%arg10 : memref<80x128xf32, #tpu.memory_space<vmem>>) dst(%dma_wait3A_202 : memref<5128x128xf32, #tpu.memory_space<vmem_shared>>)
        tpu.yield
      }) : () -> ()
    }
    %dma_wait3A = arith.constant 0 : i32
    %dma_wait3A_61 = arith.constant 0 : i32
    %dma_wait3A_62 = tpu.memref_slice %arg6[%dma_wait3A, %dma_wait3A_61] : memref<127x80xi32, #tpu.memory_space<vmem>> -> memref<1x80xi32, #tpu.memory_space<vmem>>
    %dma_wait3A_63 = tpu.memref_squeeze %dma_wait3A_62 : memref<1x80xi32, #tpu.memory_space<vmem>> -> memref<80xi32, #tpu.memory_space<vmem>>
    %dma_wait3A_64 = arith.constant 0 : i32
    %dma_wait3A_65 = arith.constant 0 : i32
    %dma_wait3A_66 = tpu.memref_slice %arg2[%dma_wait3A_64, %dma_wait3A_65] : memref<10240x128xf32, #tpu.memory_space<hbm>> -> memref<10240x128xf32, #tpu.memory_space<hbm>>
    tpu.wait_indirect_dma semaphore(%arg12 : memref<!tpu.dma_semaphore, #tpu.memory_space<semaphore_mem>>) src(%dma_wait3A_66 : memref<10240x128xf32, #tpu.memory_space<hbm>>) dst(%arg9 : memref<80x128xf32, #tpu.memory_space<vmem>>)
    %barrier3A_67 = arith.constant 0 : index
    tpu.barrier barrier_id(%barrier3A_67)
    "tpu.region"() ({
      %run_scoped3A_153 = tpu.sem_alloc : memref<!tpu.dma_semaphore, #tpu.memory_space<semaphore_mem>>
      %dma_start3A_154 = arith.constant 0 : i32
      %dma_start3A_155 = tpu.memref_slice %arg5[%arg0, %multiple_of3A_16, %dma_start3A_154] : memref<2x10240x128xf32, #tpu.memory_space<hbm>> -> memref<1x320x128xf32, #tpu.memory_space<hbm>>
      %dma_start3A_156 = tpu.memref_squeeze %dma_start3A_155 : memref<1x320x128xf32, #tpu.memory_space<hbm>> -> memref<320x128xf32, #tpu.memory_space<hbm>>
      %dma_start3A_157 = arith.constant 0 : i32
      %dma_start3A_158 = tpu.memref_slice %arg11[%multiple_of3A, %dma_start3A_157] : memref<5128x128xf32, #tpu.memory_space<vmem_shared>> -> memref<320x128xf32, #tpu.memory_space<vmem_shared>>
      tpu.enqueue_dma source(%dma_start3A_158 : memref<320x128xf32, #tpu.memory_space<vmem_shared>>) target(%dma_start3A_156 : memref<320x128xf32, #tpu.memory_space<hbm>>) target_semaphore(%run_scoped3A_153 : memref<!tpu.dma_semaphore, #tpu.memory_space<semaphore_mem>>)
      %dma_wait3A_159 = arith.constant 0 : i32
      %dma_wait3A_160 = tpu.memref_slice %arg5[%arg0, %multiple_of3A_16, %dma_wait3A_159] : memref<2x10240x128xf32, #tpu.memory_space<hbm>> -> memref<1x320x128xf32, #tpu.memory_space<hbm>>
      %dma_wait3A_161 = tpu.memref_squeeze %dma_wait3A_160 : memref<1x320x128xf32, #tpu.memory_space<hbm>> -> memref<320x128xf32, #tpu.memory_space<hbm>>
      %dma_wait3A_162 = arith.constant 0 : i32
      %dma_wait3A_163 = tpu.memref_slice %arg11[%multiple_of3A, %dma_wait3A_162] : memref<5128x128xf32, #tpu.memory_space<vmem_shared>> -> memref<320x128xf32, #tpu.memory_space<vmem_shared>>
      tpu.wait_dma2 semaphore(%run_scoped3A_153 : memref<!tpu.dma_semaphore, #tpu.memory_space<semaphore_mem>>) src(%dma_wait3A_163 : memref<320x128xf32, #tpu.memory_space<vmem_shared>>) dst(%dma_wait3A_161 : memref<320x128xf32, #tpu.memory_space<hbm>>)
      tpu.yield
    }) : () -> ()
    %barrier3A_68 = arith.constant 0 : index
    tpu.barrier barrier_id(%barrier3A_68)
    %run_scoped3A_69 = arith.constant 1 : i32
    %run_scoped3A_70 = arith.constant 0 : i32
    "tpu.region"() ({
      %run_scoped3A_153 = tpu.sem_alloc : memref<!tpu.dma_semaphore, #tpu.memory_space<semaphore_mem>>
      %dma_start3A_154 = arith.constant 0 : i32
      %dma_start3A_155 = arith.constant 0 : i32
      %dma_start3A_156 = tpu.memref_slice %arg3[%run_scoped3A_69, %run_scoped3A_70, %add3A, %dma_start3A_154, %dma_start3A_155] : memref<2x2x32x127x80xi32, #tpu.memory_space<hbm>> -> memref<1x1x1x127x80xi32, #tpu.memory_space<hbm>>
      %dma_start3A_157 = tpu.memref_squeeze %dma_start3A_156 : memref<1x1x1x127x80xi32, #tpu.memory_space<hbm>> -> memref<127x80xi32, #tpu.memory_space<hbm>>
      %dma_start3A_158 = arith.constant 0 : i32
      %dma_start3A_159 = arith.constant 0 : i32
      %dma_start3A_160 = tpu.memref_slice %arg3[%run_scoped3A_69, %run_scoped3A_70, %add3A, %dma_start3A_158, %dma_start3A_159] : memref<2x2x32x127x80xi32, #tpu.memory_space<hbm>> -> memref<1x1x1x127x80xi32, #tpu.memory_space<hbm>>
      %dma_start3A_161 = tpu.memref_squeeze %dma_start3A_160 : memref<1x1x1x127x80xi32, #tpu.memory_space<hbm>> -> memref<127x80xi32, #tpu.memory_space<hbm>>
      tpu.enqueue_dma source(%dma_start3A_161 : memref<127x80xi32, #tpu.memory_space<hbm>>) target(%arg6 : memref<127x80xi32, #tpu.memory_space<vmem>>) target_semaphore(%run_scoped3A_153 : memref<!tpu.dma_semaphore, #tpu.memory_space<semaphore_mem>>)
      %dma_wait3A_162 = arith.constant 0 : i32
      %dma_wait3A_163 = arith.constant 0 : i32
      %dma_wait3A_164 = tpu.memref_slice %arg3[%run_scoped3A_69, %run_scoped3A_70, %add3A, %dma_wait3A_162, %dma_wait3A_163] : memref<2x2x32x127x80xi32, #tpu.memory_space<hbm>> -> memref<1x1x1x127x80xi32, #tpu.memory_space<hbm>>
      %dma_wait3A_165 = tpu.memref_squeeze %dma_wait3A_164 : memref<1x1x1x127x80xi32, #tpu.memory_space<hbm>> -> memref<127x80xi32, #tpu.memory_space<hbm>>
      %dma_wait3A_166 = arith.constant 0 : i32
      %dma_wait3A_167 = arith.constant 0 : i32
      %dma_wait3A_168 = tpu.memref_slice %arg3[%run_scoped3A_69, %run_scoped3A_70, %add3A, %dma_wait3A_166, %dma_wait3A_167] : memref<2x2x32x127x80xi32, #tpu.memory_space<hbm>> -> memref<1x1x1x127x80xi32, #tpu.memory_space<hbm>>
      %dma_wait3A_169 = tpu.memref_squeeze %dma_wait3A_168 : memref<1x1x1x127x80xi32, #tpu.memory_space<hbm>> -> memref<127x80xi32, #tpu.memory_space<hbm>>
      tpu.wait_dma2 semaphore(%run_scoped3A_153 : memref<!tpu.dma_semaphore, #tpu.memory_space<semaphore_mem>>) src(%dma_wait3A_169 : memref<127x80xi32, #tpu.memory_space<hbm>>) dst(%arg6 : memref<127x80xi32, #tpu.memory_space<vmem>>)
      tpu.yield
    }) : () -> ()
    %run_scoped3A_71 = arith.constant 1 : i32
    %run_scoped3A_72 = arith.constant 1 : i32
    "tpu.region"() ({
      %run_scoped3A_153 = tpu.sem_alloc : memref<!tpu.dma_semaphore, #tpu.memory_space<semaphore_mem>>
      %dma_start3A_154 = arith.constant 0 : i32
      %dma_start3A_155 = arith.constant 0 : i32
      %dma_start3A_156 = tpu.memref_slice %arg3[%run_scoped3A_71, %run_scoped3A_72, %add3A, %dma_start3A_154, %dma_start3A_155] : memref<2x2x32x127x80xi32, #tpu.memory_space<hbm>> -> memref<1x1x1x127x80xi32, #tpu.memory_space<hbm>>
      %dma_start3A_157 = tpu.memref_squeeze %dma_start3A_156 : memref<1x1x1x127x80xi32, #tpu.memory_space<hbm>> -> memref<127x80xi32, #tpu.memory_space<hbm>>
      %dma_start3A_158 = arith.constant 0 : i32
      %dma_start3A_159 = arith.constant 0 : i32
      %dma_start3A_160 = tpu.memref_slice %arg3[%run_scoped3A_71, %run_scoped3A_72, %add3A, %dma_start3A_158, %dma_start3A_159] : memref<2x2x32x127x80xi32, #tpu.memory_space<hbm>> -> memref<1x1x1x127x80xi32, #tpu.memory_space<hbm>>
      %dma_start3A_161 = tpu.memref_squeeze %dma_start3A_160 : memref<1x1x1x127x80xi32, #tpu.memory_space<hbm>> -> memref<127x80xi32, #tpu.memory_space<hbm>>
      tpu.enqueue_dma source(%dma_start3A_161 : memref<127x80xi32, #tpu.memory_space<hbm>>) target(%arg7 : memref<127x80xi32, #tpu.memory_space<vmem>>) target_semaphore(%run_scoped3A_153 : memref<!tpu.dma_semaphore, #tpu.memory_space<semaphore_mem>>)
      %dma_wait3A_162 = arith.constant 0 : i32
      %dma_wait3A_163 = arith.constant 0 : i32
      %dma_wait3A_164 = tpu.memref_slice %arg3[%run_scoped3A_71, %run_scoped3A_72, %add3A, %dma_wait3A_162, %dma_wait3A_163] : memref<2x2x32x127x80xi32, #tpu.memory_space<hbm>> -> memref<1x1x1x127x80xi32, #tpu.memory_space<hbm>>
      %dma_wait3A_165 = tpu.memref_squeeze %dma_wait3A_164 : memref<1x1x1x127x80xi32, #tpu.memory_space<hbm>> -> memref<127x80xi32, #tpu.memory_space<hbm>>
      %dma_wait3A_166 = arith.constant 0 : i32
      %dma_wait3A_167 = arith.constant 0 : i32
      %dma_wait3A_168 = tpu.memref_slice %arg3[%run_scoped3A_71, %run_scoped3A_72, %add3A, %dma_wait3A_166, %dma_wait3A_167] : memref<2x2x32x127x80xi32, #tpu.memory_space<hbm>> -> memref<1x1x1x127x80xi32, #tpu.memory_space<hbm>>
      %dma_wait3A_169 = tpu.memref_squeeze %dma_wait3A_168 : memref<1x1x1x127x80xi32, #tpu.memory_space<hbm>> -> memref<127x80xi32, #tpu.memory_space<hbm>>
      tpu.wait_dma2 semaphore(%run_scoped3A_153 : memref<!tpu.dma_semaphore, #tpu.memory_space<semaphore_mem>>) src(%dma_wait3A_169 : memref<127x80xi32, #tpu.memory_space<hbm>>) dst(%arg7 : memref<127x80xi32, #tpu.memory_space<vmem>>)
      tpu.yield
    }) : () -> ()
    %eq3A_73 = arith.constant 1 : i32
    %eq3A_74 = vector.broadcast %eq3A_73 : i32 to vector<16xi32>
    %eq3A_75 = arith.cmpi eq, %iota3A, %eq3A_74 : vector<16xi32>
    %jit3A_76 = arith.constant 0 : i32
    %broadcast_in_dim3A_77 = vector.broadcast %jit3A_76 : i32 to vector<16xi32>
    %select_n3A_78 = arith.select %eq3A_75, %get3A_1, %broadcast_in_dim3A_77 : vector<16xi1>, vector<16xi32>
    %reduce_sum3A_79 = arith.constant true
    %reduce_sum3A_80 = vector.broadcast %reduce_sum3A_79 : i1 to vector<16xi1>
    %reduce_sum3A_81 = tpu.scan <sum>, %select_n3A_78 masked %reduce_sum3A_80 : vector<16xi32>, vector<16xi1> -> vector<16xi32>
    %reduce_sum3A_82 = vector.extract %reduce_sum3A_81[15] : i32 from vector<16xi32>
    %mul3A_83 = arith.constant 320 : i32
    %mul3A_84 = arith.muli %arg1, %mul3A_83 : i32
    %multiple_of3A_85 = tpu.assume_multiple %mul3A_84, 8 : i32
    %mul3A_86 = arith.constant 320 : i32
    %mul3A_87 = arith.muli %arg1, %mul3A_86 : i32
    %add3A_88 = arith.constant 5120 : i32
    %add3A_89 = arith.addi %add3A_88, %mul3A_87 : i32
    %multiple_of3A_90 = tpu.assume_multiple %add3A_89, 8 : i32
    "tpu.region"() ({
      %run_scoped3A_153 = tpu.sem_alloc : memref<!tpu.dma_semaphore, #tpu.memory_space<semaphore_mem>>
      %dma_start3A_154 = arith.constant 0 : i32
      %dma_start3A_155 = tpu.memref_slice %arg11[%multiple_of3A_85, %dma_start3A_154] : memref<5128x128xf32, #tpu.memory_space<vmem_shared>> -> memref<320x128xf32, #tpu.memory_space<vmem_shared>>
      %dma_start3A_156 = arith.constant 0 : i32
      %dma_start3A_157 = tpu.memref_slice %arg2[%multiple_of3A_90, %dma_start3A_156] : memref<10240x128xf32, #tpu.memory_space<hbm>> -> memref<320x128xf32, #tpu.memory_space<hbm>>
      tpu.enqueue_dma source(%dma_start3A_157 : memref<320x128xf32, #tpu.memory_space<hbm>>) target(%dma_start3A_155 : memref<320x128xf32, #tpu.memory_space<vmem_shared>>) target_semaphore(%run_scoped3A_153 : memref<!tpu.dma_semaphore, #tpu.memory_space<semaphore_mem>>)
      %dma_wait3A_158 = arith.constant 0 : i32
      %dma_wait3A_159 = tpu.memref_slice %arg11[%multiple_of3A_85, %dma_wait3A_158] : memref<5128x128xf32, #tpu.memory_space<vmem_shared>> -> memref<320x128xf32, #tpu.memory_space<vmem_shared>>
      %dma_wait3A_160 = arith.constant 0 : i32
      %dma_wait3A_161 = tpu.memref_slice %arg2[%multiple_of3A_90, %dma_wait3A_160] : memref<10240x128xf32, #tpu.memory_space<hbm>> -> memref<320x128xf32, #tpu.memory_space<hbm>>
      tpu.wait_dma2 semaphore(%run_scoped3A_153 : memref<!tpu.dma_semaphore, #tpu.memory_space<semaphore_mem>>) src(%dma_wait3A_161 : memref<320x128xf32, #tpu.memory_space<hbm>>) dst(%dma_wait3A_159 : memref<320x128xf32, #tpu.memory_space<vmem_shared>>)
      tpu.yield
    }) : () -> ()
    %barrier3A_91 = arith.constant 0 : index
    tpu.barrier barrier_id(%barrier3A_91)
    %dma_start3A_92 = arith.constant 0 : i32
    %dma_start3A_93 = arith.constant 0 : i32
    %dma_start3A_94 = tpu.memref_slice %arg6[%dma_start3A_92, %dma_start3A_93] : memref<127x80xi32, #tpu.memory_space<vmem>> -> memref<1x80xi32, #tpu.memory_space<vmem>>
    %dma_start3A_95 = tpu.memref_squeeze %dma_start3A_94 : memref<1x80xi32, #tpu.memory_space<vmem>> -> memref<80xi32, #tpu.memory_space<vmem>>
    %dma_start3A_96 = arith.constant 0 : i32
    %dma_start3A_97 = arith.constant 0 : i32
    %dma_start3A_98 = tpu.memref_slice %arg2[%dma_start3A_96, %dma_start3A_97] : memref<10240x128xf32, #tpu.memory_space<hbm>> -> memref<10240x128xf32, #tpu.memory_space<hbm>>
    tpu.enqueue_indirect_dma source(%dma_start3A_98 : memref<10240x128xf32, #tpu.memory_space<hbm>>) target(%arg9 : memref<80x128xf32, #tpu.memory_space<vmem>>) offsets(%dma_start3A_95 : memref<80xi32, #tpu.memory_space<vmem>>) semaphore(%arg12 : memref<!tpu.dma_semaphore, #tpu.memory_space<semaphore_mem>>)
    %add3A_99 = arith.constant 1 : i32
    %add3A_100 = arith.addi %reduce_sum3A_82, %add3A_99 : i32
    %jit3A_101 = arith.constant 2 : i32
    %div3A_102 = arith.divsi %add3A_100, %jit3A_101 : i32
    %sign3A_103 = arith.constant 0 : i32
    %sign3A_104 = arith.cmpi sgt, %add3A_100, %sign3A_103 : i32
    %sign3A_105 = arith.extui %sign3A_104 : i1 to i32
    %sign3A_106 = arith.constant 0 : i32
    %sign3A_107 = arith.cmpi slt, %add3A_100, %sign3A_106 : i32
    %sign3A_108 = arith.extui %sign3A_107 : i1 to i32
    %sign3A_109 = arith.subi %sign3A_105, %sign3A_108 : i32
    %sign3A_110 = arith.constant 0 : i32
    %sign3A_111 = arith.cmpi sgt, %jit3A_101, %sign3A_110 : i32
    %sign3A_112 = arith.extui %sign3A_111 : i1 to i32
    %sign3A_113 = arith.constant 0 : i32
    %sign3A_114 = arith.cmpi slt, %jit3A_101, %sign3A_113 : i32
    %sign3A_115 = arith.extui %sign3A_114 : i1 to i32
    %sign3A_116 = arith.subi %sign3A_112, %sign3A_115 : i32
    %ne3A_117 = arith.cmpi ne, %sign3A_109, %sign3A_116 : i32
    %rem3A_118 = arith.remsi %add3A_100, %jit3A_101 : i32
    %ne3A_119 = arith.constant 0 : i32
    %ne3A_120 = arith.cmpi ne, %rem3A_118, %ne3A_119 : i32
    %and3A_121 = arith.andi %ne3A_117, %ne3A_120 : i1
    %sub3A_122 = arith.constant 1 : i32
    %sub3A_123 = arith.subi %div3A_102, %sub3A_122 : i32
    %select_n3A_124 = arith.select %and3A_121, %sub3A_123, %div3A_102 : i32
    %sub3A_125 = arith.constant 0 : i32
    %sub3A_126 = arith.subi %select_n3A_124, %sub3A_125 : i32
    %sub3A_127 = arith.constant 1 : i32
    %sub3A_128 = arith.constant 1 : i32
    %sub3A_129 = arith.subi %sub3A_127, %sub3A_128 : i32
    %add3A_130 = arith.addi %sub3A_126, %sub3A_129 : i32
    %div3A_131 = arith.constant 1 : i32
    %div3A_132 = arith.divsi %add3A_130, %div3A_131 : i32
    %while3A_133 = arith.constant 1 : i32
    %while3A_134 = arith.constant 0 : i32
    %while3A_135 = arith.constant 0 : i32
    %while3A_136 = arith.subi %div3A_132, %while3A_135 : i32
    %while3A_137 = arith.addi %while3A_135, %while3A_136 : i32
    %while3A_138 = arith.constant 1 : i32
    %while3A_139 = arith.divsi %while3A_136, %while3A_138 : i32
    %while3A_140 = arith.muli %while3A_139, %while3A_138 : i32
    %while3A_141 = arith.addi %while3A_135, %while3A_140 : i32
    %while3A_142 = arith.constant 1 : i32
    scf.for %while3A_153 = %while3A_135 to %while3A_141 step %while3A_142  : i32 {
      %mul3A_154 = arith.muli %while3A_153, %while3A_133 : i32
      %add3A_155 = arith.addi %while3A_134, %mul3A_154 : i32
      %mul3A_156 = arith.constant 2 : i32
      %mul3A_157 = arith.muli %add3A_155, %mul3A_156 : i32
      %add3A_158 = arith.constant 1 : i32
      %add3A_159 = arith.addi %mul3A_157, %add3A_158 : i32
      %dma_start3A_160 = arith.constant 0 : i32
      %dma_start3A_161 = tpu.memref_slice %arg6[%add3A_159, %dma_start3A_160] : memref<127x80xi32, #tpu.memory_space<vmem>> -> memref<1x80xi32, #tpu.memory_space<vmem>>
      %dma_start3A_162 = tpu.memref_squeeze %dma_start3A_161 : memref<1x80xi32, #tpu.memory_space<vmem>> -> memref<80xi32, #tpu.memory_space<vmem>>
      %dma_start3A_163 = arith.constant 0 : i32
      %dma_start3A_164 = arith.constant 0 : i32
      %dma_start3A_165 = tpu.memref_slice %arg2[%dma_start3A_163, %dma_start3A_164] : memref<10240x128xf32, #tpu.memory_space<hbm>> -> memref<10240x128xf32, #tpu.memory_space<hbm>>
      tpu.enqueue_indirect_dma source(%dma_start3A_165 : memref<10240x128xf32, #tpu.memory_space<hbm>>) target(%arg10 : memref<80x128xf32, #tpu.memory_space<vmem>>) offsets(%dma_start3A_162 : memref<80xi32, #tpu.memory_space<vmem>>) semaphore(%arg13 : memref<!tpu.dma_semaphore, #tpu.memory_space<semaphore_mem>>)
      %dma_wait3A_166 = arith.constant 0 : i32
      %dma_wait3A_167 = tpu.memref_slice %arg6[%mul3A_157, %dma_wait3A_166] : memref<127x80xi32, #tpu.memory_space<vmem>> -> memref<1x80xi32, #tpu.memory_space<vmem>>
      %dma_wait3A_168 = tpu.memref_squeeze %dma_wait3A_167 : memref<1x80xi32, #tpu.memory_space<vmem>> -> memref<80xi32, #tpu.memory_space<vmem>>
      %dma_wait3A_169 = arith.constant 0 : i32
      %dma_wait3A_170 = arith.constant 0 : i32
      %dma_wait3A_171 = tpu.memref_slice %arg2[%dma_wait3A_169, %dma_wait3A_170] : memref<10240x128xf32, #tpu.memory_space<hbm>> -> memref<10240x128xf32, #tpu.memory_space<hbm>>
      tpu.wait_indirect_dma semaphore(%arg12 : memref<!tpu.dma_semaphore, #tpu.memory_space<semaphore_mem>>) src(%dma_wait3A_171 : memref<10240x128xf32, #tpu.memory_space<hbm>>) dst(%arg9 : memref<80x128xf32, #tpu.memory_space<vmem>>)
      "tpu.region"() ({
        %run_scoped3A_190 = tpu.sem_alloc : memref<!tpu.dma_semaphore, #tpu.memory_space<semaphore_mem>>
        %dma_start3A_191 = arith.constant 0 : i32
        %dma_start3A_192 = tpu.memref_slice %arg7[%mul3A_157, %dma_start3A_191] : memref<127x80xi32, #tpu.memory_space<vmem>> -> memref<1x80xi32, #tpu.memory_space<vmem>>
        %dma_start3A_193 = tpu.memref_squeeze %dma_start3A_192 : memref<1x80xi32, #tpu.memory_space<vmem>> -> memref<80xi32, #tpu.memory_space<vmem>>
        %dma_start3A_194 = arith.constant 0 : i32
        %dma_start3A_195 = arith.constant 0 : i32
        %dma_start3A_196 = tpu.memref_slice %arg11[%dma_start3A_194, %dma_start3A_195] : memref<5128x128xf32, #tpu.memory_space<vmem_shared>> -> memref<5128x128xf32, #tpu.memory_space<vmem_shared>>
        tpu.enqueue_indirect_dma source(%arg9 : memref<80x128xf32, #tpu.memory_space<vmem>>) target(%dma_start3A_196 : memref<5128x128xf32, #tpu.memory_space<vmem_shared>>) offsets(%dma_start3A_193 : memref<80xi32, #tpu.memory_space<vmem>>) semaphore(%run_scoped3A_190 : memref<!tpu.dma_semaphore, #tpu.memory_space<semaphore_mem>>) {add = true}
        %dma_wait3A_197 = arith.constant 0 : i32
        %dma_wait3A_198 = tpu.memref_slice %arg7[%mul3A_157, %dma_wait3A_197] : memref<127x80xi32, #tpu.memory_space<vmem>> -> memref<1x80xi32, #tpu.memory_space<vmem>>
        %dma_wait3A_199 = tpu.memref_squeeze %dma_wait3A_198 : memref<1x80xi32, #tpu.memory_space<vmem>> -> memref<80xi32, #tpu.memory_space<vmem>>
        %dma_wait3A_200 = arith.constant 0 : i32
        %dma_wait3A_201 = arith.constant 0 : i32
        %dma_wait3A_202 = tpu.memref_slice %arg11[%dma_wait3A_200, %dma_wait3A_201] : memref<5128x128xf32, #tpu.memory_space<vmem_shared>> -> memref<5128x128xf32, #tpu.memory_space<vmem_shared>>
        tpu.wait_indirect_dma semaphore(%run_scoped3A_190 : memref<!tpu.dma_semaphore, #tpu.memory_space<semaphore_mem>>) src(%arg9 : memref<80x128xf32, #tpu.memory_space<vmem>>) dst(%dma_wait3A_202 : memref<5128x128xf32, #tpu.memory_space<vmem_shared>>)
        tpu.yield
      }) : () -> ()
      %add3A_172 = arith.constant 2 : i32
      %add3A_173 = arith.addi %mul3A_157, %add3A_172 : i32
      %dma_start3A_174 = arith.constant 0 : i32
      %dma_start3A_175 = tpu.memref_slice %arg6[%add3A_173, %dma_start3A_174] : memref<127x80xi32, #tpu.memory_space<vmem>> -> memref<1x80xi32, #tpu.memory_space<vmem>>
      %dma_start3A_176 = tpu.memref_squeeze %dma_start3A_175 : memref<1x80xi32, #tpu.memory_space<vmem>> -> memref<80xi32, #tpu.memory_space<vmem>>
      %dma_start3A_177 = arith.constant 0 : i32
      %dma_start3A_178 = arith.constant 0 : i32
      %dma_start3A_179 = tpu.memref_slice %arg2[%dma_start3A_177, %dma_start3A_178] : memref<10240x128xf32, #tpu.memory_space<hbm>> -> memref<10240x128xf32, #tpu.memory_space<hbm>>
      tpu.enqueue_indirect_dma source(%dma_start3A_179 : memref<10240x128xf32, #tpu.memory_space<hbm>>) target(%arg9 : memref<80x128xf32, #tpu.memory_space<vmem>>) offsets(%dma_start3A_176 : memref<80xi32, #tpu.memory_space<vmem>>) semaphore(%arg12 : memref<!tpu.dma_semaphore, #tpu.memory_space<semaphore_mem>>)
      %add3A_180 = arith.constant 1 : i32
      %add3A_181 = arith.addi %mul3A_157, %add3A_180 : i32
      %dma_wait3A_182 = arith.constant 0 : i32
      %dma_wait3A_183 = tpu.memref_slice %arg6[%add3A_181, %dma_wait3A_182] : memref<127x80xi32, #tpu.memory_space<vmem>> -> memref<1x80xi32, #tpu.memory_space<vmem>>
      %dma_wait3A_184 = tpu.memref_squeeze %dma_wait3A_183 : memref<1x80xi32, #tpu.memory_space<vmem>> -> memref<80xi32, #tpu.memory_space<vmem>>
      %dma_wait3A_185 = arith.constant 0 : i32
      %dma_wait3A_186 = arith.constant 0 : i32
      %dma_wait3A_187 = tpu.memref_slice %arg2[%dma_wait3A_185, %dma_wait3A_186] : memref<10240x128xf32, #tpu.memory_space<hbm>> -> memref<10240x128xf32, #tpu.memory_space<hbm>>
      tpu.wait_indirect_dma semaphore(%arg13 : memref<!tpu.dma_semaphore, #tpu.memory_space<semaphore_mem>>) src(%dma_wait3A_187 : memref<10240x128xf32, #tpu.memory_space<hbm>>) dst(%arg10 : memref<80x128xf32, #tpu.memory_space<vmem>>)
      %add3A_188 = arith.constant 1 : i32
      %add3A_189 = arith.addi %mul3A_157, %add3A_188 : i32
      "tpu.region"() ({
        %run_scoped3A_190 = tpu.sem_alloc : memref<!tpu.dma_semaphore, #tpu.memory_space<semaphore_mem>>
        %dma_start3A_191 = arith.constant 0 : i32
        %dma_start3A_192 = tpu.memref_slice %arg7[%add3A_189, %dma_start3A_191] : memref<127x80xi32, #tpu.memory_space<vmem>> -> memref<1x80xi32, #tpu.memory_space<vmem>>
        %dma_start3A_193 = tpu.memref_squeeze %dma_start3A_192 : memref<1x80xi32, #tpu.memory_space<vmem>> -> memref<80xi32, #tpu.memory_space<vmem>>
        %dma_start3A_194 = arith.constant 0 : i32
        %dma_start3A_195 = arith.constant 0 : i32
        %dma_start3A_196 = tpu.memref_slice %arg11[%dma_start3A_194, %dma_start3A_195] : memref<5128x128xf32, #tpu.memory_space<vmem_shared>> -> memref<5128x128xf32, #tpu.memory_space<vmem_shared>>
        tpu.enqueue_indirect_dma source(%arg10 : memref<80x128xf32, #tpu.memory_space<vmem>>) target(%dma_start3A_196 : memref<5128x128xf32, #tpu.memory_space<vmem_shared>>) offsets(%dma_start3A_193 : memref<80xi32, #tpu.memory_space<vmem>>) semaphore(%run_scoped3A_190 : memref<!tpu.dma_semaphore, #tpu.memory_space<semaphore_mem>>) {add = true}
        %dma_wait3A_197 = arith.constant 0 : i32
        %dma_wait3A_198 = tpu.memref_slice %arg7[%add3A_189, %dma_wait3A_197] : memref<127x80xi32, #tpu.memory_space<vmem>> -> memref<1x80xi32, #tpu.memory_space<vmem>>
        %dma_wait3A_199 = tpu.memref_squeeze %dma_wait3A_198 : memref<1x80xi32, #tpu.memory_space<vmem>> -> memref<80xi32, #tpu.memory_space<vmem>>
        %dma_wait3A_200 = arith.constant 0 : i32
        %dma_wait3A_201 = arith.constant 0 : i32
        %dma_wait3A_202 = tpu.memref_slice %arg11[%dma_wait3A_200, %dma_wait3A_201] : memref<5128x128xf32, #tpu.memory_space<vmem_shared>> -> memref<5128x128xf32, #tpu.memory_space<vmem_shared>>
        tpu.wait_indirect_dma semaphore(%run_scoped3A_190 : memref<!tpu.dma_semaphore, #tpu.memory_space<semaphore_mem>>) src(%arg10 : memref<80x128xf32, #tpu.memory_space<vmem>>) dst(%dma_wait3A_202 : memref<5128x128xf32, #tpu.memory_space<vmem_shared>>)
        tpu.yield
      }) : () -> ()
    }
    %while3A_143 = arith.constant 1 : i32
    scf.for %while3A_153 = %while3A_141 to %while3A_137 step %while3A_143  : i32 {
      %mul3A_154 = arith.muli %while3A_153, %while3A_133 : i32
      %add3A_155 = arith.addi %while3A_134, %mul3A_154 : i32
      %mul3A_156 = arith.constant 2 : i32
      %mul3A_157 = arith.muli %add3A_155, %mul3A_156 : i32
      %add3A_158 = arith.constant 1 : i32
      %add3A_159 = arith.addi %mul3A_157, %add3A_158 : i32
      %dma_start3A_160 = arith.constant 0 : i32
      %dma_start3A_161 = tpu.memref_slice %arg6[%add3A_159, %dma_start3A_160] : memref<127x80xi32, #tpu.memory_space<vmem>> -> memref<1x80xi32, #tpu.memory_space<vmem>>
      %dma_start3A_162 = tpu.memref_squeeze %dma_start3A_161 : memref<1x80xi32, #tpu.memory_space<vmem>> -> memref<80xi32, #tpu.memory_space<vmem>>
      %dma_start3A_163 = arith.constant 0 : i32
      %dma_start3A_164 = arith.constant 0 : i32
      %dma_start3A_165 = tpu.memref_slice %arg2[%dma_start3A_163, %dma_start3A_164] : memref<10240x128xf32, #tpu.memory_space<hbm>> -> memref<10240x128xf32, #tpu.memory_space<hbm>>
      tpu.enqueue_indirect_dma source(%dma_start3A_165 : memref<10240x128xf32, #tpu.memory_space<hbm>>) target(%arg10 : memref<80x128xf32, #tpu.memory_space<vmem>>) offsets(%dma_start3A_162 : memref<80xi32, #tpu.memory_space<vmem>>) semaphore(%arg13 : memref<!tpu.dma_semaphore, #tpu.memory_space<semaphore_mem>>)
      %dma_wait3A_166 = arith.constant 0 : i32
      %dma_wait3A_167 = tpu.memref_slice %arg6[%mul3A_157, %dma_wait3A_166] : memref<127x80xi32, #tpu.memory_space<vmem>> -> memref<1x80xi32, #tpu.memory_space<vmem>>
      %dma_wait3A_168 = tpu.memref_squeeze %dma_wait3A_167 : memref<1x80xi32, #tpu.memory_space<vmem>> -> memref<80xi32, #tpu.memory_space<vmem>>
      %dma_wait3A_169 = arith.constant 0 : i32
      %dma_wait3A_170 = arith.constant 0 : i32
      %dma_wait3A_171 = tpu.memref_slice %arg2[%dma_wait3A_169, %dma_wait3A_170] : memref<10240x128xf32, #tpu.memory_space<hbm>> -> memref<10240x128xf32, #tpu.memory_space<hbm>>
      tpu.wait_indirect_dma semaphore(%arg12 : memref<!tpu.dma_semaphore, #tpu.memory_space<semaphore_mem>>) src(%dma_wait3A_171 : memref<10240x128xf32, #tpu.memory_space<hbm>>) dst(%arg9 : memref<80x128xf32, #tpu.memory_space<vmem>>)
      "tpu.region"() ({
        %run_scoped3A_190 = tpu.sem_alloc : memref<!tpu.dma_semaphore, #tpu.memory_space<semaphore_mem>>
        %dma_start3A_191 = arith.constant 0 : i32
        %dma_start3A_192 = tpu.memref_slice %arg7[%mul3A_157, %dma_start3A_191] : memref<127x80xi32, #tpu.memory_space<vmem>> -> memref<1x80xi32, #tpu.memory_space<vmem>>
        %dma_start3A_193 = tpu.memref_squeeze %dma_start3A_192 : memref<1x80xi32, #tpu.memory_space<vmem>> -> memref<80xi32, #tpu.memory_space<vmem>>
        %dma_start3A_194 = arith.constant 0 : i32
        %dma_start3A_195 = arith.constant 0 : i32
        %dma_start3A_196 = tpu.memref_slice %arg11[%dma_start3A_194, %dma_start3A_195] : memref<5128x128xf32, #tpu.memory_space<vmem_shared>> -> memref<5128x128xf32, #tpu.memory_space<vmem_shared>>
        tpu.enqueue_indirect_dma source(%arg9 : memref<80x128xf32, #tpu.memory_space<vmem>>) target(%dma_start3A_196 : memref<5128x128xf32, #tpu.memory_space<vmem_shared>>) offsets(%dma_start3A_193 : memref<80xi32, #tpu.memory_space<vmem>>) semaphore(%run_scoped3A_190 : memref<!tpu.dma_semaphore, #tpu.memory_space<semaphore_mem>>) {add = true}
        %dma_wait3A_197 = arith.constant 0 : i32
        %dma_wait3A_198 = tpu.memref_slice %arg7[%mul3A_157, %dma_wait3A_197] : memref<127x80xi32, #tpu.memory_space<vmem>> -> memref<1x80xi32, #tpu.memory_space<vmem>>
        %dma_wait3A_199 = tpu.memref_squeeze %dma_wait3A_198 : memref<1x80xi32, #tpu.memory_space<vmem>> -> memref<80xi32, #tpu.memory_space<vmem>>
        %dma_wait3A_200 = arith.constant 0 : i32
        %dma_wait3A_201 = arith.constant 0 : i32
        %dma_wait3A_202 = tpu.memref_slice %arg11[%dma_wait3A_200, %dma_wait3A_201] : memref<5128x128xf32, #tpu.memory_space<vmem_shared>> -> memref<5128x128xf32, #tpu.memory_space<vmem_shared>>
        tpu.wait_indirect_dma semaphore(%run_scoped3A_190 : memref<!tpu.dma_semaphore, #tpu.memory_space<semaphore_mem>>) src(%arg9 : memref<80x128xf32, #tpu.memory_space<vmem>>) dst(%dma_wait3A_202 : memref<5128x128xf32, #tpu.memory_space<vmem_shared>>)
        tpu.yield
      }) : () -> ()
      %add3A_172 = arith.constant 2 : i32
      %add3A_173 = arith.addi %mul3A_157, %add3A_172 : i32
      %dma_start3A_174 = arith.constant 0 : i32
      %dma_start3A_175 = tpu.memref_slice %arg6[%add3A_173, %dma_start3A_174] : memref<127x80xi32, #tpu.memory_space<vmem>> -> memref<1x80xi32, #tpu.memory_space<vmem>>
      %dma_start3A_176 = tpu.memref_squeeze %dma_start3A_175 : memref<1x80xi32, #tpu.memory_space<vmem>> -> memref<80xi32, #tpu.memory_space<vmem>>
      %dma_start3A_177 = arith.constant 0 : i32
      %dma_start3A_178 = arith.constant 0 : i32
      %dma_start3A_179 = tpu.memref_slice %arg2[%dma_start3A_177, %dma_start3A_178] : memref<10240x128xf32, #tpu.memory_space<hbm>> -> memref<10240x128xf32, #tpu.memory_space<hbm>>
      tpu.enqueue_indirect_dma source(%dma_start3A_179 : memref<10240x128xf32, #tpu.memory_space<hbm>>) target(%arg9 : memref<80x128xf32, #tpu.memory_space<vmem>>) offsets(%dma_start3A_176 : memref<80xi32, #tpu.memory_space<vmem>>) semaphore(%arg12 : memref<!tpu.dma_semaphore, #tpu.memory_space<semaphore_mem>>)
      %add3A_180 = arith.constant 1 : i32
      %add3A_181 = arith.addi %mul3A_157, %add3A_180 : i32
      %dma_wait3A_182 = arith.constant 0 : i32
      %dma_wait3A_183 = tpu.memref_slice %arg6[%add3A_181, %dma_wait3A_182] : memref<127x80xi32, #tpu.memory_space<vmem>> -> memref<1x80xi32, #tpu.memory_space<vmem>>
      %dma_wait3A_184 = tpu.memref_squeeze %dma_wait3A_183 : memref<1x80xi32, #tpu.memory_space<vmem>> -> memref<80xi32, #tpu.memory_space<vmem>>
      %dma_wait3A_185 = arith.constant 0 : i32
      %dma_wait3A_186 = arith.constant 0 : i32
      %dma_wait3A_187 = tpu.memref_slice %arg2[%dma_wait3A_185, %dma_wait3A_186] : memref<10240x128xf32, #tpu.memory_space<hbm>> -> memref<10240x128xf32, #tpu.memory_space<hbm>>
      tpu.wait_indirect_dma semaphore(%arg13 : memref<!tpu.dma_semaphore, #tpu.memory_space<semaphore_mem>>) src(%dma_wait3A_187 : memref<10240x128xf32, #tpu.memory_space<hbm>>) dst(%arg10 : memref<80x128xf32, #tpu.memory_space<vmem>>)
      %add3A_188 = arith.constant 1 : i32
      %add3A_189 = arith.addi %mul3A_157, %add3A_188 : i32
      "tpu.region"() ({
        %run_scoped3A_190 = tpu.sem_alloc : memref<!tpu.dma_semaphore, #tpu.memory_space<semaphore_mem>>
        %dma_start3A_191 = arith.constant 0 : i32
        %dma_start3A_192 = tpu.memref_slice %arg7[%add3A_189, %dma_start3A_191] : memref<127x80xi32, #tpu.memory_space<vmem>> -> memref<1x80xi32, #tpu.memory_space<vmem>>
        %dma_start3A_193 = tpu.memref_squeeze %dma_start3A_192 : memref<1x80xi32, #tpu.memory_space<vmem>> -> memref<80xi32, #tpu.memory_space<vmem>>
        %dma_start3A_194 = arith.constant 0 : i32
        %dma_start3A_195 = arith.constant 0 : i32
        %dma_start3A_196 = tpu.memref_slice %arg11[%dma_start3A_194, %dma_start3A_195] : memref<5128x128xf32, #tpu.memory_space<vmem_shared>> -> memref<5128x128xf32, #tpu.memory_space<vmem_shared>>
        tpu.enqueue_indirect_dma source(%arg10 : memref<80x128xf32, #tpu.memory_space<vmem>>) target(%dma_start3A_196 : memref<5128x128xf32, #tpu.memory_space<vmem_shared>>) offsets(%dma_start3A_193 : memref<80xi32, #tpu.memory_space<vmem>>) semaphore(%run_scoped3A_190 : memref<!tpu.dma_semaphore, #tpu.memory_space<semaphore_mem>>) {add = true}
        %dma_wait3A_197 = arith.constant 0 : i32
        %dma_wait3A_198 = tpu.memref_slice %arg7[%add3A_189, %dma_wait3A_197] : memref<127x80xi32, #tpu.memory_space<vmem>> -> memref<1x80xi32, #tpu.memory_space<vmem>>
        %dma_wait3A_199 = tpu.memref_squeeze %dma_wait3A_198 : memref<1x80xi32, #tpu.memory_space<vmem>> -> memref<80xi32, #tpu.memory_space<vmem>>
        %dma_wait3A_200 = arith.constant 0 : i32
        %dma_wait3A_201 = arith.constant 0 : i32
        %dma_wait3A_202 = tpu.memref_slice %arg11[%dma_wait3A_200, %dma_wait3A_201] : memref<5128x128xf32, #tpu.memory_space<vmem_shared>> -> memref<5128x128xf32, #tpu.memory_space<vmem_shared>>
        tpu.wait_indirect_dma semaphore(%run_scoped3A_190 : memref<!tpu.dma_semaphore, #tpu.memory_space<semaphore_mem>>) src(%arg10 : memref<80x128xf32, #tpu.memory_space<vmem>>) dst(%dma_wait3A_202 : memref<5128x128xf32, #tpu.memory_space<vmem_shared>>)
        tpu.yield
      }) : () -> ()
    }
    %dma_wait3A_144 = arith.constant 0 : i32
    %dma_wait3A_145 = arith.constant 0 : i32
    %dma_wait3A_146 = tpu.memref_slice %arg6[%dma_wait3A_144, %dma_wait3A_145] : memref<127x80xi32, #tpu.memory_space<vmem>> -> memref<1x80xi32, #tpu.memory_space<vmem>>
    %dma_wait3A_147 = tpu.memref_squeeze %dma_wait3A_146 : memref<1x80xi32, #tpu.memory_space<vmem>> -> memref<80xi32, #tpu.memory_space<vmem>>
    %dma_wait3A_148 = arith.constant 0 : i32
    %dma_wait3A_149 = arith.constant 0 : i32
    %dma_wait3A_150 = tpu.memref_slice %arg2[%dma_wait3A_148, %dma_wait3A_149] : memref<10240x128xf32, #tpu.memory_space<hbm>> -> memref<10240x128xf32, #tpu.memory_space<hbm>>
    tpu.wait_indirect_dma semaphore(%arg12 : memref<!tpu.dma_semaphore, #tpu.memory_space<semaphore_mem>>) src(%dma_wait3A_150 : memref<10240x128xf32, #tpu.memory_space<hbm>>) dst(%arg9 : memref<80x128xf32, #tpu.memory_space<vmem>>)
    %barrier3A_151 = arith.constant 0 : index
    tpu.barrier barrier_id(%barrier3A_151)
    "tpu.region"() ({
      %run_scoped3A_153 = tpu.sem_alloc : memref<!tpu.dma_semaphore, #tpu.memory_space<semaphore_mem>>
      %dma_start3A_154 = arith.constant 0 : i32
      %dma_start3A_155 = tpu.memref_slice %arg5[%arg0, %multiple_of3A_90, %dma_start3A_154] : memref<2x10240x128xf32, #tpu.memory_space<hbm>> -> memref<1x320x128xf32, #tpu.memory_space<hbm>>
      %dma_start3A_156 = tpu.memref_squeeze %dma_start3A_155 : memref<1x320x128xf32, #tpu.memory_space<hbm>> -> memref<320x128xf32, #tpu.memory_space<hbm>>
      %dma_start3A_157 = arith.constant 0 : i32
      %dma_start3A_158 = tpu.memref_slice %arg11[%multiple_of3A_85, %dma_start3A_157] : memref<5128x128xf32, #tpu.memory_space<vmem_shared>> -> memref<320x128xf32, #tpu.memory_space<vmem_shared>>
      tpu.enqueue_dma source(%dma_start3A_158 : memref<320x128xf32, #tpu.memory_space<vmem_shared>>) target(%dma_start3A_156 : memref<320x128xf32, #tpu.memory_space<hbm>>) target_semaphore(%run_scoped3A_153 : memref<!tpu.dma_semaphore, #tpu.memory_space<semaphore_mem>>)
      %dma_wait3A_159 = arith.constant 0 : i32
      %dma_wait3A_160 = tpu.memref_slice %arg5[%arg0, %multiple_of3A_90, %dma_wait3A_159] : memref<2x10240x128xf32, #tpu.memory_space<hbm>> -> memref<1x320x128xf32, #tpu.memory_space<hbm>>
      %dma_wait3A_161 = tpu.memref_squeeze %dma_wait3A_160 : memref<1x320x128xf32, #tpu.memory_space<hbm>> -> memref<320x128xf32, #tpu.memory_space<hbm>>
      %dma_wait3A_162 = arith.constant 0 : i32
      %dma_wait3A_163 = tpu.memref_slice %arg11[%multiple_of3A_85, %dma_wait3A_162] : memref<5128x128xf32, #tpu.memory_space<vmem_shared>> -> memref<320x128xf32, #tpu.memory_space<vmem_shared>>
      tpu.wait_dma2 semaphore(%run_scoped3A_153 : memref<!tpu.dma_semaphore, #tpu.memory_space<semaphore_mem>>) src(%dma_wait3A_163 : memref<320x128xf32, #tpu.memory_space<vmem_shared>>) dst(%dma_wait3A_161 : memref<320x128xf32, #tpu.memory_space<hbm>>)
      tpu.yield
    }) : () -> ()
    %barrier3A_152 = arith.constant 0 : index
    tpu.barrier barrier_id(%barrier3A_152)
    return
  }
}

#map = affine_map<(d0, d1) -> (0, 0)>
#map1 = affine_map<(d0, d1) -> (0, 0, 0, 0)>
module attributes {stable_mosaic.version = 14 : i64} {
  func.func @part(%arg0: i32, %arg1: i32, %arg2: memref<32x10000xi32, #tpu.memory_space<hbm>>, %arg3: memref<32x10000xi32, #tpu.memory_space<hbm>>, %arg4: memref<2x2x32x10160xi32, #tpu.memory_space<hbm>>, %arg5: memref<32x16xi32, #tpu.memory_space<hbm>>, %arg6: memref<10000xi32, #tpu.memory_space<vmem>>, %arg7: memref<10000xi32, #tpu.memory_space<vmem>>, %arg8: memref<10160xi32, #tpu.memory_space<vmem>>, %arg9: memref<10160xi32, #tpu.memory_space<vmem>>, %arg10: memref<10160xi32, #tpu.memory_space<vmem>>, %arg11: memref<10160xi32, #tpu.memory_space<vmem>>, %arg12: memref<16xi32, #tpu.memory_space<vmem>>) attributes {dimension_semantics = [#tpu.dimension_semantics<core_parallel>, #tpu.dimension_semantics<subcore_parallel>], iteration_bounds = array<i64: 2, 16>, scalar_prefetch = 0 : i64, scratch_operands = 7 : i64, tpu.core_type = #tpu.core_type<sc_vector_subcore>, window_params = [{transform_indices = #map}, {transform_indices = #map}, {transform_indices = #map1}, {transform_indices = #map}]} {
    %mul3A = arith.constant 16 : i32
    %mul3A_0 = arith.muli %arg0, %mul3A : i32
    %add3A = arith.addi %mul3A_0, %arg1 : i32
    "tpu.region"() ({
      %run_scoped3A_83 = tpu.sem_alloc : memref<!tpu.dma_semaphore, #tpu.memory_space<semaphore_mem>>
      %dma_start3A = arith.constant 0 : i32
      %dma_start3A_84 = tpu.memref_slice %arg2[%add3A, %dma_start3A] : memref<32x10000xi32, #tpu.memory_space<hbm>> -> memref<1x10000xi32, #tpu.memory_space<hbm>>
      %dma_start3A_85 = tpu.memref_squeeze %dma_start3A_84 : memref<1x10000xi32, #tpu.memory_space<hbm>> -> memref<10000xi32, #tpu.memory_space<hbm>>
      %dma_start3A_86 = arith.constant 0 : i32
      %dma_start3A_87 = tpu.memref_slice %arg2[%add3A, %dma_start3A_86] : memref<32x10000xi32, #tpu.memory_space<hbm>> -> memref<1x10000xi32, #tpu.memory_space<hbm>>
      %dma_start3A_88 = tpu.memref_squeeze %dma_start3A_87 : memref<1x10000xi32, #tpu.memory_space<hbm>> -> memref<10000xi32, #tpu.memory_space<hbm>>
      tpu.enqueue_dma source(%dma_start3A_88 : memref<10000xi32, #tpu.memory_space<hbm>>) target(%arg6 : memref<10000xi32, #tpu.memory_space<vmem>>) target_semaphore(%run_scoped3A_83 : memref<!tpu.dma_semaphore, #tpu.memory_space<semaphore_mem>>)
      %dma_wait3A = arith.constant 0 : i32
      %dma_wait3A_89 = tpu.memref_slice %arg2[%add3A, %dma_wait3A] : memref<32x10000xi32, #tpu.memory_space<hbm>> -> memref<1x10000xi32, #tpu.memory_space<hbm>>
      %dma_wait3A_90 = tpu.memref_squeeze %dma_wait3A_89 : memref<1x10000xi32, #tpu.memory_space<hbm>> -> memref<10000xi32, #tpu.memory_space<hbm>>
      %dma_wait3A_91 = arith.constant 0 : i32
      %dma_wait3A_92 = tpu.memref_slice %arg2[%add3A, %dma_wait3A_91] : memref<32x10000xi32, #tpu.memory_space<hbm>> -> memref<1x10000xi32, #tpu.memory_space<hbm>>
      %dma_wait3A_93 = tpu.memref_squeeze %dma_wait3A_92 : memref<1x10000xi32, #tpu.memory_space<hbm>> -> memref<10000xi32, #tpu.memory_space<hbm>>
      tpu.wait_dma2 semaphore(%run_scoped3A_83 : memref<!tpu.dma_semaphore, #tpu.memory_space<semaphore_mem>>) src(%dma_wait3A_93 : memref<10000xi32, #tpu.memory_space<hbm>>) dst(%arg6 : memref<10000xi32, #tpu.memory_space<vmem>>)
      tpu.yield
    }) : () -> ()
    "tpu.region"() ({
      %run_scoped3A_83 = tpu.sem_alloc : memref<!tpu.dma_semaphore, #tpu.memory_space<semaphore_mem>>
      %dma_start3A = arith.constant 0 : i32
      %dma_start3A_84 = tpu.memref_slice %arg3[%add3A, %dma_start3A] : memref<32x10000xi32, #tpu.memory_space<hbm>> -> memref<1x10000xi32, #tpu.memory_space<hbm>>
      %dma_start3A_85 = tpu.memref_squeeze %dma_start3A_84 : memref<1x10000xi32, #tpu.memory_space<hbm>> -> memref<10000xi32, #tpu.memory_space<hbm>>
      %dma_start3A_86 = arith.constant 0 : i32
      %dma_start3A_87 = tpu.memref_slice %arg3[%add3A, %dma_start3A_86] : memref<32x10000xi32, #tpu.memory_space<hbm>> -> memref<1x10000xi32, #tpu.memory_space<hbm>>
      %dma_start3A_88 = tpu.memref_squeeze %dma_start3A_87 : memref<1x10000xi32, #tpu.memory_space<hbm>> -> memref<10000xi32, #tpu.memory_space<hbm>>
      tpu.enqueue_dma source(%dma_start3A_88 : memref<10000xi32, #tpu.memory_space<hbm>>) target(%arg7 : memref<10000xi32, #tpu.memory_space<vmem>>) target_semaphore(%run_scoped3A_83 : memref<!tpu.dma_semaphore, #tpu.memory_space<semaphore_mem>>)
      %dma_wait3A = arith.constant 0 : i32
      %dma_wait3A_89 = tpu.memref_slice %arg3[%add3A, %dma_wait3A] : memref<32x10000xi32, #tpu.memory_space<hbm>> -> memref<1x10000xi32, #tpu.memory_space<hbm>>
      %dma_wait3A_90 = tpu.memref_squeeze %dma_wait3A_89 : memref<1x10000xi32, #tpu.memory_space<hbm>> -> memref<10000xi32, #tpu.memory_space<hbm>>
      %dma_wait3A_91 = arith.constant 0 : i32
      %dma_wait3A_92 = tpu.memref_slice %arg3[%add3A, %dma_wait3A_91] : memref<32x10000xi32, #tpu.memory_space<hbm>> -> memref<1x10000xi32, #tpu.memory_space<hbm>>
      %dma_wait3A_93 = tpu.memref_squeeze %dma_wait3A_92 : memref<1x10000xi32, #tpu.memory_space<hbm>> -> memref<10000xi32, #tpu.memory_space<hbm>>
      tpu.wait_dma2 semaphore(%run_scoped3A_83 : memref<!tpu.dma_semaphore, #tpu.memory_space<semaphore_mem>>) src(%dma_wait3A_93 : memref<10000xi32, #tpu.memory_space<hbm>>) dst(%arg7 : memref<10000xi32, #tpu.memory_space<vmem>>)
      tpu.yield
    }) : () -> ()
    %broadcast_in_dim3A = arith.constant 0 : i32
    %broadcast_in_dim3A_1 = vector.broadcast %broadcast_in_dim3A : i32 to vector<16xi32>
    %broadcast_in_dim3A_2 = arith.constant 5120 : i32
    %broadcast_in_dim3A_3 = vector.broadcast %broadcast_in_dim3A_2 : i32 to vector<16xi32>
    %scan3A = arith.constant 0 : i32
    %scan3A_4 = arith.constant 635 : i32
    %scan3A_5 = arith.addi %scan3A, %scan3A_4 : i32
    %scan3A_6 = arith.constant 1 : i32
    scf.for %scan3A_83 = %scan3A to %scan3A_5 step %scan3A_6  : i32 {
      %mul3A_84 = arith.constant 16 : i32
      %mul3A_85 = arith.muli %scan3A_83, %mul3A_84 : i32
      %add3A_86 = arith.constant 0 : i32
      %add3A_87 = arith.addi %add3A_86, %mul3A_85 : i32
      %swap3A_88 = arith.index_cast %add3A_87 : i32 to index
      %swap3A_89 = tpu.vector_load %arg8[%swap3A_88] {strides = array<i32>} : memref<10160xi32, #tpu.memory_space<vmem>>, vector<16xi32>,
      tpu.vector_store %arg8[%swap3A_88], %broadcast_in_dim3A_1 {strides = array<i32>} : memref<10160xi32, #tpu.memory_space<vmem>>, vector<16xi32>,
      %swap3A_90 = arith.index_cast %add3A_87 : i32 to index
      %swap3A_91 = tpu.vector_load %arg10[%swap3A_90] {strides = array<i32>} : memref<10160xi32, #tpu.memory_space<vmem>>, vector<16xi32>,
      tpu.vector_store %arg10[%swap3A_90], %broadcast_in_dim3A_1 {strides = array<i32>} : memref<10160xi32, #tpu.memory_space<vmem>>, vector<16xi32>,
      %swap3A_92 = arith.index_cast %add3A_87 : i32 to index
      %swap3A_93 = tpu.vector_load %arg9[%swap3A_92] {strides = array<i32>} : memref<10160xi32, #tpu.memory_space<vmem>>, vector<16xi32>,
      tpu.vector_store %arg9[%swap3A_92], %broadcast_in_dim3A_3 {strides = array<i32>} : memref<10160xi32, #tpu.memory_space<vmem>>, vector<16xi32>,
      %swap3A_94 = arith.index_cast %add3A_87 : i32 to index
      %swap3A_95 = tpu.vector_load %arg11[%swap3A_94] {strides = array<i32>} : memref<10160xi32, #tpu.memory_space<vmem>>, vector<16xi32>,
      tpu.vector_store %arg11[%swap3A_94], %broadcast_in_dim3A_3 {strides = array<i32>} : memref<10160xi32, #tpu.memory_space<vmem>>, vector<16xi32>,
    }
    %scan3A_7 = arith.constant 635 : i32
    %scan3A_8 = arith.constant 0 : i32
    %scan3A_9 = arith.constant 0 : i32
    %scan3A_10 = arith.constant 0 : i32
    %scan3A_11 = arith.constant 625 : i32
    %scan3A_12 = arith.addi %scan3A_10, %scan3A_11 : i32
    %scan3A_13 = arith.constant 1 : i32
    %scan3A_14:2 = scf.for %scan3A_83 = %scan3A_10 to %scan3A_12 step %scan3A_13 iter_args(%scan3A_84 = %scan3A_8, %scan3A_85 = %scan3A_9) -> (i32, i32)  : i32 {
      %mul3A_86 = arith.constant 16 : i32
      %mul3A_87 = arith.muli %scan3A_83, %mul3A_86 : i32
      %get3A = arith.index_cast %mul3A_87 : i32 to index
      %get3A_88 = tpu.vector_load %arg6[%get3A] {strides = array<i32>} : memref<10000xi32, #tpu.memory_space<vmem>>, vector<16xi32>,
      %mul3A_89 = arith.constant 16 : i32
      %mul3A_90 = arith.muli %scan3A_83, %mul3A_89 : i32
      %get3A_91 = arith.index_cast %mul3A_90 : i32 to index
      %get3A_92 = tpu.vector_load %arg7[%get3A_91] {strides = array<i32>} : memref<10000xi32, #tpu.memory_space<vmem>>, vector<16xi32>,
      %lt3A = arith.constant 5120 : i32
      %lt3A_93 = vector.broadcast %lt3A : i32 to vector<16xi32>
      %lt3A_94 = arith.cmpi slt, %get3A_92, %lt3A_93 : vector<16xi32>
      %not3A = arith.constant dense<true> : vector<16xi1>
      %not3A_95 = arith.xori %lt3A_94, %not3A : vector<16xi1>
      %swap3A_96 = arith.index_cast %scan3A_84 : i32 to index
      %swap3A_97 = tpu.vector_load %arg8[%swap3A_96] masked %lt3A_94 {strides = array<i32>} : memref<10160xi32, #tpu.memory_space<vmem>>, vector<16xi32>, vector<16xi1>
      tpu.vector_store %arg8[%swap3A_96], %get3A_88 masked %lt3A_94 {strides = array<i32>} : memref<10160xi32, #tpu.memory_space<vmem>>, vector<16xi32>, vector<16xi1>
      %swap3A_98 = arith.index_cast %scan3A_84 : i32 to index
      %swap3A_99 = tpu.vector_load %arg9[%swap3A_98] masked %lt3A_94 {strides = array<i32>} : memref<10160xi32, #tpu.memory_space<vmem>>, vector<16xi32>, vector<16xi1>
      tpu.vector_store %arg9[%swap3A_98], %get3A_92 masked %lt3A_94 {strides = array<i32>} : memref<10160xi32, #tpu.memory_space<vmem>>, vector<16xi32>, vector<16xi1>
      %swap3A_100 = arith.index_cast %scan3A_85 : i32 to index
      %swap3A_101 = tpu.vector_load %arg10[%swap3A_100] masked %not3A_95 {strides = array<i32>} : memref<10160xi32, #tpu.memory_space<vmem>>, vector<16xi32>, vector<16xi1>
      tpu.vector_store %arg10[%swap3A_100], %get3A_88 masked %not3A_95 {strides = array<i32>} : memref<10160xi32, #tpu.memory_space<vmem>>, vector<16xi32>, vector<16xi1>
      %sub3A_102 = arith.constant 5120 : i32
      %sub3A_103 = vector.broadcast %sub3A_102 : i32 to vector<16xi32>
      %sub3A_104 = arith.subi %get3A_92, %sub3A_103 : vector<16xi32>
      %swap3A_105 = arith.index_cast %scan3A_85 : i32 to index
      %swap3A_106 = tpu.vector_load %arg11[%swap3A_105] masked %not3A_95 {strides = array<i32>} : memref<10160xi32, #tpu.memory_space<vmem>>, vector<16xi32>, vector<16xi1>
      tpu.vector_store %arg11[%swap3A_105], %sub3A_104 masked %not3A_95 {strides = array<i32>} : memref<10160xi32, #tpu.memory_space<vmem>>, vector<16xi32>, vector<16xi1>
      %convert_element_type3A = arith.extui %lt3A_94 : vector<16xi1> to vector<16xi32>
      %reduce_sum3A = arith.constant true
      %reduce_sum3A_107 = vector.broadcast %reduce_sum3A : i1 to vector<16xi1>
      %reduce_sum3A_108 = tpu.scan <sum>, %convert_element_type3A masked %reduce_sum3A_107 : vector<16xi32>, vector<16xi1> -> vector<16xi32>
      %reduce_sum3A_109 = vector.extract %reduce_sum3A_108[15] : i32 from vector<16xi32>
      %add3A_110 = arith.addi %scan3A_84, %reduce_sum3A_109 : i32
      %sub3A_111 = arith.constant 16 : i32
      %sub3A_112 = arith.subi %sub3A_111, %reduce_sum3A_109 : i32
      %add3A_113 = arith.addi %scan3A_85, %sub3A_112 : i32
      scf.yield %add3A_110, %add3A_113 : i32, i32
    }
    %scan3A_15 = arith.constant 625 : i32
    %add3A_16 = arith.constant 80 : i32
    %add3A_17 = arith.addi %scan3A_14#0, %add3A_16 : i32
    %sub3A = arith.constant 1 : i32
    %sub3A_18 = arith.subi %add3A_17, %sub3A : i32
    %jit3A = arith.constant 80 : i32
    %div3A = arith.divsi %sub3A_18, %jit3A : i32
    %sign3A = arith.constant 0 : i32
    %sign3A_19 = arith.cmpi sgt, %sub3A_18, %sign3A : i32
    %sign3A_20 = arith.extui %sign3A_19 : i1 to i32
    %sign3A_21 = arith.constant 0 : i32
    %sign3A_22 = arith.cmpi slt, %sub3A_18, %sign3A_21 : i32
    %sign3A_23 = arith.extui %sign3A_22 : i1 to i32
    %sign3A_24 = arith.subi %sign3A_20, %sign3A_23 : i32
    %sign3A_25 = arith.constant 0 : i32
    %sign3A_26 = arith.cmpi sgt, %jit3A, %sign3A_25 : i32
    %sign3A_27 = arith.extui %sign3A_26 : i1 to i32
    %sign3A_28 = arith.constant 0 : i32
    %sign3A_29 = arith.cmpi slt, %jit3A, %sign3A_28 : i32
    %sign3A_30 = arith.extui %sign3A_29 : i1 to i32
    %sign3A_31 = arith.subi %sign3A_27, %sign3A_30 : i32
    %ne3A = arith.cmpi ne, %sign3A_24, %sign3A_31 : i32
    %rem3A = arith.remsi %sub3A_18, %jit3A : i32
    %ne3A_32 = arith.constant 0 : i32
    %ne3A_33 = arith.cmpi ne, %rem3A, %ne3A_32 : i32
    %and3A = arith.andi %ne3A, %ne3A_33 : i1
    %sub3A_34 = arith.constant 1 : i32
    %sub3A_35 = arith.subi %div3A, %sub3A_34 : i32
    %select_n3A = arith.select %and3A, %sub3A_35, %div3A : i32
    %add3A_36 = arith.constant 80 : i32
    %add3A_37 = arith.addi %scan3A_14#1, %add3A_36 : i32
    %sub3A_38 = arith.constant 1 : i32
    %sub3A_39 = arith.subi %add3A_37, %sub3A_38 : i32
    %jit3A_40 = arith.constant 80 : i32
    %div3A_41 = arith.divsi %sub3A_39, %jit3A_40 : i32
    %sign3A_42 = arith.constant 0 : i32
    %sign3A_43 = arith.cmpi sgt, %sub3A_39, %sign3A_42 : i32
    %sign3A_44 = arith.extui %sign3A_43 : i1 to i32
    %sign3A_45 = arith.constant 0 : i32
    %sign3A_46 = arith.cmpi slt, %sub3A_39, %sign3A_45 : i32
    %sign3A_47 = arith.extui %sign3A_46 : i1 to i32
    %sign3A_48 = arith.subi %sign3A_44, %sign3A_47 : i32
    %sign3A_49 = arith.constant 0 : i32
    %sign3A_50 = arith.cmpi sgt, %jit3A_40, %sign3A_49 : i32
    %sign3A_51 = arith.extui %sign3A_50 : i1 to i32
    %sign3A_52 = arith.constant 0 : i32
    %sign3A_53 = arith.cmpi slt, %jit3A_40, %sign3A_52 : i32
    %sign3A_54 = arith.extui %sign3A_53 : i1 to i32
    %sign3A_55 = arith.subi %sign3A_51, %sign3A_54 : i32
    %ne3A_56 = arith.cmpi ne, %sign3A_48, %sign3A_55 : i32
    %rem3A_57 = arith.remsi %sub3A_39, %jit3A_40 : i32
    %ne3A_58 = arith.constant 0 : i32
    %ne3A_59 = arith.cmpi ne, %rem3A_57, %ne3A_58 : i32
    %and3A_60 = arith.andi %ne3A_56, %ne3A_59 : i1
    %sub3A_61 = arith.constant 1 : i32
    %sub3A_62 = arith.subi %div3A_41, %sub3A_61 : i32
    %select_n3A_63 = arith.select %and3A_60, %sub3A_62, %div3A_41 : i32
    %iota3A = tpu.iota {dimensions = array<i32: 0>} : vector<16xi32>
    %eq3A = arith.constant 0 : i32
    %eq3A_64 = vector.broadcast %eq3A : i32 to vector<16xi32>
    %eq3A_65 = arith.cmpi eq, %iota3A, %eq3A_64 : vector<16xi32>
    %eq3A_66 = arith.constant 1 : i32
    %eq3A_67 = vector.broadcast %eq3A_66 : i32 to vector<16xi32>
    %eq3A_68 = arith.cmpi eq, %iota3A, %eq3A_67 : vector<16xi32>
    %jit3A_69 = arith.constant 0 : i32
    %broadcast_in_dim3A_70 = vector.broadcast %select_n3A_63 : i32 to vector<16xi32>
    %broadcast_in_dim3A_71 = vector.broadcast %jit3A_69 : i32 to vector<16xi32>
    %select_n3A_72 = arith.select %eq3A_68, %broadcast_in_dim3A_70, %broadcast_in_dim3A_71 : vector<16xi1>, vector<16xi32>
    %broadcast_in_dim3A_73 = vector.broadcast %select_n3A : i32 to vector<16xi32>
    %select_n3A_74 = arith.select %eq3A_65, %broadcast_in_dim3A_73, %select_n3A_72 : vector<16xi1>, vector<16xi32>
    %swap3A = arith.constant 0 : index
    %swap3A_75 = tpu.vector_load %arg12[%swap3A] {strides = array<i32>} : memref<16xi32, #tpu.memory_space<vmem>>, vector<16xi32>,
    tpu.vector_store %arg12[%swap3A], %select_n3A_74 {strides = array<i32>} : memref<16xi32, #tpu.memory_space<vmem>>, vector<16xi32>,
    %run_scoped3A = arith.constant 0 : i32
    %run_scoped3A_76 = arith.constant 0 : i32
    "tpu.region"() ({
      %run_scoped3A_83 = tpu.sem_alloc : memref<!tpu.dma_semaphore, #tpu.memory_space<semaphore_mem>>
      %dma_start3A = arith.constant 0 : i32
      %dma_start3A_84 = tpu.memref_slice %arg4[%run_scoped3A, %run_scoped3A_76, %add3A, %dma_start3A] : memref<2x2x32x10160xi32, #tpu.memory_space<hbm>> -> memref<1x1x1x10160xi32, #tpu.memory_space<hbm>>
      %dma_start3A_85 = tpu.memref_squeeze %dma_start3A_84 : memref<1x1x1x10160xi32, #tpu.memory_space<hbm>> -> memref<10160xi32, #tpu.memory_space<hbm>>
      %dma_start3A_86 = arith.constant 0 : i32
      %dma_start3A_87 = tpu.memref_slice %arg4[%run_scoped3A, %run_scoped3A_76, %add3A, %dma_start3A_86] : memref<2x2x32x10160xi32, #tpu.memory_space<hbm>> -> memref<1x1x1x10160xi32, #tpu.memory_space<hbm>>
      %dma_start3A_88 = tpu.memref_squeeze %dma_start3A_87 : memref<1x1x1x10160xi32, #tpu.memory_space<hbm>> -> memref<10160xi32, #tpu.memory_space<hbm>>
      tpu.enqueue_dma source(%arg8 : memref<10160xi32, #tpu.memory_space<vmem>>) target(%dma_start3A_88 : memref<10160xi32, #tpu.memory_space<hbm>>) target_semaphore(%run_scoped3A_83 : memref<!tpu.dma_semaphore, #tpu.memory_space<semaphore_mem>>)
      %dma_wait3A = arith.constant 0 : i32
      %dma_wait3A_89 = tpu.memref_slice %arg4[%run_scoped3A, %run_scoped3A_76, %add3A, %dma_wait3A] : memref<2x2x32x10160xi32, #tpu.memory_space<hbm>> -> memref<1x1x1x10160xi32, #tpu.memory_space<hbm>>
      %dma_wait3A_90 = tpu.memref_squeeze %dma_wait3A_89 : memref<1x1x1x10160xi32, #tpu.memory_space<hbm>> -> memref<10160xi32, #tpu.memory_space<hbm>>
      %dma_wait3A_91 = arith.constant 0 : i32
      %dma_wait3A_92 = tpu.memref_slice %arg4[%run_scoped3A, %run_scoped3A_76, %add3A, %dma_wait3A_91] : memref<2x2x32x10160xi32, #tpu.memory_space<hbm>> -> memref<1x1x1x10160xi32, #tpu.memory_space<hbm>>
      %dma_wait3A_93 = tpu.memref_squeeze %dma_wait3A_92 : memref<1x1x1x10160xi32, #tpu.memory_space<hbm>> -> memref<10160xi32, #tpu.memory_space<hbm>>
      tpu.wait_dma2 semaphore(%run_scoped3A_83 : memref<!tpu.dma_semaphore, #tpu.memory_space<semaphore_mem>>) src(%arg8 : memref<10160xi32, #tpu.memory_space<vmem>>) dst(%dma_wait3A_93 : memref<10160xi32, #tpu.memory_space<hbm>>)
      tpu.yield
    }) : () -> ()
    %run_scoped3A_77 = arith.constant 0 : i32
    %run_scoped3A_78 = arith.constant 1 : i32
    "tpu.region"() ({
      %run_scoped3A_83 = tpu.sem_alloc : memref<!tpu.dma_semaphore, #tpu.memory_space<semaphore_mem>>
      %dma_start3A = arith.constant 0 : i32
      %dma_start3A_84 = tpu.memref_slice %arg4[%run_scoped3A_77, %run_scoped3A_78, %add3A, %dma_start3A] : memref<2x2x32x10160xi32, #tpu.memory_space<hbm>> -> memref<1x1x1x10160xi32, #tpu.memory_space<hbm>>
      %dma_start3A_85 = tpu.memref_squeeze %dma_start3A_84 : memref<1x1x1x10160xi32, #tpu.memory_space<hbm>> -> memref<10160xi32, #tpu.memory_space<hbm>>
      %dma_start3A_86 = arith.constant 0 : i32
      %dma_start3A_87 = tpu.memref_slice %arg4[%run_scoped3A_77, %run_scoped3A_78, %add3A, %dma_start3A_86] : memref<2x2x32x10160xi32, #tpu.memory_space<hbm>> -> memref<1x1x1x10160xi32, #tpu.memory_space<hbm>>
      %dma_start3A_88 = tpu.memref_squeeze %dma_start3A_87 : memref<1x1x1x10160xi32, #tpu.memory_space<hbm>> -> memref<10160xi32, #tpu.memory_space<hbm>>
      tpu.enqueue_dma source(%arg9 : memref<10160xi32, #tpu.memory_space<vmem>>) target(%dma_start3A_88 : memref<10160xi32, #tpu.memory_space<hbm>>) target_semaphore(%run_scoped3A_83 : memref<!tpu.dma_semaphore, #tpu.memory_space<semaphore_mem>>)
      %dma_wait3A = arith.constant 0 : i32
      %dma_wait3A_89 = tpu.memref_slice %arg4[%run_scoped3A_77, %run_scoped3A_78, %add3A, %dma_wait3A] : memref<2x2x32x10160xi32, #tpu.memory_space<hbm>> -> memref<1x1x1x10160xi32, #tpu.memory_space<hbm>>
      %dma_wait3A_90 = tpu.memref_squeeze %dma_wait3A_89 : memref<1x1x1x10160xi32, #tpu.memory_space<hbm>> -> memref<10160xi32, #tpu.memory_space<hbm>>
      %dma_wait3A_91 = arith.constant 0 : i32
      %dma_wait3A_92 = tpu.memref_slice %arg4[%run_scoped3A_77, %run_scoped3A_78, %add3A, %dma_wait3A_91] : memref<2x2x32x10160xi32, #tpu.memory_space<hbm>> -> memref<1x1x1x10160xi32, #tpu.memory_space<hbm>>
      %dma_wait3A_93 = tpu.memref_squeeze %dma_wait3A_92 : memref<1x1x1x10160xi32, #tpu.memory_space<hbm>> -> memref<10160xi32, #tpu.memory_space<hbm>>
      tpu.wait_dma2 semaphore(%run_scoped3A_83 : memref<!tpu.dma_semaphore, #tpu.memory_space<semaphore_mem>>) src(%arg9 : memref<10160xi32, #tpu.memory_space<vmem>>) dst(%dma_wait3A_93 : memref<10160xi32, #tpu.memory_space<hbm>>)
      tpu.yield
    }) : () -> ()
    %run_scoped3A_79 = arith.constant 1 : i32
    %run_scoped3A_80 = arith.constant 0 : i32
    "tpu.region"() ({
      %run_scoped3A_83 = tpu.sem_alloc : memref<!tpu.dma_semaphore, #tpu.memory_space<semaphore_mem>>
      %dma_start3A = arith.constant 0 : i32
      %dma_start3A_84 = tpu.memref_slice %arg4[%run_scoped3A_79, %run_scoped3A_80, %add3A, %dma_start3A] : memref<2x2x32x10160xi32, #tpu.memory_space<hbm>> -> memref<1x1x1x10160xi32, #tpu.memory_space<hbm>>
      %dma_start3A_85 = tpu.memref_squeeze %dma_start3A_84 : memref<1x1x1x10160xi32, #tpu.memory_space<hbm>> -> memref<10160xi32, #tpu.memory_space<hbm>>
      %dma_start3A_86 = arith.constant 0 : i32
      %dma_start3A_87 = tpu.memref_slice %arg4[%run_scoped3A_79, %run_scoped3A_80, %add3A, %dma_start3A_86] : memref<2x2x32x10160xi32, #tpu.memory_space<hbm>> -> memref<1x1x1x10160xi32, #tpu.memory_space<hbm>>
      %dma_start3A_88 = tpu.memref_squeeze %dma_start3A_87 : memref<1x1x1x10160xi32, #tpu.memory_space<hbm>> -> memref<10160xi32, #tpu.memory_space<hbm>>
      tpu.enqueue_dma source(%arg10 : memref<10160xi32, #tpu.memory_space<vmem>>) target(%dma_start3A_88 : memref<10160xi32, #tpu.memory_space<hbm>>) target_semaphore(%run_scoped3A_83 : memref<!tpu.dma_semaphore, #tpu.memory_space<semaphore_mem>>)
      %dma_wait3A = arith.constant 0 : i32
      %dma_wait3A_89 = tpu.memref_slice %arg4[%run_scoped3A_79, %run_scoped3A_80, %add3A, %dma_wait3A] : memref<2x2x32x10160xi32, #tpu.memory_space<hbm>> -> memref<1x1x1x10160xi32, #tpu.memory_space<hbm>>
      %dma_wait3A_90 = tpu.memref_squeeze %dma_wait3A_89 : memref<1x1x1x10160xi32, #tpu.memory_space<hbm>> -> memref<10160xi32, #tpu.memory_space<hbm>>
      %dma_wait3A_91 = arith.constant 0 : i32
      %dma_wait3A_92 = tpu.memref_slice %arg4[%run_scoped3A_79, %run_scoped3A_80, %add3A, %dma_wait3A_91] : memref<2x2x32x10160xi32, #tpu.memory_space<hbm>> -> memref<1x1x1x10160xi32, #tpu.memory_space<hbm>>
      %dma_wait3A_93 = tpu.memref_squeeze %dma_wait3A_92 : memref<1x1x1x10160xi32, #tpu.memory_space<hbm>> -> memref<10160xi32, #tpu.memory_space<hbm>>
      tpu.wait_dma2 semaphore(%run_scoped3A_83 : memref<!tpu.dma_semaphore, #tpu.memory_space<semaphore_mem>>) src(%arg10 : memref<10160xi32, #tpu.memory_space<vmem>>) dst(%dma_wait3A_93 : memref<10160xi32, #tpu.memory_space<hbm>>)
      tpu.yield
    }) : () -> ()
    %run_scoped3A_81 = arith.constant 1 : i32
    %run_scoped3A_82 = arith.constant 1 : i32
    "tpu.region"() ({
      %run_scoped3A_83 = tpu.sem_alloc : memref<!tpu.dma_semaphore, #tpu.memory_space<semaphore_mem>>
      %dma_start3A = arith.constant 0 : i32
      %dma_start3A_84 = tpu.memref_slice %arg4[%run_scoped3A_81, %run_scoped3A_82, %add3A, %dma_start3A] : memref<2x2x32x10160xi32, #tpu.memory_space<hbm>> -> memref<1x1x1x10160xi32, #tpu.memory_space<hbm>>
      %dma_start3A_85 = tpu.memref_squeeze %dma_start3A_84 : memref<1x1x1x10160xi32, #tpu.memory_space<hbm>> -> memref<10160xi32, #tpu.memory_space<hbm>>
      %dma_start3A_86 = arith.constant 0 : i32
      %dma_start3A_87 = tpu.memref_slice %arg4[%run_scoped3A_81, %run_scoped3A_82, %add3A, %dma_start3A_86] : memref<2x2x32x10160xi32, #tpu.memory_space<hbm>> -> memref<1x1x1x10160xi32, #tpu.memory_space<hbm>>
      %dma_start3A_88 = tpu.memref_squeeze %dma_start3A_87 : memref<1x1x1x10160xi32, #tpu.memory_space<hbm>> -> memref<10160xi32, #tpu.memory_space<hbm>>
      tpu.enqueue_dma source(%arg11 : memref<10160xi32, #tpu.memory_space<vmem>>) target(%dma_start3A_88 : memref<10160xi32, #tpu.memory_space<hbm>>) target_semaphore(%run_scoped3A_83 : memref<!tpu.dma_semaphore, #tpu.memory_space<semaphore_mem>>)
      %dma_wait3A = arith.constant 0 : i32
      %dma_wait3A_89 = tpu.memref_slice %arg4[%run_scoped3A_81, %run_scoped3A_82, %add3A, %dma_wait3A] : memref<2x2x32x10160xi32, #tpu.memory_space<hbm>> -> memref<1x1x1x10160xi32, #tpu.memory_space<hbm>>
      %dma_wait3A_90 = tpu.memref_squeeze %dma_wait3A_89 : memref<1x1x1x10160xi32, #tpu.memory_space<hbm>> -> memref<10160xi32, #tpu.memory_space<hbm>>
      %dma_wait3A_91 = arith.constant 0 : i32
      %dma_wait3A_92 = tpu.memref_slice %arg4[%run_scoped3A_81, %run_scoped3A_82, %add3A, %dma_wait3A_91] : memref<2x2x32x10160xi32, #tpu.memory_space<hbm>> -> memref<1x1x1x10160xi32, #tpu.memory_space<hbm>>
      %dma_wait3A_93 = tpu.memref_squeeze %dma_wait3A_92 : memref<1x1x1x10160xi32, #tpu.memory_space<hbm>> -> memref<10160xi32, #tpu.memory_space<hbm>>
      tpu.wait_dma2 semaphore(%run_scoped3A_83 : memref<!tpu.dma_semaphore, #tpu.memory_space<semaphore_mem>>) src(%arg11 : memref<10160xi32, #tpu.memory_space<vmem>>) dst(%dma_wait3A_93 : memref<10160xi32, #tpu.memory_space<hbm>>)
      tpu.yield
    }) : () -> ()
    "tpu.region"() ({
      %run_scoped3A_83 = tpu.sem_alloc : memref<!tpu.dma_semaphore, #tpu.memory_space<semaphore_mem>>
      %dma_start3A = arith.constant 0 : i32
      %dma_start3A_84 = tpu.memref_slice %arg5[%add3A, %dma_start3A] : memref<32x16xi32, #tpu.memory_space<hbm>> -> memref<1x16xi32, #tpu.memory_space<hbm>>
      %dma_start3A_85 = tpu.memref_squeeze %dma_start3A_84 : memref<1x16xi32, #tpu.memory_space<hbm>> -> memref<16xi32, #tpu.memory_space<hbm>>
      %dma_start3A_86 = arith.constant 0 : i32
      %dma_start3A_87 = tpu.memref_slice %arg5[%add3A, %dma_start3A_86] : memref<32x16xi32, #tpu.memory_space<hbm>> -> memref<1x16xi32, #tpu.memory_space<hbm>>
      %dma_start3A_88 = tpu.memref_squeeze %dma_start3A_87 : memref<1x16xi32, #tpu.memory_space<hbm>> -> memref<16xi32, #tpu.memory_space<hbm>>
      tpu.enqueue_dma source(%arg12 : memref<16xi32, #tpu.memory_space<vmem>>) target(%dma_start3A_88 : memref<16xi32, #tpu.memory_space<hbm>>) target_semaphore(%run_scoped3A_83 : memref<!tpu.dma_semaphore, #tpu.memory_space<semaphore_mem>>)
      %dma_wait3A = arith.constant 0 : i32
      %dma_wait3A_89 = tpu.memref_slice %arg5[%add3A, %dma_wait3A] : memref<32x16xi32, #tpu.memory_space<hbm>> -> memref<1x16xi32, #tpu.memory_space<hbm>>
      %dma_wait3A_90 = tpu.memref_squeeze %dma_wait3A_89 : memref<1x16xi32, #tpu.memory_space<hbm>> -> memref<16xi32, #tpu.memory_space<hbm>>
      %dma_wait3A_91 = arith.constant 0 : i32
      %dma_wait3A_92 = tpu.memref_slice %arg5[%add3A, %dma_wait3A_91] : memref<32x16xi32, #tpu.memory_space<hbm>> -> memref<1x16xi32, #tpu.memory_space<hbm>>
      %dma_wait3A_93 = tpu.memref_squeeze %dma_wait3A_92 : memref<1x16xi32, #tpu.memory_space<hbm>> -> memref<16xi32, #tpu.memory_space<hbm>>
      tpu.wait_dma2 semaphore(%run_scoped3A_83 : memref<!tpu.dma_semaphore, #tpu.memory_space<semaphore_mem>>) src(%arg12 : memref<16xi32, #tpu.memory_space<vmem>>) dst(%dma_wait3A_93 : memref<16xi32, #tpu.memory_space<hbm>>)
      tpu.yield
    }) : () -> ()
    return
  }
}

#map = affine_map<(d0, d1) -> (0, 0)>
#map1 = affine_map<(d0, d1) -> (0, 0, 0, 0, 0)>
#map2 = affine_map<(d0, d1) -> (0, 0, 0)>
module attributes {stable_mosaic.version = 14 : i64} {
  func.func @agg(%arg0: i32, %arg1: i32, %arg2: memref<10240x128xf32, #tpu.memory_space<hbm>>, %arg3: memref<2x2x32x127x80xi32, #tpu.memory_space<hbm>>, %arg4: memref<32x16xi32, #tpu.memory_space<hbm>>, %arg5: memref<2x10240x128xf32, #tpu.memory_space<hbm>>, %arg6: memref<127x80xi32, #tpu.memory_space<vmem>>, %arg7: memref<127x80xi32, #tpu.memory_space<vmem>>, %arg8: memref<16xi32, #tpu.memory_space<vmem>>, %arg9: memref<80x128xf32, #tpu.memory_space<vmem>>, %arg10: memref<80x128xf32, #tpu.memory_space<vmem>>, %arg11: memref<5128x128xf32, #tpu.memory_space<vmem_shared>>, %arg12: memref<!tpu.dma_semaphore, #tpu.memory_space<semaphore_mem>>, %arg13: memref<!tpu.dma_semaphore, #tpu.memory_space<semaphore_mem>>) attributes {dimension_semantics = [#tpu.dimension_semantics<core_parallel>, #tpu.dimension_semantics<subcore_parallel>], iteration_bounds = array<i64: 2, 16>, scalar_prefetch = 0 : i64, scratch_operands = 8 : i64, tpu.core_type = #tpu.core_type<sc_vector_subcore>, window_params = [{transform_indices = #map}, {transform_indices = #map1}, {transform_indices = #map}, {transform_indices = #map2}]} {
    %mul3A = arith.constant 16 : i32
    %mul3A_0 = arith.muli %arg0, %mul3A : i32
    %add3A = arith.addi %mul3A_0, %arg1 : i32
    "tpu.region"() ({
      %run_scoped3A_153 = tpu.sem_alloc : memref<!tpu.dma_semaphore, #tpu.memory_space<semaphore_mem>>
      %dma_start3A_154 = arith.constant 0 : i32
      %dma_start3A_155 = tpu.memref_slice %arg4[%add3A, %dma_start3A_154] : memref<32x16xi32, #tpu.memory_space<hbm>> -> memref<1x16xi32, #tpu.memory_space<hbm>>
      %dma_start3A_156 = tpu.memref_squeeze %dma_start3A_155 : memref<1x16xi32, #tpu.memory_space<hbm>> -> memref<16xi32, #tpu.memory_space<hbm>>
      %dma_start3A_157 = arith.constant 0 : i32
      %dma_start3A_158 = tpu.memref_slice %arg4[%add3A, %dma_start3A_157] : memref<32x16xi32, #tpu.memory_space<hbm>> -> memref<1x16xi32, #tpu.memory_space<hbm>>
      %dma_start3A_159 = tpu.memref_squeeze %dma_start3A_158 : memref<1x16xi32, #tpu.memory_space<hbm>> -> memref<16xi32, #tpu.memory_space<hbm>>
      tpu.enqueue_dma source(%dma_start3A_159 : memref<16xi32, #tpu.memory_space<hbm>>) target(%arg8 : memref<16xi32, #tpu.memory_space<vmem>>) target_semaphore(%run_scoped3A_153 : memref<!tpu.dma_semaphore, #tpu.memory_space<semaphore_mem>>)
      %dma_wait3A_160 = arith.constant 0 : i32
      %dma_wait3A_161 = tpu.memref_slice %arg4[%add3A, %dma_wait3A_160] : memref<32x16xi32, #tpu.memory_space<hbm>> -> memref<1x16xi32, #tpu.memory_space<hbm>>
      %dma_wait3A_162 = tpu.memref_squeeze %dma_wait3A_161 : memref<1x16xi32, #tpu.memory_space<hbm>> -> memref<16xi32, #tpu.memory_space<hbm>>
      %dma_wait3A_163 = arith.constant 0 : i32
      %dma_wait3A_164 = tpu.memref_slice %arg4[%add3A, %dma_wait3A_163] : memref<32x16xi32, #tpu.memory_space<hbm>> -> memref<1x16xi32, #tpu.memory_space<hbm>>
      %dma_wait3A_165 = tpu.memref_squeeze %dma_wait3A_164 : memref<1x16xi32, #tpu.memory_space<hbm>> -> memref<16xi32, #tpu.memory_space<hbm>>
      tpu.wait_dma2 semaphore(%run_scoped3A_153 : memref<!tpu.dma_semaphore, #tpu.memory_space<semaphore_mem>>) src(%dma_wait3A_165 : memref<16xi32, #tpu.memory_space<hbm>>) dst(%arg8 : memref<16xi32, #tpu.memory_space<vmem>>)
      tpu.yield
    }) : () -> ()
    %iota3A = tpu.iota {dimensions = array<i32: 0>} : vector<16xi32>
    %get3A = arith.constant 0 : index
    %get3A_1 = tpu.vector_load %arg8[%get3A] {strides = array<i32>} : memref<16xi32, #tpu.memory_space<vmem>>, vector<16xi32>,
    %run_scoped3A = arith.constant 0 : i32
    %run_scoped3A_2 = arith.constant 0 : i32
    "tpu.region"() ({
      %run_scoped3A_153 = tpu.sem_alloc : memref<!tpu.dma_semaphore, #tpu.memory_space<semaphore_mem>>
      %dma_start3A_154 = arith.constant 0 : i32
      %dma_start3A_155 = arith.constant 0 : i32
      %dma_start3A_156 = tpu.memref_slice %arg3[%run_scoped3A, %run_scoped3A_2, %add3A, %dma_start3A_154, %dma_start3A_155] : memref<2x2x32x127x80xi32, #tpu.memory_space<hbm>> -> memref<1x1x1x127x80xi32, #tpu.memory_space<hbm>>
      %dma_start3A_157 = tpu.memref_squeeze %dma_start3A_156 : memref<1x1x1x127x80xi32, #tpu.memory_space<hbm>> -> memref<127x80xi32, #tpu.memory_space<hbm>>
      %dma_start3A_158 = arith.constant 0 : i32
      %dma_start3A_159 = arith.constant 0 : i32
      %dma_start3A_160 = tpu.memref_slice %arg3[%run_scoped3A, %run_scoped3A_2, %add3A, %dma_start3A_158, %dma_start3A_159] : memref<2x2x32x127x80xi32, #tpu.memory_space<hbm>> -> memref<1x1x1x127x80xi32, #tpu.memory_space<hbm>>
      %dma_start3A_161 = tpu.memref_squeeze %dma_start3A_160 : memref<1x1x1x127x80xi32, #tpu.memory_space<hbm>> -> memref<127x80xi32, #tpu.memory_space<hbm>>
      tpu.enqueue_dma source(%dma_start3A_161 : memref<127x80xi32, #tpu.memory_space<hbm>>) target(%arg6 : memref<127x80xi32, #tpu.memory_space<vmem>>) target_semaphore(%run_scoped3A_153 : memref<!tpu.dma_semaphore, #tpu.memory_space<semaphore_mem>>)
      %dma_wait3A_162 = arith.constant 0 : i32
      %dma_wait3A_163 = arith.constant 0 : i32
      %dma_wait3A_164 = tpu.memref_slice %arg3[%run_scoped3A, %run_scoped3A_2, %add3A, %dma_wait3A_162, %dma_wait3A_163] : memref<2x2x32x127x80xi32, #tpu.memory_space<hbm>> -> memref<1x1x1x127x80xi32, #tpu.memory_space<hbm>>
      %dma_wait3A_165 = tpu.memref_squeeze %dma_wait3A_164 : memref<1x1x1x127x80xi32, #tpu.memory_space<hbm>> -> memref<127x80xi32, #tpu.memory_space<hbm>>
      %dma_wait3A_166 = arith.constant 0 : i32
      %dma_wait3A_167 = arith.constant 0 : i32
      %dma_wait3A_168 = tpu.memref_slice %arg3[%run_scoped3A, %run_scoped3A_2, %add3A, %dma_wait3A_166, %dma_wait3A_167] : memref<2x2x32x127x80xi32, #tpu.memory_space<hbm>> -> memref<1x1x1x127x80xi32, #tpu.memory_space<hbm>>
      %dma_wait3A_169 = tpu.memref_squeeze %dma_wait3A_168 : memref<1x1x1x127x80xi32, #tpu.memory_space<hbm>> -> memref<127x80xi32, #tpu.memory_space<hbm>>
      tpu.wait_dma2 semaphore(%run_scoped3A_153 : memref<!tpu.dma_semaphore, #tpu.memory_space<semaphore_mem>>) src(%dma_wait3A_169 : memref<127x80xi32, #tpu.memory_space<hbm>>) dst(%arg6 : memref<127x80xi32, #tpu.memory_space<vmem>>)
      tpu.yield
    }) : () -> ()
    %run_scoped3A_3 = arith.constant 0 : i32
    %run_scoped3A_4 = arith.constant 1 : i32
    "tpu.region"() ({
      %run_scoped3A_153 = tpu.sem_alloc : memref<!tpu.dma_semaphore, #tpu.memory_space<semaphore_mem>>
      %dma_start3A_154 = arith.constant 0 : i32
      %dma_start3A_155 = arith.constant 0 : i32
      %dma_start3A_156 = tpu.memref_slice %arg3[%run_scoped3A_3, %run_scoped3A_4, %add3A, %dma_start3A_154, %dma_start3A_155] : memref<2x2x32x127x80xi32, #tpu.memory_space<hbm>> -> memref<1x1x1x127x80xi32, #tpu.memory_space<hbm>>
      %dma_start3A_157 = tpu.memref_squeeze %dma_start3A_156 : memref<1x1x1x127x80xi32, #tpu.memory_space<hbm>> -> memref<127x80xi32, #tpu.memory_space<hbm>>
      %dma_start3A_158 = arith.constant 0 : i32
      %dma_start3A_159 = arith.constant 0 : i32
      %dma_start3A_160 = tpu.memref_slice %arg3[%run_scoped3A_3, %run_scoped3A_4, %add3A, %dma_start3A_158, %dma_start3A_159] : memref<2x2x32x127x80xi32, #tpu.memory_space<hbm>> -> memref<1x1x1x127x80xi32, #tpu.memory_space<hbm>>
      %dma_start3A_161 = tpu.memref_squeeze %dma_start3A_160 : memref<1x1x1x127x80xi32, #tpu.memory_space<hbm>> -> memref<127x80xi32, #tpu.memory_space<hbm>>
      tpu.enqueue_dma source(%dma_start3A_161 : memref<127x80xi32, #tpu.memory_space<hbm>>) target(%arg7 : memref<127x80xi32, #tpu.memory_space<vmem>>) target_semaphore(%run_scoped3A_153 : memref<!tpu.dma_semaphore, #tpu.memory_space<semaphore_mem>>)
      %dma_wait3A_162 = arith.constant 0 : i32
      %dma_wait3A_163 = arith.constant 0 : i32
      %dma_wait3A_164 = tpu.memref_slice %arg3[%run_scoped3A_3, %run_scoped3A_4, %add3A, %dma_wait3A_162, %dma_wait3A_163] : memref<2x2x32x127x80xi32, #tpu.memory_space<hbm>> -> memref<1x1x1x127x80xi32, #tpu.memory_space<hbm>>
      %dma_wait3A_165 = tpu.memref_squeeze %dma_wait3A_164 : memref<1x1x1x127x80xi32, #tpu.memory_space<hbm>> -> memref<127x80xi32, #tpu.memory_space<hbm>>
      %dma_wait3A_166 = arith.constant 0 : i32
      %dma_wait3A_167 = arith.constant 0 : i32
      %dma_wait3A_168 = tpu.memref_slice %arg3[%run_scoped3A_3, %run_scoped3A_4, %add3A, %dma_wait3A_166, %dma_wait3A_167] : memref<2x2x32x127x80xi32, #tpu.memory_space<hbm>> -> memref<1x1x1x127x80xi32, #tpu.memory_space<hbm>>
      %dma_wait3A_169 = tpu.memref_squeeze %dma_wait3A_168 : memref<1x1x1x127x80xi32, #tpu.memory_space<hbm>> -> memref<127x80xi32, #tpu.memory_space<hbm>>
      tpu.wait_dma2 semaphore(%run_scoped3A_153 : memref<!tpu.dma_semaphore, #tpu.memory_space<semaphore_mem>>) src(%dma_wait3A_169 : memref<127x80xi32, #tpu.memory_space<hbm>>) dst(%arg7 : memref<127x80xi32, #tpu.memory_space<vmem>>)
      tpu.yield
    }) : () -> ()
    %eq3A = arith.constant 0 : i32
    %eq3A_5 = vector.broadcast %eq3A : i32 to vector<16xi32>
    %eq3A_6 = arith.cmpi eq, %iota3A, %eq3A_5 : vector<16xi32>
    %jit3A = arith.constant 0 : i32
    %broadcast_in_dim3A = vector.broadcast %jit3A : i32 to vector<16xi32>
    %select_n3A = arith.select %eq3A_6, %get3A_1, %broadcast_in_dim3A : vector<16xi1>, vector<16xi32>
    %reduce_sum3A = arith.constant true
    %reduce_sum3A_7 = vector.broadcast %reduce_sum3A : i1 to vector<16xi1>
    %reduce_sum3A_8 = tpu.scan <sum>, %select_n3A masked %reduce_sum3A_7 : vector<16xi32>, vector<16xi1> -> vector<16xi32>
    %reduce_sum3A_9 = vector.extract %reduce_sum3A_8[15] : i32 from vector<16xi32>
    %mul3A_10 = arith.constant 320 : i32
    %mul3A_11 = arith.muli %arg1, %mul3A_10 : i32
    %multiple_of3A = tpu.assume_multiple %mul3A_11, 8 : i32
    %mul3A_12 = arith.constant 320 : i32
    %mul3A_13 = arith.muli %arg1, %mul3A_12 : i32
    %add3A_14 = arith.constant 0 : i32
    %add3A_15 = arith.addi %add3A_14, %mul3A_13 : i32
    %multiple_of3A_16 = tpu.assume_multiple %add3A_15, 8 : i32
    "tpu.region"() ({
      %run_scoped3A_153 = tpu.sem_alloc : memref<!tpu.dma_semaphore, #tpu.memory_space<semaphore_mem>>
      %dma_start3A_154 = arith.constant 0 : i32
      %dma_start3A_155 = tpu.memref_slice %arg11[%multiple_of3A, %dma_start3A_154] : memref<5128x128xf32, #tpu.memory_space<vmem_shared>> -> memref<320x128xf32, #tpu.memory_space<vmem_shared>>
      %dma_start3A_156 = arith.constant 0 : i32
      %dma_start3A_157 = tpu.memref_slice %arg2[%multiple_of3A_16, %dma_start3A_156] : memref<10240x128xf32, #tpu.memory_space<hbm>> -> memref<320x128xf32, #tpu.memory_space<hbm>>
      tpu.enqueue_dma source(%dma_start3A_157 : memref<320x128xf32, #tpu.memory_space<hbm>>) target(%dma_start3A_155 : memref<320x128xf32, #tpu.memory_space<vmem_shared>>) target_semaphore(%run_scoped3A_153 : memref<!tpu.dma_semaphore, #tpu.memory_space<semaphore_mem>>)
      %dma_wait3A_158 = arith.constant 0 : i32
      %dma_wait3A_159 = tpu.memref_slice %arg11[%multiple_of3A, %dma_wait3A_158] : memref<5128x128xf32, #tpu.memory_space<vmem_shared>> -> memref<320x128xf32, #tpu.memory_space<vmem_shared>>
      %dma_wait3A_160 = arith.constant 0 : i32
      %dma_wait3A_161 = tpu.memref_slice %arg2[%multiple_of3A_16, %dma_wait3A_160] : memref<10240x128xf32, #tpu.memory_space<hbm>> -> memref<320x128xf32, #tpu.memory_space<hbm>>
      tpu.wait_dma2 semaphore(%run_scoped3A_153 : memref<!tpu.dma_semaphore, #tpu.memory_space<semaphore_mem>>) src(%dma_wait3A_161 : memref<320x128xf32, #tpu.memory_space<hbm>>) dst(%dma_wait3A_159 : memref<320x128xf32, #tpu.memory_space<vmem_shared>>)
      tpu.yield
    }) : () -> ()
    %barrier3A = arith.constant 0 : index
    tpu.barrier barrier_id(%barrier3A)
    %dma_start3A = arith.constant 0 : i32
    %dma_start3A_17 = arith.constant 0 : i32
    %dma_start3A_18 = tpu.memref_slice %arg6[%dma_start3A, %dma_start3A_17] : memref<127x80xi32, #tpu.memory_space<vmem>> -> memref<1x80xi32, #tpu.memory_space<vmem>>
    %dma_start3A_19 = tpu.memref_squeeze %dma_start3A_18 : memref<1x80xi32, #tpu.memory_space<vmem>> -> memref<80xi32, #tpu.memory_space<vmem>>
    %dma_start3A_20 = arith.constant 0 : i32
    %dma_start3A_21 = arith.constant 0 : i32
    %dma_start3A_22 = tpu.memref_slice %arg2[%dma_start3A_20, %dma_start3A_21] : memref<10240x128xf32, #tpu.memory_space<hbm>> -> memref<10240x128xf32, #tpu.memory_space<hbm>>
    tpu.enqueue_indirect_dma source(%dma_start3A_22 : memref<10240x128xf32, #tpu.memory_space<hbm>>) target(%arg9 : memref<80x128xf32, #tpu.memory_space<vmem>>) offsets(%dma_start3A_19 : memref<80xi32, #tpu.memory_space<vmem>>) semaphore(%arg12 : memref<!tpu.dma_semaphore, #tpu.memory_space<semaphore_mem>>)
    %add3A_23 = arith.constant 1 : i32
    %add3A_24 = arith.addi %reduce_sum3A_9, %add3A_23 : i32
    %jit3A_25 = arith.constant 2 : i32
    %div3A = arith.divsi %add3A_24, %jit3A_25 : i32
    %sign3A = arith.constant 0 : i32
    %sign3A_26 = arith.cmpi sgt, %add3A_24, %sign3A : i32
    %sign3A_27 = arith.extui %sign3A_26 : i1 to i32
    %sign3A_28 = arith.constant 0 : i32
    %sign3A_29 = arith.cmpi slt, %add3A_24, %sign3A_28 : i32
    %sign3A_30 = arith.extui %sign3A_29 : i1 to i32
    %sign3A_31 = arith.subi %sign3A_27, %sign3A_30 : i32
    %sign3A_32 = arith.constant 0 : i32
    %sign3A_33 = arith.cmpi sgt, %jit3A_25, %sign3A_32 : i32
    %sign3A_34 = arith.extui %sign3A_33 : i1 to i32
    %sign3A_35 = arith.constant 0 : i32
    %sign3A_36 = arith.cmpi slt, %jit3A_25, %sign3A_35 : i32
    %sign3A_37 = arith.extui %sign3A_36 : i1 to i32
    %sign3A_38 = arith.subi %sign3A_34, %sign3A_37 : i32
    %ne3A = arith.cmpi ne, %sign3A_31, %sign3A_38 : i32
    %rem3A = arith.remsi %add3A_24, %jit3A_25 : i32
    %ne3A_39 = arith.constant 0 : i32
    %ne3A_40 = arith.cmpi ne, %rem3A, %ne3A_39 : i32
    %and3A = arith.andi %ne3A, %ne3A_40 : i1
    %sub3A = arith.constant 1 : i32
    %sub3A_41 = arith.subi %div3A, %sub3A : i32
    %select_n3A_42 = arith.select %and3A, %sub3A_41, %div3A : i32
    %sub3A_43 = arith.constant 0 : i32
    %sub3A_44 = arith.subi %select_n3A_42, %sub3A_43 : i32
    %sub3A_45 = arith.constant 1 : i32
    %sub3A_46 = arith.constant 1 : i32
    %sub3A_47 = arith.subi %sub3A_45, %sub3A_46 : i32
    %add3A_48 = arith.addi %sub3A_44, %sub3A_47 : i32
    %div3A_49 = arith.constant 1 : i32
    %div3A_50 = arith.divsi %add3A_48, %div3A_49 : i32
    %while3A = arith.constant 1 : i32
    %while3A_51 = arith.constant 0 : i32
    %while3A_52 = arith.constant 0 : i32
    %while3A_53 = arith.subi %div3A_50, %while3A_52 : i32
    %while3A_54 = arith.addi %while3A_52, %while3A_53 : i32
    %while3A_55 = arith.constant 1 : i32
    %while3A_56 = arith.divsi %while3A_53, %while3A_55 : i32
    %while3A_57 = arith.muli %while3A_56, %while3A_55 : i32
    %while3A_58 = arith.addi %while3A_52, %while3A_57 : i32
    %while3A_59 = arith.constant 1 : i32
    scf.for %while3A_153 = %while3A_52 to %while3A_58 step %while3A_59  : i32 {
      %mul3A_154 = arith.muli %while3A_153, %while3A : i32
      %add3A_155 = arith.addi %while3A_51, %mul3A_154 : i32
      %mul3A_156 = arith.constant 2 : i32
      %mul3A_157 = arith.muli %add3A_155, %mul3A_156 : i32
      %add3A_158 = arith.constant 1 : i32
      %add3A_159 = arith.addi %mul3A_157, %add3A_158 : i32
      %dma_start3A_160 = arith.constant 0 : i32
      %dma_start3A_161 = tpu.memref_slice %arg6[%add3A_159, %dma_start3A_160] : memref<127x80xi32, #tpu.memory_space<vmem>> -> memref<1x80xi32, #tpu.memory_space<vmem>>
      %dma_start3A_162 = tpu.memref_squeeze %dma_start3A_161 : memref<1x80xi32, #tpu.memory_space<vmem>> -> memref<80xi32, #tpu.memory_space<vmem>>
      %dma_start3A_163 = arith.constant 0 : i32
      %dma_start3A_164 = arith.constant 0 : i32
      %dma_start3A_165 = tpu.memref_slice %arg2[%dma_start3A_163, %dma_start3A_164] : memref<10240x128xf32, #tpu.memory_space<hbm>> -> memref<10240x128xf32, #tpu.memory_space<hbm>>
      tpu.enqueue_indirect_dma source(%dma_start3A_165 : memref<10240x128xf32, #tpu.memory_space<hbm>>) target(%arg10 : memref<80x128xf32, #tpu.memory_space<vmem>>) offsets(%dma_start3A_162 : memref<80xi32, #tpu.memory_space<vmem>>) semaphore(%arg13 : memref<!tpu.dma_semaphore, #tpu.memory_space<semaphore_mem>>)
      %dma_wait3A_166 = arith.constant 0 : i32
      %dma_wait3A_167 = tpu.memref_slice %arg6[%mul3A_157, %dma_wait3A_166] : memref<127x80xi32, #tpu.memory_space<vmem>> -> memref<1x80xi32, #tpu.memory_space<vmem>>
      %dma_wait3A_168 = tpu.memref_squeeze %dma_wait3A_167 : memref<1x80xi32, #tpu.memory_space<vmem>> -> memref<80xi32, #tpu.memory_space<vmem>>
      %dma_wait3A_169 = arith.constant 0 : i32
      %dma_wait3A_170 = arith.constant 0 : i32
      %dma_wait3A_171 = tpu.memref_slice %arg2[%dma_wait3A_169, %dma_wait3A_170] : memref<10240x128xf32, #tpu.memory_space<hbm>> -> memref<10240x128xf32, #tpu.memory_space<hbm>>
      tpu.wait_indirect_dma semaphore(%arg12 : memref<!tpu.dma_semaphore, #tpu.memory_space<semaphore_mem>>) src(%dma_wait3A_171 : memref<10240x128xf32, #tpu.memory_space<hbm>>) dst(%arg9 : memref<80x128xf32, #tpu.memory_space<vmem>>)
      "tpu.region"() ({
        %run_scoped3A_190 = tpu.sem_alloc : memref<!tpu.dma_semaphore, #tpu.memory_space<semaphore_mem>>
        %dma_start3A_191 = arith.constant 0 : i32
        %dma_start3A_192 = tpu.memref_slice %arg7[%mul3A_157, %dma_start3A_191] : memref<127x80xi32, #tpu.memory_space<vmem>> -> memref<1x80xi32, #tpu.memory_space<vmem>>
        %dma_start3A_193 = tpu.memref_squeeze %dma_start3A_192 : memref<1x80xi32, #tpu.memory_space<vmem>> -> memref<80xi32, #tpu.memory_space<vmem>>
        %dma_start3A_194 = arith.constant 0 : i32
        %dma_start3A_195 = arith.constant 0 : i32
        %dma_start3A_196 = tpu.memref_slice %arg11[%dma_start3A_194, %dma_start3A_195] : memref<5128x128xf32, #tpu.memory_space<vmem_shared>> -> memref<5128x128xf32, #tpu.memory_space<vmem_shared>>
        tpu.enqueue_indirect_dma source(%arg9 : memref<80x128xf32, #tpu.memory_space<vmem>>) target(%dma_start3A_196 : memref<5128x128xf32, #tpu.memory_space<vmem_shared>>) offsets(%dma_start3A_193 : memref<80xi32, #tpu.memory_space<vmem>>) semaphore(%run_scoped3A_190 : memref<!tpu.dma_semaphore, #tpu.memory_space<semaphore_mem>>) {add = true}
        %dma_wait3A_197 = arith.constant 0 : i32
        %dma_wait3A_198 = tpu.memref_slice %arg7[%mul3A_157, %dma_wait3A_197] : memref<127x80xi32, #tpu.memory_space<vmem>> -> memref<1x80xi32, #tpu.memory_space<vmem>>
        %dma_wait3A_199 = tpu.memref_squeeze %dma_wait3A_198 : memref<1x80xi32, #tpu.memory_space<vmem>> -> memref<80xi32, #tpu.memory_space<vmem>>
        %dma_wait3A_200 = arith.constant 0 : i32
        %dma_wait3A_201 = arith.constant 0 : i32
        %dma_wait3A_202 = tpu.memref_slice %arg11[%dma_wait3A_200, %dma_wait3A_201] : memref<5128x128xf32, #tpu.memory_space<vmem_shared>> -> memref<5128x128xf32, #tpu.memory_space<vmem_shared>>
        tpu.wait_indirect_dma semaphore(%run_scoped3A_190 : memref<!tpu.dma_semaphore, #tpu.memory_space<semaphore_mem>>) src(%arg9 : memref<80x128xf32, #tpu.memory_space<vmem>>) dst(%dma_wait3A_202 : memref<5128x128xf32, #tpu.memory_space<vmem_shared>>)
        tpu.yield
      }) : () -> ()
      %add3A_172 = arith.constant 2 : i32
      %add3A_173 = arith.addi %mul3A_157, %add3A_172 : i32
      %dma_start3A_174 = arith.constant 0 : i32
      %dma_start3A_175 = tpu.memref_slice %arg6[%add3A_173, %dma_start3A_174] : memref<127x80xi32, #tpu.memory_space<vmem>> -> memref<1x80xi32, #tpu.memory_space<vmem>>
      %dma_start3A_176 = tpu.memref_squeeze %dma_start3A_175 : memref<1x80xi32, #tpu.memory_space<vmem>> -> memref<80xi32, #tpu.memory_space<vmem>>
      %dma_start3A_177 = arith.constant 0 : i32
      %dma_start3A_178 = arith.constant 0 : i32
      %dma_start3A_179 = tpu.memref_slice %arg2[%dma_start3A_177, %dma_start3A_178] : memref<10240x128xf32, #tpu.memory_space<hbm>> -> memref<10240x128xf32, #tpu.memory_space<hbm>>
      tpu.enqueue_indirect_dma source(%dma_start3A_179 : memref<10240x128xf32, #tpu.memory_space<hbm>>) target(%arg9 : memref<80x128xf32, #tpu.memory_space<vmem>>) offsets(%dma_start3A_176 : memref<80xi32, #tpu.memory_space<vmem>>) semaphore(%arg12 : memref<!tpu.dma_semaphore, #tpu.memory_space<semaphore_mem>>)
      %add3A_180 = arith.constant 1 : i32
      %add3A_181 = arith.addi %mul3A_157, %add3A_180 : i32
      %dma_wait3A_182 = arith.constant 0 : i32
      %dma_wait3A_183 = tpu.memref_slice %arg6[%add3A_181, %dma_wait3A_182] : memref<127x80xi32, #tpu.memory_space<vmem>> -> memref<1x80xi32, #tpu.memory_space<vmem>>
      %dma_wait3A_184 = tpu.memref_squeeze %dma_wait3A_183 : memref<1x80xi32, #tpu.memory_space<vmem>> -> memref<80xi32, #tpu.memory_space<vmem>>
      %dma_wait3A_185 = arith.constant 0 : i32
      %dma_wait3A_186 = arith.constant 0 : i32
      %dma_wait3A_187 = tpu.memref_slice %arg2[%dma_wait3A_185, %dma_wait3A_186] : memref<10240x128xf32, #tpu.memory_space<hbm>> -> memref<10240x128xf32, #tpu.memory_space<hbm>>
      tpu.wait_indirect_dma semaphore(%arg13 : memref<!tpu.dma_semaphore, #tpu.memory_space<semaphore_mem>>) src(%dma_wait3A_187 : memref<10240x128xf32, #tpu.memory_space<hbm>>) dst(%arg10 : memref<80x128xf32, #tpu.memory_space<vmem>>)
      %add3A_188 = arith.constant 1 : i32
      %add3A_189 = arith.addi %mul3A_157, %add3A_188 : i32
      "tpu.region"() ({
        %run_scoped3A_190 = tpu.sem_alloc : memref<!tpu.dma_semaphore, #tpu.memory_space<semaphore_mem>>
        %dma_start3A_191 = arith.constant 0 : i32
        %dma_start3A_192 = tpu.memref_slice %arg7[%add3A_189, %dma_start3A_191] : memref<127x80xi32, #tpu.memory_space<vmem>> -> memref<1x80xi32, #tpu.memory_space<vmem>>
        %dma_start3A_193 = tpu.memref_squeeze %dma_start3A_192 : memref<1x80xi32, #tpu.memory_space<vmem>> -> memref<80xi32, #tpu.memory_space<vmem>>
        %dma_start3A_194 = arith.constant 0 : i32
        %dma_start3A_195 = arith.constant 0 : i32
        %dma_start3A_196 = tpu.memref_slice %arg11[%dma_start3A_194, %dma_start3A_195] : memref<5128x128xf32, #tpu.memory_space<vmem_shared>> -> memref<5128x128xf32, #tpu.memory_space<vmem_shared>>
        tpu.enqueue_indirect_dma source(%arg10 : memref<80x128xf32, #tpu.memory_space<vmem>>) target(%dma_start3A_196 : memref<5128x128xf32, #tpu.memory_space<vmem_shared>>) offsets(%dma_start3A_193 : memref<80xi32, #tpu.memory_space<vmem>>) semaphore(%run_scoped3A_190 : memref<!tpu.dma_semaphore, #tpu.memory_space<semaphore_mem>>) {add = true}
        %dma_wait3A_197 = arith.constant 0 : i32
        %dma_wait3A_198 = tpu.memref_slice %arg7[%add3A_189, %dma_wait3A_197] : memref<127x80xi32, #tpu.memory_space<vmem>> -> memref<1x80xi32, #tpu.memory_space<vmem>>
        %dma_wait3A_199 = tpu.memref_squeeze %dma_wait3A_198 : memref<1x80xi32, #tpu.memory_space<vmem>> -> memref<80xi32, #tpu.memory_space<vmem>>
        %dma_wait3A_200 = arith.constant 0 : i32
        %dma_wait3A_201 = arith.constant 0 : i32
        %dma_wait3A_202 = tpu.memref_slice %arg11[%dma_wait3A_200, %dma_wait3A_201] : memref<5128x128xf32, #tpu.memory_space<vmem_shared>> -> memref<5128x128xf32, #tpu.memory_space<vmem_shared>>
        tpu.wait_indirect_dma semaphore(%run_scoped3A_190 : memref<!tpu.dma_semaphore, #tpu.memory_space<semaphore_mem>>) src(%arg10 : memref<80x128xf32, #tpu.memory_space<vmem>>) dst(%dma_wait3A_202 : memref<5128x128xf32, #tpu.memory_space<vmem_shared>>)
        tpu.yield
      }) : () -> ()
    }
    %while3A_60 = arith.constant 1 : i32
    scf.for %while3A_153 = %while3A_58 to %while3A_54 step %while3A_60  : i32 {
      %mul3A_154 = arith.muli %while3A_153, %while3A : i32
      %add3A_155 = arith.addi %while3A_51, %mul3A_154 : i32
      %mul3A_156 = arith.constant 2 : i32
      %mul3A_157 = arith.muli %add3A_155, %mul3A_156 : i32
      %add3A_158 = arith.constant 1 : i32
      %add3A_159 = arith.addi %mul3A_157, %add3A_158 : i32
      %dma_start3A_160 = arith.constant 0 : i32
      %dma_start3A_161 = tpu.memref_slice %arg6[%add3A_159, %dma_start3A_160] : memref<127x80xi32, #tpu.memory_space<vmem>> -> memref<1x80xi32, #tpu.memory_space<vmem>>
      %dma_start3A_162 = tpu.memref_squeeze %dma_start3A_161 : memref<1x80xi32, #tpu.memory_space<vmem>> -> memref<80xi32, #tpu.memory_space<vmem>>
      %dma_start3A_163 = arith.constant 0 : i32
      %dma_start3A_164 = arith.constant 0 : i32
      %dma_start3A_165 = tpu.memref_slice %arg2[%dma_start3A_163, %dma_start3A_164] : memref<10240x128xf32, #tpu.memory_space<hbm>> -> memref<10240x128xf32, #tpu.memory_space<hbm>>
      tpu.enqueue_indirect_dma source(%dma_start3A_165 : memref<10240x128xf32, #tpu.memory_space<hbm>>) target(%arg10 : memref<80x128xf32, #tpu.memory_space<vmem>>) offsets(%dma_start3A_162 : memref<80xi32, #tpu.memory_space<vmem>>) semaphore(%arg13 : memref<!tpu.dma_semaphore, #tpu.memory_space<semaphore_mem>>)
      %dma_wait3A_166 = arith.constant 0 : i32
      %dma_wait3A_167 = tpu.memref_slice %arg6[%mul3A_157, %dma_wait3A_166] : memref<127x80xi32, #tpu.memory_space<vmem>> -> memref<1x80xi32, #tpu.memory_space<vmem>>
      %dma_wait3A_168 = tpu.memref_squeeze %dma_wait3A_167 : memref<1x80xi32, #tpu.memory_space<vmem>> -> memref<80xi32, #tpu.memory_space<vmem>>
      %dma_wait3A_169 = arith.constant 0 : i32
      %dma_wait3A_170 = arith.constant 0 : i32
      %dma_wait3A_171 = tpu.memref_slice %arg2[%dma_wait3A_169, %dma_wait3A_170] : memref<10240x128xf32, #tpu.memory_space<hbm>> -> memref<10240x128xf32, #tpu.memory_space<hbm>>
      tpu.wait_indirect_dma semaphore(%arg12 : memref<!tpu.dma_semaphore, #tpu.memory_space<semaphore_mem>>) src(%dma_wait3A_171 : memref<10240x128xf32, #tpu.memory_space<hbm>>) dst(%arg9 : memref<80x128xf32, #tpu.memory_space<vmem>>)
      "tpu.region"() ({
        %run_scoped3A_190 = tpu.sem_alloc : memref<!tpu.dma_semaphore, #tpu.memory_space<semaphore_mem>>
        %dma_start3A_191 = arith.constant 0 : i32
        %dma_start3A_192 = tpu.memref_slice %arg7[%mul3A_157, %dma_start3A_191] : memref<127x80xi32, #tpu.memory_space<vmem>> -> memref<1x80xi32, #tpu.memory_space<vmem>>
        %dma_start3A_193 = tpu.memref_squeeze %dma_start3A_192 : memref<1x80xi32, #tpu.memory_space<vmem>> -> memref<80xi32, #tpu.memory_space<vmem>>
        %dma_start3A_194 = arith.constant 0 : i32
        %dma_start3A_195 = arith.constant 0 : i32
        %dma_start3A_196 = tpu.memref_slice %arg11[%dma_start3A_194, %dma_start3A_195] : memref<5128x128xf32, #tpu.memory_space<vmem_shared>> -> memref<5128x128xf32, #tpu.memory_space<vmem_shared>>
        tpu.enqueue_indirect_dma source(%arg9 : memref<80x128xf32, #tpu.memory_space<vmem>>) target(%dma_start3A_196 : memref<5128x128xf32, #tpu.memory_space<vmem_shared>>) offsets(%dma_start3A_193 : memref<80xi32, #tpu.memory_space<vmem>>) semaphore(%run_scoped3A_190 : memref<!tpu.dma_semaphore, #tpu.memory_space<semaphore_mem>>) {add = true}
        %dma_wait3A_197 = arith.constant 0 : i32
        %dma_wait3A_198 = tpu.memref_slice %arg7[%mul3A_157, %dma_wait3A_197] : memref<127x80xi32, #tpu.memory_space<vmem>> -> memref<1x80xi32, #tpu.memory_space<vmem>>
        %dma_wait3A_199 = tpu.memref_squeeze %dma_wait3A_198 : memref<1x80xi32, #tpu.memory_space<vmem>> -> memref<80xi32, #tpu.memory_space<vmem>>
        %dma_wait3A_200 = arith.constant 0 : i32
        %dma_wait3A_201 = arith.constant 0 : i32
        %dma_wait3A_202 = tpu.memref_slice %arg11[%dma_wait3A_200, %dma_wait3A_201] : memref<5128x128xf32, #tpu.memory_space<vmem_shared>> -> memref<5128x128xf32, #tpu.memory_space<vmem_shared>>
        tpu.wait_indirect_dma semaphore(%run_scoped3A_190 : memref<!tpu.dma_semaphore, #tpu.memory_space<semaphore_mem>>) src(%arg9 : memref<80x128xf32, #tpu.memory_space<vmem>>) dst(%dma_wait3A_202 : memref<5128x128xf32, #tpu.memory_space<vmem_shared>>)
        tpu.yield
      }) : () -> ()
      %add3A_172 = arith.constant 2 : i32
      %add3A_173 = arith.addi %mul3A_157, %add3A_172 : i32
      %dma_start3A_174 = arith.constant 0 : i32
      %dma_start3A_175 = tpu.memref_slice %arg6[%add3A_173, %dma_start3A_174] : memref<127x80xi32, #tpu.memory_space<vmem>> -> memref<1x80xi32, #tpu.memory_space<vmem>>
      %dma_start3A_176 = tpu.memref_squeeze %dma_start3A_175 : memref<1x80xi32, #tpu.memory_space<vmem>> -> memref<80xi32, #tpu.memory_space<vmem>>
      %dma_start3A_177 = arith.constant 0 : i32
      %dma_start3A_178 = arith.constant 0 : i32
      %dma_start3A_179 = tpu.memref_slice %arg2[%dma_start3A_177, %dma_start3A_178] : memref<10240x128xf32, #tpu.memory_space<hbm>> -> memref<10240x128xf32, #tpu.memory_space<hbm>>
      tpu.enqueue_indirect_dma source(%dma_start3A_179 : memref<10240x128xf32, #tpu.memory_space<hbm>>) target(%arg9 : memref<80x128xf32, #tpu.memory_space<vmem>>) offsets(%dma_start3A_176 : memref<80xi32, #tpu.memory_space<vmem>>) semaphore(%arg12 : memref<!tpu.dma_semaphore, #tpu.memory_space<semaphore_mem>>)
      %add3A_180 = arith.constant 1 : i32
      %add3A_181 = arith.addi %mul3A_157, %add3A_180 : i32
      %dma_wait3A_182 = arith.constant 0 : i32
      %dma_wait3A_183 = tpu.memref_slice %arg6[%add3A_181, %dma_wait3A_182] : memref<127x80xi32, #tpu.memory_space<vmem>> -> memref<1x80xi32, #tpu.memory_space<vmem>>
      %dma_wait3A_184 = tpu.memref_squeeze %dma_wait3A_183 : memref<1x80xi32, #tpu.memory_space<vmem>> -> memref<80xi32, #tpu.memory_space<vmem>>
      %dma_wait3A_185 = arith.constant 0 : i32
      %dma_wait3A_186 = arith.constant 0 : i32
      %dma_wait3A_187 = tpu.memref_slice %arg2[%dma_wait3A_185, %dma_wait3A_186] : memref<10240x128xf32, #tpu.memory_space<hbm>> -> memref<10240x128xf32, #tpu.memory_space<hbm>>
      tpu.wait_indirect_dma semaphore(%arg13 : memref<!tpu.dma_semaphore, #tpu.memory_space<semaphore_mem>>) src(%dma_wait3A_187 : memref<10240x128xf32, #tpu.memory_space<hbm>>) dst(%arg10 : memref<80x128xf32, #tpu.memory_space<vmem>>)
      %add3A_188 = arith.constant 1 : i32
      %add3A_189 = arith.addi %mul3A_157, %add3A_188 : i32
      "tpu.region"() ({
        %run_scoped3A_190 = tpu.sem_alloc : memref<!tpu.dma_semaphore, #tpu.memory_space<semaphore_mem>>
        %dma_start3A_191 = arith.constant 0 : i32
        %dma_start3A_192 = tpu.memref_slice %arg7[%add3A_189, %dma_start3A_191] : memref<127x80xi32, #tpu.memory_space<vmem>> -> memref<1x80xi32, #tpu.memory_space<vmem>>
        %dma_start3A_193 = tpu.memref_squeeze %dma_start3A_192 : memref<1x80xi32, #tpu.memory_space<vmem>> -> memref<80xi32, #tpu.memory_space<vmem>>
        %dma_start3A_194 = arith.constant 0 : i32
        %dma_start3A_195 = arith.constant 0 : i32
        %dma_start3A_196 = tpu.memref_slice %arg11[%dma_start3A_194, %dma_start3A_195] : memref<5128x128xf32, #tpu.memory_space<vmem_shared>> -> memref<5128x128xf32, #tpu.memory_space<vmem_shared>>
        tpu.enqueue_indirect_dma source(%arg10 : memref<80x128xf32, #tpu.memory_space<vmem>>) target(%dma_start3A_196 : memref<5128x128xf32, #tpu.memory_space<vmem_shared>>) offsets(%dma_start3A_193 : memref<80xi32, #tpu.memory_space<vmem>>) semaphore(%run_scoped3A_190 : memref<!tpu.dma_semaphore, #tpu.memory_space<semaphore_mem>>) {add = true}
        %dma_wait3A_197 = arith.constant 0 : i32
        %dma_wait3A_198 = tpu.memref_slice %arg7[%add3A_189, %dma_wait3A_197] : memref<127x80xi32, #tpu.memory_space<vmem>> -> memref<1x80xi32, #tpu.memory_space<vmem>>
        %dma_wait3A_199 = tpu.memref_squeeze %dma_wait3A_198 : memref<1x80xi32, #tpu.memory_space<vmem>> -> memref<80xi32, #tpu.memory_space<vmem>>
        %dma_wait3A_200 = arith.constant 0 : i32
        %dma_wait3A_201 = arith.constant 0 : i32
        %dma_wait3A_202 = tpu.memref_slice %arg11[%dma_wait3A_200, %dma_wait3A_201] : memref<5128x128xf32, #tpu.memory_space<vmem_shared>> -> memref<5128x128xf32, #tpu.memory_space<vmem_shared>>
        tpu.wait_indirect_dma semaphore(%run_scoped3A_190 : memref<!tpu.dma_semaphore, #tpu.memory_space<semaphore_mem>>) src(%arg10 : memref<80x128xf32, #tpu.memory_space<vmem>>) dst(%dma_wait3A_202 : memref<5128x128xf32, #tpu.memory_space<vmem_shared>>)
        tpu.yield
      }) : () -> ()
    }
    %dma_wait3A = arith.constant 0 : i32
    %dma_wait3A_61 = arith.constant 0 : i32
    %dma_wait3A_62 = tpu.memref_slice %arg6[%dma_wait3A, %dma_wait3A_61] : memref<127x80xi32, #tpu.memory_space<vmem>> -> memref<1x80xi32, #tpu.memory_space<vmem>>
    %dma_wait3A_63 = tpu.memref_squeeze %dma_wait3A_62 : memref<1x80xi32, #tpu.memory_space<vmem>> -> memref<80xi32, #tpu.memory_space<vmem>>
    %dma_wait3A_64 = arith.constant 0 : i32
    %dma_wait3A_65 = arith.constant 0 : i32
    %dma_wait3A_66 = tpu.memref_slice %arg2[%dma_wait3A_64, %dma_wait3A_65] : memref<10240x128xf32, #tpu.memory_space<hbm>> -> memref<10240x128xf32, #tpu.memory_space<hbm>>
    tpu.wait_indirect_dma semaphore(%arg12 : memref<!tpu.dma_semaphore, #tpu.memory_space<semaphore_mem>>) src(%dma_wait3A_66 : memref<10240x128xf32, #tpu.memory_space<hbm>>) dst(%arg9 : memref<80x128xf32, #tpu.memory_space<vmem>>)
    %barrier3A_67 = arith.constant 0 : index
    tpu.barrier barrier_id(%barrier3A_67)
    "tpu.region"() ({
      %run_scoped3A_153 = tpu.sem_alloc : memref<!tpu.dma_semaphore, #tpu.memory_space<semaphore_mem>>
      %dma_start3A_154 = arith.constant 0 : i32
      %dma_start3A_155 = tpu.memref_slice %arg5[%arg0, %multiple_of3A_16, %dma_start3A_154] : memref<2x10240x128xf32, #tpu.memory_space<hbm>> -> memref<1x320x128xf32, #tpu.memory_space<hbm>>
      %dma_start3A_156 = tpu.memref_squeeze %dma_start3A_155 : memref<1x320x128xf32, #tpu.memory_space<hbm>> -> memref<320x128xf32, #tpu.memory_space<hbm>>
      %dma_start3A_157 = arith.constant 0 : i32
      %dma_start3A_158 = tpu.memref_slice %arg11[%multiple_of3A, %dma_start3A_157] : memref<5128x128xf32, #tpu.memory_space<vmem_shared>> -> memref<320x128xf32, #tpu.memory_space<vmem_shared>>
      tpu.enqueue_dma source(%dma_start3A_158 : memref<320x128xf32, #tpu.memory_space<vmem_shared>>) target(%dma_start3A_156 : memref<320x128xf32, #tpu.memory_space<hbm>>) target_semaphore(%run_scoped3A_153 : memref<!tpu.dma_semaphore, #tpu.memory_space<semaphore_mem>>)
      %dma_wait3A_159 = arith.constant 0 : i32
      %dma_wait3A_160 = tpu.memref_slice %arg5[%arg0, %multiple_of3A_16, %dma_wait3A_159] : memref<2x10240x128xf32, #tpu.memory_space<hbm>> -> memref<1x320x128xf32, #tpu.memory_space<hbm>>
      %dma_wait3A_161 = tpu.memref_squeeze %dma_wait3A_160 : memref<1x320x128xf32, #tpu.memory_space<hbm>> -> memref<320x128xf32, #tpu.memory_space<hbm>>
      %dma_wait3A_162 = arith.constant 0 : i32
      %dma_wait3A_163 = tpu.memref_slice %arg11[%multiple_of3A, %dma_wait3A_162] : memref<5128x128xf32, #tpu.memory_space<vmem_shared>> -> memref<320x128xf32, #tpu.memory_space<vmem_shared>>
      tpu.wait_dma2 semaphore(%run_scoped3A_153 : memref<!tpu.dma_semaphore, #tpu.memory_space<semaphore_mem>>) src(%dma_wait3A_163 : memref<320x128xf32, #tpu.memory_space<vmem_shared>>) dst(%dma_wait3A_161 : memref<320x128xf32, #tpu.memory_space<hbm>>)
      tpu.yield
    }) : () -> ()
    %barrier3A_68 = arith.constant 0 : index
    tpu.barrier barrier_id(%barrier3A_68)
    %run_scoped3A_69 = arith.constant 1 : i32
    %run_scoped3A_70 = arith.constant 0 : i32
    "tpu.region"() ({
      %run_scoped3A_153 = tpu.sem_alloc : memref<!tpu.dma_semaphore, #tpu.memory_space<semaphore_mem>>
      %dma_start3A_154 = arith.constant 0 : i32
      %dma_start3A_155 = arith.constant 0 : i32
      %dma_start3A_156 = tpu.memref_slice %arg3[%run_scoped3A_69, %run_scoped3A_70, %add3A, %dma_start3A_154, %dma_start3A_155] : memref<2x2x32x127x80xi32, #tpu.memory_space<hbm>> -> memref<1x1x1x127x80xi32, #tpu.memory_space<hbm>>
      %dma_start3A_157 = tpu.memref_squeeze %dma_start3A_156 : memref<1x1x1x127x80xi32, #tpu.memory_space<hbm>> -> memref<127x80xi32, #tpu.memory_space<hbm>>
      %dma_start3A_158 = arith.constant 0 : i32
      %dma_start3A_159 = arith.constant 0 : i32
      %dma_start3A_160 = tpu.memref_slice %arg3[%run_scoped3A_69, %run_scoped3A_70, %add3A, %dma_start3A_158, %dma_start3A_159] : memref<2x2x32x127x80xi32, #tpu.memory_space<hbm>> -> memref<1x1x1x127x80xi32, #tpu.memory_space<hbm>>
      %dma_start3A_161 = tpu.memref_squeeze %dma_start3A_160 : memref<1x1x1x127x80xi32, #tpu.memory_space<hbm>> -> memref<127x80xi32, #tpu.memory_space<hbm>>
      tpu.enqueue_dma source(%dma_start3A_161 : memref<127x80xi32, #tpu.memory_space<hbm>>) target(%arg6 : memref<127x80xi32, #tpu.memory_space<vmem>>) target_semaphore(%run_scoped3A_153 : memref<!tpu.dma_semaphore, #tpu.memory_space<semaphore_mem>>)
      %dma_wait3A_162 = arith.constant 0 : i32
      %dma_wait3A_163 = arith.constant 0 : i32
      %dma_wait3A_164 = tpu.memref_slice %arg3[%run_scoped3A_69, %run_scoped3A_70, %add3A, %dma_wait3A_162, %dma_wait3A_163] : memref<2x2x32x127x80xi32, #tpu.memory_space<hbm>> -> memref<1x1x1x127x80xi32, #tpu.memory_space<hbm>>
      %dma_wait3A_165 = tpu.memref_squeeze %dma_wait3A_164 : memref<1x1x1x127x80xi32, #tpu.memory_space<hbm>> -> memref<127x80xi32, #tpu.memory_space<hbm>>
      %dma_wait3A_166 = arith.constant 0 : i32
      %dma_wait3A_167 = arith.constant 0 : i32
      %dma_wait3A_168 = tpu.memref_slice %arg3[%run_scoped3A_69, %run_scoped3A_70, %add3A, %dma_wait3A_166, %dma_wait3A_167] : memref<2x2x32x127x80xi32, #tpu.memory_space<hbm>> -> memref<1x1x1x127x80xi32, #tpu.memory_space<hbm>>
      %dma_wait3A_169 = tpu.memref_squeeze %dma_wait3A_168 : memref<1x1x1x127x80xi32, #tpu.memory_space<hbm>> -> memref<127x80xi32, #tpu.memory_space<hbm>>
      tpu.wait_dma2 semaphore(%run_scoped3A_153 : memref<!tpu.dma_semaphore, #tpu.memory_space<semaphore_mem>>) src(%dma_wait3A_169 : memref<127x80xi32, #tpu.memory_space<hbm>>) dst(%arg6 : memref<127x80xi32, #tpu.memory_space<vmem>>)
      tpu.yield
    }) : () -> ()
    %run_scoped3A_71 = arith.constant 1 : i32
    %run_scoped3A_72 = arith.constant 1 : i32
    "tpu.region"() ({
      %run_scoped3A_153 = tpu.sem_alloc : memref<!tpu.dma_semaphore, #tpu.memory_space<semaphore_mem>>
      %dma_start3A_154 = arith.constant 0 : i32
      %dma_start3A_155 = arith.constant 0 : i32
      %dma_start3A_156 = tpu.memref_slice %arg3[%run_scoped3A_71, %run_scoped3A_72, %add3A, %dma_start3A_154, %dma_start3A_155] : memref<2x2x32x127x80xi32, #tpu.memory_space<hbm>> -> memref<1x1x1x127x80xi32, #tpu.memory_space<hbm>>
      %dma_start3A_157 = tpu.memref_squeeze %dma_start3A_156 : memref<1x1x1x127x80xi32, #tpu.memory_space<hbm>> -> memref<127x80xi32, #tpu.memory_space<hbm>>
      %dma_start3A_158 = arith.constant 0 : i32
      %dma_start3A_159 = arith.constant 0 : i32
      %dma_start3A_160 = tpu.memref_slice %arg3[%run_scoped3A_71, %run_scoped3A_72, %add3A, %dma_start3A_158, %dma_start3A_159] : memref<2x2x32x127x80xi32, #tpu.memory_space<hbm>> -> memref<1x1x1x127x80xi32, #tpu.memory_space<hbm>>
      %dma_start3A_161 = tpu.memref_squeeze %dma_start3A_160 : memref<1x1x1x127x80xi32, #tpu.memory_space<hbm>> -> memref<127x80xi32, #tpu.memory_space<hbm>>
      tpu.enqueue_dma source(%dma_start3A_161 : memref<127x80xi32, #tpu.memory_space<hbm>>) target(%arg7 : memref<127x80xi32, #tpu.memory_space<vmem>>) target_semaphore(%run_scoped3A_153 : memref<!tpu.dma_semaphore, #tpu.memory_space<semaphore_mem>>)
      %dma_wait3A_162 = arith.constant 0 : i32
      %dma_wait3A_163 = arith.constant 0 : i32
      %dma_wait3A_164 = tpu.memref_slice %arg3[%run_scoped3A_71, %run_scoped3A_72, %add3A, %dma_wait3A_162, %dma_wait3A_163] : memref<2x2x32x127x80xi32, #tpu.memory_space<hbm>> -> memref<1x1x1x127x80xi32, #tpu.memory_space<hbm>>
      %dma_wait3A_165 = tpu.memref_squeeze %dma_wait3A_164 : memref<1x1x1x127x80xi32, #tpu.memory_space<hbm>> -> memref<127x80xi32, #tpu.memory_space<hbm>>
      %dma_wait3A_166 = arith.constant 0 : i32
      %dma_wait3A_167 = arith.constant 0 : i32
      %dma_wait3A_168 = tpu.memref_slice %arg3[%run_scoped3A_71, %run_scoped3A_72, %add3A, %dma_wait3A_166, %dma_wait3A_167] : memref<2x2x32x127x80xi32, #tpu.memory_space<hbm>> -> memref<1x1x1x127x80xi32, #tpu.memory_space<hbm>>
      %dma_wait3A_169 = tpu.memref_squeeze %dma_wait3A_168 : memref<1x1x1x127x80xi32, #tpu.memory_space<hbm>> -> memref<127x80xi32, #tpu.memory_space<hbm>>
      tpu.wait_dma2 semaphore(%run_scoped3A_153 : memref<!tpu.dma_semaphore, #tpu.memory_space<semaphore_mem>>) src(%dma_wait3A_169 : memref<127x80xi32, #tpu.memory_space<hbm>>) dst(%arg7 : memref<127x80xi32, #tpu.memory_space<vmem>>)
      tpu.yield
    }) : () -> ()
    %eq3A_73 = arith.constant 1 : i32
    %eq3A_74 = vector.broadcast %eq3A_73 : i32 to vector<16xi32>
    %eq3A_75 = arith.cmpi eq, %iota3A, %eq3A_74 : vector<16xi32>
    %jit3A_76 = arith.constant 0 : i32
    %broadcast_in_dim3A_77 = vector.broadcast %jit3A_76 : i32 to vector<16xi32>
    %select_n3A_78 = arith.select %eq3A_75, %get3A_1, %broadcast_in_dim3A_77 : vector<16xi1>, vector<16xi32>
    %reduce_sum3A_79 = arith.constant true
    %reduce_sum3A_80 = vector.broadcast %reduce_sum3A_79 : i1 to vector<16xi1>
    %reduce_sum3A_81 = tpu.scan <sum>, %select_n3A_78 masked %reduce_sum3A_80 : vector<16xi32>, vector<16xi1> -> vector<16xi32>
    %reduce_sum3A_82 = vector.extract %reduce_sum3A_81[15] : i32 from vector<16xi32>
    %mul3A_83 = arith.constant 320 : i32
    %mul3A_84 = arith.muli %arg1, %mul3A_83 : i32
    %multiple_of3A_85 = tpu.assume_multiple %mul3A_84, 8 : i32
    %mul3A_86 = arith.constant 320 : i32
    %mul3A_87 = arith.muli %arg1, %mul3A_86 : i32
    %add3A_88 = arith.constant 5120 : i32
    %add3A_89 = arith.addi %add3A_88, %mul3A_87 : i32
    %multiple_of3A_90 = tpu.assume_multiple %add3A_89, 8 : i32
    "tpu.region"() ({
      %run_scoped3A_153 = tpu.sem_alloc : memref<!tpu.dma_semaphore, #tpu.memory_space<semaphore_mem>>
      %dma_start3A_154 = arith.constant 0 : i32
      %dma_start3A_155 = tpu.memref_slice %arg11[%multiple_of3A_85, %dma_start3A_154] : memref<5128x128xf32, #tpu.memory_space<vmem_shared>> -> memref<320x128xf32, #tpu.memory_space<vmem_shared>>
      %dma_start3A_156 = arith.constant 0 : i32
      %dma_start3A_157 = tpu.memref_slice %arg2[%multiple_of3A_90, %dma_start3A_156] : memref<10240x128xf32, #tpu.memory_space<hbm>> -> memref<320x128xf32, #tpu.memory_space<hbm>>
      tpu.enqueue_dma source(%dma_start3A_157 : memref<320x128xf32, #tpu.memory_space<hbm>>) target(%dma_start3A_155 : memref<320x128xf32, #tpu.memory_space<vmem_shared>>) target_semaphore(%run_scoped3A_153 : memref<!tpu.dma_semaphore, #tpu.memory_space<semaphore_mem>>)
      %dma_wait3A_158 = arith.constant 0 : i32
      %dma_wait3A_159 = tpu.memref_slice %arg11[%multiple_of3A_85, %dma_wait3A_158] : memref<5128x128xf32, #tpu.memory_space<vmem_shared>> -> memref<320x128xf32, #tpu.memory_space<vmem_shared>>
      %dma_wait3A_160 = arith.constant 0 : i32
      %dma_wait3A_161 = tpu.memref_slice %arg2[%multiple_of3A_90, %dma_wait3A_160] : memref<10240x128xf32, #tpu.memory_space<hbm>> -> memref<320x128xf32, #tpu.memory_space<hbm>>
      tpu.wait_dma2 semaphore(%run_scoped3A_153 : memref<!tpu.dma_semaphore, #tpu.memory_space<semaphore_mem>>) src(%dma_wait3A_161 : memref<320x128xf32, #tpu.memory_space<hbm>>) dst(%dma_wait3A_159 : memref<320x128xf32, #tpu.memory_space<vmem_shared>>)
      tpu.yield
    }) : () -> ()
    %barrier3A_91 = arith.constant 0 : index
    tpu.barrier barrier_id(%barrier3A_91)
    %dma_start3A_92 = arith.constant 0 : i32
    %dma_start3A_93 = arith.constant 0 : i32
    %dma_start3A_94 = tpu.memref_slice %arg6[%dma_start3A_92, %dma_start3A_93] : memref<127x80xi32, #tpu.memory_space<vmem>> -> memref<1x80xi32, #tpu.memory_space<vmem>>
    %dma_start3A_95 = tpu.memref_squeeze %dma_start3A_94 : memref<1x80xi32, #tpu.memory_space<vmem>> -> memref<80xi32, #tpu.memory_space<vmem>>
    %dma_start3A_96 = arith.constant 0 : i32
    %dma_start3A_97 = arith.constant 0 : i32
    %dma_start3A_98 = tpu.memref_slice %arg2[%dma_start3A_96, %dma_start3A_97] : memref<10240x128xf32, #tpu.memory_space<hbm>> -> memref<10240x128xf32, #tpu.memory_space<hbm>>
    tpu.enqueue_indirect_dma source(%dma_start3A_98 : memref<10240x128xf32, #tpu.memory_space<hbm>>) target(%arg9 : memref<80x128xf32, #tpu.memory_space<vmem>>) offsets(%dma_start3A_95 : memref<80xi32, #tpu.memory_space<vmem>>) semaphore(%arg12 : memref<!tpu.dma_semaphore, #tpu.memory_space<semaphore_mem>>)
    %add3A_99 = arith.constant 1 : i32
    %add3A_100 = arith.addi %reduce_sum3A_82, %add3A_99 : i32
    %jit3A_101 = arith.constant 2 : i32
    %div3A_102 = arith.divsi %add3A_100, %jit3A_101 : i32
    %sign3A_103 = arith.constant 0 : i32
    %sign3A_104 = arith.cmpi sgt, %add3A_100, %sign3A_103 : i32
    %sign3A_105 = arith.extui %sign3A_104 : i1 to i32
    %sign3A_106 = arith.constant 0 : i32
    %sign3A_107 = arith.cmpi slt, %add3A_100, %sign3A_106 : i32
    %sign3A_108 = arith.extui %sign3A_107 : i1 to i32
    %sign3A_109 = arith.subi %sign3A_105, %sign3A_108 : i32
    %sign3A_110 = arith.constant 0 : i32
    %sign3A_111 = arith.cmpi sgt, %jit3A_101, %sign3A_110 : i32
    %sign3A_112 = arith.extui %sign3A_111 : i1 to i32
    %sign3A_113 = arith.constant 0 : i32
    %sign3A_114 = arith.cmpi slt, %jit3A_101, %sign3A_113 : i32
    %sign3A_115 = arith.extui %sign3A_114 : i1 to i32
    %sign3A_116 = arith.subi %sign3A_112, %sign3A_115 : i32
    %ne3A_117 = arith.cmpi ne, %sign3A_109, %sign3A_116 : i32
    %rem3A_118 = arith.remsi %add3A_100, %jit3A_101 : i32
    %ne3A_119 = arith.constant 0 : i32
    %ne3A_120 = arith.cmpi ne, %rem3A_118, %ne3A_119 : i32
    %and3A_121 = arith.andi %ne3A_117, %ne3A_120 : i1
    %sub3A_122 = arith.constant 1 : i32
    %sub3A_123 = arith.subi %div3A_102, %sub3A_122 : i32
    %select_n3A_124 = arith.select %and3A_121, %sub3A_123, %div3A_102 : i32
    %sub3A_125 = arith.constant 0 : i32
    %sub3A_126 = arith.subi %select_n3A_124, %sub3A_125 : i32
    %sub3A_127 = arith.constant 1 : i32
    %sub3A_128 = arith.constant 1 : i32
    %sub3A_129 = arith.subi %sub3A_127, %sub3A_128 : i32
    %add3A_130 = arith.addi %sub3A_126, %sub3A_129 : i32
    %div3A_131 = arith.constant 1 : i32
    %div3A_132 = arith.divsi %add3A_130, %div3A_131 : i32
    %while3A_133 = arith.constant 1 : i32
    %while3A_134 = arith.constant 0 : i32
    %while3A_135 = arith.constant 0 : i32
    %while3A_136 = arith.subi %div3A_132, %while3A_135 : i32
    %while3A_137 = arith.addi %while3A_135, %while3A_136 : i32
    %while3A_138 = arith.constant 1 : i32
    %while3A_139 = arith.divsi %while3A_136, %while3A_138 : i32
    %while3A_140 = arith.muli %while3A_139, %while3A_138 : i32
    %while3A_141 = arith.addi %while3A_135, %while3A_140 : i32
    %while3A_142 = arith.constant 1 : i32
    scf.for %while3A_153 = %while3A_135 to %while3A_141 step %while3A_142  : i32 {
      %mul3A_154 = arith.muli %while3A_153, %while3A_133 : i32
      %add3A_155 = arith.addi %while3A_134, %mul3A_154 : i32
      %mul3A_156 = arith.constant 2 : i32
      %mul3A_157 = arith.muli %add3A_155, %mul3A_156 : i32
      %add3A_158 = arith.constant 1 : i32
      %add3A_159 = arith.addi %mul3A_157, %add3A_158 : i32
      %dma_start3A_160 = arith.constant 0 : i32
      %dma_start3A_161 = tpu.memref_slice %arg6[%add3A_159, %dma_start3A_160] : memref<127x80xi32, #tpu.memory_space<vmem>> -> memref<1x80xi32, #tpu.memory_space<vmem>>
      %dma_start3A_162 = tpu.memref_squeeze %dma_start3A_161 : memref<1x80xi32, #tpu.memory_space<vmem>> -> memref<80xi32, #tpu.memory_space<vmem>>
      %dma_start3A_163 = arith.constant 0 : i32
      %dma_start3A_164 = arith.constant 0 : i32
      %dma_start3A_165 = tpu.memref_slice %arg2[%dma_start3A_163, %dma_start3A_164] : memref<10240x128xf32, #tpu.memory_space<hbm>> -> memref<10240x128xf32, #tpu.memory_space<hbm>>
      tpu.enqueue_indirect_dma source(%dma_start3A_165 : memref<10240x128xf32, #tpu.memory_space<hbm>>) target(%arg10 : memref<80x128xf32, #tpu.memory_space<vmem>>) offsets(%dma_start3A_162 : memref<80xi32, #tpu.memory_space<vmem>>) semaphore(%arg13 : memref<!tpu.dma_semaphore, #tpu.memory_space<semaphore_mem>>)
      %dma_wait3A_166 = arith.constant 0 : i32
      %dma_wait3A_167 = tpu.memref_slice %arg6[%mul3A_157, %dma_wait3A_166] : memref<127x80xi32, #tpu.memory_space<vmem>> -> memref<1x80xi32, #tpu.memory_space<vmem>>
      %dma_wait3A_168 = tpu.memref_squeeze %dma_wait3A_167 : memref<1x80xi32, #tpu.memory_space<vmem>> -> memref<80xi32, #tpu.memory_space<vmem>>
      %dma_wait3A_169 = arith.constant 0 : i32
      %dma_wait3A_170 = arith.constant 0 : i32
      %dma_wait3A_171 = tpu.memref_slice %arg2[%dma_wait3A_169, %dma_wait3A_170] : memref<10240x128xf32, #tpu.memory_space<hbm>> -> memref<10240x128xf32, #tpu.memory_space<hbm>>
      tpu.wait_indirect_dma semaphore(%arg12 : memref<!tpu.dma_semaphore, #tpu.memory_space<semaphore_mem>>) src(%dma_wait3A_171 : memref<10240x128xf32, #tpu.memory_space<hbm>>) dst(%arg9 : memref<80x128xf32, #tpu.memory_space<vmem>>)
      "tpu.region"() ({
        %run_scoped3A_190 = tpu.sem_alloc : memref<!tpu.dma_semaphore, #tpu.memory_space<semaphore_mem>>
        %dma_start3A_191 = arith.constant 0 : i32
        %dma_start3A_192 = tpu.memref_slice %arg7[%mul3A_157, %dma_start3A_191] : memref<127x80xi32, #tpu.memory_space<vmem>> -> memref<1x80xi32, #tpu.memory_space<vmem>>
        %dma_start3A_193 = tpu.memref_squeeze %dma_start3A_192 : memref<1x80xi32, #tpu.memory_space<vmem>> -> memref<80xi32, #tpu.memory_space<vmem>>
        %dma_start3A_194 = arith.constant 0 : i32
        %dma_start3A_195 = arith.constant 0 : i32
        %dma_start3A_196 = tpu.memref_slice %arg11[%dma_start3A_194, %dma_start3A_195] : memref<5128x128xf32, #tpu.memory_space<vmem_shared>> -> memref<5128x128xf32, #tpu.memory_space<vmem_shared>>
        tpu.enqueue_indirect_dma source(%arg9 : memref<80x128xf32, #tpu.memory_space<vmem>>) target(%dma_start3A_196 : memref<5128x128xf32, #tpu.memory_space<vmem_shared>>) offsets(%dma_start3A_193 : memref<80xi32, #tpu.memory_space<vmem>>) semaphore(%run_scoped3A_190 : memref<!tpu.dma_semaphore, #tpu.memory_space<semaphore_mem>>) {add = true}
        %dma_wait3A_197 = arith.constant 0 : i32
        %dma_wait3A_198 = tpu.memref_slice %arg7[%mul3A_157, %dma_wait3A_197] : memref<127x80xi32, #tpu.memory_space<vmem>> -> memref<1x80xi32, #tpu.memory_space<vmem>>
        %dma_wait3A_199 = tpu.memref_squeeze %dma_wait3A_198 : memref<1x80xi32, #tpu.memory_space<vmem>> -> memref<80xi32, #tpu.memory_space<vmem>>
        %dma_wait3A_200 = arith.constant 0 : i32
        %dma_wait3A_201 = arith.constant 0 : i32
        %dma_wait3A_202 = tpu.memref_slice %arg11[%dma_wait3A_200, %dma_wait3A_201] : memref<5128x128xf32, #tpu.memory_space<vmem_shared>> -> memref<5128x128xf32, #tpu.memory_space<vmem_shared>>
        tpu.wait_indirect_dma semaphore(%run_scoped3A_190 : memref<!tpu.dma_semaphore, #tpu.memory_space<semaphore_mem>>) src(%arg9 : memref<80x128xf32, #tpu.memory_space<vmem>>) dst(%dma_wait3A_202 : memref<5128x128xf32, #tpu.memory_space<vmem_shared>>)
        tpu.yield
      }) : () -> ()
      %add3A_172 = arith.constant 2 : i32
      %add3A_173 = arith.addi %mul3A_157, %add3A_172 : i32
      %dma_start3A_174 = arith.constant 0 : i32
      %dma_start3A_175 = tpu.memref_slice %arg6[%add3A_173, %dma_start3A_174] : memref<127x80xi32, #tpu.memory_space<vmem>> -> memref<1x80xi32, #tpu.memory_space<vmem>>
      %dma_start3A_176 = tpu.memref_squeeze %dma_start3A_175 : memref<1x80xi32, #tpu.memory_space<vmem>> -> memref<80xi32, #tpu.memory_space<vmem>>
      %dma_start3A_177 = arith.constant 0 : i32
      %dma_start3A_178 = arith.constant 0 : i32
      %dma_start3A_179 = tpu.memref_slice %arg2[%dma_start3A_177, %dma_start3A_178] : memref<10240x128xf32, #tpu.memory_space<hbm>> -> memref<10240x128xf32, #tpu.memory_space<hbm>>
      tpu.enqueue_indirect_dma source(%dma_start3A_179 : memref<10240x128xf32, #tpu.memory_space<hbm>>) target(%arg9 : memref<80x128xf32, #tpu.memory_space<vmem>>) offsets(%dma_start3A_176 : memref<80xi32, #tpu.memory_space<vmem>>) semaphore(%arg12 : memref<!tpu.dma_semaphore, #tpu.memory_space<semaphore_mem>>)
      %add3A_180 = arith.constant 1 : i32
      %add3A_181 = arith.addi %mul3A_157, %add3A_180 : i32
      %dma_wait3A_182 = arith.constant 0 : i32
      %dma_wait3A_183 = tpu.memref_slice %arg6[%add3A_181, %dma_wait3A_182] : memref<127x80xi32, #tpu.memory_space<vmem>> -> memref<1x80xi32, #tpu.memory_space<vmem>>
      %dma_wait3A_184 = tpu.memref_squeeze %dma_wait3A_183 : memref<1x80xi32, #tpu.memory_space<vmem>> -> memref<80xi32, #tpu.memory_space<vmem>>
      %dma_wait3A_185 = arith.constant 0 : i32
      %dma_wait3A_186 = arith.constant 0 : i32
      %dma_wait3A_187 = tpu.memref_slice %arg2[%dma_wait3A_185, %dma_wait3A_186] : memref<10240x128xf32, #tpu.memory_space<hbm>> -> memref<10240x128xf32, #tpu.memory_space<hbm>>
      tpu.wait_indirect_dma semaphore(%arg13 : memref<!tpu.dma_semaphore, #tpu.memory_space<semaphore_mem>>) src(%dma_wait3A_187 : memref<10240x128xf32, #tpu.memory_space<hbm>>) dst(%arg10 : memref<80x128xf32, #tpu.memory_space<vmem>>)
      %add3A_188 = arith.constant 1 : i32
      %add3A_189 = arith.addi %mul3A_157, %add3A_188 : i32
      "tpu.region"() ({
        %run_scoped3A_190 = tpu.sem_alloc : memref<!tpu.dma_semaphore, #tpu.memory_space<semaphore_mem>>
        %dma_start3A_191 = arith.constant 0 : i32
        %dma_start3A_192 = tpu.memref_slice %arg7[%add3A_189, %dma_start3A_191] : memref<127x80xi32, #tpu.memory_space<vmem>> -> memref<1x80xi32, #tpu.memory_space<vmem>>
        %dma_start3A_193 = tpu.memref_squeeze %dma_start3A_192 : memref<1x80xi32, #tpu.memory_space<vmem>> -> memref<80xi32, #tpu.memory_space<vmem>>
        %dma_start3A_194 = arith.constant 0 : i32
        %dma_start3A_195 = arith.constant 0 : i32
        %dma_start3A_196 = tpu.memref_slice %arg11[%dma_start3A_194, %dma_start3A_195] : memref<5128x128xf32, #tpu.memory_space<vmem_shared>> -> memref<5128x128xf32, #tpu.memory_space<vmem_shared>>
        tpu.enqueue_indirect_dma source(%arg10 : memref<80x128xf32, #tpu.memory_space<vmem>>) target(%dma_start3A_196 : memref<5128x128xf32, #tpu.memory_space<vmem_shared>>) offsets(%dma_start3A_193 : memref<80xi32, #tpu.memory_space<vmem>>) semaphore(%run_scoped3A_190 : memref<!tpu.dma_semaphore, #tpu.memory_space<semaphore_mem>>) {add = true}
        %dma_wait3A_197 = arith.constant 0 : i32
        %dma_wait3A_198 = tpu.memref_slice %arg7[%add3A_189, %dma_wait3A_197] : memref<127x80xi32, #tpu.memory_space<vmem>> -> memref<1x80xi32, #tpu.memory_space<vmem>>
        %dma_wait3A_199 = tpu.memref_squeeze %dma_wait3A_198 : memref<1x80xi32, #tpu.memory_space<vmem>> -> memref<80xi32, #tpu.memory_space<vmem>>
        %dma_wait3A_200 = arith.constant 0 : i32
        %dma_wait3A_201 = arith.constant 0 : i32
        %dma_wait3A_202 = tpu.memref_slice %arg11[%dma_wait3A_200, %dma_wait3A_201] : memref<5128x128xf32, #tpu.memory_space<vmem_shared>> -> memref<5128x128xf32, #tpu.memory_space<vmem_shared>>
        tpu.wait_indirect_dma semaphore(%run_scoped3A_190 : memref<!tpu.dma_semaphore, #tpu.memory_space<semaphore_mem>>) src(%arg10 : memref<80x128xf32, #tpu.memory_space<vmem>>) dst(%dma_wait3A_202 : memref<5128x128xf32, #tpu.memory_space<vmem_shared>>)
        tpu.yield
      }) : () -> ()
    }
    %while3A_143 = arith.constant 1 : i32
    scf.for %while3A_153 = %while3A_141 to %while3A_137 step %while3A_143  : i32 {
      %mul3A_154 = arith.muli %while3A_153, %while3A_133 : i32
      %add3A_155 = arith.addi %while3A_134, %mul3A_154 : i32
      %mul3A_156 = arith.constant 2 : i32
      %mul3A_157 = arith.muli %add3A_155, %mul3A_156 : i32
      %add3A_158 = arith.constant 1 : i32
      %add3A_159 = arith.addi %mul3A_157, %add3A_158 : i32
      %dma_start3A_160 = arith.constant 0 : i32
      %dma_start3A_161 = tpu.memref_slice %arg6[%add3A_159, %dma_start3A_160] : memref<127x80xi32, #tpu.memory_space<vmem>> -> memref<1x80xi32, #tpu.memory_space<vmem>>
      %dma_start3A_162 = tpu.memref_squeeze %dma_start3A_161 : memref<1x80xi32, #tpu.memory_space<vmem>> -> memref<80xi32, #tpu.memory_space<vmem>>
      %dma_start3A_163 = arith.constant 0 : i32
      %dma_start3A_164 = arith.constant 0 : i32
      %dma_start3A_165 = tpu.memref_slice %arg2[%dma_start3A_163, %dma_start3A_164] : memref<10240x128xf32, #tpu.memory_space<hbm>> -> memref<10240x128xf32, #tpu.memory_space<hbm>>
      tpu.enqueue_indirect_dma source(%dma_start3A_165 : memref<10240x128xf32, #tpu.memory_space<hbm>>) target(%arg10 : memref<80x128xf32, #tpu.memory_space<vmem>>) offsets(%dma_start3A_162 : memref<80xi32, #tpu.memory_space<vmem>>) semaphore(%arg13 : memref<!tpu.dma_semaphore, #tpu.memory_space<semaphore_mem>>)
      %dma_wait3A_166 = arith.constant 0 : i32
      %dma_wait3A_167 = tpu.memref_slice %arg6[%mul3A_157, %dma_wait3A_166] : memref<127x80xi32, #tpu.memory_space<vmem>> -> memref<1x80xi32, #tpu.memory_space<vmem>>
      %dma_wait3A_168 = tpu.memref_squeeze %dma_wait3A_167 : memref<1x80xi32, #tpu.memory_space<vmem>> -> memref<80xi32, #tpu.memory_space<vmem>>
      %dma_wait3A_169 = arith.constant 0 : i32
      %dma_wait3A_170 = arith.constant 0 : i32
      %dma_wait3A_171 = tpu.memref_slice %arg2[%dma_wait3A_169, %dma_wait3A_170] : memref<10240x128xf32, #tpu.memory_space<hbm>> -> memref<10240x128xf32, #tpu.memory_space<hbm>>
      tpu.wait_indirect_dma semaphore(%arg12 : memref<!tpu.dma_semaphore, #tpu.memory_space<semaphore_mem>>) src(%dma_wait3A_171 : memref<10240x128xf32, #tpu.memory_space<hbm>>) dst(%arg9 : memref<80x128xf32, #tpu.memory_space<vmem>>)
      "tpu.region"() ({
        %run_scoped3A_190 = tpu.sem_alloc : memref<!tpu.dma_semaphore, #tpu.memory_space<semaphore_mem>>
        %dma_start3A_191 = arith.constant 0 : i32
        %dma_start3A_192 = tpu.memref_slice %arg7[%mul3A_157, %dma_start3A_191] : memref<127x80xi32, #tpu.memory_space<vmem>> -> memref<1x80xi32, #tpu.memory_space<vmem>>
        %dma_start3A_193 = tpu.memref_squeeze %dma_start3A_192 : memref<1x80xi32, #tpu.memory_space<vmem>> -> memref<80xi32, #tpu.memory_space<vmem>>
        %dma_start3A_194 = arith.constant 0 : i32
        %dma_start3A_195 = arith.constant 0 : i32
        %dma_start3A_196 = tpu.memref_slice %arg11[%dma_start3A_194, %dma_start3A_195] : memref<5128x128xf32, #tpu.memory_space<vmem_shared>> -> memref<5128x128xf32, #tpu.memory_space<vmem_shared>>
        tpu.enqueue_indirect_dma source(%arg9 : memref<80x128xf32, #tpu.memory_space<vmem>>) target(%dma_start3A_196 : memref<5128x128xf32, #tpu.memory_space<vmem_shared>>) offsets(%dma_start3A_193 : memref<80xi32, #tpu.memory_space<vmem>>) semaphore(%run_scoped3A_190 : memref<!tpu.dma_semaphore, #tpu.memory_space<semaphore_mem>>) {add = true}
        %dma_wait3A_197 = arith.constant 0 : i32
        %dma_wait3A_198 = tpu.memref_slice %arg7[%mul3A_157, %dma_wait3A_197] : memref<127x80xi32, #tpu.memory_space<vmem>> -> memref<1x80xi32, #tpu.memory_space<vmem>>
        %dma_wait3A_199 = tpu.memref_squeeze %dma_wait3A_198 : memref<1x80xi32, #tpu.memory_space<vmem>> -> memref<80xi32, #tpu.memory_space<vmem>>
        %dma_wait3A_200 = arith.constant 0 : i32
        %dma_wait3A_201 = arith.constant 0 : i32
        %dma_wait3A_202 = tpu.memref_slice %arg11[%dma_wait3A_200, %dma_wait3A_201] : memref<5128x128xf32, #tpu.memory_space<vmem_shared>> -> memref<5128x128xf32, #tpu.memory_space<vmem_shared>>
        tpu.wait_indirect_dma semaphore(%run_scoped3A_190 : memref<!tpu.dma_semaphore, #tpu.memory_space<semaphore_mem>>) src(%arg9 : memref<80x128xf32, #tpu.memory_space<vmem>>) dst(%dma_wait3A_202 : memref<5128x128xf32, #tpu.memory_space<vmem_shared>>)
        tpu.yield
      }) : () -> ()
      %add3A_172 = arith.constant 2 : i32
      %add3A_173 = arith.addi %mul3A_157, %add3A_172 : i32
      %dma_start3A_174 = arith.constant 0 : i32
      %dma_start3A_175 = tpu.memref_slice %arg6[%add3A_173, %dma_start3A_174] : memref<127x80xi32, #tpu.memory_space<vmem>> -> memref<1x80xi32, #tpu.memory_space<vmem>>
      %dma_start3A_176 = tpu.memref_squeeze %dma_start3A_175 : memref<1x80xi32, #tpu.memory_space<vmem>> -> memref<80xi32, #tpu.memory_space<vmem>>
      %dma_start3A_177 = arith.constant 0 : i32
      %dma_start3A_178 = arith.constant 0 : i32
      %dma_start3A_179 = tpu.memref_slice %arg2[%dma_start3A_177, %dma_start3A_178] : memref<10240x128xf32, #tpu.memory_space<hbm>> -> memref<10240x128xf32, #tpu.memory_space<hbm>>
      tpu.enqueue_indirect_dma source(%dma_start3A_179 : memref<10240x128xf32, #tpu.memory_space<hbm>>) target(%arg9 : memref<80x128xf32, #tpu.memory_space<vmem>>) offsets(%dma_start3A_176 : memref<80xi32, #tpu.memory_space<vmem>>) semaphore(%arg12 : memref<!tpu.dma_semaphore, #tpu.memory_space<semaphore_mem>>)
      %add3A_180 = arith.constant 1 : i32
      %add3A_181 = arith.addi %mul3A_157, %add3A_180 : i32
      %dma_wait3A_182 = arith.constant 0 : i32
      %dma_wait3A_183 = tpu.memref_slice %arg6[%add3A_181, %dma_wait3A_182] : memref<127x80xi32, #tpu.memory_space<vmem>> -> memref<1x80xi32, #tpu.memory_space<vmem>>
      %dma_wait3A_184 = tpu.memref_squeeze %dma_wait3A_183 : memref<1x80xi32, #tpu.memory_space<vmem>> -> memref<80xi32, #tpu.memory_space<vmem>>
      %dma_wait3A_185 = arith.constant 0 : i32
      %dma_wait3A_186 = arith.constant 0 : i32
      %dma_wait3A_187 = tpu.memref_slice %arg2[%dma_wait3A_185, %dma_wait3A_186] : memref<10240x128xf32, #tpu.memory_space<hbm>> -> memref<10240x128xf32, #tpu.memory_space<hbm>>
      tpu.wait_indirect_dma semaphore(%arg13 : memref<!tpu.dma_semaphore, #tpu.memory_space<semaphore_mem>>) src(%dma_wait3A_187 : memref<10240x128xf32, #tpu.memory_space<hbm>>) dst(%arg10 : memref<80x128xf32, #tpu.memory_space<vmem>>)
      %add3A_188 = arith.constant 1 : i32
      %add3A_189 = arith.addi %mul3A_157, %add3A_188 : i32
      "tpu.region"() ({
        %run_scoped3A_190 = tpu.sem_alloc : memref<!tpu.dma_semaphore, #tpu.memory_space<semaphore_mem>>
        %dma_start3A_191 = arith.constant 0 : i32
        %dma_start3A_192 = tpu.memref_slice %arg7[%add3A_189, %dma_start3A_191] : memref<127x80xi32, #tpu.memory_space<vmem>> -> memref<1x80xi32, #tpu.memory_space<vmem>>
        %dma_start3A_193 = tpu.memref_squeeze %dma_start3A_192 : memref<1x80xi32, #tpu.memory_space<vmem>> -> memref<80xi32, #tpu.memory_space<vmem>>
        %dma_start3A_194 = arith.constant 0 : i32
        %dma_start3A_195 = arith.constant 0 : i32
        %dma_start3A_196 = tpu.memref_slice %arg11[%dma_start3A_194, %dma_start3A_195] : memref<5128x128xf32, #tpu.memory_space<vmem_shared>> -> memref<5128x128xf32, #tpu.memory_space<vmem_shared>>
        tpu.enqueue_indirect_dma source(%arg10 : memref<80x128xf32, #tpu.memory_space<vmem>>) target(%dma_start3A_196 : memref<5128x128xf32, #tpu.memory_space<vmem_shared>>) offsets(%dma_start3A_193 : memref<80xi32, #tpu.memory_space<vmem>>) semaphore(%run_scoped3A_190 : memref<!tpu.dma_semaphore, #tpu.memory_space<semaphore_mem>>) {add = true}
        %dma_wait3A_197 = arith.constant 0 : i32
        %dma_wait3A_198 = tpu.memref_slice %arg7[%add3A_189, %dma_wait3A_197] : memref<127x80xi32, #tpu.memory_space<vmem>> -> memref<1x80xi32, #tpu.memory_space<vmem>>
        %dma_wait3A_199 = tpu.memref_squeeze %dma_wait3A_198 : memref<1x80xi32, #tpu.memory_space<vmem>> -> memref<80xi32, #tpu.memory_space<vmem>>
        %dma_wait3A_200 = arith.constant 0 : i32
        %dma_wait3A_201 = arith.constant 0 : i32
        %dma_wait3A_202 = tpu.memref_slice %arg11[%dma_wait3A_200, %dma_wait3A_201] : memref<5128x128xf32, #tpu.memory_space<vmem_shared>> -> memref<5128x128xf32, #tpu.memory_space<vmem_shared>>
        tpu.wait_indirect_dma semaphore(%run_scoped3A_190 : memref<!tpu.dma_semaphore, #tpu.memory_space<semaphore_mem>>) src(%arg10 : memref<80x128xf32, #tpu.memory_space<vmem>>) dst(%dma_wait3A_202 : memref<5128x128xf32, #tpu.memory_space<vmem_shared>>)
        tpu.yield
      }) : () -> ()
    }
    %dma_wait3A_144 = arith.constant 0 : i32
    %dma_wait3A_145 = arith.constant 0 : i32
    %dma_wait3A_146 = tpu.memref_slice %arg6[%dma_wait3A_144, %dma_wait3A_145] : memref<127x80xi32, #tpu.memory_space<vmem>> -> memref<1x80xi32, #tpu.memory_space<vmem>>
    %dma_wait3A_147 = tpu.memref_squeeze %dma_wait3A_146 : memref<1x80xi32, #tpu.memory_space<vmem>> -> memref<80xi32, #tpu.memory_space<vmem>>
    %dma_wait3A_148 = arith.constant 0 : i32
    %dma_wait3A_149 = arith.constant 0 : i32
    %dma_wait3A_150 = tpu.memref_slice %arg2[%dma_wait3A_148, %dma_wait3A_149] : memref<10240x128xf32, #tpu.memory_space<hbm>> -> memref<10240x128xf32, #tpu.memory_space<hbm>>
    tpu.wait_indirect_dma semaphore(%arg12 : memref<!tpu.dma_semaphore, #tpu.memory_space<semaphore_mem>>) src(%dma_wait3A_150 : memref<10240x128xf32, #tpu.memory_space<hbm>>) dst(%arg9 : memref<80x128xf32, #tpu.memory_space<vmem>>)
    %barrier3A_151 = arith.constant 0 : index
    tpu.barrier barrier_id(%barrier3A_151)
    "tpu.region"() ({
      %run_scoped3A_153 = tpu.sem_alloc : memref<!tpu.dma_semaphore, #tpu.memory_space<semaphore_mem>>
      %dma_start3A_154 = arith.constant 0 : i32
      %dma_start3A_155 = tpu.memref_slice %arg5[%arg0, %multiple_of3A_90, %dma_start3A_154] : memref<2x10240x128xf32, #tpu.memory_space<hbm>> -> memref<1x320x128xf32, #tpu.memory_space<hbm>>
      %dma_start3A_156 = tpu.memref_squeeze %dma_start3A_155 : memref<1x320x128xf32, #tpu.memory_space<hbm>> -> memref<320x128xf32, #tpu.memory_space<hbm>>
      %dma_start3A_157 = arith.constant 0 : i32
      %dma_start3A_158 = tpu.memref_slice %arg11[%multiple_of3A_85, %dma_start3A_157] : memref<5128x128xf32, #tpu.memory_space<vmem_shared>> -> memref<320x128xf32, #tpu.memory_space<vmem_shared>>
      tpu.enqueue_dma source(%dma_start3A_158 : memref<320x128xf32, #tpu.memory_space<vmem_shared>>) target(%dma_start3A_156 : memref<320x128xf32, #tpu.memory_space<hbm>>) target_semaphore(%run_scoped3A_153 : memref<!tpu.dma_semaphore, #tpu.memory_space<semaphore_mem>>)
      %dma_wait3A_159 = arith.constant 0 : i32
      %dma_wait3A_160 = tpu.memref_slice %arg5[%arg0, %multiple_of3A_90, %dma_wait3A_159] : memref<2x10240x128xf32, #tpu.memory_space<hbm>> -> memref<1x320x128xf32, #tpu.memory_space<hbm>>
      %dma_wait3A_161 = tpu.memref_squeeze %dma_wait3A_160 : memref<1x320x128xf32, #tpu.memory_space<hbm>> -> memref<320x128xf32, #tpu.memory_space<hbm>>
      %dma_wait3A_162 = arith.constant 0 : i32
      %dma_wait3A_163 = tpu.memref_slice %arg11[%multiple_of3A_85, %dma_wait3A_162] : memref<5128x128xf32, #tpu.memory_space<vmem_shared>> -> memref<320x128xf32, #tpu.memory_space<vmem_shared>>
      tpu.wait_dma2 semaphore(%run_scoped3A_153 : memref<!tpu.dma_semaphore, #tpu.memory_space<semaphore_mem>>) src(%dma_wait3A_163 : memref<320x128xf32, #tpu.memory_space<vmem_shared>>) dst(%dma_wait3A_161 : memref<320x128xf32, #tpu.memory_space<hbm>>)
      tpu.yield
    }) : () -> ()
    %barrier3A_152 = arith.constant 0 : index
    tpu.barrier barrier_id(%barrier3A_152)
    return
  }
}

#map = affine_map<(d0, d1) -> (0, 0)>
#map1 = affine_map<(d0, d1) -> (0, 0, 0, 0, 0)>
#map2 = affine_map<(d0, d1) -> (0, 0, 0)>
module attributes {stable_mosaic.version = 14 : i64} {
  func.func @agg(%arg0: i32, %arg1: i32, %arg2: memref<10240x128xf32, #tpu.memory_space<hbm>>, %arg3: memref<2x2x32x127x80xi32, #tpu.memory_space<hbm>>, %arg4: memref<32x16xi32, #tpu.memory_space<hbm>>, %arg5: memref<2x10240x128xf32, #tpu.memory_space<hbm>>, %arg6: memref<127x80xi32, #tpu.memory_space<vmem>>, %arg7: memref<127x80xi32, #tpu.memory_space<vmem>>, %arg8: memref<16xi32, #tpu.memory_space<vmem>>, %arg9: memref<80x128xf32, #tpu.memory_space<vmem>>, %arg10: memref<80x128xf32, #tpu.memory_space<vmem>>, %arg11: memref<5128x128xf32, #tpu.memory_space<vmem_shared>>, %arg12: memref<!tpu.dma_semaphore, #tpu.memory_space<semaphore_mem>>, %arg13: memref<!tpu.dma_semaphore, #tpu.memory_space<semaphore_mem>>) attributes {dimension_semantics = [#tpu.dimension_semantics<core_parallel>, #tpu.dimension_semantics<subcore_parallel>], iteration_bounds = array<i64: 2, 16>, scalar_prefetch = 0 : i64, scratch_operands = 8 : i64, tpu.core_type = #tpu.core_type<sc_vector_subcore>, window_params = [{transform_indices = #map}, {transform_indices = #map1}, {transform_indices = #map}, {transform_indices = #map2}]} {
    %mul3A = arith.constant 16 : i32
    %mul3A_0 = arith.muli %arg0, %mul3A : i32
    %add3A = arith.addi %mul3A_0, %arg1 : i32
    "tpu.region"() ({
      %run_scoped3A_153 = tpu.sem_alloc : memref<!tpu.dma_semaphore, #tpu.memory_space<semaphore_mem>>
      %dma_start3A_154 = arith.constant 0 : i32
      %dma_start3A_155 = tpu.memref_slice %arg4[%add3A, %dma_start3A_154] : memref<32x16xi32, #tpu.memory_space<hbm>> -> memref<1x16xi32, #tpu.memory_space<hbm>>
      %dma_start3A_156 = tpu.memref_squeeze %dma_start3A_155 : memref<1x16xi32, #tpu.memory_space<hbm>> -> memref<16xi32, #tpu.memory_space<hbm>>
      %dma_start3A_157 = arith.constant 0 : i32
      %dma_start3A_158 = tpu.memref_slice %arg4[%add3A, %dma_start3A_157] : memref<32x16xi32, #tpu.memory_space<hbm>> -> memref<1x16xi32, #tpu.memory_space<hbm>>
      %dma_start3A_159 = tpu.memref_squeeze %dma_start3A_158 : memref<1x16xi32, #tpu.memory_space<hbm>> -> memref<16xi32, #tpu.memory_space<hbm>>
      tpu.enqueue_dma source(%dma_start3A_159 : memref<16xi32, #tpu.memory_space<hbm>>) target(%arg8 : memref<16xi32, #tpu.memory_space<vmem>>) target_semaphore(%run_scoped3A_153 : memref<!tpu.dma_semaphore, #tpu.memory_space<semaphore_mem>>)
      %dma_wait3A_160 = arith.constant 0 : i32
      %dma_wait3A_161 = tpu.memref_slice %arg4[%add3A, %dma_wait3A_160] : memref<32x16xi32, #tpu.memory_space<hbm>> -> memref<1x16xi32, #tpu.memory_space<hbm>>
      %dma_wait3A_162 = tpu.memref_squeeze %dma_wait3A_161 : memref<1x16xi32, #tpu.memory_space<hbm>> -> memref<16xi32, #tpu.memory_space<hbm>>
      %dma_wait3A_163 = arith.constant 0 : i32
      %dma_wait3A_164 = tpu.memref_slice %arg4[%add3A, %dma_wait3A_163] : memref<32x16xi32, #tpu.memory_space<hbm>> -> memref<1x16xi32, #tpu.memory_space<hbm>>
      %dma_wait3A_165 = tpu.memref_squeeze %dma_wait3A_164 : memref<1x16xi32, #tpu.memory_space<hbm>> -> memref<16xi32, #tpu.memory_space<hbm>>
      tpu.wait_dma2 semaphore(%run_scoped3A_153 : memref<!tpu.dma_semaphore, #tpu.memory_space<semaphore_mem>>) src(%dma_wait3A_165 : memref<16xi32, #tpu.memory_space<hbm>>) dst(%arg8 : memref<16xi32, #tpu.memory_space<vmem>>)
      tpu.yield
    }) : () -> ()
    %iota3A = tpu.iota {dimensions = array<i32: 0>} : vector<16xi32>
    %get3A = arith.constant 0 : index
    %get3A_1 = tpu.vector_load %arg8[%get3A] {strides = array<i32>} : memref<16xi32, #tpu.memory_space<vmem>>, vector<16xi32>,
    %run_scoped3A = arith.constant 0 : i32
    %run_scoped3A_2 = arith.constant 0 : i32
    "tpu.region"() ({
      %run_scoped3A_153 = tpu.sem_alloc : memref<!tpu.dma_semaphore, #tpu.memory_space<semaphore_mem>>
      %dma_start3A_154 = arith.constant 0 : i32
      %dma_start3A_155 = arith.constant 0 : i32
      %dma_start3A_156 = tpu.memref_slice %arg3[%run_scoped3A, %run_scoped3A_2, %add3A, %dma_start3A_154, %dma_start3A_155] : memref<2x2x32x127x80xi32, #tpu.memory_space<hbm>> -> memref<1x1x1x127x80xi32, #tpu.memory_space<hbm>>
      %dma_start3A_157 = tpu.memref_squeeze %dma_start3A_156 : memref<1x1x1x127x80xi32, #tpu.memory_space<hbm>> -> memref<127x80xi32, #tpu.memory_space<hbm>>
      %dma_start3A_158 = arith.constant 0 : i32
      %dma_start3A_159 = arith.constant 0 : i32
      %dma_start3A_160 = tpu.memref_slice %arg3[%run_scoped3A, %run_scoped3A_2, %add3A, %dma_start3A_158, %dma_start3A_159] : memref<2x2x32x127x80xi32, #tpu.memory_space<hbm>> -> memref<1x1x1x127x80xi32, #tpu.memory_space<hbm>>
      %dma_start3A_161 = tpu.memref_squeeze %dma_start3A_160 : memref<1x1x1x127x80xi32, #tpu.memory_space<hbm>> -> memref<127x80xi32, #tpu.memory_space<hbm>>
      tpu.enqueue_dma source(%dma_start3A_161 : memref<127x80xi32, #tpu.memory_space<hbm>>) target(%arg6 : memref<127x80xi32, #tpu.memory_space<vmem>>) target_semaphore(%run_scoped3A_153 : memref<!tpu.dma_semaphore, #tpu.memory_space<semaphore_mem>>)
      %dma_wait3A_162 = arith.constant 0 : i32
      %dma_wait3A_163 = arith.constant 0 : i32
      %dma_wait3A_164 = tpu.memref_slice %arg3[%run_scoped3A, %run_scoped3A_2, %add3A, %dma_wait3A_162, %dma_wait3A_163] : memref<2x2x32x127x80xi32, #tpu.memory_space<hbm>> -> memref<1x1x1x127x80xi32, #tpu.memory_space<hbm>>
      %dma_wait3A_165 = tpu.memref_squeeze %dma_wait3A_164 : memref<1x1x1x127x80xi32, #tpu.memory_space<hbm>> -> memref<127x80xi32, #tpu.memory_space<hbm>>
      %dma_wait3A_166 = arith.constant 0 : i32
      %dma_wait3A_167 = arith.constant 0 : i32
      %dma_wait3A_168 = tpu.memref_slice %arg3[%run_scoped3A, %run_scoped3A_2, %add3A, %dma_wait3A_166, %dma_wait3A_167] : memref<2x2x32x127x80xi32, #tpu.memory_space<hbm>> -> memref<1x1x1x127x80xi32, #tpu.memory_space<hbm>>
      %dma_wait3A_169 = tpu.memref_squeeze %dma_wait3A_168 : memref<1x1x1x127x80xi32, #tpu.memory_space<hbm>> -> memref<127x80xi32, #tpu.memory_space<hbm>>
      tpu.wait_dma2 semaphore(%run_scoped3A_153 : memref<!tpu.dma_semaphore, #tpu.memory_space<semaphore_mem>>) src(%dma_wait3A_169 : memref<127x80xi32, #tpu.memory_space<hbm>>) dst(%arg6 : memref<127x80xi32, #tpu.memory_space<vmem>>)
      tpu.yield
    }) : () -> ()
    %run_scoped3A_3 = arith.constant 0 : i32
    %run_scoped3A_4 = arith.constant 1 : i32
    "tpu.region"() ({
      %run_scoped3A_153 = tpu.sem_alloc : memref<!tpu.dma_semaphore, #tpu.memory_space<semaphore_mem>>
      %dma_start3A_154 = arith.constant 0 : i32
      %dma_start3A_155 = arith.constant 0 : i32
      %dma_start3A_156 = tpu.memref_slice %arg3[%run_scoped3A_3, %run_scoped3A_4, %add3A, %dma_start3A_154, %dma_start3A_155] : memref<2x2x32x127x80xi32, #tpu.memory_space<hbm>> -> memref<1x1x1x127x80xi32, #tpu.memory_space<hbm>>
      %dma_start3A_157 = tpu.memref_squeeze %dma_start3A_156 : memref<1x1x1x127x80xi32, #tpu.memory_space<hbm>> -> memref<127x80xi32, #tpu.memory_space<hbm>>
      %dma_start3A_158 = arith.constant 0 : i32
      %dma_start3A_159 = arith.constant 0 : i32
      %dma_start3A_160 = tpu.memref_slice %arg3[%run_scoped3A_3, %run_scoped3A_4, %add3A, %dma_start3A_158, %dma_start3A_159] : memref<2x2x32x127x80xi32, #tpu.memory_space<hbm>> -> memref<1x1x1x127x80xi32, #tpu.memory_space<hbm>>
      %dma_start3A_161 = tpu.memref_squeeze %dma_start3A_160 : memref<1x1x1x127x80xi32, #tpu.memory_space<hbm>> -> memref<127x80xi32, #tpu.memory_space<hbm>>
      tpu.enqueue_dma source(%dma_start3A_161 : memref<127x80xi32, #tpu.memory_space<hbm>>) target(%arg7 : memref<127x80xi32, #tpu.memory_space<vmem>>) target_semaphore(%run_scoped3A_153 : memref<!tpu.dma_semaphore, #tpu.memory_space<semaphore_mem>>)
      %dma_wait3A_162 = arith.constant 0 : i32
      %dma_wait3A_163 = arith.constant 0 : i32
      %dma_wait3A_164 = tpu.memref_slice %arg3[%run_scoped3A_3, %run_scoped3A_4, %add3A, %dma_wait3A_162, %dma_wait3A_163] : memref<2x2x32x127x80xi32, #tpu.memory_space<hbm>> -> memref<1x1x1x127x80xi32, #tpu.memory_space<hbm>>
      %dma_wait3A_165 = tpu.memref_squeeze %dma_wait3A_164 : memref<1x1x1x127x80xi32, #tpu.memory_space<hbm>> -> memref<127x80xi32, #tpu.memory_space<hbm>>
      %dma_wait3A_166 = arith.constant 0 : i32
      %dma_wait3A_167 = arith.constant 0 : i32
      %dma_wait3A_168 = tpu.memref_slice %arg3[%run_scoped3A_3, %run_scoped3A_4, %add3A, %dma_wait3A_166, %dma_wait3A_167] : memref<2x2x32x127x80xi32, #tpu.memory_space<hbm>> -> memref<1x1x1x127x80xi32, #tpu.memory_space<hbm>>
      %dma_wait3A_169 = tpu.memref_squeeze %dma_wait3A_168 : memref<1x1x1x127x80xi32, #tpu.memory_space<hbm>> -> memref<127x80xi32, #tpu.memory_space<hbm>>
      tpu.wait_dma2 semaphore(%run_scoped3A_153 : memref<!tpu.dma_semaphore, #tpu.memory_space<semaphore_mem>>) src(%dma_wait3A_169 : memref<127x80xi32, #tpu.memory_space<hbm>>) dst(%arg7 : memref<127x80xi32, #tpu.memory_space<vmem>>)
      tpu.yield
    }) : () -> ()
    %eq3A = arith.constant 0 : i32
    %eq3A_5 = vector.broadcast %eq3A : i32 to vector<16xi32>
    %eq3A_6 = arith.cmpi eq, %iota3A, %eq3A_5 : vector<16xi32>
    %jit3A = arith.constant 0 : i32
    %broadcast_in_dim3A = vector.broadcast %jit3A : i32 to vector<16xi32>
    %select_n3A = arith.select %eq3A_6, %get3A_1, %broadcast_in_dim3A : vector<16xi1>, vector<16xi32>
    %reduce_sum3A = arith.constant true
    %reduce_sum3A_7 = vector.broadcast %reduce_sum3A : i1 to vector<16xi1>
    %reduce_sum3A_8 = tpu.scan <sum>, %select_n3A masked %reduce_sum3A_7 : vector<16xi32>, vector<16xi1> -> vector<16xi32>
    %reduce_sum3A_9 = vector.extract %reduce_sum3A_8[15] : i32 from vector<16xi32>
    %mul3A_10 = arith.constant 320 : i32
    %mul3A_11 = arith.muli %arg1, %mul3A_10 : i32
    %multiple_of3A = tpu.assume_multiple %mul3A_11, 8 : i32
    %mul3A_12 = arith.constant 320 : i32
    %mul3A_13 = arith.muli %arg1, %mul3A_12 : i32
    %add3A_14 = arith.constant 0 : i32
    %add3A_15 = arith.addi %add3A_14, %mul3A_13 : i32
    %multiple_of3A_16 = tpu.assume_multiple %add3A_15, 8 : i32
    "tpu.region"() ({
      %run_scoped3A_153 = tpu.sem_alloc : memref<!tpu.dma_semaphore, #tpu.memory_space<semaphore_mem>>
      %dma_start3A_154 = arith.constant 0 : i32
      %dma_start3A_155 = tpu.memref_slice %arg11[%multiple_of3A, %dma_start3A_154] : memref<5128x128xf32, #tpu.memory_space<vmem_shared>> -> memref<320x128xf32, #tpu.memory_space<vmem_shared>>
      %dma_start3A_156 = arith.constant 0 : i32
      %dma_start3A_157 = tpu.memref_slice %arg2[%multiple_of3A_16, %dma_start3A_156] : memref<10240x128xf32, #tpu.memory_space<hbm>> -> memref<320x128xf32, #tpu.memory_space<hbm>>
      tpu.enqueue_dma source(%dma_start3A_157 : memref<320x128xf32, #tpu.memory_space<hbm>>) target(%dma_start3A_155 : memref<320x128xf32, #tpu.memory_space<vmem_shared>>) target_semaphore(%run_scoped3A_153 : memref<!tpu.dma_semaphore, #tpu.memory_space<semaphore_mem>>)
      %dma_wait3A_158 = arith.constant 0 : i32
      %dma_wait3A_159 = tpu.memref_slice %arg11[%multiple_of3A, %dma_wait3A_158] : memref<5128x128xf32, #tpu.memory_space<vmem_shared>> -> memref<320x128xf32, #tpu.memory_space<vmem_shared>>
      %dma_wait3A_160 = arith.constant 0 : i32
      %dma_wait3A_161 = tpu.memref_slice %arg2[%multiple_of3A_16, %dma_wait3A_160] : memref<10240x128xf32, #tpu.memory_space<hbm>> -> memref<320x128xf32, #tpu.memory_space<hbm>>
      tpu.wait_dma2 semaphore(%run_scoped3A_153 : memref<!tpu.dma_semaphore, #tpu.memory_space<semaphore_mem>>) src(%dma_wait3A_161 : memref<320x128xf32, #tpu.memory_space<hbm>>) dst(%dma_wait3A_159 : memref<320x128xf32, #tpu.memory_space<vmem_shared>>)
      tpu.yield
    }) : () -> ()
    %barrier3A = arith.constant 0 : index
    tpu.barrier barrier_id(%barrier3A)
    %dma_start3A = arith.constant 0 : i32
    %dma_start3A_17 = arith.constant 0 : i32
    %dma_start3A_18 = tpu.memref_slice %arg6[%dma_start3A, %dma_start3A_17] : memref<127x80xi32, #tpu.memory_space<vmem>> -> memref<1x80xi32, #tpu.memory_space<vmem>>
    %dma_start3A_19 = tpu.memref_squeeze %dma_start3A_18 : memref<1x80xi32, #tpu.memory_space<vmem>> -> memref<80xi32, #tpu.memory_space<vmem>>
    %dma_start3A_20 = arith.constant 0 : i32
    %dma_start3A_21 = arith.constant 0 : i32
    %dma_start3A_22 = tpu.memref_slice %arg2[%dma_start3A_20, %dma_start3A_21] : memref<10240x128xf32, #tpu.memory_space<hbm>> -> memref<10240x128xf32, #tpu.memory_space<hbm>>
    tpu.enqueue_indirect_dma source(%dma_start3A_22 : memref<10240x128xf32, #tpu.memory_space<hbm>>) target(%arg9 : memref<80x128xf32, #tpu.memory_space<vmem>>) offsets(%dma_start3A_19 : memref<80xi32, #tpu.memory_space<vmem>>) semaphore(%arg12 : memref<!tpu.dma_semaphore, #tpu.memory_space<semaphore_mem>>)
    %add3A_23 = arith.constant 1 : i32
    %add3A_24 = arith.addi %reduce_sum3A_9, %add3A_23 : i32
    %jit3A_25 = arith.constant 2 : i32
    %div3A = arith.divsi %add3A_24, %jit3A_25 : i32
    %sign3A = arith.constant 0 : i32
    %sign3A_26 = arith.cmpi sgt, %add3A_24, %sign3A : i32
    %sign3A_27 = arith.extui %sign3A_26 : i1 to i32
    %sign3A_28 = arith.constant 0 : i32
    %sign3A_29 = arith.cmpi slt, %add3A_24, %sign3A_28 : i32
    %sign3A_30 = arith.extui %sign3A_29 : i1 to i32
    %sign3A_31 = arith.subi %sign3A_27, %sign3A_30 : i32
    %sign3A_32 = arith.constant 0 : i32
    %sign3A_33 = arith.cmpi sgt, %jit3A_25, %sign3A_32 : i32
    %sign3A_34 = arith.extui %sign3A_33 : i1 to i32
    %sign3A_35 = arith.constant 0 : i32
    %sign3A_36 = arith.cmpi slt, %jit3A_25, %sign3A_35 : i32
    %sign3A_37 = arith.extui %sign3A_36 : i1 to i32
    %sign3A_38 = arith.subi %sign3A_34, %sign3A_37 : i32
    %ne3A = arith.cmpi ne, %sign3A_31, %sign3A_38 : i32
    %rem3A = arith.remsi %add3A_24, %jit3A_25 : i32
    %ne3A_39 = arith.constant 0 : i32
    %ne3A_40 = arith.cmpi ne, %rem3A, %ne3A_39 : i32
    %and3A = arith.andi %ne3A, %ne3A_40 : i1
    %sub3A = arith.constant 1 : i32
    %sub3A_41 = arith.subi %div3A, %sub3A : i32
    %select_n3A_42 = arith.select %and3A, %sub3A_41, %div3A : i32
    %sub3A_43 = arith.constant 0 : i32
    %sub3A_44 = arith.subi %select_n3A_42, %sub3A_43 : i32
    %sub3A_45 = arith.constant 1 : i32
    %sub3A_46 = arith.constant 1 : i32
    %sub3A_47 = arith.subi %sub3A_45, %sub3A_46 : i32
    %add3A_48 = arith.addi %sub3A_44, %sub3A_47 : i32
    %div3A_49 = arith.constant 1 : i32
    %div3A_50 = arith.divsi %add3A_48, %div3A_49 : i32
    %while3A = arith.constant 1 : i32
    %while3A_51 = arith.constant 0 : i32
    %while3A_52 = arith.constant 0 : i32
    %while3A_53 = arith.subi %div3A_50, %while3A_52 : i32
    %while3A_54 = arith.addi %while3A_52, %while3A_53 : i32
    %while3A_55 = arith.constant 1 : i32
    %while3A_56 = arith.divsi %while3A_53, %while3A_55 : i32
    %while3A_57 = arith.muli %while3A_56, %while3A_55 : i32
    %while3A_58 = arith.addi %while3A_52, %while3A_57 : i32
    %while3A_59 = arith.constant 1 : i32
    scf.for %while3A_153 = %while3A_52 to %while3A_58 step %while3A_59  : i32 {
      %mul3A_154 = arith.muli %while3A_153, %while3A : i32
      %add3A_155 = arith.addi %while3A_51, %mul3A_154 : i32
      %mul3A_156 = arith.constant 2 : i32
      %mul3A_157 = arith.muli %add3A_155, %mul3A_156 : i32
      %add3A_158 = arith.constant 1 : i32
      %add3A_159 = arith.addi %mul3A_157, %add3A_158 : i32
      %dma_start3A_160 = arith.constant 0 : i32
      %dma_start3A_161 = tpu.memref_slice %arg6[%add3A_159, %dma_start3A_160] : memref<127x80xi32, #tpu.memory_space<vmem>> -> memref<1x80xi32, #tpu.memory_space<vmem>>
      %dma_start3A_162 = tpu.memref_squeeze %dma_start3A_161 : memref<1x80xi32, #tpu.memory_space<vmem>> -> memref<80xi32, #tpu.memory_space<vmem>>
      %dma_start3A_163 = arith.constant 0 : i32
      %dma_start3A_164 = arith.constant 0 : i32
      %dma_start3A_165 = tpu.memref_slice %arg2[%dma_start3A_163, %dma_start3A_164] : memref<10240x128xf32, #tpu.memory_space<hbm>> -> memref<10240x128xf32, #tpu.memory_space<hbm>>
      tpu.enqueue_indirect_dma source(%dma_start3A_165 : memref<10240x128xf32, #tpu.memory_space<hbm>>) target(%arg10 : memref<80x128xf32, #tpu.memory_space<vmem>>) offsets(%dma_start3A_162 : memref<80xi32, #tpu.memory_space<vmem>>) semaphore(%arg13 : memref<!tpu.dma_semaphore, #tpu.memory_space<semaphore_mem>>)
      %dma_wait3A_166 = arith.constant 0 : i32
      %dma_wait3A_167 = tpu.memref_slice %arg6[%mul3A_157, %dma_wait3A_166] : memref<127x80xi32, #tpu.memory_space<vmem>> -> memref<1x80xi32, #tpu.memory_space<vmem>>
      %dma_wait3A_168 = tpu.memref_squeeze %dma_wait3A_167 : memref<1x80xi32, #tpu.memory_space<vmem>> -> memref<80xi32, #tpu.memory_space<vmem>>
      %dma_wait3A_169 = arith.constant 0 : i32
      %dma_wait3A_170 = arith.constant 0 : i32
      %dma_wait3A_171 = tpu.memref_slice %arg2[%dma_wait3A_169, %dma_wait3A_170] : memref<10240x128xf32, #tpu.memory_space<hbm>> -> memref<10240x128xf32, #tpu.memory_space<hbm>>
      tpu.wait_indirect_dma semaphore(%arg12 : memref<!tpu.dma_semaphore, #tpu.memory_space<semaphore_mem>>) src(%dma_wait3A_171 : memref<10240x128xf32, #tpu.memory_space<hbm>>) dst(%arg9 : memref<80x128xf32, #tpu.memory_space<vmem>>)
      "tpu.region"() ({
        %run_scoped3A_190 = tpu.sem_alloc : memref<!tpu.dma_semaphore, #tpu.memory_space<semaphore_mem>>
        %dma_start3A_191 = arith.constant 0 : i32
        %dma_start3A_192 = tpu.memref_slice %arg7[%mul3A_157, %dma_start3A_191] : memref<127x80xi32, #tpu.memory_space<vmem>> -> memref<1x80xi32, #tpu.memory_space<vmem>>
        %dma_start3A_193 = tpu.memref_squeeze %dma_start3A_192 : memref<1x80xi32, #tpu.memory_space<vmem>> -> memref<80xi32, #tpu.memory_space<vmem>>
        %dma_start3A_194 = arith.constant 0 : i32
        %dma_start3A_195 = arith.constant 0 : i32
        %dma_start3A_196 = tpu.memref_slice %arg11[%dma_start3A_194, %dma_start3A_195] : memref<5128x128xf32, #tpu.memory_space<vmem_shared>> -> memref<5128x128xf32, #tpu.memory_space<vmem_shared>>
        tpu.enqueue_indirect_dma source(%arg9 : memref<80x128xf32, #tpu.memory_space<vmem>>) target(%dma_start3A_196 : memref<5128x128xf32, #tpu.memory_space<vmem_shared>>) offsets(%dma_start3A_193 : memref<80xi32, #tpu.memory_space<vmem>>) semaphore(%run_scoped3A_190 : memref<!tpu.dma_semaphore, #tpu.memory_space<semaphore_mem>>) {add = true}
        %dma_wait3A_197 = arith.constant 0 : i32
        %dma_wait3A_198 = tpu.memref_slice %arg7[%mul3A_157, %dma_wait3A_197] : memref<127x80xi32, #tpu.memory_space<vmem>> -> memref<1x80xi32, #tpu.memory_space<vmem>>
        %dma_wait3A_199 = tpu.memref_squeeze %dma_wait3A_198 : memref<1x80xi32, #tpu.memory_space<vmem>> -> memref<80xi32, #tpu.memory_space<vmem>>
        %dma_wait3A_200 = arith.constant 0 : i32
        %dma_wait3A_201 = arith.constant 0 : i32
        %dma_wait3A_202 = tpu.memref_slice %arg11[%dma_wait3A_200, %dma_wait3A_201] : memref<5128x128xf32, #tpu.memory_space<vmem_shared>> -> memref<5128x128xf32, #tpu.memory_space<vmem_shared>>
        tpu.wait_indirect_dma semaphore(%run_scoped3A_190 : memref<!tpu.dma_semaphore, #tpu.memory_space<semaphore_mem>>) src(%arg9 : memref<80x128xf32, #tpu.memory_space<vmem>>) dst(%dma_wait3A_202 : memref<5128x128xf32, #tpu.memory_space<vmem_shared>>)
        tpu.yield
      }) : () -> ()
      %add3A_172 = arith.constant 2 : i32
      %add3A_173 = arith.addi %mul3A_157, %add3A_172 : i32
      %dma_start3A_174 = arith.constant 0 : i32
      %dma_start3A_175 = tpu.memref_slice %arg6[%add3A_173, %dma_start3A_174] : memref<127x80xi32, #tpu.memory_space<vmem>> -> memref<1x80xi32, #tpu.memory_space<vmem>>
      %dma_start3A_176 = tpu.memref_squeeze %dma_start3A_175 : memref<1x80xi32, #tpu.memory_space<vmem>> -> memref<80xi32, #tpu.memory_space<vmem>>
      %dma_start3A_177 = arith.constant 0 : i32
      %dma_start3A_178 = arith.constant 0 : i32
      %dma_start3A_179 = tpu.memref_slice %arg2[%dma_start3A_177, %dma_start3A_178] : memref<10240x128xf32, #tpu.memory_space<hbm>> -> memref<10240x128xf32, #tpu.memory_space<hbm>>
      tpu.enqueue_indirect_dma source(%dma_start3A_179 : memref<10240x128xf32, #tpu.memory_space<hbm>>) target(%arg9 : memref<80x128xf32, #tpu.memory_space<vmem>>) offsets(%dma_start3A_176 : memref<80xi32, #tpu.memory_space<vmem>>) semaphore(%arg12 : memref<!tpu.dma_semaphore, #tpu.memory_space<semaphore_mem>>)
      %add3A_180 = arith.constant 1 : i32
      %add3A_181 = arith.addi %mul3A_157, %add3A_180 : i32
      %dma_wait3A_182 = arith.constant 0 : i32
      %dma_wait3A_183 = tpu.memref_slice %arg6[%add3A_181, %dma_wait3A_182] : memref<127x80xi32, #tpu.memory_space<vmem>> -> memref<1x80xi32, #tpu.memory_space<vmem>>
      %dma_wait3A_184 = tpu.memref_squeeze %dma_wait3A_183 : memref<1x80xi32, #tpu.memory_space<vmem>> -> memref<80xi32, #tpu.memory_space<vmem>>
      %dma_wait3A_185 = arith.constant 0 : i32
      %dma_wait3A_186 = arith.constant 0 : i32
      %dma_wait3A_187 = tpu.memref_slice %arg2[%dma_wait3A_185, %dma_wait3A_186] : memref<10240x128xf32, #tpu.memory_space<hbm>> -> memref<10240x128xf32, #tpu.memory_space<hbm>>
      tpu.wait_indirect_dma semaphore(%arg13 : memref<!tpu.dma_semaphore, #tpu.memory_space<semaphore_mem>>) src(%dma_wait3A_187 : memref<10240x128xf32, #tpu.memory_space<hbm>>) dst(%arg10 : memref<80x128xf32, #tpu.memory_space<vmem>>)
      %add3A_188 = arith.constant 1 : i32
      %add3A_189 = arith.addi %mul3A_157, %add3A_188 : i32
      "tpu.region"() ({
        %run_scoped3A_190 = tpu.sem_alloc : memref<!tpu.dma_semaphore, #tpu.memory_space<semaphore_mem>>
        %dma_start3A_191 = arith.constant 0 : i32
        %dma_start3A_192 = tpu.memref_slice %arg7[%add3A_189, %dma_start3A_191] : memref<127x80xi32, #tpu.memory_space<vmem>> -> memref<1x80xi32, #tpu.memory_space<vmem>>
        %dma_start3A_193 = tpu.memref_squeeze %dma_start3A_192 : memref<1x80xi32, #tpu.memory_space<vmem>> -> memref<80xi32, #tpu.memory_space<vmem>>
        %dma_start3A_194 = arith.constant 0 : i32
        %dma_start3A_195 = arith.constant 0 : i32
        %dma_start3A_196 = tpu.memref_slice %arg11[%dma_start3A_194, %dma_start3A_195] : memref<5128x128xf32, #tpu.memory_space<vmem_shared>> -> memref<5128x128xf32, #tpu.memory_space<vmem_shared>>
        tpu.enqueue_indirect_dma source(%arg10 : memref<80x128xf32, #tpu.memory_space<vmem>>) target(%dma_start3A_196 : memref<5128x128xf32, #tpu.memory_space<vmem_shared>>) offsets(%dma_start3A_193 : memref<80xi32, #tpu.memory_space<vmem>>) semaphore(%run_scoped3A_190 : memref<!tpu.dma_semaphore, #tpu.memory_space<semaphore_mem>>) {add = true}
        %dma_wait3A_197 = arith.constant 0 : i32
        %dma_wait3A_198 = tpu.memref_slice %arg7[%add3A_189, %dma_wait3A_197] : memref<127x80xi32, #tpu.memory_space<vmem>> -> memref<1x80xi32, #tpu.memory_space<vmem>>
        %dma_wait3A_199 = tpu.memref_squeeze %dma_wait3A_198 : memref<1x80xi32, #tpu.memory_space<vmem>> -> memref<80xi32, #tpu.memory_space<vmem>>
        %dma_wait3A_200 = arith.constant 0 : i32
        %dma_wait3A_201 = arith.constant 0 : i32
        %dma_wait3A_202 = tpu.memref_slice %arg11[%dma_wait3A_200, %dma_wait3A_201] : memref<5128x128xf32, #tpu.memory_space<vmem_shared>> -> memref<5128x128xf32, #tpu.memory_space<vmem_shared>>
        tpu.wait_indirect_dma semaphore(%run_scoped3A_190 : memref<!tpu.dma_semaphore, #tpu.memory_space<semaphore_mem>>) src(%arg10 : memref<80x128xf32, #tpu.memory_space<vmem>>) dst(%dma_wait3A_202 : memref<5128x128xf32, #tpu.memory_space<vmem_shared>>)
        tpu.yield
      }) : () -> ()
    }
    %while3A_60 = arith.constant 1 : i32
    scf.for %while3A_153 = %while3A_58 to %while3A_54 step %while3A_60  : i32 {
      %mul3A_154 = arith.muli %while3A_153, %while3A : i32
      %add3A_155 = arith.addi %while3A_51, %mul3A_154 : i32
      %mul3A_156 = arith.constant 2 : i32
      %mul3A_157 = arith.muli %add3A_155, %mul3A_156 : i32
      %add3A_158 = arith.constant 1 : i32
      %add3A_159 = arith.addi %mul3A_157, %add3A_158 : i32
      %dma_start3A_160 = arith.constant 0 : i32
      %dma_start3A_161 = tpu.memref_slice %arg6[%add3A_159, %dma_start3A_160] : memref<127x80xi32, #tpu.memory_space<vmem>> -> memref<1x80xi32, #tpu.memory_space<vmem>>
      %dma_start3A_162 = tpu.memref_squeeze %dma_start3A_161 : memref<1x80xi32, #tpu.memory_space<vmem>> -> memref<80xi32, #tpu.memory_space<vmem>>
      %dma_start3A_163 = arith.constant 0 : i32
      %dma_start3A_164 = arith.constant 0 : i32
      %dma_start3A_165 = tpu.memref_slice %arg2[%dma_start3A_163, %dma_start3A_164] : memref<10240x128xf32, #tpu.memory_space<hbm>> -> memref<10240x128xf32, #tpu.memory_space<hbm>>
      tpu.enqueue_indirect_dma source(%dma_start3A_165 : memref<10240x128xf32, #tpu.memory_space<hbm>>) target(%arg10 : memref<80x128xf32, #tpu.memory_space<vmem>>) offsets(%dma_start3A_162 : memref<80xi32, #tpu.memory_space<vmem>>) semaphore(%arg13 : memref<!tpu.dma_semaphore, #tpu.memory_space<semaphore_mem>>)
      %dma_wait3A_166 = arith.constant 0 : i32
      %dma_wait3A_167 = tpu.memref_slice %arg6[%mul3A_157, %dma_wait3A_166] : memref<127x80xi32, #tpu.memory_space<vmem>> -> memref<1x80xi32, #tpu.memory_space<vmem>>
      %dma_wait3A_168 = tpu.memref_squeeze %dma_wait3A_167 : memref<1x80xi32, #tpu.memory_space<vmem>> -> memref<80xi32, #tpu.memory_space<vmem>>
      %dma_wait3A_169 = arith.constant 0 : i32
      %dma_wait3A_170 = arith.constant 0 : i32
      %dma_wait3A_171 = tpu.memref_slice %arg2[%dma_wait3A_169, %dma_wait3A_170] : memref<10240x128xf32, #tpu.memory_space<hbm>> -> memref<10240x128xf32, #tpu.memory_space<hbm>>
      tpu.wait_indirect_dma semaphore(%arg12 : memref<!tpu.dma_semaphore, #tpu.memory_space<semaphore_mem>>) src(%dma_wait3A_171 : memref<10240x128xf32, #tpu.memory_space<hbm>>) dst(%arg9 : memref<80x128xf32, #tpu.memory_space<vmem>>)
      "tpu.region"() ({
        %run_scoped3A_190 = tpu.sem_alloc : memref<!tpu.dma_semaphore, #tpu.memory_space<semaphore_mem>>
        %dma_start3A_191 = arith.constant 0 : i32
        %dma_start3A_192 = tpu.memref_slice %arg7[%mul3A_157, %dma_start3A_191] : memref<127x80xi32, #tpu.memory_space<vmem>> -> memref<1x80xi32, #tpu.memory_space<vmem>>
        %dma_start3A_193 = tpu.memref_squeeze %dma_start3A_192 : memref<1x80xi32, #tpu.memory_space<vmem>> -> memref<80xi32, #tpu.memory_space<vmem>>
        %dma_start3A_194 = arith.constant 0 : i32
        %dma_start3A_195 = arith.constant 0 : i32
        %dma_start3A_196 = tpu.memref_slice %arg11[%dma_start3A_194, %dma_start3A_195] : memref<5128x128xf32, #tpu.memory_space<vmem_shared>> -> memref<5128x128xf32, #tpu.memory_space<vmem_shared>>
        tpu.enqueue_indirect_dma source(%arg9 : memref<80x128xf32, #tpu.memory_space<vmem>>) target(%dma_start3A_196 : memref<5128x128xf32, #tpu.memory_space<vmem_shared>>) offsets(%dma_start3A_193 : memref<80xi32, #tpu.memory_space<vmem>>) semaphore(%run_scoped3A_190 : memref<!tpu.dma_semaphore, #tpu.memory_space<semaphore_mem>>) {add = true}
        %dma_wait3A_197 = arith.constant 0 : i32
        %dma_wait3A_198 = tpu.memref_slice %arg7[%mul3A_157, %dma_wait3A_197] : memref<127x80xi32, #tpu.memory_space<vmem>> -> memref<1x80xi32, #tpu.memory_space<vmem>>
        %dma_wait3A_199 = tpu.memref_squeeze %dma_wait3A_198 : memref<1x80xi32, #tpu.memory_space<vmem>> -> memref<80xi32, #tpu.memory_space<vmem>>
        %dma_wait3A_200 = arith.constant 0 : i32
        %dma_wait3A_201 = arith.constant 0 : i32
        %dma_wait3A_202 = tpu.memref_slice %arg11[%dma_wait3A_200, %dma_wait3A_201] : memref<5128x128xf32, #tpu.memory_space<vmem_shared>> -> memref<5128x128xf32, #tpu.memory_space<vmem_shared>>
        tpu.wait_indirect_dma semaphore(%run_scoped3A_190 : memref<!tpu.dma_semaphore, #tpu.memory_space<semaphore_mem>>) src(%arg9 : memref<80x128xf32, #tpu.memory_space<vmem>>) dst(%dma_wait3A_202 : memref<5128x128xf32, #tpu.memory_space<vmem_shared>>)
        tpu.yield
      }) : () -> ()
      %add3A_172 = arith.constant 2 : i32
      %add3A_173 = arith.addi %mul3A_157, %add3A_172 : i32
      %dma_start3A_174 = arith.constant 0 : i32
      %dma_start3A_175 = tpu.memref_slice %arg6[%add3A_173, %dma_start3A_174] : memref<127x80xi32, #tpu.memory_space<vmem>> -> memref<1x80xi32, #tpu.memory_space<vmem>>
      %dma_start3A_176 = tpu.memref_squeeze %dma_start3A_175 : memref<1x80xi32, #tpu.memory_space<vmem>> -> memref<80xi32, #tpu.memory_space<vmem>>
      %dma_start3A_177 = arith.constant 0 : i32
      %dma_start3A_178 = arith.constant 0 : i32
      %dma_start3A_179 = tpu.memref_slice %arg2[%dma_start3A_177, %dma_start3A_178] : memref<10240x128xf32, #tpu.memory_space<hbm>> -> memref<10240x128xf32, #tpu.memory_space<hbm>>
      tpu.enqueue_indirect_dma source(%dma_start3A_179 : memref<10240x128xf32, #tpu.memory_space<hbm>>) target(%arg9 : memref<80x128xf32, #tpu.memory_space<vmem>>) offsets(%dma_start3A_176 : memref<80xi32, #tpu.memory_space<vmem>>) semaphore(%arg12 : memref<!tpu.dma_semaphore, #tpu.memory_space<semaphore_mem>>)
      %add3A_180 = arith.constant 1 : i32
      %add3A_181 = arith.addi %mul3A_157, %add3A_180 : i32
      %dma_wait3A_182 = arith.constant 0 : i32
      %dma_wait3A_183 = tpu.memref_slice %arg6[%add3A_181, %dma_wait3A_182] : memref<127x80xi32, #tpu.memory_space<vmem>> -> memref<1x80xi32, #tpu.memory_space<vmem>>
      %dma_wait3A_184 = tpu.memref_squeeze %dma_wait3A_183 : memref<1x80xi32, #tpu.memory_space<vmem>> -> memref<80xi32, #tpu.memory_space<vmem>>
      %dma_wait3A_185 = arith.constant 0 : i32
      %dma_wait3A_186 = arith.constant 0 : i32
      %dma_wait3A_187 = tpu.memref_slice %arg2[%dma_wait3A_185, %dma_wait3A_186] : memref<10240x128xf32, #tpu.memory_space<hbm>> -> memref<10240x128xf32, #tpu.memory_space<hbm>>
      tpu.wait_indirect_dma semaphore(%arg13 : memref<!tpu.dma_semaphore, #tpu.memory_space<semaphore_mem>>) src(%dma_wait3A_187 : memref<10240x128xf32, #tpu.memory_space<hbm>>) dst(%arg10 : memref<80x128xf32, #tpu.memory_space<vmem>>)
      %add3A_188 = arith.constant 1 : i32
      %add3A_189 = arith.addi %mul3A_157, %add3A_188 : i32
      "tpu.region"() ({
        %run_scoped3A_190 = tpu.sem_alloc : memref<!tpu.dma_semaphore, #tpu.memory_space<semaphore_mem>>
        %dma_start3A_191 = arith.constant 0 : i32
        %dma_start3A_192 = tpu.memref_slice %arg7[%add3A_189, %dma_start3A_191] : memref<127x80xi32, #tpu.memory_space<vmem>> -> memref<1x80xi32, #tpu.memory_space<vmem>>
        %dma_start3A_193 = tpu.memref_squeeze %dma_start3A_192 : memref<1x80xi32, #tpu.memory_space<vmem>> -> memref<80xi32, #tpu.memory_space<vmem>>
        %dma_start3A_194 = arith.constant 0 : i32
        %dma_start3A_195 = arith.constant 0 : i32
        %dma_start3A_196 = tpu.memref_slice %arg11[%dma_start3A_194, %dma_start3A_195] : memref<5128x128xf32, #tpu.memory_space<vmem_shared>> -> memref<5128x128xf32, #tpu.memory_space<vmem_shared>>
        tpu.enqueue_indirect_dma source(%arg10 : memref<80x128xf32, #tpu.memory_space<vmem>>) target(%dma_start3A_196 : memref<5128x128xf32, #tpu.memory_space<vmem_shared>>) offsets(%dma_start3A_193 : memref<80xi32, #tpu.memory_space<vmem>>) semaphore(%run_scoped3A_190 : memref<!tpu.dma_semaphore, #tpu.memory_space<semaphore_mem>>) {add = true}
        %dma_wait3A_197 = arith.constant 0 : i32
        %dma_wait3A_198 = tpu.memref_slice %arg7[%add3A_189, %dma_wait3A_197] : memref<127x80xi32, #tpu.memory_space<vmem>> -> memref<1x80xi32, #tpu.memory_space<vmem>>
        %dma_wait3A_199 = tpu.memref_squeeze %dma_wait3A_198 : memref<1x80xi32, #tpu.memory_space<vmem>> -> memref<80xi32, #tpu.memory_space<vmem>>
        %dma_wait3A_200 = arith.constant 0 : i32
        %dma_wait3A_201 = arith.constant 0 : i32
        %dma_wait3A_202 = tpu.memref_slice %arg11[%dma_wait3A_200, %dma_wait3A_201] : memref<5128x128xf32, #tpu.memory_space<vmem_shared>> -> memref<5128x128xf32, #tpu.memory_space<vmem_shared>>
        tpu.wait_indirect_dma semaphore(%run_scoped3A_190 : memref<!tpu.dma_semaphore, #tpu.memory_space<semaphore_mem>>) src(%arg10 : memref<80x128xf32, #tpu.memory_space<vmem>>) dst(%dma_wait3A_202 : memref<5128x128xf32, #tpu.memory_space<vmem_shared>>)
        tpu.yield
      }) : () -> ()
    }
    %dma_wait3A = arith.constant 0 : i32
    %dma_wait3A_61 = arith.constant 0 : i32
    %dma_wait3A_62 = tpu.memref_slice %arg6[%dma_wait3A, %dma_wait3A_61] : memref<127x80xi32, #tpu.memory_space<vmem>> -> memref<1x80xi32, #tpu.memory_space<vmem>>
    %dma_wait3A_63 = tpu.memref_squeeze %dma_wait3A_62 : memref<1x80xi32, #tpu.memory_space<vmem>> -> memref<80xi32, #tpu.memory_space<vmem>>
    %dma_wait3A_64 = arith.constant 0 : i32
    %dma_wait3A_65 = arith.constant 0 : i32
    %dma_wait3A_66 = tpu.memref_slice %arg2[%dma_wait3A_64, %dma_wait3A_65] : memref<10240x128xf32, #tpu.memory_space<hbm>> -> memref<10240x128xf32, #tpu.memory_space<hbm>>
    tpu.wait_indirect_dma semaphore(%arg12 : memref<!tpu.dma_semaphore, #tpu.memory_space<semaphore_mem>>) src(%dma_wait3A_66 : memref<10240x128xf32, #tpu.memory_space<hbm>>) dst(%arg9 : memref<80x128xf32, #tpu.memory_space<vmem>>)
    %barrier3A_67 = arith.constant 0 : index
    tpu.barrier barrier_id(%barrier3A_67)
    "tpu.region"() ({
      %run_scoped3A_153 = tpu.sem_alloc : memref<!tpu.dma_semaphore, #tpu.memory_space<semaphore_mem>>
      %dma_start3A_154 = arith.constant 0 : i32
      %dma_start3A_155 = tpu.memref_slice %arg5[%arg0, %multiple_of3A_16, %dma_start3A_154] : memref<2x10240x128xf32, #tpu.memory_space<hbm>> -> memref<1x320x128xf32, #tpu.memory_space<hbm>>
      %dma_start3A_156 = tpu.memref_squeeze %dma_start3A_155 : memref<1x320x128xf32, #tpu.memory_space<hbm>> -> memref<320x128xf32, #tpu.memory_space<hbm>>
      %dma_start3A_157 = arith.constant 0 : i32
      %dma_start3A_158 = tpu.memref_slice %arg11[%multiple_of3A, %dma_start3A_157] : memref<5128x128xf32, #tpu.memory_space<vmem_shared>> -> memref<320x128xf32, #tpu.memory_space<vmem_shared>>
      tpu.enqueue_dma source(%dma_start3A_158 : memref<320x128xf32, #tpu.memory_space<vmem_shared>>) target(%dma_start3A_156 : memref<320x128xf32, #tpu.memory_space<hbm>>) target_semaphore(%run_scoped3A_153 : memref<!tpu.dma_semaphore, #tpu.memory_space<semaphore_mem>>)
      %dma_wait3A_159 = arith.constant 0 : i32
      %dma_wait3A_160 = tpu.memref_slice %arg5[%arg0, %multiple_of3A_16, %dma_wait3A_159] : memref<2x10240x128xf32, #tpu.memory_space<hbm>> -> memref<1x320x128xf32, #tpu.memory_space<hbm>>
      %dma_wait3A_161 = tpu.memref_squeeze %dma_wait3A_160 : memref<1x320x128xf32, #tpu.memory_space<hbm>> -> memref<320x128xf32, #tpu.memory_space<hbm>>
      %dma_wait3A_162 = arith.constant 0 : i32
      %dma_wait3A_163 = tpu.memref_slice %arg11[%multiple_of3A, %dma_wait3A_162] : memref<5128x128xf32, #tpu.memory_space<vmem_shared>> -> memref<320x128xf32, #tpu.memory_space<vmem_shared>>
      tpu.wait_dma2 semaphore(%run_scoped3A_153 : memref<!tpu.dma_semaphore, #tpu.memory_space<semaphore_mem>>) src(%dma_wait3A_163 : memref<320x128xf32, #tpu.memory_space<vmem_shared>>) dst(%dma_wait3A_161 : memref<320x128xf32, #tpu.memory_space<hbm>>)
      tpu.yield
    }) : () -> ()
    %barrier3A_68 = arith.constant 0 : index
    tpu.barrier barrier_id(%barrier3A_68)
    %run_scoped3A_69 = arith.constant 1 : i32
    %run_scoped3A_70 = arith.constant 0 : i32
    "tpu.region"() ({
      %run_scoped3A_153 = tpu.sem_alloc : memref<!tpu.dma_semaphore, #tpu.memory_space<semaphore_mem>>
      %dma_start3A_154 = arith.constant 0 : i32
      %dma_start3A_155 = arith.constant 0 : i32
      %dma_start3A_156 = tpu.memref_slice %arg3[%run_scoped3A_69, %run_scoped3A_70, %add3A, %dma_start3A_154, %dma_start3A_155] : memref<2x2x32x127x80xi32, #tpu.memory_space<hbm>> -> memref<1x1x1x127x80xi32, #tpu.memory_space<hbm>>
      %dma_start3A_157 = tpu.memref_squeeze %dma_start3A_156 : memref<1x1x1x127x80xi32, #tpu.memory_space<hbm>> -> memref<127x80xi32, #tpu.memory_space<hbm>>
      %dma_start3A_158 = arith.constant 0 : i32
      %dma_start3A_159 = arith.constant 0 : i32
      %dma_start3A_160 = tpu.memref_slice %arg3[%run_scoped3A_69, %run_scoped3A_70, %add3A, %dma_start3A_158, %dma_start3A_159] : memref<2x2x32x127x80xi32, #tpu.memory_space<hbm>> -> memref<1x1x1x127x80xi32, #tpu.memory_space<hbm>>
      %dma_start3A_161 = tpu.memref_squeeze %dma_start3A_160 : memref<1x1x1x127x80xi32, #tpu.memory_space<hbm>> -> memref<127x80xi32, #tpu.memory_space<hbm>>
      tpu.enqueue_dma source(%dma_start3A_161 : memref<127x80xi32, #tpu.memory_space<hbm>>) target(%arg6 : memref<127x80xi32, #tpu.memory_space<vmem>>) target_semaphore(%run_scoped3A_153 : memref<!tpu.dma_semaphore, #tpu.memory_space<semaphore_mem>>)
      %dma_wait3A_162 = arith.constant 0 : i32
      %dma_wait3A_163 = arith.constant 0 : i32
      %dma_wait3A_164 = tpu.memref_slice %arg3[%run_scoped3A_69, %run_scoped3A_70, %add3A, %dma_wait3A_162, %dma_wait3A_163] : memref<2x2x32x127x80xi32, #tpu.memory_space<hbm>> -> memref<1x1x1x127x80xi32, #tpu.memory_space<hbm>>
      %dma_wait3A_165 = tpu.memref_squeeze %dma_wait3A_164 : memref<1x1x1x127x80xi32, #tpu.memory_space<hbm>> -> memref<127x80xi32, #tpu.memory_space<hbm>>
      %dma_wait3A_166 = arith.constant 0 : i32
      %dma_wait3A_167 = arith.constant 0 : i32
      %dma_wait3A_168 = tpu.memref_slice %arg3[%run_scoped3A_69, %run_scoped3A_70, %add3A, %dma_wait3A_166, %dma_wait3A_167] : memref<2x2x32x127x80xi32, #tpu.memory_space<hbm>> -> memref<1x1x1x127x80xi32, #tpu.memory_space<hbm>>
      %dma_wait3A_169 = tpu.memref_squeeze %dma_wait3A_168 : memref<1x1x1x127x80xi32, #tpu.memory_space<hbm>> -> memref<127x80xi32, #tpu.memory_space<hbm>>
      tpu.wait_dma2 semaphore(%run_scoped3A_153 : memref<!tpu.dma_semaphore, #tpu.memory_space<semaphore_mem>>) src(%dma_wait3A_169 : memref<127x80xi32, #tpu.memory_space<hbm>>) dst(%arg6 : memref<127x80xi32, #tpu.memory_space<vmem>>)
      tpu.yield
    }) : () -> ()
    %run_scoped3A_71 = arith.constant 1 : i32
    %run_scoped3A_72 = arith.constant 1 : i32
    "tpu.region"() ({
      %run_scoped3A_153 = tpu.sem_alloc : memref<!tpu.dma_semaphore, #tpu.memory_space<semaphore_mem>>
      %dma_start3A_154 = arith.constant 0 : i32
      %dma_start3A_155 = arith.constant 0 : i32
      %dma_start3A_156 = tpu.memref_slice %arg3[%run_scoped3A_71, %run_scoped3A_72, %add3A, %dma_start3A_154, %dma_start3A_155] : memref<2x2x32x127x80xi32, #tpu.memory_space<hbm>> -> memref<1x1x1x127x80xi32, #tpu.memory_space<hbm>>
      %dma_start3A_157 = tpu.memref_squeeze %dma_start3A_156 : memref<1x1x1x127x80xi32, #tpu.memory_space<hbm>> -> memref<127x80xi32, #tpu.memory_space<hbm>>
      %dma_start3A_158 = arith.constant 0 : i32
      %dma_start3A_159 = arith.constant 0 : i32
      %dma_start3A_160 = tpu.memref_slice %arg3[%run_scoped3A_71, %run_scoped3A_72, %add3A, %dma_start3A_158, %dma_start3A_159] : memref<2x2x32x127x80xi32, #tpu.memory_space<hbm>> -> memref<1x1x1x127x80xi32, #tpu.memory_space<hbm>>
      %dma_start3A_161 = tpu.memref_squeeze %dma_start3A_160 : memref<1x1x1x127x80xi32, #tpu.memory_space<hbm>> -> memref<127x80xi32, #tpu.memory_space<hbm>>
      tpu.enqueue_dma source(%dma_start3A_161 : memref<127x80xi32, #tpu.memory_space<hbm>>) target(%arg7 : memref<127x80xi32, #tpu.memory_space<vmem>>) target_semaphore(%run_scoped3A_153 : memref<!tpu.dma_semaphore, #tpu.memory_space<semaphore_mem>>)
      %dma_wait3A_162 = arith.constant 0 : i32
      %dma_wait3A_163 = arith.constant 0 : i32
      %dma_wait3A_164 = tpu.memref_slice %arg3[%run_scoped3A_71, %run_scoped3A_72, %add3A, %dma_wait3A_162, %dma_wait3A_163] : memref<2x2x32x127x80xi32, #tpu.memory_space<hbm>> -> memref<1x1x1x127x80xi32, #tpu.memory_space<hbm>>
      %dma_wait3A_165 = tpu.memref_squeeze %dma_wait3A_164 : memref<1x1x1x127x80xi32, #tpu.memory_space<hbm>> -> memref<127x80xi32, #tpu.memory_space<hbm>>
      %dma_wait3A_166 = arith.constant 0 : i32
      %dma_wait3A_167 = arith.constant 0 : i32
      %dma_wait3A_168 = tpu.memref_slice %arg3[%run_scoped3A_71, %run_scoped3A_72, %add3A, %dma_wait3A_166, %dma_wait3A_167] : memref<2x2x32x127x80xi32, #tpu.memory_space<hbm>> -> memref<1x1x1x127x80xi32, #tpu.memory_space<hbm>>
      %dma_wait3A_169 = tpu.memref_squeeze %dma_wait3A_168 : memref<1x1x1x127x80xi32, #tpu.memory_space<hbm>> -> memref<127x80xi32, #tpu.memory_space<hbm>>
      tpu.wait_dma2 semaphore(%run_scoped3A_153 : memref<!tpu.dma_semaphore, #tpu.memory_space<semaphore_mem>>) src(%dma_wait3A_169 : memref<127x80xi32, #tpu.memory_space<hbm>>) dst(%arg7 : memref<127x80xi32, #tpu.memory_space<vmem>>)
      tpu.yield
    }) : () -> ()
    %eq3A_73 = arith.constant 1 : i32
    %eq3A_74 = vector.broadcast %eq3A_73 : i32 to vector<16xi32>
    %eq3A_75 = arith.cmpi eq, %iota3A, %eq3A_74 : vector<16xi32>
    %jit3A_76 = arith.constant 0 : i32
    %broadcast_in_dim3A_77 = vector.broadcast %jit3A_76 : i32 to vector<16xi32>
    %select_n3A_78 = arith.select %eq3A_75, %get3A_1, %broadcast_in_dim3A_77 : vector<16xi1>, vector<16xi32>
    %reduce_sum3A_79 = arith.constant true
    %reduce_sum3A_80 = vector.broadcast %reduce_sum3A_79 : i1 to vector<16xi1>
    %reduce_sum3A_81 = tpu.scan <sum>, %select_n3A_78 masked %reduce_sum3A_80 : vector<16xi32>, vector<16xi1> -> vector<16xi32>
    %reduce_sum3A_82 = vector.extract %reduce_sum3A_81[15] : i32 from vector<16xi32>
    %mul3A_83 = arith.constant 320 : i32
    %mul3A_84 = arith.muli %arg1, %mul3A_83 : i32
    %multiple_of3A_85 = tpu.assume_multiple %mul3A_84, 8 : i32
    %mul3A_86 = arith.constant 320 : i32
    %mul3A_87 = arith.muli %arg1, %mul3A_86 : i32
    %add3A_88 = arith.constant 5120 : i32
    %add3A_89 = arith.addi %add3A_88, %mul3A_87 : i32
    %multiple_of3A_90 = tpu.assume_multiple %add3A_89, 8 : i32
    "tpu.region"() ({
      %run_scoped3A_153 = tpu.sem_alloc : memref<!tpu.dma_semaphore, #tpu.memory_space<semaphore_mem>>
      %dma_start3A_154 = arith.constant 0 : i32
      %dma_start3A_155 = tpu.memref_slice %arg11[%multiple_of3A_85, %dma_start3A_154] : memref<5128x128xf32, #tpu.memory_space<vmem_shared>> -> memref<320x128xf32, #tpu.memory_space<vmem_shared>>
      %dma_start3A_156 = arith.constant 0 : i32
      %dma_start3A_157 = tpu.memref_slice %arg2[%multiple_of3A_90, %dma_start3A_156] : memref<10240x128xf32, #tpu.memory_space<hbm>> -> memref<320x128xf32, #tpu.memory_space<hbm>>
      tpu.enqueue_dma source(%dma_start3A_157 : memref<320x128xf32, #tpu.memory_space<hbm>>) target(%dma_start3A_155 : memref<320x128xf32, #tpu.memory_space<vmem_shared>>) target_semaphore(%run_scoped3A_153 : memref<!tpu.dma_semaphore, #tpu.memory_space<semaphore_mem>>)
      %dma_wait3A_158 = arith.constant 0 : i32
      %dma_wait3A_159 = tpu.memref_slice %arg11[%multiple_of3A_85, %dma_wait3A_158] : memref<5128x128xf32, #tpu.memory_space<vmem_shared>> -> memref<320x128xf32, #tpu.memory_space<vmem_shared>>
      %dma_wait3A_160 = arith.constant 0 : i32
      %dma_wait3A_161 = tpu.memref_slice %arg2[%multiple_of3A_90, %dma_wait3A_160] : memref<10240x128xf32, #tpu.memory_space<hbm>> -> memref<320x128xf32, #tpu.memory_space<hbm>>
      tpu.wait_dma2 semaphore(%run_scoped3A_153 : memref<!tpu.dma_semaphore, #tpu.memory_space<semaphore_mem>>) src(%dma_wait3A_161 : memref<320x128xf32, #tpu.memory_space<hbm>>) dst(%dma_wait3A_159 : memref<320x128xf32, #tpu.memory_space<vmem_shared>>)
      tpu.yield
    }) : () -> ()
    %barrier3A_91 = arith.constant 0 : index
    tpu.barrier barrier_id(%barrier3A_91)
    %dma_start3A_92 = arith.constant 0 : i32
    %dma_start3A_93 = arith.constant 0 : i32
    %dma_start3A_94 = tpu.memref_slice %arg6[%dma_start3A_92, %dma_start3A_93] : memref<127x80xi32, #tpu.memory_space<vmem>> -> memref<1x80xi32, #tpu.memory_space<vmem>>
    %dma_start3A_95 = tpu.memref_squeeze %dma_start3A_94 : memref<1x80xi32, #tpu.memory_space<vmem>> -> memref<80xi32, #tpu.memory_space<vmem>>
    %dma_start3A_96 = arith.constant 0 : i32
    %dma_start3A_97 = arith.constant 0 : i32
    %dma_start3A_98 = tpu.memref_slice %arg2[%dma_start3A_96, %dma_start3A_97] : memref<10240x128xf32, #tpu.memory_space<hbm>> -> memref<10240x128xf32, #tpu.memory_space<hbm>>
    tpu.enqueue_indirect_dma source(%dma_start3A_98 : memref<10240x128xf32, #tpu.memory_space<hbm>>) target(%arg9 : memref<80x128xf32, #tpu.memory_space<vmem>>) offsets(%dma_start3A_95 : memref<80xi32, #tpu.memory_space<vmem>>) semaphore(%arg12 : memref<!tpu.dma_semaphore, #tpu.memory_space<semaphore_mem>>)
    %add3A_99 = arith.constant 1 : i32
    %add3A_100 = arith.addi %reduce_sum3A_82, %add3A_99 : i32
    %jit3A_101 = arith.constant 2 : i32
    %div3A_102 = arith.divsi %add3A_100, %jit3A_101 : i32
    %sign3A_103 = arith.constant 0 : i32
    %sign3A_104 = arith.cmpi sgt, %add3A_100, %sign3A_103 : i32
    %sign3A_105 = arith.extui %sign3A_104 : i1 to i32
    %sign3A_106 = arith.constant 0 : i32
    %sign3A_107 = arith.cmpi slt, %add3A_100, %sign3A_106 : i32
    %sign3A_108 = arith.extui %sign3A_107 : i1 to i32
    %sign3A_109 = arith.subi %sign3A_105, %sign3A_108 : i32
    %sign3A_110 = arith.constant 0 : i32
    %sign3A_111 = arith.cmpi sgt, %jit3A_101, %sign3A_110 : i32
    %sign3A_112 = arith.extui %sign3A_111 : i1 to i32
    %sign3A_113 = arith.constant 0 : i32
    %sign3A_114 = arith.cmpi slt, %jit3A_101, %sign3A_113 : i32
    %sign3A_115 = arith.extui %sign3A_114 : i1 to i32
    %sign3A_116 = arith.subi %sign3A_112, %sign3A_115 : i32
    %ne3A_117 = arith.cmpi ne, %sign3A_109, %sign3A_116 : i32
    %rem3A_118 = arith.remsi %add3A_100, %jit3A_101 : i32
    %ne3A_119 = arith.constant 0 : i32
    %ne3A_120 = arith.cmpi ne, %rem3A_118, %ne3A_119 : i32
    %and3A_121 = arith.andi %ne3A_117, %ne3A_120 : i1
    %sub3A_122 = arith.constant 1 : i32
    %sub3A_123 = arith.subi %div3A_102, %sub3A_122 : i32
    %select_n3A_124 = arith.select %and3A_121, %sub3A_123, %div3A_102 : i32
    %sub3A_125 = arith.constant 0 : i32
    %sub3A_126 = arith.subi %select_n3A_124, %sub3A_125 : i32
    %sub3A_127 = arith.constant 1 : i32
    %sub3A_128 = arith.constant 1 : i32
    %sub3A_129 = arith.subi %sub3A_127, %sub3A_128 : i32
    %add3A_130 = arith.addi %sub3A_126, %sub3A_129 : i32
    %div3A_131 = arith.constant 1 : i32
    %div3A_132 = arith.divsi %add3A_130, %div3A_131 : i32
    %while3A_133 = arith.constant 1 : i32
    %while3A_134 = arith.constant 0 : i32
    %while3A_135 = arith.constant 0 : i32
    %while3A_136 = arith.subi %div3A_132, %while3A_135 : i32
    %while3A_137 = arith.addi %while3A_135, %while3A_136 : i32
    %while3A_138 = arith.constant 1 : i32
    %while3A_139 = arith.divsi %while3A_136, %while3A_138 : i32
    %while3A_140 = arith.muli %while3A_139, %while3A_138 : i32
    %while3A_141 = arith.addi %while3A_135, %while3A_140 : i32
    %while3A_142 = arith.constant 1 : i32
    scf.for %while3A_153 = %while3A_135 to %while3A_141 step %while3A_142  : i32 {
      %mul3A_154 = arith.muli %while3A_153, %while3A_133 : i32
      %add3A_155 = arith.addi %while3A_134, %mul3A_154 : i32
      %mul3A_156 = arith.constant 2 : i32
      %mul3A_157 = arith.muli %add3A_155, %mul3A_156 : i32
      %add3A_158 = arith.constant 1 : i32
      %add3A_159 = arith.addi %mul3A_157, %add3A_158 : i32
      %dma_start3A_160 = arith.constant 0 : i32
      %dma_start3A_161 = tpu.memref_slice %arg6[%add3A_159, %dma_start3A_160] : memref<127x80xi32, #tpu.memory_space<vmem>> -> memref<1x80xi32, #tpu.memory_space<vmem>>
      %dma_start3A_162 = tpu.memref_squeeze %dma_start3A_161 : memref<1x80xi32, #tpu.memory_space<vmem>> -> memref<80xi32, #tpu.memory_space<vmem>>
      %dma_start3A_163 = arith.constant 0 : i32
      %dma_start3A_164 = arith.constant 0 : i32
      %dma_start3A_165 = tpu.memref_slice %arg2[%dma_start3A_163, %dma_start3A_164] : memref<10240x128xf32, #tpu.memory_space<hbm>> -> memref<10240x128xf32, #tpu.memory_space<hbm>>
      tpu.enqueue_indirect_dma source(%dma_start3A_165 : memref<10240x128xf32, #tpu.memory_space<hbm>>) target(%arg10 : memref<80x128xf32, #tpu.memory_space<vmem>>) offsets(%dma_start3A_162 : memref<80xi32, #tpu.memory_space<vmem>>) semaphore(%arg13 : memref<!tpu.dma_semaphore, #tpu.memory_space<semaphore_mem>>)
      %dma_wait3A_166 = arith.constant 0 : i32
      %dma_wait3A_167 = tpu.memref_slice %arg6[%mul3A_157, %dma_wait3A_166] : memref<127x80xi32, #tpu.memory_space<vmem>> -> memref<1x80xi32, #tpu.memory_space<vmem>>
      %dma_wait3A_168 = tpu.memref_squeeze %dma_wait3A_167 : memref<1x80xi32, #tpu.memory_space<vmem>> -> memref<80xi32, #tpu.memory_space<vmem>>
      %dma_wait3A_169 = arith.constant 0 : i32
      %dma_wait3A_170 = arith.constant 0 : i32
      %dma_wait3A_171 = tpu.memref_slice %arg2[%dma_wait3A_169, %dma_wait3A_170] : memref<10240x128xf32, #tpu.memory_space<hbm>> -> memref<10240x128xf32, #tpu.memory_space<hbm>>
      tpu.wait_indirect_dma semaphore(%arg12 : memref<!tpu.dma_semaphore, #tpu.memory_space<semaphore_mem>>) src(%dma_wait3A_171 : memref<10240x128xf32, #tpu.memory_space<hbm>>) dst(%arg9 : memref<80x128xf32, #tpu.memory_space<vmem>>)
      "tpu.region"() ({
        %run_scoped3A_190 = tpu.sem_alloc : memref<!tpu.dma_semaphore, #tpu.memory_space<semaphore_mem>>
        %dma_start3A_191 = arith.constant 0 : i32
        %dma_start3A_192 = tpu.memref_slice %arg7[%mul3A_157, %dma_start3A_191] : memref<127x80xi32, #tpu.memory_space<vmem>> -> memref<1x80xi32, #tpu.memory_space<vmem>>
        %dma_start3A_193 = tpu.memref_squeeze %dma_start3A_192 : memref<1x80xi32, #tpu.memory_space<vmem>> -> memref<80xi32, #tpu.memory_space<vmem>>
        %dma_start3A_194 = arith.constant 0 : i32
        %dma_start3A_195 = arith.constant 0 : i32
        %dma_start3A_196 = tpu.memref_slice %arg11[%dma_start3A_194, %dma_start3A_195] : memref<5128x128xf32, #tpu.memory_space<vmem_shared>> -> memref<5128x128xf32, #tpu.memory_space<vmem_shared>>
        tpu.enqueue_indirect_dma source(%arg9 : memref<80x128xf32, #tpu.memory_space<vmem>>) target(%dma_start3A_196 : memref<5128x128xf32, #tpu.memory_space<vmem_shared>>) offsets(%dma_start3A_193 : memref<80xi32, #tpu.memory_space<vmem>>) semaphore(%run_scoped3A_190 : memref<!tpu.dma_semaphore, #tpu.memory_space<semaphore_mem>>) {add = true}
        %dma_wait3A_197 = arith.constant 0 : i32
        %dma_wait3A_198 = tpu.memref_slice %arg7[%mul3A_157, %dma_wait3A_197] : memref<127x80xi32, #tpu.memory_space<vmem>> -> memref<1x80xi32, #tpu.memory_space<vmem>>
        %dma_wait3A_199 = tpu.memref_squeeze %dma_wait3A_198 : memref<1x80xi32, #tpu.memory_space<vmem>> -> memref<80xi32, #tpu.memory_space<vmem>>
        %dma_wait3A_200 = arith.constant 0 : i32
        %dma_wait3A_201 = arith.constant 0 : i32
        %dma_wait3A_202 = tpu.memref_slice %arg11[%dma_wait3A_200, %dma_wait3A_201] : memref<5128x128xf32, #tpu.memory_space<vmem_shared>> -> memref<5128x128xf32, #tpu.memory_space<vmem_shared>>
        tpu.wait_indirect_dma semaphore(%run_scoped3A_190 : memref<!tpu.dma_semaphore, #tpu.memory_space<semaphore_mem>>) src(%arg9 : memref<80x128xf32, #tpu.memory_space<vmem>>) dst(%dma_wait3A_202 : memref<5128x128xf32, #tpu.memory_space<vmem_shared>>)
        tpu.yield
      }) : () -> ()
      %add3A_172 = arith.constant 2 : i32
      %add3A_173 = arith.addi %mul3A_157, %add3A_172 : i32
      %dma_start3A_174 = arith.constant 0 : i32
      %dma_start3A_175 = tpu.memref_slice %arg6[%add3A_173, %dma_start3A_174] : memref<127x80xi32, #tpu.memory_space<vmem>> -> memref<1x80xi32, #tpu.memory_space<vmem>>
      %dma_start3A_176 = tpu.memref_squeeze %dma_start3A_175 : memref<1x80xi32, #tpu.memory_space<vmem>> -> memref<80xi32, #tpu.memory_space<vmem>>
      %dma_start3A_177 = arith.constant 0 : i32
      %dma_start3A_178 = arith.constant 0 : i32
      %dma_start3A_179 = tpu.memref_slice %arg2[%dma_start3A_177, %dma_start3A_178] : memref<10240x128xf32, #tpu.memory_space<hbm>> -> memref<10240x128xf32, #tpu.memory_space<hbm>>
      tpu.enqueue_indirect_dma source(%dma_start3A_179 : memref<10240x128xf32, #tpu.memory_space<hbm>>) target(%arg9 : memref<80x128xf32, #tpu.memory_space<vmem>>) offsets(%dma_start3A_176 : memref<80xi32, #tpu.memory_space<vmem>>) semaphore(%arg12 : memref<!tpu.dma_semaphore, #tpu.memory_space<semaphore_mem>>)
      %add3A_180 = arith.constant 1 : i32
      %add3A_181 = arith.addi %mul3A_157, %add3A_180 : i32
      %dma_wait3A_182 = arith.constant 0 : i32
      %dma_wait3A_183 = tpu.memref_slice %arg6[%add3A_181, %dma_wait3A_182] : memref<127x80xi32, #tpu.memory_space<vmem>> -> memref<1x80xi32, #tpu.memory_space<vmem>>
      %dma_wait3A_184 = tpu.memref_squeeze %dma_wait3A_183 : memref<1x80xi32, #tpu.memory_space<vmem>> -> memref<80xi32, #tpu.memory_space<vmem>>
      %dma_wait3A_185 = arith.constant 0 : i32
      %dma_wait3A_186 = arith.constant 0 : i32
      %dma_wait3A_187 = tpu.memref_slice %arg2[%dma_wait3A_185, %dma_wait3A_186] : memref<10240x128xf32, #tpu.memory_space<hbm>> -> memref<10240x128xf32, #tpu.memory_space<hbm>>
      tpu.wait_indirect_dma semaphore(%arg13 : memref<!tpu.dma_semaphore, #tpu.memory_space<semaphore_mem>>) src(%dma_wait3A_187 : memref<10240x128xf32, #tpu.memory_space<hbm>>) dst(%arg10 : memref<80x128xf32, #tpu.memory_space<vmem>>)
      %add3A_188 = arith.constant 1 : i32
      %add3A_189 = arith.addi %mul3A_157, %add3A_188 : i32
      "tpu.region"() ({
        %run_scoped3A_190 = tpu.sem_alloc : memref<!tpu.dma_semaphore, #tpu.memory_space<semaphore_mem>>
        %dma_start3A_191 = arith.constant 0 : i32
        %dma_start3A_192 = tpu.memref_slice %arg7[%add3A_189, %dma_start3A_191] : memref<127x80xi32, #tpu.memory_space<vmem>> -> memref<1x80xi32, #tpu.memory_space<vmem>>
        %dma_start3A_193 = tpu.memref_squeeze %dma_start3A_192 : memref<1x80xi32, #tpu.memory_space<vmem>> -> memref<80xi32, #tpu.memory_space<vmem>>
        %dma_start3A_194 = arith.constant 0 : i32
        %dma_start3A_195 = arith.constant 0 : i32
        %dma_start3A_196 = tpu.memref_slice %arg11[%dma_start3A_194, %dma_start3A_195] : memref<5128x128xf32, #tpu.memory_space<vmem_shared>> -> memref<5128x128xf32, #tpu.memory_space<vmem_shared>>
        tpu.enqueue_indirect_dma source(%arg10 : memref<80x128xf32, #tpu.memory_space<vmem>>) target(%dma_start3A_196 : memref<5128x128xf32, #tpu.memory_space<vmem_shared>>) offsets(%dma_start3A_193 : memref<80xi32, #tpu.memory_space<vmem>>) semaphore(%run_scoped3A_190 : memref<!tpu.dma_semaphore, #tpu.memory_space<semaphore_mem>>) {add = true}
        %dma_wait3A_197 = arith.constant 0 : i32
        %dma_wait3A_198 = tpu.memref_slice %arg7[%add3A_189, %dma_wait3A_197] : memref<127x80xi32, #tpu.memory_space<vmem>> -> memref<1x80xi32, #tpu.memory_space<vmem>>
        %dma_wait3A_199 = tpu.memref_squeeze %dma_wait3A_198 : memref<1x80xi32, #tpu.memory_space<vmem>> -> memref<80xi32, #tpu.memory_space<vmem>>
        %dma_wait3A_200 = arith.constant 0 : i32
        %dma_wait3A_201 = arith.constant 0 : i32
        %dma_wait3A_202 = tpu.memref_slice %arg11[%dma_wait3A_200, %dma_wait3A_201] : memref<5128x128xf32, #tpu.memory_space<vmem_shared>> -> memref<5128x128xf32, #tpu.memory_space<vmem_shared>>
        tpu.wait_indirect_dma semaphore(%run_scoped3A_190 : memref<!tpu.dma_semaphore, #tpu.memory_space<semaphore_mem>>) src(%arg10 : memref<80x128xf32, #tpu.memory_space<vmem>>) dst(%dma_wait3A_202 : memref<5128x128xf32, #tpu.memory_space<vmem_shared>>)
        tpu.yield
      }) : () -> ()
    }
    %while3A_143 = arith.constant 1 : i32
    scf.for %while3A_153 = %while3A_141 to %while3A_137 step %while3A_143  : i32 {
      %mul3A_154 = arith.muli %while3A_153, %while3A_133 : i32
      %add3A_155 = arith.addi %while3A_134, %mul3A_154 : i32
      %mul3A_156 = arith.constant 2 : i32
      %mul3A_157 = arith.muli %add3A_155, %mul3A_156 : i32
      %add3A_158 = arith.constant 1 : i32
      %add3A_159 = arith.addi %mul3A_157, %add3A_158 : i32
      %dma_start3A_160 = arith.constant 0 : i32
      %dma_start3A_161 = tpu.memref_slice %arg6[%add3A_159, %dma_start3A_160] : memref<127x80xi32, #tpu.memory_space<vmem>> -> memref<1x80xi32, #tpu.memory_space<vmem>>
      %dma_start3A_162 = tpu.memref_squeeze %dma_start3A_161 : memref<1x80xi32, #tpu.memory_space<vmem>> -> memref<80xi32, #tpu.memory_space<vmem>>
      %dma_start3A_163 = arith.constant 0 : i32
      %dma_start3A_164 = arith.constant 0 : i32
      %dma_start3A_165 = tpu.memref_slice %arg2[%dma_start3A_163, %dma_start3A_164] : memref<10240x128xf32, #tpu.memory_space<hbm>> -> memref<10240x128xf32, #tpu.memory_space<hbm>>
      tpu.enqueue_indirect_dma source(%dma_start3A_165 : memref<10240x128xf32, #tpu.memory_space<hbm>>) target(%arg10 : memref<80x128xf32, #tpu.memory_space<vmem>>) offsets(%dma_start3A_162 : memref<80xi32, #tpu.memory_space<vmem>>) semaphore(%arg13 : memref<!tpu.dma_semaphore, #tpu.memory_space<semaphore_mem>>)
      %dma_wait3A_166 = arith.constant 0 : i32
      %dma_wait3A_167 = tpu.memref_slice %arg6[%mul3A_157, %dma_wait3A_166] : memref<127x80xi32, #tpu.memory_space<vmem>> -> memref<1x80xi32, #tpu.memory_space<vmem>>
      %dma_wait3A_168 = tpu.memref_squeeze %dma_wait3A_167 : memref<1x80xi32, #tpu.memory_space<vmem>> -> memref<80xi32, #tpu.memory_space<vmem>>
      %dma_wait3A_169 = arith.constant 0 : i32
      %dma_wait3A_170 = arith.constant 0 : i32
      %dma_wait3A_171 = tpu.memref_slice %arg2[%dma_wait3A_169, %dma_wait3A_170] : memref<10240x128xf32, #tpu.memory_space<hbm>> -> memref<10240x128xf32, #tpu.memory_space<hbm>>
      tpu.wait_indirect_dma semaphore(%arg12 : memref<!tpu.dma_semaphore, #tpu.memory_space<semaphore_mem>>) src(%dma_wait3A_171 : memref<10240x128xf32, #tpu.memory_space<hbm>>) dst(%arg9 : memref<80x128xf32, #tpu.memory_space<vmem>>)
      "tpu.region"() ({
        %run_scoped3A_190 = tpu.sem_alloc : memref<!tpu.dma_semaphore, #tpu.memory_space<semaphore_mem>>
        %dma_start3A_191 = arith.constant 0 : i32
        %dma_start3A_192 = tpu.memref_slice %arg7[%mul3A_157, %dma_start3A_191] : memref<127x80xi32, #tpu.memory_space<vmem>> -> memref<1x80xi32, #tpu.memory_space<vmem>>
        %dma_start3A_193 = tpu.memref_squeeze %dma_start3A_192 : memref<1x80xi32, #tpu.memory_space<vmem>> -> memref<80xi32, #tpu.memory_space<vmem>>
        %dma_start3A_194 = arith.constant 0 : i32
        %dma_start3A_195 = arith.constant 0 : i32
        %dma_start3A_196 = tpu.memref_slice %arg11[%dma_start3A_194, %dma_start3A_195] : memref<5128x128xf32, #tpu.memory_space<vmem_shared>> -> memref<5128x128xf32, #tpu.memory_space<vmem_shared>>
        tpu.enqueue_indirect_dma source(%arg9 : memref<80x128xf32, #tpu.memory_space<vmem>>) target(%dma_start3A_196 : memref<5128x128xf32, #tpu.memory_space<vmem_shared>>) offsets(%dma_start3A_193 : memref<80xi32, #tpu.memory_space<vmem>>) semaphore(%run_scoped3A_190 : memref<!tpu.dma_semaphore, #tpu.memory_space<semaphore_mem>>) {add = true}
        %dma_wait3A_197 = arith.constant 0 : i32
        %dma_wait3A_198 = tpu.memref_slice %arg7[%mul3A_157, %dma_wait3A_197] : memref<127x80xi32, #tpu.memory_space<vmem>> -> memref<1x80xi32, #tpu.memory_space<vmem>>
        %dma_wait3A_199 = tpu.memref_squeeze %dma_wait3A_198 : memref<1x80xi32, #tpu.memory_space<vmem>> -> memref<80xi32, #tpu.memory_space<vmem>>
        %dma_wait3A_200 = arith.constant 0 : i32
        %dma_wait3A_201 = arith.constant 0 : i32
        %dma_wait3A_202 = tpu.memref_slice %arg11[%dma_wait3A_200, %dma_wait3A_201] : memref<5128x128xf32, #tpu.memory_space<vmem_shared>> -> memref<5128x128xf32, #tpu.memory_space<vmem_shared>>
        tpu.wait_indirect_dma semaphore(%run_scoped3A_190 : memref<!tpu.dma_semaphore, #tpu.memory_space<semaphore_mem>>) src(%arg9 : memref<80x128xf32, #tpu.memory_space<vmem>>) dst(%dma_wait3A_202 : memref<5128x128xf32, #tpu.memory_space<vmem_shared>>)
        tpu.yield
      }) : () -> ()
      %add3A_172 = arith.constant 2 : i32
      %add3A_173 = arith.addi %mul3A_157, %add3A_172 : i32
      %dma_start3A_174 = arith.constant 0 : i32
      %dma_start3A_175 = tpu.memref_slice %arg6[%add3A_173, %dma_start3A_174] : memref<127x80xi32, #tpu.memory_space<vmem>> -> memref<1x80xi32, #tpu.memory_space<vmem>>
      %dma_start3A_176 = tpu.memref_squeeze %dma_start3A_175 : memref<1x80xi32, #tpu.memory_space<vmem>> -> memref<80xi32, #tpu.memory_space<vmem>>
      %dma_start3A_177 = arith.constant 0 : i32
      %dma_start3A_178 = arith.constant 0 : i32
      %dma_start3A_179 = tpu.memref_slice %arg2[%dma_start3A_177, %dma_start3A_178] : memref<10240x128xf32, #tpu.memory_space<hbm>> -> memref<10240x128xf32, #tpu.memory_space<hbm>>
      tpu.enqueue_indirect_dma source(%dma_start3A_179 : memref<10240x128xf32, #tpu.memory_space<hbm>>) target(%arg9 : memref<80x128xf32, #tpu.memory_space<vmem>>) offsets(%dma_start3A_176 : memref<80xi32, #tpu.memory_space<vmem>>) semaphore(%arg12 : memref<!tpu.dma_semaphore, #tpu.memory_space<semaphore_mem>>)
      %add3A_180 = arith.constant 1 : i32
      %add3A_181 = arith.addi %mul3A_157, %add3A_180 : i32
      %dma_wait3A_182 = arith.constant 0 : i32
      %dma_wait3A_183 = tpu.memref_slice %arg6[%add3A_181, %dma_wait3A_182] : memref<127x80xi32, #tpu.memory_space<vmem>> -> memref<1x80xi32, #tpu.memory_space<vmem>>
      %dma_wait3A_184 = tpu.memref_squeeze %dma_wait3A_183 : memref<1x80xi32, #tpu.memory_space<vmem>> -> memref<80xi32, #tpu.memory_space<vmem>>
      %dma_wait3A_185 = arith.constant 0 : i32
      %dma_wait3A_186 = arith.constant 0 : i32
      %dma_wait3A_187 = tpu.memref_slice %arg2[%dma_wait3A_185, %dma_wait3A_186] : memref<10240x128xf32, #tpu.memory_space<hbm>> -> memref<10240x128xf32, #tpu.memory_space<hbm>>
      tpu.wait_indirect_dma semaphore(%arg13 : memref<!tpu.dma_semaphore, #tpu.memory_space<semaphore_mem>>) src(%dma_wait3A_187 : memref<10240x128xf32, #tpu.memory_space<hbm>>) dst(%arg10 : memref<80x128xf32, #tpu.memory_space<vmem>>)
      %add3A_188 = arith.constant 1 : i32
      %add3A_189 = arith.addi %mul3A_157, %add3A_188 : i32
      "tpu.region"() ({
        %run_scoped3A_190 = tpu.sem_alloc : memref<!tpu.dma_semaphore, #tpu.memory_space<semaphore_mem>>
        %dma_start3A_191 = arith.constant 0 : i32
        %dma_start3A_192 = tpu.memref_slice %arg7[%add3A_189, %dma_start3A_191] : memref<127x80xi32, #tpu.memory_space<vmem>> -> memref<1x80xi32, #tpu.memory_space<vmem>>
        %dma_start3A_193 = tpu.memref_squeeze %dma_start3A_192 : memref<1x80xi32, #tpu.memory_space<vmem>> -> memref<80xi32, #tpu.memory_space<vmem>>
        %dma_start3A_194 = arith.constant 0 : i32
        %dma_start3A_195 = arith.constant 0 : i32
        %dma_start3A_196 = tpu.memref_slice %arg11[%dma_start3A_194, %dma_start3A_195] : memref<5128x128xf32, #tpu.memory_space<vmem_shared>> -> memref<5128x128xf32, #tpu.memory_space<vmem_shared>>
        tpu.enqueue_indirect_dma source(%arg10 : memref<80x128xf32, #tpu.memory_space<vmem>>) target(%dma_start3A_196 : memref<5128x128xf32, #tpu.memory_space<vmem_shared>>) offsets(%dma_start3A_193 : memref<80xi32, #tpu.memory_space<vmem>>) semaphore(%run_scoped3A_190 : memref<!tpu.dma_semaphore, #tpu.memory_space<semaphore_mem>>) {add = true}
        %dma_wait3A_197 = arith.constant 0 : i32
        %dma_wait3A_198 = tpu.memref_slice %arg7[%add3A_189, %dma_wait3A_197] : memref<127x80xi32, #tpu.memory_space<vmem>> -> memref<1x80xi32, #tpu.memory_space<vmem>>
        %dma_wait3A_199 = tpu.memref_squeeze %dma_wait3A_198 : memref<1x80xi32, #tpu.memory_space<vmem>> -> memref<80xi32, #tpu.memory_space<vmem>>
        %dma_wait3A_200 = arith.constant 0 : i32
        %dma_wait3A_201 = arith.constant 0 : i32
        %dma_wait3A_202 = tpu.memref_slice %arg11[%dma_wait3A_200, %dma_wait3A_201] : memref<5128x128xf32, #tpu.memory_space<vmem_shared>> -> memref<5128x128xf32, #tpu.memory_space<vmem_shared>>
        tpu.wait_indirect_dma semaphore(%run_scoped3A_190 : memref<!tpu.dma_semaphore, #tpu.memory_space<semaphore_mem>>) src(%arg10 : memref<80x128xf32, #tpu.memory_space<vmem>>) dst(%dma_wait3A_202 : memref<5128x128xf32, #tpu.memory_space<vmem_shared>>)
        tpu.yield
      }) : () -> ()
    }
    %dma_wait3A_144 = arith.constant 0 : i32
    %dma_wait3A_145 = arith.constant 0 : i32
    %dma_wait3A_146 = tpu.memref_slice %arg6[%dma_wait3A_144, %dma_wait3A_145] : memref<127x80xi32, #tpu.memory_space<vmem>> -> memref<1x80xi32, #tpu.memory_space<vmem>>
    %dma_wait3A_147 = tpu.memref_squeeze %dma_wait3A_146 : memref<1x80xi32, #tpu.memory_space<vmem>> -> memref<80xi32, #tpu.memory_space<vmem>>
    %dma_wait3A_148 = arith.constant 0 : i32
    %dma_wait3A_149 = arith.constant 0 : i32
    %dma_wait3A_150 = tpu.memref_slice %arg2[%dma_wait3A_148, %dma_wait3A_149] : memref<10240x128xf32, #tpu.memory_space<hbm>> -> memref<10240x128xf32, #tpu.memory_space<hbm>>
    tpu.wait_indirect_dma semaphore(%arg12 : memref<!tpu.dma_semaphore, #tpu.memory_space<semaphore_mem>>) src(%dma_wait3A_150 : memref<10240x128xf32, #tpu.memory_space<hbm>>) dst(%arg9 : memref<80x128xf32, #tpu.memory_space<vmem>>)
    %barrier3A_151 = arith.constant 0 : index
    tpu.barrier barrier_id(%barrier3A_151)
    "tpu.region"() ({
      %run_scoped3A_153 = tpu.sem_alloc : memref<!tpu.dma_semaphore, #tpu.memory_space<semaphore_mem>>
      %dma_start3A_154 = arith.constant 0 : i32
      %dma_start3A_155 = tpu.memref_slice %arg5[%arg0, %multiple_of3A_90, %dma_start3A_154] : memref<2x10240x128xf32, #tpu.memory_space<hbm>> -> memref<1x320x128xf32, #tpu.memory_space<hbm>>
      %dma_start3A_156 = tpu.memref_squeeze %dma_start3A_155 : memref<1x320x128xf32, #tpu.memory_space<hbm>> -> memref<320x128xf32, #tpu.memory_space<hbm>>
      %dma_start3A_157 = arith.constant 0 : i32
      %dma_start3A_158 = tpu.memref_slice %arg11[%multiple_of3A_85, %dma_start3A_157] : memref<5128x128xf32, #tpu.memory_space<vmem_shared>> -> memref<320x128xf32, #tpu.memory_space<vmem_shared>>
      tpu.enqueue_dma source(%dma_start3A_158 : memref<320x128xf32, #tpu.memory_space<vmem_shared>>) target(%dma_start3A_156 : memref<320x128xf32, #tpu.memory_space<hbm>>) target_semaphore(%run_scoped3A_153 : memref<!tpu.dma_semaphore, #tpu.memory_space<semaphore_mem>>)
      %dma_wait3A_159 = arith.constant 0 : i32
      %dma_wait3A_160 = tpu.memref_slice %arg5[%arg0, %multiple_of3A_90, %dma_wait3A_159] : memref<2x10240x128xf32, #tpu.memory_space<hbm>> -> memref<1x320x128xf32, #tpu.memory_space<hbm>>
      %dma_wait3A_161 = tpu.memref_squeeze %dma_wait3A_160 : memref<1x320x128xf32, #tpu.memory_space<hbm>> -> memref<320x128xf32, #tpu.memory_space<hbm>>
      %dma_wait3A_162 = arith.constant 0 : i32
      %dma_wait3A_163 = tpu.memref_slice %arg11[%multiple_of3A_85, %dma_wait3A_162] : memref<5128x128xf32, #tpu.memory_space<vmem_shared>> -> memref<320x128xf32, #tpu.memory_space<vmem_shared>>
      tpu.wait_dma2 semaphore(%run_scoped3A_153 : memref<!tpu.dma_semaphore, #tpu.memory_space<semaphore_mem>>) src(%dma_wait3A_163 : memref<320x128xf32, #tpu.memory_space<vmem_shared>>) dst(%dma_wait3A_161 : memref<320x128xf32, #tpu.memory_space<hbm>>)
      tpu.yield
    }) : () -> ()
    %barrier3A_152 = arith.constant 0 : index
    tpu.barrier barrier_id(%barrier3A_152)
    return
  }
}

module attributes {stable_mosaic.version = 14 : i64} {
  func.func @body(%arg0: i32, %arg1: memref<640x128xf32, #tpu.memory_space<vmem>>, %arg2: memref<640x128xf32, #tpu.memory_space<vmem>>, %arg3: memref<640x128xf32, #tpu.memory_space<vmem>>, %arg4: memref<128x128xf32, #tpu.memory_space<vmem>>, %arg5: memref<1x128xf32, #tpu.memory_space<vmem>>, %arg6: memref<128x128xf32, #tpu.memory_space<vmem>>, %arg7: memref<1x128xf32, #tpu.memory_space<vmem>>, %arg8: memref<640x128xf32, #tpu.memory_space<vmem>>) attributes {dimension_semantics = [#tpu.dimension_semantics<arbitrary>], iteration_bounds = array<i64: 16>, scalar_prefetch = 0 : i64, scratch_operands = 0 : i64, tpu.core_type = #tpu.core_type<tc>, window_params = [{transform_indices = @transform_0, window_bounds = array<i64: 640, 128>}, {transform_indices = @transform_1, window_bounds = array<i64: 640, 128>}, {transform_indices = @transform_2, window_bounds = array<i64: 640, 128>}, {pipeline_mode = #tpu.pipeline_mode<synchronous>, transform_indices = @transform_3, window_bounds = array<i64: 128, 128>}, {pipeline_mode = #tpu.pipeline_mode<synchronous>, transform_indices = @transform_4, window_bounds = array<i64: 1, 128>}, {pipeline_mode = #tpu.pipeline_mode<synchronous>, transform_indices = @transform_5, window_bounds = array<i64: 128, 128>}, {pipeline_mode = #tpu.pipeline_mode<synchronous>, transform_indices = @transform_6, window_bounds = array<i64: 1, 128>}, {transform_indices = @transform_7, window_bounds = array<i64: 640, 128>}]} {
    %get3A = arith.constant 0 : index
    %get3A_0 = arith.constant 0 : index
    %get3A_1 = vector.load %arg1[%get3A, %get3A_0] : memref<640x128xf32, #tpu.memory_space<vmem>>, vector<640x128xf32>
    %get3A_2 = arith.constant 0 : index
    %get3A_3 = arith.constant 0 : index
    %get3A_4 = vector.load %arg2[%get3A_2, %get3A_3] : memref<640x128xf32, #tpu.memory_space<vmem>>, vector<640x128xf32>
    %add3A = arith.addf %get3A_1, %get3A_4 : vector<640x128xf32>
    %get3A_5 = arith.constant 0 : index
    %get3A_6 = arith.constant 0 : index
    %get3A_7 = vector.load %arg3[%get3A_5, %get3A_6] : memref<640x128xf32, #tpu.memory_space<vmem>>, vector<640x128xf32>
    %sub3A = arith.subf %add3A, %get3A_7 : vector<640x128xf32>
    %get3A_8 = arith.constant 0 : index
    %get3A_9 = arith.constant 0 : index
    %get3A_10 = vector.load %arg4[%get3A_8, %get3A_9] : memref<128x128xf32, #tpu.memory_space<vmem>>, vector<128x128xf32>
    %dot_general3A = arith.constant dense<0.000000e+00> : vector<640x128xf32>
    %dot_general3A_11 = tpu.matmul %sub3A, %get3A_10, %dot_general3A {dimension_numbers = #tpu.dot_dimension_numbers<[1], [0], [0], [1], [0, 0, 1, 1], [], []>, transpose_lhs_hint = false} : vector<640x128xf32>, vector<128x128xf32>, vector<640x128xf32> -> vector<640x128xf32>
    %get3A_12 = arith.constant 0 : index
    %get3A_13 = arith.constant 0 : index
    %get3A_14 = vector.load %arg5[%get3A_12, %get3A_13] : memref<1x128xf32, #tpu.memory_space<vmem>>, vector<1x128xf32>
    %add3A_15 = vector.broadcast %get3A_14 : vector<1x128xf32> to vector<640x128xf32>
    %add3A_16 = arith.addf %dot_general3A_11, %add3A_15 : vector<640x128xf32>
    %max3A = arith.constant 0.000000e+00 : f32
    %max3A_17 = vector.broadcast %max3A : f32 to vector<640x128xf32>
    %max3A_18 = arith.maximumf %add3A_16, %max3A_17 : vector<640x128xf32>
    %get3A_19 = arith.constant 0 : index
    %get3A_20 = arith.constant 0 : index
    %get3A_21 = vector.load %arg6[%get3A_19, %get3A_20] : memref<128x128xf32, #tpu.memory_space<vmem>>, vector<128x128xf32>
    %dot_general3A_22 = arith.constant dense<0.000000e+00> : vector<640x128xf32>
    %dot_general3A_23 = tpu.matmul %max3A_18, %get3A_21, %dot_general3A_22 {dimension_numbers = #tpu.dot_dimension_numbers<[1], [0], [0], [1], [0, 0, 1, 1], [], []>, transpose_lhs_hint = false} : vector<640x128xf32>, vector<128x128xf32>, vector<640x128xf32> -> vector<640x128xf32>
    %get3A_24 = arith.constant 0 : index
    %get3A_25 = arith.constant 0 : index
    %get3A_26 = vector.load %arg7[%get3A_24, %get3A_25] : memref<1x128xf32, #tpu.memory_space<vmem>>, vector<1x128xf32>
    %add3A_27 = vector.broadcast %get3A_26 : vector<1x128xf32> to vector<640x128xf32>
    %add3A_28 = arith.addf %dot_general3A_23, %add3A_27 : vector<640x128xf32>
    %max3A_29 = arith.constant 0.000000e+00 : f32
    %max3A_30 = vector.broadcast %max3A_29 : f32 to vector<640x128xf32>
    %max3A_31 = arith.maximumf %add3A_28, %max3A_30 : vector<640x128xf32>
    %swap3A = arith.constant 0 : index
    %swap3A_32 = arith.constant 0 : index
    %swap3A_33 = vector.load %arg8[%swap3A, %swap3A_32] : memref<640x128xf32, #tpu.memory_space<vmem>>, vector<640x128xf32>
    tpu.vector_store %arg8[%swap3A, %swap3A_32], %max3A_31 {strides = array<i32>} : memref<640x128xf32, #tpu.memory_space<vmem>>, vector<640x128xf32>,
    return
  }
  func.func @transform_0(%arg0: i32) -> (i32, i32) {
    %c0_i32 = arith.constant 0 : i32
    %c0_i32_0 = arith.constant 0 : i32
    return %arg0, %c0_i32 : i32, i32
  }
  func.func @transform_1(%arg0: i32) -> (i32, i32) {
    %c0_i32 = arith.constant 0 : i32
    %c0_i32_0 = arith.constant 0 : i32
    return %arg0, %c0_i32 : i32, i32
  }
  func.func @transform_2(%arg0: i32) -> (i32, i32) {
    %c0_i32 = arith.constant 0 : i32
    %c0_i32_0 = arith.constant 0 : i32
    return %arg0, %c0_i32 : i32, i32
  }
  func.func @transform_3(%arg0: i32) -> (i32, i32) {
    %c0_i32 = arith.constant 0 : i32
    %c0_i32_0 = arith.constant 0 : i32
    %c0_i32_1 = arith.constant 0 : i32
    return %c0_i32, %c0_i32_0 : i32, i32
  }
  func.func @transform_4(%arg0: i32) -> (i32, i32) {
    %c0_i32 = arith.constant 0 : i32
    %c0_i32_0 = arith.constant 0 : i32
    %c0_i32_1 = arith.constant 0 : i32
    return %c0_i32, %c0_i32_0 : i32, i32
  }
  func.func @transform_5(%arg0: i32) -> (i32, i32) {
    %c0_i32 = arith.constant 0 : i32
    %c0_i32_0 = arith.constant 0 : i32
    %c0_i32_1 = arith.constant 0 : i32
    return %c0_i32, %c0_i32_0 : i32, i32
  }
  func.func @transform_6(%arg0: i32) -> (i32, i32) {
    %c0_i32 = arith.constant 0 : i32
    %c0_i32_0 = arith.constant 0 : i32
    %c0_i32_1 = arith.constant 0 : i32
    return %c0_i32, %c0_i32_0 : i32, i32
  }
  func.func @transform_7(%arg0: i32) -> (i32, i32) {
    %c0_i32 = arith.constant 0 : i32
    %c0_i32_0 = arith.constant 0 : i32
    return %arg0, %c0_i32 : i32, i32
  }
}

module attributes {stable_mosaic.version = 14 : i64} {
  func.func @body(%arg0: i32, %arg1: memref<640x128xf32, #tpu.memory_space<vmem>>, %arg2: memref<640x128xf32, #tpu.memory_space<vmem>>, %arg3: memref<640x128xf32, #tpu.memory_space<vmem>>, %arg4: memref<128x128xf32, #tpu.memory_space<vmem>>, %arg5: memref<1x128xf32, #tpu.memory_space<vmem>>, %arg6: memref<128x128xf32, #tpu.memory_space<vmem>>, %arg7: memref<1x128xf32, #tpu.memory_space<vmem>>, %arg8: memref<640x128xf32, #tpu.memory_space<vmem>>) attributes {dimension_semantics = [#tpu.dimension_semantics<arbitrary>], iteration_bounds = array<i64: 16>, scalar_prefetch = 0 : i64, scratch_operands = 0 : i64, tpu.core_type = #tpu.core_type<tc>, window_params = [{transform_indices = @transform_0, window_bounds = array<i64: 640, 128>}, {transform_indices = @transform_1, window_bounds = array<i64: 640, 128>}, {transform_indices = @transform_2, window_bounds = array<i64: 640, 128>}, {pipeline_mode = #tpu.pipeline_mode<synchronous>, transform_indices = @transform_3, window_bounds = array<i64: 128, 128>}, {pipeline_mode = #tpu.pipeline_mode<synchronous>, transform_indices = @transform_4, window_bounds = array<i64: 1, 128>}, {pipeline_mode = #tpu.pipeline_mode<synchronous>, transform_indices = @transform_5, window_bounds = array<i64: 128, 128>}, {pipeline_mode = #tpu.pipeline_mode<synchronous>, transform_indices = @transform_6, window_bounds = array<i64: 1, 128>}, {transform_indices = @transform_7, window_bounds = array<i64: 640, 128>}]} {
    %get3A = arith.constant 0 : index
    %get3A_0 = arith.constant 0 : index
    %get3A_1 = vector.load %arg1[%get3A, %get3A_0] : memref<640x128xf32, #tpu.memory_space<vmem>>, vector<640x128xf32>
    %get3A_2 = arith.constant 0 : index
    %get3A_3 = arith.constant 0 : index
    %get3A_4 = vector.load %arg2[%get3A_2, %get3A_3] : memref<640x128xf32, #tpu.memory_space<vmem>>, vector<640x128xf32>
    %add3A = arith.addf %get3A_1, %get3A_4 : vector<640x128xf32>
    %get3A_5 = arith.constant 0 : index
    %get3A_6 = arith.constant 0 : index
    %get3A_7 = vector.load %arg3[%get3A_5, %get3A_6] : memref<640x128xf32, #tpu.memory_space<vmem>>, vector<640x128xf32>
    %sub3A = arith.subf %add3A, %get3A_7 : vector<640x128xf32>
    %get3A_8 = arith.constant 0 : index
    %get3A_9 = arith.constant 0 : index
    %get3A_10 = vector.load %arg4[%get3A_8, %get3A_9] : memref<128x128xf32, #tpu.memory_space<vmem>>, vector<128x128xf32>
    %dot_general3A = arith.constant dense<0.000000e+00> : vector<640x128xf32>
    %dot_general3A_11 = tpu.matmul %sub3A, %get3A_10, %dot_general3A {dimension_numbers = #tpu.dot_dimension_numbers<[1], [0], [0], [1], [0, 0, 1, 1], [], []>, transpose_lhs_hint = false} : vector<640x128xf32>, vector<128x128xf32>, vector<640x128xf32> -> vector<640x128xf32>
    %get3A_12 = arith.constant 0 : index
    %get3A_13 = arith.constant 0 : index
    %get3A_14 = vector.load %arg5[%get3A_12, %get3A_13] : memref<1x128xf32, #tpu.memory_space<vmem>>, vector<1x128xf32>
    %add3A_15 = vector.broadcast %get3A_14 : vector<1x128xf32> to vector<640x128xf32>
    %add3A_16 = arith.addf %dot_general3A_11, %add3A_15 : vector<640x128xf32>
    %max3A = arith.constant 0.000000e+00 : f32
    %max3A_17 = vector.broadcast %max3A : f32 to vector<640x128xf32>
    %max3A_18 = arith.maximumf %add3A_16, %max3A_17 : vector<640x128xf32>
    %get3A_19 = arith.constant 0 : index
    %get3A_20 = arith.constant 0 : index
    %get3A_21 = vector.load %arg6[%get3A_19, %get3A_20] : memref<128x128xf32, #tpu.memory_space<vmem>>, vector<128x128xf32>
    %dot_general3A_22 = arith.constant dense<0.000000e+00> : vector<640x128xf32>
    %dot_general3A_23 = tpu.matmul %max3A_18, %get3A_21, %dot_general3A_22 {dimension_numbers = #tpu.dot_dimension_numbers<[1], [0], [0], [1], [0, 0, 1, 1], [], []>, transpose_lhs_hint = false} : vector<640x128xf32>, vector<128x128xf32>, vector<640x128xf32> -> vector<640x128xf32>
    %get3A_24 = arith.constant 0 : index
    %get3A_25 = arith.constant 0 : index
    %get3A_26 = vector.load %arg7[%get3A_24, %get3A_25] : memref<1x128xf32, #tpu.memory_space<vmem>>, vector<1x128xf32>
    %add3A_27 = vector.broadcast %get3A_26 : vector<1x128xf32> to vector<640x128xf32>
    %add3A_28 = arith.addf %dot_general3A_23, %add3A_27 : vector<640x128xf32>
    %swap3A = arith.constant 0 : index
    %swap3A_29 = arith.constant 0 : index
    %swap3A_30 = vector.load %arg8[%swap3A, %swap3A_29] : memref<640x128xf32, #tpu.memory_space<vmem>>, vector<640x128xf32>
    tpu.vector_store %arg8[%swap3A, %swap3A_29], %add3A_28 {strides = array<i32>} : memref<640x128xf32, #tpu.memory_space<vmem>>, vector<640x128xf32>,
    return
  }
  func.func @transform_0(%arg0: i32) -> (i32, i32) {
    %c0_i32 = arith.constant 0 : i32
    %c0_i32_0 = arith.constant 0 : i32
    return %arg0, %c0_i32 : i32, i32
  }
  func.func @transform_1(%arg0: i32) -> (i32, i32) {
    %c0_i32 = arith.constant 0 : i32
    %c0_i32_0 = arith.constant 0 : i32
    return %arg0, %c0_i32 : i32, i32
  }
  func.func @transform_2(%arg0: i32) -> (i32, i32) {
    %c0_i32 = arith.constant 0 : i32
    %c0_i32_0 = arith.constant 0 : i32
    return %arg0, %c0_i32 : i32, i32
  }
  func.func @transform_3(%arg0: i32) -> (i32, i32) {
    %c0_i32 = arith.constant 0 : i32
    %c0_i32_0 = arith.constant 0 : i32
    %c0_i32_1 = arith.constant 0 : i32
    return %c0_i32, %c0_i32_0 : i32, i32
  }
  func.func @transform_4(%arg0: i32) -> (i32, i32) {
    %c0_i32 = arith.constant 0 : i32
    %c0_i32_0 = arith.constant 0 : i32
    %c0_i32_1 = arith.constant 0 : i32
    return %c0_i32, %c0_i32_0 : i32, i32
  }
  func.func @transform_5(%arg0: i32) -> (i32, i32) {
    %c0_i32 = arith.constant 0 : i32
    %c0_i32_0 = arith.constant 0 : i32
    %c0_i32_1 = arith.constant 0 : i32
    return %c0_i32, %c0_i32_0 : i32, i32
  }
  func.func @transform_6(%arg0: i32) -> (i32, i32) {
    %c0_i32 = arith.constant 0 : i32
    %c0_i32_0 = arith.constant 0 : i32
    %c0_i32_1 = arith.constant 0 : i32
    return %c0_i32, %c0_i32_0 : i32, i32
  }
  func.func @transform_7(%arg0: i32) -> (i32, i32) {
    %c0_i32 = arith.constant 0 : i32
    %c0_i32_0 = arith.constant 0 : i32
    return %arg0, %c0_i32 : i32, i32
  }
}

module attributes {stable_mosaic.version = 14 : i64} {
  func.func @body(%arg0: memref<10000x128xf32, #tpu.memory_space<vmem>>, %arg1: memref<1x10000xi32, #tpu.memory_space<vmem>>, %arg2: memref<128x10xf32, #tpu.memory_space<vmem>>, %arg3: memref<1x10xf32, #tpu.memory_space<vmem>>, %arg4: memref<64x10xf32, #tpu.memory_space<vmem>>) attributes {dimension_semantics = [], scalar_prefetch = 0 : i64, scratch_operands = 0 : i64, tpu.core_type = #tpu.core_type<tc>} {
    %iota3A = tpu.iota {dimensions = array<i32: 0>} : vector<64x10000xi32>
    %get3A = arith.constant 0 : index
    %get3A_0 = arith.constant 0 : index
    %get3A_1 = vector.load %arg1[%get3A, %get3A_0] : memref<1x10000xi32, #tpu.memory_space<vmem>>, vector<1x10000xi32>
    %eq3A = vector.broadcast %get3A_1 : vector<1x10000xi32> to vector<64x10000xi32>
    %eq3A_2 = arith.cmpi eq, %iota3A, %eq3A : vector<64x10000xi32>
    %convert_element_type3A = arith.extui %eq3A_2 : vector<64x10000xi1> to vector<64x10000xi32>
    %convert_element_type3A_3 = arith.sitofp %convert_element_type3A : vector<64x10000xi32> to vector<64x10000xf32>
    %get3A_4 = arith.constant 0 : index
    %get3A_5 = arith.constant 0 : index
    %get3A_6 = vector.load %arg0[%get3A_4, %get3A_5] : memref<10000x128xf32, #tpu.memory_space<vmem>>, vector<10000x128xf32>
    %dot_general3A = arith.constant dense<0.000000e+00> : vector<64x128xf32>
    %dot_general3A_7 = tpu.matmul %convert_element_type3A_3, %get3A_6, %dot_general3A {dimension_numbers = #tpu.dot_dimension_numbers<[1], [0], [0], [1], [0, 0, 1, 1], [], []>, transpose_lhs_hint = false} : vector<64x10000xf32>, vector<10000x128xf32>, vector<64x128xf32> -> vector<64x128xf32>
    %reduce_sum3A = arith.constant dense<0.000000e+00> : vector<64xf32>
    %reduce_sum3A_8 = vector.multi_reduction <add>, %convert_element_type3A_3, %reduce_sum3A [1] : vector<64x10000xf32> to vector<64xf32>
    %broadcast_in_dim3A = vector.shape_cast %reduce_sum3A_8 : vector<64xf32> to vector<64x1xf32>
    %max3A = arith.constant 1.000000e+00 : f32
    %max3A_9 = vector.broadcast %max3A : f32 to vector<64x1xf32>
    %max3A_10 = arith.maximumf %broadcast_in_dim3A, %max3A_9 : vector<64x1xf32>
    %div3A = vector.broadcast %max3A_10 : vector<64x1xf32> to vector<64x128xf32>
    %div3A_11 = arith.divf %dot_general3A_7, %div3A : vector<64x128xf32>
    %get3A_12 = arith.constant 0 : index
    %get3A_13 = arith.constant 0 : index
    %get3A_14 = vector.load %arg2[%get3A_12, %get3A_13] : memref<128x10xf32, #tpu.memory_space<vmem>>, vector<128x10xf32>
    %dot_general3A_15 = arith.constant dense<0.000000e+00> : vector<64x10xf32>
    %dot_general3A_16 = tpu.matmul %div3A_11, %get3A_14, %dot_general3A_15 {dimension_numbers = #tpu.dot_dimension_numbers<[1], [0], [0], [1], [0, 0, 1, 1], [], []>, transpose_lhs_hint = false} : vector<64x128xf32>, vector<128x10xf32>, vector<64x10xf32> -> vector<64x10xf32>
    %get3A_17 = arith.constant 0 : index
    %get3A_18 = arith.constant 0 : index
    %get3A_19 = vector.load %arg3[%get3A_17, %get3A_18] : memref<1x10xf32, #tpu.memory_space<vmem>>, vector<1x10xf32>
    %add3A = vector.broadcast %get3A_19 : vector<1x10xf32> to vector<64x10xf32>
    %add3A_20 = arith.addf %dot_general3A_16, %add3A : vector<64x10xf32>
    %swap3A = arith.constant 0 : index
    %swap3A_21 = arith.constant 0 : index
    %swap3A_22 = vector.load %arg4[%swap3A, %swap3A_21] : memref<64x10xf32, #tpu.memory_space<vmem>>, vector<64x10xf32>
    tpu.vector_store %arg4[%swap3A, %swap3A_21], %add3A_20 {strides = array<i32>} : memref<64x10xf32, #tpu.memory_space<vmem>>, vector<64x10xf32>,
    return
  }
}

</mosaic_0001>

<sc_bundles>
// kernel: kernel.10.cloned.1.call-start
scs
__scs_entry_jumppad:
0x0: {  	(pc) =	sbr.rel $0x88, $3  }
0x1: {  	(tag) =	ssettag $0x0;
	lr =	simm.s32 $0x1  }
0x2: {  	[smem:$0x3F90] =	sst lr;
	_ =	strace $0xD0000000  }
0x3: {  	_ = 	snop  }
0x4: {  	_ = 	snop  }
0x5: {  	_ = 	snop  }
0x6: {  	_ = 	snop  }
0x7: {  	_ = 	snop  }
__scs_overlays_trampoline_lowered:
0x8: {  	[smem:$0x3F9F] =	sst s0  }
0x9: {  	[smem:$0x3FA0] =	sst s1  }
0xa: {  	[smem:$0x3FA1] =	sst s2  }
0xb: {  	[smem:$0x3FA2] =	sst s3  }
0xc: {  	[smem:$0x3FA3] =	sst s4  }
0xd: {  	[smem:$0x3FA4] =	sst s5  }
0xe: {  	[smem:$0x3FA5] =	sst s6  }
0xf: {  	[smem:$0x3FA6] =	sst s7  }
0x10: {  	[smem:$0x3FA7] =	sst s8  }
0x11: {  	[smem:$0x3FA8] =	sst s9;
	s0 =	simm.s32 @!p0 $0x0  }
0x12: {  	s1 =	sld [smem:$0x3F8E];
	s0 =	simm.s32 @p0 $0x1  }
0x13: {  	[smem:$0x3FA9] =	sst s0;
	s0 =	simm.s32 @!p1 $0x0  }
0x14: {  	s2 =	sld [smem:$0x3F8D];
	s0 =	simm.s32 @p1 $0x1  }
0x15: {  	[smem:$0x3FAA] =	sst s0;
	s0 =	simm.s32 @!p2 $0x0  }
0x16: {  	s3 =	sld [smem:$0x3FDB];
	s0 =	simm.s32 @p2 $0x1  }
0x17: {  	s4 =	simm.s32 $0x1BF5;
	[smem:$0x3FAC] =	sst s0  }
0x18: {  	s0 =	sld [smem:$0x3F8F];
	_ =	swait.ge [sflag:s4], $0x0  }
0x19: {  	s7 =	sld [smem:$0x3F90]  }
0x1a: {  	s8 =	sadd.s32 $0xFFFFE003, lr  }
0x1b: {  	s9 =	sadd.s32 $0xFFFFFEF7, lr;
	s5 =	simm.s32 $0xFFFFFFFF;
	p2 =	slt.u32 s8, $0xFFFFF086  }
0x1c: {  	p1 =	slt.u32 s9, $0xF7A;
	s5 =	simm.s32 @!p2 $0x0  }
0x1d: {  	s5 =	simm.s32 @p1 $0x1;
	p0 =	seq.s32 s7, s2  }
0x1e: {  	s7 =	smul.u32 @!p0 $0xF7A, s2;
	p2 =	seq.s32 @!p0 s5, $0x0  }
0x1f: {  	s9 =	smul.u32 $0xF7A, s1;
	s8 =	simm.s32 @!p0 $0x1BF5;
	p2 =	por !p2, p0  }
0x20: {  	[sflag:s8] =	ssyncset.s32 @!p0 $0xFFFFF086;
	s6 =	sadd.s32 @!p0 s3, s7;
	s7 =	simm.s32 @!p0 $0x108  }
0x21: {  	s3 =	sadd.s32 s3, s9;
	s6 =	sadd.s32 @!p0 $0x88, s6;
	s7 =	simm.s32 @p2 $0x1082  }
0x22: {  	[simem:s7], [sflag:s8] =	dma.local @!p0 [hbm:s6], $0xF7A  }
0x23: {  	s9 =	sor.u32 $0xD0000000, s2;
	s6 =	simm.s32 $0x108;
	_ =	swait.ge @!p0 [sflag:s8], $0x0  }
0x24: {  	s3 =	sadd.s32 $0x88, s3;
	s6 =	simm.s32 @!p1 $0x1082;
	[sflag:s4] =	ssyncset.s32 $0xFFFFF086  }
0x25: {  	[simem:s6], [sflag:s4] =	dma.local [hbm:s3], $0xF7A  }
0x26: {  	[smem:$0x3F90] =	sst s1;
	(tag) =	ssettag s2;
	_ =	strace s9  }
0x27: {  	s1 =	sld [smem:$0x3FA0]  }
0x28: {  	s2 =	sld [smem:$0x3FA1]  }
0x29: {  	s4 =	sld [smem:$0x3FA3]  }
0x2a: {  	p0 =	seq.s32 s5, $0x0;
	s5 =	sld [smem:$0x3FA4]  }
0x2b: {  	s6 =	sld [smem:$0x3FA5]  }
0x2c: {  	s7 =	sld [smem:$0x3FA6]  }
0x2d: {  	s3 =	simm.s32 $0x108;
	s8 =	sld [smem:$0x3FA7]  }
0x2e: {  	s3 =	simm.s32 @!p0 $0x1082;
	s9 =	sld [smem:$0x3FA8]  }
0x2f: {  	lr =	sadd.s32 s0, s3;
	s0 =	sld [smem:$0x3F9F]  }
0x30: {  	s3 =	sld [smem:$0x3FA2]  }
0x31: {  	[smem:$0x3FAB] =	sst s10  }
0x32: {  	s10 =	sld [smem:$0x3FA9];
	_ =	sdelay $0x3  }
0x33: {  	p0 =	seq.s32 s10, $0x1;
	s10 =	sld [smem:$0x3FAB];
	_ =	sdelay $0x3  }
0x34: {  	[smem:$0x3FAB] =	sst s10  }
0x35: {  	s10 =	sld [smem:$0x3FAA];
	_ =	sdelay $0x3  }
0x36: {  	p1 =	seq.s32 s10, $0x1;
	s10 =	sld [smem:$0x3FAB];
	_ =	sdelay $0x3  }
0x37: {  	[smem:$0x3FAB] =	sst s10  }
0x38: {  	s10 =	sld [smem:$0x3FAC]  }
0x39: {  	_ = 	snop;
	(pc) =	sbr.ind lr, $3  }
0x3a: {  	_ = 	snop  }
0x3b: {  	_ = 	snop  }
0x3c: {  	p2 =	seq.s32 s10, $0x1;
	s10 =	sld [smem:$0x3FAB]  }
0x3d: {  	_ =	shalt  }
0x3e: {  	_ =	shalt  }
0x3f: {  	_ =	shalt  }
0x40: {  	_ =	shalt  }
0x41: {  	_ =	shalt  }
0x42: {  	_ =	shalt  }
0x43: {  	_ =	shalt  }
0x44: {  	_ =	shalt  }
0x45: {  	_ =	shalt  }
0x46: {  	_ =	shalt  }
0x47: {  	_ =	shalt  }
0x48: {  	_ =	shalt  }
0x49: {  	_ =	shalt  }
0x4a: {  	_ =	shalt  }
0x4b: {  	_ =	shalt  }
0x4c: {  	_ =	shalt  }
0x4d: {  	_ =	shalt  }
0x4e: {  	_ =	shalt  }
0x4f: {  	_ =	shalt  }
0x50: {  	_ =	shalt  }
0x51: {  	_ =	shalt  }
0x52: {  	_ =	shalt  }
0x53: {  	_ =	shalt  }
0x54: {  	_ =	shalt  }
0x55: {  	_ =	shalt  }
0x56: {  	_ =	shalt  }
0x57: {  	_ =	shalt  }
0x58: {  	_ =	shalt  }
0x59: {  	_ =	shalt  }
0x5a: {  	_ =	shalt  }
0x5b: {  	_ =	shalt  }
0x5c: {  	_ =	shalt  }
0x5d: {  	_ =	shalt  }
0x5e: {  	_ =	shalt  }
0x5f: {  	_ =	shalt  }
0x60: {  	_ =	shalt  }
0x61: {  	_ =	shalt  }
0x62: {  	_ =	shalt  }
0x63: {  	_ =	shalt  }
0x64: {  	_ =	shalt  }
0x65: {  	_ =	shalt  }
0x66: {  	_ =	shalt  }
0x67: {  	_ =	shalt  }
0x68: {  	_ =	shalt  }
0x69: {  	_ =	shalt  }
0x6a: {  	_ =	shalt  }
0x6b: {  	_ =	shalt  }
0x6c: {  	_ =	shalt  }
0x6d: {  	_ =	shalt  }
0x6e: {  	_ =	shalt  }
0x6f: {  	_ =	shalt  }
0x70: {  	_ =	shalt  }
0x71: {  	_ =	shalt  }
0x72: {  	_ =	shalt  }
0x73: {  	_ =	shalt  }
0x74: {  	_ =	shalt  }
0x75: {  	_ =	shalt  }
0x76: {  	_ =	shalt  }
0x77: {  	_ =	shalt  }
0x78: {  	_ =	shalt  }
0x79: {  	_ =	shalt  }
0x7a: {  	_ =	shalt  }
0x7b: {  	_ =	shalt  }
0x7c: {  	_ =	shalt  }
0x7d: {  	_ =	shalt  }
0x7e: {  	_ =	shalt  }
0x7f: {  	_ =	shalt  }
0x80: {  	_ =	shalt  }
0x81: {  	_ =	shalt  }
0x82: {  	_ =	shalt  }
0x83: {  	_ =	shalt  }
0x84: {  	_ =	shalt  }
0x85: {  	_ =	shalt  }
0x86: {  	_ =	shalt  }
0x87: {  	_ =	shalt  }
.Lfunc_end0:
.L_simem_size_0:
called_computation_lowered:
.L_overlay_start_0:
0x88: {  	s2 =	sld [smem:$0x3FD9]  }
0x89: {  	s3 =	sld [smem:$0x3FFE];
	_ =	sdelay $0x1  }
0x8a: {  	s1 =	srdreg.scid  }
0x8b: {  	s0 =	sand.u32 $0x1, s1  }
0x8c: {  	s16 =	sshll.u32 s0, $0xA;
	s2 =	sadd.s32 s3, s2  }
0x8d: {  	s2 =	sadd.s32 s2, s16  }
0x8e: {  	[smem:$0x3FB7] =	sst s2  }
0x8f: {  	_ = 	snop  }
0x90: {  	(tm) =	ssettm $0x1  }
0x91: {  	s17 =	sld [smem:$0x3FFB];
	_ =	sdelay $0x3  }
0x92: {  	_ =	strace s17  }
0x93: {  	s2 =	sld [smem:$0x3FFC];
	_ =	sdelay $0x3  }
0x94: {  	_ =	strace s2  }
0x95: {  	s2 =	sld [smem:$0x3FFD];
	_ =	sdelay $0x3  }
0x96: {  	_ =	strace s2  }
0x97: {  	_ =	strace $0x8FFFFFFF  }
0x98: {  	s18 =	sld [smem:$0x3FDB];
	_ =	sdelay $0x1  }
0x99: {  	s19 =	simm.s32 $_scs_section_size  }
0x9a: {  	s4 =	simm.s32 $_size__tile_overlayer_lowered;
	s5 =	simm.s32 $_tile_overlayer_lowered  }
0x9b: {  	s22 =	simm.s32 $0x1BFF;
	s21 =	sshll.u32 s5, $0x1;
	s2 =	sadd.s32 s19, s18  }
0x9c: {  	s6 =	simm.s32 $0x0;
	s20 =	sshll.u32 s4, $0x1;
	s4 =	sadd.s32 s21, s2  }
0x9d: {  	[timem:s6], [sflag:s22] =	dma.local [hbm:s4], s20  }
0x9e: {  	_ =	swait.ge [sflag:s22], s20  }
0x9f: {  	s3 =	ssub.s32 $0x0, s20;
	[sflag:s22] =	ssyncset.done $0x0  }
0xa0: {  	[sflag:s22] =	ssyncadd.s32 s3;
	_ =	sdelay $0x1  }
0xa1: {  	s23 =	simm.s32 $0x1B8B  }
0xa2: {  	_ =	swait.ge [sflag:s23], $0x1  }
0xa3: {  	[sflag:s23] =	ssyncset.done $0x0  }
0xa4: {  	s25 =	simm.s32 $0x1B8E;
	s24 =	sld [smem:$0x3FFE];
	[sflag:s23] =	ssyncadd.s32 $0xFFFFFFFF  }
0xa5: {  	s26 =	simm.s32 $execute0_lowered;
	[smem:$0x3FD2] =	sst s25  }
0xa6: {  	s4 =	sshll.u32 s26, $0x1;
	_ =	strace $0x80000046;
	[dreg:$0x1] =	wrdreg $0xFFFFFFFF  }
0xa7: {  	s28 =	simm.s32 $_size_execute0_lowered;
	s2 =	sadd.s32 s2, s4;
	[dreg:$0x0] =	wrdreg $0x0  }
0xa8: {  	s4 =	sshll.u32 s28, $0x1;
	[dreg:$0x2] =	wrdreg s2  }
0xa9: {  	[dreg:$0x3] =	wrdreg s4  }
0xaa: {  	[dreg:$0x4] =	wrdreg $0xC0  }
0xab: {  	_ =	task [dreg:s6], $0x5FFFF  }
0xac: {  	[dreg:$0x1] =	wrdreg $0xFFFFFFFF  }
0xad: {  	[dreg:$0x0] =	wrdreg $0x60  }
0xae: {  	[dreg:$0x2] =	wrdreg s24  }
0xaf: {  	[dreg:$0x3] =	wrdreg $0x9  }
0xb0: {  	_ =	task.clear_ibuf [dreg:s6], $0x4FFFF;
	_ =	strace $0x90000046  }
0xb1: {  	s29 =	simm.s32 $0x9;
	_ =	strace $0x80000048  }
0xb2: {  	_ =	swait.ge [sflag:s29], $0x1  }
0xb3: {  	[sflag:s29] =	ssyncadd.s32 $0xFFFFFFFF  }
0xb4: {  	_ =	strace $0x90000048  }
0xb5: {  	_ =	sfence  }
0xb6: {  	s30 =	sld [smem:$0x0];
	_ =	sdelay $0x2  }
0xb7: {  	s31 =	sshll.u32 s1, $0xD;
	s1 =	sshrl.u32 s1, $0x2  }
0xb8: {  	s3 =	sand.u32 $0x4000, s31;
	s1 =	sadd.s32 s1, s30  }
0xb9: {  	s0 =	sor.u32 s3, s0;
	s1 =	sshll.u32 s1, $0x11  }
0xba: {  	s0 =	sor.u32 s1, s0  }
0xbb: {  	s0 =	sadd.s32 $0x8F2B, s0  }
0xbc: {  	[sflag:s0] =	ssyncadd.remote.s32 $0x1  }
0xbd: {  	_ =	sfence.sel $0xFFFF  }
0xbe: {  	[dreg:$0x0] =	wrdreg $0xFFFFFFFF;
	(pc) =	sbr.abs _section_cstart, $3  }
0xbf: {  	[dreg:$0x1] =	wrdreg $0xFFFFFFFF  }
0xc0: {  	_ =	task.clear_ibuf [dreg:s6], $0x2FFFF;
	_ =	strace $0x9FFFFFFF  }
0xc1: {  	(tm) =	ssettm $0x7FFFFFFF  }
tec
execute0_lowered:
.L_overlay_start_1:
0x0: {  	(tag) =	ssettag $0x1  }
0x1: {  	s0 =	srdreg.scid  }
0x2: {  	s5 =	rddreg [dreg:$0x0];
	s2 =	simm.s32 $0x0;
	s13 =	simm.s32 $0x1  }
0x3: {  	s14 =	simm.s32 $0x2780;
	s15 =	simm.s32 $0x4F00;
	s16 =	simm.s32 $0x7700  }
0x4: {  	s17 =	simm.s32 $0x9F00;
	s18 =	simm.s32 $0xC700;
	s19 =	simm.s32 $0xEF00  }
0x5: {  	s20 =	simm.s32 $0x0;
	s3 =	sand.u32 $0x1, s0;
	s0 =	stileid.u32  }
0x6: {  	[smem:$0x7FF] =	sst s2;
	s9 =	sadd.s32 $0x19000, s5;
	s1 =	sshll.u32 s3, $0x4  }
0x7: {  	s6 =	sshll.u32 s0, $0x7;
	s3 =	ssub.s32 $0x2, s3;
	s1 =	sor.u32 s0, s1  }
0x8: {  	s6 =	sand.u32 $0x380, s6;
	s10 =	sshrl.u32 s3, $0x1;
	s4 =	sshrl.u32 s1, $0x3  }
0x9: {  	s1 =	rddreg [dreg:$0x1];
	_ =	strace $0x80000047;
	s7 =	smul.u32 $0x13C00, s4  }
0xa: {  	s10 =	ssub.s32 s3, s10;
	s8 =	sshll.u32 s4, $0xA;
	s4 =	smul.u32 $0x14000, s4  }
0xb: {  	s10 =	smax.u32 s10, $0x1;
	s8 =	sor.u32 s6, s8;
	s7 =	sor.u32 s6, s7  }
0xc: {  	s8 =	sshrl.u32 s8, $0x3;
	s6 =	sor.u32 s6, s4;
	s7 =	sshrl.u32 s7, $0x3  }
0xd: {  	s11 =	sadd.s32 s8, s5;
	s29 =	sshrl.u32 s6, $0x3;
	s30 =	sadd.s32 $0x50000, s6  }
0xe: {  	s31 =	sadd.s32 $0xA0000, s6;
	s6 =	sadd.s32 $0xF0000, s6;
	s7 =	sadd.s32 s7, s5  }
0xf: {  	s5 =	sadd.s32 s9, s29;
	s8 =	sshrl.u32 s31, $0x3;
	s12 =	sshrl.u32 s6, $0x3  }
0x10: {  	s3 =	sadd.s32 $0x5400, s7;
	s4 =	sadd.s32 $0xF200, s7;
	s7 =	sshrl.u32 s30, $0x3  }
0x11: {  	v0 =	vimm.s32 $0x0;
	s6 =	sadd.s32 s9, s7;
	s7 =	sadd.s32 s9, s8;
	s8 =	sadd.s32 s9, s12  }
0x12: {  	v1 =	vimm.s32 $0x1400;
	vm0 =	vcmask $0x300;
	vm1 =	vcmask $0x704;
	s9 =	sadd.s32 $0x41000, s11;
	s11 =	simm.s32 $0x80;
	s12 =	simm.s32 $0x400  }
.LBB2_1:
0x13: {  	[tilespmem:s2], [sflag:$0x1] =	stream.strided.gather [hbm4b:s3+s11], $0x2780, s12, s11, $0x38;
	[tilespmem:$0xEF80] =	vst v63  }
0x14: {  	_ =	swait.ge [sflag:s13], $0x2780  }
0x15: {  	[sflag:s13] =	ssyncset.done $0x0  }
0x16: {  	[sflag:s13] =	ssyncadd.s32 $0xFFFFD880  }
0x17: {  	[tilespmem:s14], [sflag:$0x1] =	stream.strided.gather [hbm4b:s4+s11], $0x2780, s12, s11, $0x38;
	[tilespmem:$0xEF80] =	vst v63  }
0x18: {  	_ =	swait.ge [sflag:s13], $0x2780  }
0x19: {  	[sflag:s13] =	ssyncset.done $0x0  }
0x1a: {  	s21 =	simm.s32 $0x0;
	[sflag:s13] =	ssyncadd.s32 $0xFFFFD880  }
.LBB2_2:
0x1b: {  	p0 =	sne.s32 s21, $0x9E80  }
.Ltmp0:
0x1c: {  	s22 =	sshra.s32 s21, $0x2;
	(pc) =	sbr.rel @p0 .LBB2_2-.Ltmp0, $4  }
0x1d: {  	[tilespmem:s22+$0x4F00] =	vst v0  }
0x1e: {  	[tilespmem:s22+$0x9F00] =	vst v0  }
0x1f: {  	[tilespmem:s22+$0x7700] =	vst v1  }
0x20: {  	s21 =	sadd.s32 $0x40, s21;
	[tilespmem:s22+$0xC700] =	vst v1  }
0x21: {  	s21 =	simm.s32 $0x0  }
0x22: {  	v2 =	vld [tilespmem:s21+$0x2780];
	_ =	sdelay $0x4  }
0x23: {  	vm2 =	vlt.s32 v2, $0x1400  }
0x24: {  	v3 =	vsel vm2, $0x1, v0  }
0x25: {  	(xrf0) =	vadd.scan.msk.s32 $0xffff, v3;
	_ =	sdelay $0x2  }
0x26: {  	v4 =	vld [tilespmem:s21+$0x0];
	_ =	sdelay $0x2  }
0x27: {  	v3, _, _ =	vpop (xrf0)  }
0x28: {  	s31 =	simm.s32 $0x0;
	(v2sf) =	vpush v3, $0xF  }
0x29: {  	[tilespmem:s31+$0x4F00] =	vst.msk vm2, v4  }
0x2a: {  	vm3 =	vge.s32 v2, $0x1400;
	[tilespmem:s31+$0x7700] =	vst.msk vm2, v2  }
0x2b: {  	v2 =	vadd.s32 $0xFFFFEC00, v2;
	[tilespmem:s31+$0x9F00] =	vst.msk vm3, v4  }
0x2c: {  	s23 =	simm.s32 $0x10;
	[tilespmem:s31+$0xC700] =	vst.msk vm3, v2  }
0x2d: {  	v2 =	vld [tilespmem:s23+$0x2780];
	_ =	sdelay $0x4  }
0x2e: {  	vm2 =	vlt.s32 v2, $0x1400  }
0x2f: {  	v3 =	vsel vm2, $0x1, v0  }
0x30: {  	(xrf0) =	vadd.scan.msk.s32 $0xffff, v3;
	_ =	sdelay $0x1  }
0x31: {  	v3 =	vld [tilespmem:s23+$0x0]  }
0x32: {  	s24 =	spop (v2sf)  }
0x33: {  	s22 =	simm.s32 $0x80;
	s21 =	sadd.s32 $0x0, s24;
	s23 =	ssub.s32 $0x0, s24  }
.LBB2_4:
0x34: {  	p0 =	sne.s32 s22, $0x9C00  }
0x35: {  	v4, _, _ =	vpop (xrf0);
	s23 =	sadd.s32 $0x10, s23;
	s24 =	smov.u32 s22;
	s22 =	sadd.s32 $0x40, s22  }
0x36: {  	[tilespmem:s21+$0x4F00] =	vst.msk vm2, v3;
	(v2sf) =	vpush v4, $0xF  }
0x37: {  	vm3 =	vge.s32 v2, $0x1400;
	[tilespmem:s21+$0x7700] =	vst.msk vm2, v2  }
0x38: {  	v2 =	vadd.s32 $0xFFFFEC00, v2;
	[tilespmem:s23+$0x9F00] =	vst.msk vm3, v3  }
0x39: {  	s24 =	sshra.s32 s24, $0x2;
	[tilespmem:s23+$0xC700] =	vst.msk vm3, v2  }
0x3a: {  	v2 =	vld [tilespmem:s24+$0x2780];
	_ =	sdelay $0x4  }
0x3b: {  	vm2 =	vlt.s32 v2, $0x1400  }
0x3c: {  	v3 =	vsel vm2, $0x1, v0  }
0x3d: {  	(xrf0) =	vadd.scan.msk.s32 $0xffff, v3  }
.Ltmp1:
0x3e: {  	(pc) =	sbr.rel @p0 .LBB2_4-.Ltmp1, $3  }
0x3f: {  	v3 =	vld [tilespmem:s24+$0x0];
	_ =	sdelay $0x1  }
0x40: {  	s24 =	spop (v2sf)  }
0x41: {  	s21 =	sadd.s32 s21, s24;
	s23 =	ssub.s32 s23, s24  }
0x42: {  	v4, _, _ =	vpop (xrf0)  }
0x43: {  	(v2sf) =	vpush v4, $0xF;
	_ =	sdelay $0xe  }
0x44: {  	s22 =	spop (v2sf)  }
0x45: {  	s23 =	sadd.s32 $0x10, s23;
	s24 =	sadd.s32 s21, s22  }
0x46: {  	s22 =	ssub.s32 s23, s22;
	s25 =	sadd.s32 $0x4F, s24  }
0x47: {  	s22 =	sadd.s32 $0x10, s22;
	s26 =	smulhi.u32 $0x66666667, s25;
	s28 =	sshra.s32 s25, $0x1F  }
0x48: {  	s29 =	sadd.s32 $0x4F, s22;
	s28 =	smul.u32 $0x66666667, s28  }
0x49: {  	s30 =	smulhi.u32 $0x66666667, s29;
	s31 =	sshra.s32 s29, $0x1F  }
0x4a: {  	s31 =	smul.u32 $0x66666667, s31;
	s26 =	sadd.s32 s28, s26  }
0x4b: {  	s28 =	sshrl.u32 s26, $0x1F;
	s26 =	sshra.s32 s26, $0x5  }
0x4c: {  	s30 =	sadd.s32 s31, s30;
	s26 =	sadd.s32 s28, s26  }
0x4d: {  	s28 =	sshrl.u32 s30, $0x1F;
	s30 =	sshra.s32 s30, $0x5;
	s31 =	smul.u32 $0xFFFFFFB0, s26  }
0x4e: {  	s24 =	ssub.s32 $0xFFFFFFB1, s24;
	s28 =	sadd.s32 s28, s30  }
0x4f: {  	p1 =	slt.s32 s25, $0x1;
	s30 =	smul.u32 $0xFFFFFFB0, s28;
	p0 =	sne.s32 s31, s24  }
0x50: {  	s22 =	ssub.s32 $0xFFFFFFB1, s22;
	p5 =	slt.s32 s29, $0x1;
	p0 =	por !p1, !p0  }
0x51: {  	p2 =	sne.s32 s30, s22;
	s22 =	simm.s32 $0x1;
	p0 =	por !p0, !p0  }
0x52: {  	p6 =	por !p5, !p2;
	s22 =	simm.s32 @!p0 $0x0  }
0x53: {  	[tilespmem:s21+$0x4F00] =	vst.msk vm2, v3;
	s24 =	simm.s32 $0x1;
	p0 =	por !p6, !p6;
	s22 =	ssub.s32 s26, s22  }
0x54: {  	vm3 =	vge.s32 v2, $0x1400;
	[tilespmem:s21+$0x7700] =	vst.msk vm2, v2;
	s24 =	simm.s32 @!p0 $0x0;
	v63 =	vmov s22  }
0x55: {  	v2 =	vadd.s32 $0xFFFFEC00, v2;
	[tilespmem:s23+$0x9F00] =	vst.msk vm3, v3;
	s31 =	ssub.s32 s28, s24;
	v3 =	vnsel vm0, $0x0, v63  }
0x56: {  	[tilespmem:s23+$0xC700] =	vst.msk vm3, v2;
	v2 =	vsel vm1, s31, v3  }
0x57: {  	[tilespmem:$0xEF00] =	vst v2  }
0x58: {  	[hbm4b:s5+s11] =	stream.strided.scatter [tilespmem:s15], [sflag:$0x1], $0x2800, s12, s11, $0x38;
	[tilespmem:$0xEF80] =	vst v63  }
0x59: {  	_ =	swait.ge [sflag:s13], $0x2800  }
0x5a: {  	[sflag:s13] =	ssyncset.done $0x0  }
0x5b: {  	[sflag:s13] =	ssyncadd.s32 $0xFFFFD800  }
0x5c: {  	[hbm4b:s6+s11] =	stream.strided.scatter [tilespmem:s16], [sflag:$0x1], $0x2800, s12, s11, $0x38;
	[tilespmem:$0xEF80] =	vst v63  }
0x5d: {  	_ =	swait.ge [sflag:s13], $0x2800  }
0x5e: {  	[sflag:s13] =	ssyncset.done $0x0  }
0x5f: {  	[sflag:s13] =	ssyncadd.s32 $0xFFFFD800  }
0x60: {  	[hbm4b:s7+s11] =	stream.strided.scatter [tilespmem:s17], [sflag:$0x1], $0x2800, s12, s11, $0x38;
	[tilespmem:$0xEF80] =	vst v63  }
0x61: {  	_ =	swait.ge [sflag:s13], $0x2800  }
0x62: {  	[sflag:s13] =	ssyncset.done $0x0  }
0x63: {  	[sflag:s13] =	ssyncadd.s32 $0xFFFFD800  }
0x64: {  	[hbm4b:s8+s11] =	stream.strided.scatter [tilespmem:s18], [sflag:$0x1], $0x2800, s12, s11, $0x38;
	[tilespmem:$0xEF80] =	vst v63  }
0x65: {  	s20 =	sadd.s32 $0x1, s20;
	_ =	swait.ge [sflag:s13], $0x2800  }
0x66: {  	p0 =	sne.s32 s20, s10;
	[sflag:s13] =	ssyncset.done $0x0  }
.Ltmp2:
0x67: {  	[sflag:s13] =	ssyncadd.s32 $0xFFFFD800;
	(pc) =	sbr.rel @p0 .LBB2_1-.Ltmp2, $4  }
0x68: {  	[hbm4b:s9+s2] =	stream.linear.scatter [tilespmem:s19], [sflag:$0x1], $0x80, $0x38;
	[tilespmem:$0xEF80] =	vst v63  }
0x69: {  	_ =	swait.ge [sflag:s13], $0x80  }
0x6a: {  	[sflag:s13] =	ssyncset.done $0x0  }
0x6b: {  	[sflag:s13] =	ssyncadd.s32 $0xFFFFFF80  }
0x6c: {  	_ =	sfence.sel $0x180000  }
0x6d: {  	[bflag:$0x0] =	sbarrier.arrive $0xFFFF  }
0x6e: {  	p0 =	sne.s32 s0, $0x0;
	_ =	strace $0x90000047  }
0x6f: {  	s0 =	sadd.s32 @!p0 $0x100000, s1;
	[bflag:$0x2] =	sbarrier.arrive $0xFFFF  }
0x70: {  	[sflag:s0] =	ssyncadd.tile.s32 @!p0 $0x1;
	_ =	shalt  }
.Lfunc_end2:
_tile_overlayer_lowered:
.L_overlay_start_2:
0x71: {  	(tag) =	ssettag $0x2  }
0x72: {  	s0 =	rddreg [dreg:$0x0];
	s2 =	stileid.u32  }
0x73: {  	s1 =	rddreg [dreg:$0x1];
	p0 =	sne.s32 s2, $0x0  }
0x74: {  	s3 =	rddreg [dreg:$0x2];
	[bflag:$0x3] =	sbarrier.arrive $0xFFFF;
	s2 =	simm.s32 @!p0 $0x1C01  }
0x75: {  	[timem:s3], [sflag:s2] =	dma.local @!p0 [hbm:s0], s1  }
0x76: {  	s0 =	simm.s32 @!p0 $0x1  }
0x77: {  	_ =	swait.ge @!p0 [sflag:s0], s1  }
0x78: {  	s1 =	ssub.s32 @!p0 $0x0, s1;
	[sflag:s0] =	ssyncset.done @!p0 $0x0  }
0x79: {  	[sflag:s0] =	ssyncadd.s32 @!p0 s1  }
0x7a: {  	[bflag:$0x3] =	sbarrier.arrive $0xFFFF  }
0x7b: {  	_ =	shalt  }

// kernel: kernel.13.cloned.1.call-start
scs
__scs_entry_jumppad:
0x0: {  	(pc) =	sbr.rel $0x88, $3  }
0x1: {  	(tag) =	ssettag $0x0;
	lr =	simm.s32 $0x1  }
0x2: {  	[smem:$0x3F90] =	sst lr;
	_ =	strace $0xD0000000  }
0x3: {  	_ = 	snop  }
0x4: {  	_ = 	snop  }
0x5: {  	_ = 	snop  }
0x6: {  	_ = 	snop  }
0x7: {  	_ = 	snop  }
__scs_overlays_trampoline_lowered:
0x8: {  	[smem:$0x3F9F] =	sst s0  }
0x9: {  	[smem:$0x3FA0] =	sst s1  }
0xa: {  	[smem:$0x3FA1] =	sst s2  }
0xb: {  	[smem:$0x3FA2] =	sst s3  }
0xc: {  	[smem:$0x3FA3] =	sst s4  }
0xd: {  	[smem:$0x3FA4] =	sst s5  }
0xe: {  	[smem:$0x3FA5] =	sst s6  }
0xf: {  	[smem:$0x3FA6] =	sst s7  }
0x10: {  	[smem:$0x3FA7] =	sst s8  }
0x11: {  	[smem:$0x3FA8] =	sst s9;
	s0 =	simm.s32 @!p0 $0x0  }
0x12: {  	s1 =	sld [smem:$0x3F8E];
	s0 =	simm.s32 @p0 $0x1  }
0x13: {  	[smem:$0x3FA9] =	sst s0;
	s0 =	simm.s32 @!p1 $0x0  }
0x14: {  	s2 =	sld [smem:$0x3F8D];
	s0 =	simm.s32 @p1 $0x1  }
0x15: {  	[smem:$0x3FAA] =	sst s0;
	s0 =	simm.s32 @!p2 $0x0  }
0x16: {  	s3 =	sld [smem:$0x3FDB];
	s0 =	simm.s32 @p2 $0x1  }
0x17: {  	s4 =	simm.s32 $0x1BF5;
	[smem:$0x3FAC] =	sst s0  }
0x18: {  	s0 =	sld [smem:$0x3F8F];
	_ =	swait.ge [sflag:s4], $0x0  }
0x19: {  	s7 =	sld [smem:$0x3F90]  }
0x1a: {  	s8 =	sadd.s32 $0xFFFFE003, lr  }
0x1b: {  	s9 =	sadd.s32 $0xFFFFFEF7, lr;
	s5 =	simm.s32 $0xFFFFFFFF;
	p2 =	slt.u32 s8, $0xFFFFF086  }
0x1c: {  	p1 =	slt.u32 s9, $0xF7A;
	s5 =	simm.s32 @!p2 $0x0  }
0x1d: {  	s5 =	simm.s32 @p1 $0x1;
	p0 =	seq.s32 s7, s2  }
0x1e: {  	s7 =	smul.u32 @!p0 $0xF7A, s2;
	p2 =	seq.s32 @!p0 s5, $0x0  }
0x1f: {  	s9 =	smul.u32 $0xF7A, s1;
	s8 =	simm.s32 @!p0 $0x1BF5;
	p2 =	por !p2, p0  }
0x20: {  	[sflag:s8] =	ssyncset.s32 @!p0 $0xFFFFF086;
	s6 =	sadd.s32 @!p0 s3, s7;
	s7 =	simm.s32 @!p0 $0x108  }
0x21: {  	s3 =	sadd.s32 s3, s9;
	s6 =	sadd.s32 @!p0 $0x88, s6;
	s7 =	simm.s32 @p2 $0x1082  }
0x22: {  	[simem:s7], [sflag:s8] =	dma.local @!p0 [hbm:s6], $0xF7A  }
0x23: {  	s9 =	sor.u32 $0xD0000000, s2;
	s6 =	simm.s32 $0x108;
	_ =	swait.ge @!p0 [sflag:s8], $0x0  }
0x24: {  	s3 =	sadd.s32 $0x88, s3;
	s6 =	simm.s32 @!p1 $0x1082;
	[sflag:s4] =	ssyncset.s32 $0xFFFFF086  }
0x25: {  	[simem:s6], [sflag:s4] =	dma.local [hbm:s3], $0xF7A  }
0x26: {  	[smem:$0x3F90] =	sst s1;
	(tag) =	ssettag s2;
	_ =	strace s9  }
0x27: {  	s1 =	sld [smem:$0x3FA0]  }
0x28: {  	s2 =	sld [smem:$0x3FA1]  }
0x29: {  	s4 =	sld [smem:$0x3FA3]  }
0x2a: {  	p0 =	seq.s32 s5, $0x0;
	s5 =	sld [smem:$0x3FA4]  }
0x2b: {  	s6 =	sld [smem:$0x3FA5]  }
0x2c: {  	s7 =	sld [smem:$0x3FA6]  }
0x2d: {  	s3 =	simm.s32 $0x108;
	s8 =	sld [smem:$0x3FA7]  }
0x2e: {  	s3 =	simm.s32 @!p0 $0x1082;
	s9 =	sld [smem:$0x3FA8]  }
0x2f: {  	lr =	sadd.s32 s0, s3;
	s0 =	sld [smem:$0x3F9F]  }
0x30: {  	s3 =	sld [smem:$0x3FA2]  }
0x31: {  	[smem:$0x3FAB] =	sst s10  }
0x32: {  	s10 =	sld [smem:$0x3FA9];
	_ =	sdelay $0x3  }
0x33: {  	p0 =	seq.s32 s10, $0x1;
	s10 =	sld [smem:$0x3FAB];
	_ =	sdelay $0x3  }
0x34: {  	[smem:$0x3FAB] =	sst s10  }
0x35: {  	s10 =	sld [smem:$0x3FAA];
	_ =	sdelay $0x3  }
0x36: {  	p1 =	seq.s32 s10, $0x1;
	s10 =	sld [smem:$0x3FAB];
	_ =	sdelay $0x3  }
0x37: {  	[smem:$0x3FAB] =	sst s10  }
0x38: {  	s10 =	sld [smem:$0x3FAC]  }
0x39: {  	_ = 	snop;
	(pc) =	sbr.ind lr, $3  }
0x3a: {  	_ = 	snop  }
0x3b: {  	_ = 	snop  }
0x3c: {  	p2 =	seq.s32 s10, $0x1;
	s10 =	sld [smem:$0x3FAB]  }
0x3d: {  	_ =	shalt  }
0x3e: {  	_ =	shalt  }
0x3f: {  	_ =	shalt  }
0x40: {  	_ =	shalt  }
0x41: {  	_ =	shalt  }
0x42: {  	_ =	shalt  }
0x43: {  	_ =	shalt  }
0x44: {  	_ =	shalt  }
0x45: {  	_ =	shalt  }
0x46: {  	_ =	shalt  }
0x47: {  	_ =	shalt  }
0x48: {  	_ =	shalt  }
0x49: {  	_ =	shalt  }
0x4a: {  	_ =	shalt  }
0x4b: {  	_ =	shalt  }
0x4c: {  	_ =	shalt  }
0x4d: {  	_ =	shalt  }
0x4e: {  	_ =	shalt  }
0x4f: {  	_ =	shalt  }
0x50: {  	_ =	shalt  }
0x51: {  	_ =	shalt  }
0x52: {  	_ =	shalt  }
0x53: {  	_ =	shalt  }
0x54: {  	_ =	shalt  }
0x55: {  	_ =	shalt  }
0x56: {  	_ =	shalt  }
0x57: {  	_ =	shalt  }
0x58: {  	_ =	shalt  }
0x59: {  	_ =	shalt  }
0x5a: {  	_ =	shalt  }
0x5b: {  	_ =	shalt  }
0x5c: {  	_ =	shalt  }
0x5d: {  	_ =	shalt  }
0x5e: {  	_ =	shalt  }
0x5f: {  	_ =	shalt  }
0x60: {  	_ =	shalt  }
0x61: {  	_ =	shalt  }
0x62: {  	_ =	shalt  }
0x63: {  	_ =	shalt  }
0x64: {  	_ =	shalt  }
0x65: {  	_ =	shalt  }
0x66: {  	_ =	shalt  }
0x67: {  	_ =	shalt  }
0x68: {  	_ =	shalt  }
0x69: {  	_ =	shalt  }
0x6a: {  	_ =	shalt  }
0x6b: {  	_ =	shalt  }
0x6c: {  	_ =	shalt  }
0x6d: {  	_ =	shalt  }
0x6e: {  	_ =	shalt  }
0x6f: {  	_ =	shalt  }
0x70: {  	_ =	shalt  }
0x71: {  	_ =	shalt  }
0x72: {  	_ =	shalt  }
0x73: {  	_ =	shalt  }
0x74: {  	_ =	shalt  }
0x75: {  	_ =	shalt  }
0x76: {  	_ =	shalt  }
0x77: {  	_ =	shalt  }
0x78: {  	_ =	shalt  }
0x79: {  	_ =	shalt  }
0x7a: {  	_ =	shalt  }
0x7b: {  	_ =	shalt  }
0x7c: {  	_ =	shalt  }
0x7d: {  	_ =	shalt  }
0x7e: {  	_ =	shalt  }
0x7f: {  	_ =	shalt  }
0x80: {  	_ =	shalt  }
0x81: {  	_ =	shalt  }
0x82: {  	_ =	shalt  }
0x83: {  	_ =	shalt  }
0x84: {  	_ =	shalt  }
0x85: {  	_ =	shalt  }
0x86: {  	_ =	shalt  }
0x87: {  	_ =	shalt  }
.Lfunc_end0:
.L_simem_size_0:
called_computation.1_lowered:
.L_overlay_start_0:
0x88: {  	s2 =	sld [smem:$0x3FD9]  }
0x89: {  	s3 =	sld [smem:$0x3FFE];
	_ =	sdelay $0x1  }
0x8a: {  	s1 =	srdreg.scid  }
0x8b: {  	s0 =	sand.u32 $0x1, s1  }
0x8c: {  	s16 =	sshll.u32 s0, $0xA;
	s2 =	sadd.s32 s3, s2  }
0x8d: {  	s2 =	sadd.s32 s2, s16  }
0x8e: {  	[smem:$0x3FB7] =	sst s2  }
0x8f: {  	_ = 	snop  }
0x90: {  	(tm) =	ssettm $0x1  }
0x91: {  	s17 =	sld [smem:$0x3FFB];
	_ =	sdelay $0x3  }
0x92: {  	_ =	strace s17  }
0x93: {  	s2 =	sld [smem:$0x3FFC];
	_ =	sdelay $0x3  }
0x94: {  	_ =	strace s2  }
0x95: {  	s2 =	sld [smem:$0x3FFD];
	_ =	sdelay $0x3  }
0x96: {  	_ =	strace s2  }
0x97: {  	_ =	strace $0x8FFFFFFF  }
0x98: {  	s18 =	sld [smem:$0x3FDB];
	_ =	sdelay $0x1  }
0x99: {  	s19 =	simm.s32 $_scs_section_size  }
0x9a: {  	s4 =	simm.s32 $_size__tile_overlayer_lowered;
	s5 =	simm.s32 $_tile_overlayer_lowered  }
0x9b: {  	s22 =	simm.s32 $0x1BFF;
	s21 =	sshll.u32 s5, $0x1;
	s2 =	sadd.s32 s19, s18  }
0x9c: {  	s6 =	simm.s32 $0x0;
	s20 =	sshll.u32 s4, $0x1;
	s4 =	sadd.s32 s21, s2  }
0x9d: {  	[timem:s6], [sflag:s22] =	dma.local [hbm:s4], s20  }
0x9e: {  	_ =	swait.ge [sflag:s22], s20  }
0x9f: {  	s3 =	ssub.s32 $0x0, s20;
	[sflag:s22] =	ssyncset.done $0x0  }
0xa0: {  	[sflag:s22] =	ssyncadd.s32 s3;
	_ =	sdelay $0x1  }
0xa1: {  	s23 =	simm.s32 $0x1B8B  }
0xa2: {  	_ =	swait.ge [sflag:s23], $0x1  }
0xa3: {  	[sflag:s23] =	ssyncset.done $0x0  }
0xa4: {  	s25 =	simm.s32 $0x1B8E;
	s24 =	sld [smem:$0x3FFE];
	[sflag:s23] =	ssyncadd.s32 $0xFFFFFFFF  }
0xa5: {  	s26 =	simm.s32 $execute0_lowered;
	[smem:$0x3FD2] =	sst s25  }
0xa6: {  	s4 =	sshll.u32 s26, $0x1;
	_ =	strace $0x80000049;
	[dreg:$0x1] =	wrdreg $0xFFFFFFFF  }
0xa7: {  	s28 =	simm.s32 $_size_execute0_lowered;
	s2 =	sadd.s32 s2, s4;
	[dreg:$0x0] =	wrdreg $0x0  }
0xa8: {  	s4 =	sshll.u32 s28, $0x1;
	[dreg:$0x2] =	wrdreg s2  }
0xa9: {  	[dreg:$0x3] =	wrdreg s4  }
0xaa: {  	[dreg:$0x4] =	wrdreg $0xC0  }
0xab: {  	_ =	task [dreg:s6], $0x5FFFF  }
0xac: {  	[dreg:$0x1] =	wrdreg $0xFFFFFFFF  }
0xad: {  	[dreg:$0x0] =	wrdreg $0x60  }
0xae: {  	[dreg:$0x2] =	wrdreg s24  }
0xaf: {  	[dreg:$0x3] =	wrdreg $0xD0800  }
0xb0: {  	[dreg:$0x4] =	wrdreg $0x9  }
0xb1: {  	_ =	task.clear_ibuf [dreg:s6], $0x5FFFF;
	_ =	strace $0x90000049  }
0xb2: {  	s29 =	simm.s32 $0x9;
	_ =	strace $0x8000004B  }
0xb3: {  	_ =	swait.ge [sflag:s29], $0x1  }
0xb4: {  	[sflag:s29] =	ssyncadd.s32 $0xFFFFFFFF  }
0xb5: {  	_ =	strace $0x9000004B  }
0xb6: {  	_ =	sfence  }
0xb7: {  	s30 =	sld [smem:$0x0];
	_ =	sdelay $0x2  }
0xb8: {  	s31 =	sshll.u32 s1, $0xD;
	s1 =	sshrl.u32 s1, $0x2  }
0xb9: {  	s3 =	sand.u32 $0x4000, s31;
	s1 =	sadd.s32 s1, s30  }
0xba: {  	s0 =	sor.u32 s3, s0;
	s1 =	sshll.u32 s1, $0x11  }
0xbb: {  	s0 =	sor.u32 s1, s0  }
0xbc: {  	s0 =	sadd.s32 $0x8F2B, s0  }
0xbd: {  	[sflag:s0] =	ssyncadd.remote.s32 $0x1  }
0xbe: {  	_ =	sfence.sel $0xFFFF  }
0xbf: {  	[dreg:$0x0] =	wrdreg $0xFFFFFFFF;
	(pc) =	sbr.abs _section_cstart, $3  }
0xc0: {  	[dreg:$0x1] =	wrdreg $0xFFFFFFFF  }
0xc1: {  	_ =	task.clear_ibuf [dreg:s6], $0x2FFFF;
	_ =	strace $0x9FFFFFFF  }
0xc2: {  	(tm) =	ssettm $0x7FFFFFFF  }
0xc3: {  	_ =	shalt  }
tec
execute0_lowered:
.L_overlay_start_1:
0x0: {  	(tag) =	ssettag $0x1  }
0x1: {  	s5 =	rddreg [dreg:$0x0]  }
0x2: {  	s1 =	rddreg [dreg:$0x1]  }
0x3: {  	s2 =	srdreg.scid;
	s0 =	rddreg [dreg:$0x2]  }
0x4: {  	s3 =	simm.s32 $0x0;
	s16 =	simm.s32 $0x3;
	s19 =	simm.s32 $0x50  }
0x5: {  	s20 =	simm.s32 $0x8080;
	s21 =	simm.s32 $0x1;
	s22 =	simm.s32 $0xA880  }
0x6: {  	s6 =	sand.u32 $0x1, s2;
	[smem:$0x7FF] =	sst s3;
	s2 =	stileid.u32  }
0x7: {  	s13 =	sadd.s32 $0xA9200, s5;
	s4 =	sshll.u32 s6, $0x4;
	s24 =	smul.u32 $0x28000, s2  }
0x8: {  	_ =	strace $0x8000004A;
	s8 =	sshll.u32 s2, $0x4;
	s12 =	smul.u32 $0xA000, s2  }
0x9: {  	s23 =	ssub.s32 $0x2, s6;
	s26 =	smul.u32 $0x140000, s6;
	s17 =	sshll.u32 s2, $0x6  }
0xa: {  	s7 =	sor.u32 s2, s4;
	s4 =	sadd.s32 $0x41200, s5;
	s8 =	sand.u32 $0x70, s8  }
0xb: {  	s10 =	sshrl.u32 s23, $0x1;
	s17 =	sor.u32 $0x1C03, s17;
	s9 =	sshll.u32 s7, $0xB  }
0xc: {  	s8 =	sadd.s32 s8, s5;
	s7 =	sshll.u32 s7, $0x4;
	s14 =	ssub.s32 s23, s10  }
0xd: {  	s28 =	sshrl.u32 s24, $0x2;
	s29 =	sadd.s32 s12, s26;
	s30 =	sshrl.u32 s12, $0x3  }
0xe: {  	s12 =	sadd.s32 $0xA0000, s12;
	s23 =	simm.s32 $0x2;
	s24 =	simm.s32 $0x0  }
0xf: {  	s11 =	sadd.s32 s9, s5;
	s7 =	sand.u32 $0x180, s7;
	s18 =	sadd.s32 s28, s1  }
0x10: {  	s15 =	sshrl.u32 s29, $0x3;
	s31 =	sadd.s32 s26, s12;
	s12 =	sshrl.u32 s12, $0x3  }
.Ltmp0:
0x11: {  	s14 =	smax.u32 s14, $0x1;
	s25 =	sadd.s32 s7, s8;
	(pc) =	sbr.rel .LBB2_1-.Ltmp0, $4  }
0x12: {  	s6 =	sadd.s32 $0x69200, s11;
	s7 =	sadd.s32 $0x79200, s11;
	s8 =	sadd.s32 s4, s30  }
0x13: {  	s9 =	sadd.s32 s13, s15;
	s10 =	sadd.s32 $0x89200, s11;
	s15 =	sshrl.u32 s31, $0x3  }
0x14: {  	s11 =	sadd.s32 $0x99200, s11;
	s12 =	sadd.s32 s4, s12;
	s18 =	sshrl.u32 s18, $0x3  }
0x15: {  	vm0 =	vmmov $0x1;
	vm1 =	vcmask $0x308;
	s5 =	sadd.s32 $0x41000, s25;
	s13 =	sadd.s32 s13, s15;
	s15 =	simm.s32 $0x8000  }
.LBB2_10:
0x16: {  	s28 =	simm.s32 $0x4000  }
.LBB2_14:
0x17: {  	s29 =	sadd.s32 $0xFFFFFF80, s26;
	[sflag:s16] =	ssyncadd.s32 @p0 $0xFFFFD800  }
0x18: {  	[tilespmem:s22], [sflag:$0x2] =	stream.indirect.gather [hbm4b:s4+s19], $0x80, s29, s19, $0xb8;
	[tilespmem:$0x170C0] =	vst v63  }
0x19: {  	_ =	swait.ge [sflag:s21], $0x2800  }
0x1a: {  	s28 =	sadd.s32 @p0 $0x100, s28;
	[sflag:s21] =	ssyncset.done $0x0  }
0x1b: {  	s25 =	smov.u32 @p0 s28;
	[sflag:s21] =	ssyncadd.s32 $0xFFFFD800  }
0x1c: {  	[spmem:s1] =	stream.indirect.scatter.add.f32 [tilespmem:s20], [sflag:$0x3], $0x80, s25, s19, $0xb8;
	[tilespmem:$0x170C0] =	vst v63  }
0x1d: {  	_ =	swait.ge [sflag:s16], $0x2800  }
0x1e: {  	[sflag:s16] =	ssyncset.done $0x0  }
0x1f: {  	[sflag:s16] =	ssyncadd.s32 $0xFFFFD800  }
0x20: {  	[tilespmem:s20], [sflag:$0x1] =	stream.indirect.gather [hbm4b:s4+s19], $0x80, s26, s19, $0xb8;
	[tilespmem:$0x170C0] =	vst v63  }
0x21: {  	_ =	swait.ge [sflag:s23], $0x2800  }
0x22: {  	[sflag:s23] =	ssyncset.done $0x0  }
0x23: {  	s25 =	sadd.s32 $0x80, s25;
	[sflag:s23] =	ssyncadd.s32 $0xFFFFD800  }
0x24: {  	[spmem:s1] =	stream.indirect.scatter.add.f32 [tilespmem:s22], [sflag:$0x3], $0x80, s25, s19, $0xb8;
	[tilespmem:$0x170C0] =	vst v63  }
0x25: {  	_ =	swait.ge [sflag:s16], $0x2800  }
0x26: {  	[sflag:s16] =	ssyncset.done $0x0  }
0x27: {  	[sflag:s16] =	ssyncadd.s32 $0xFFFFD800  }
.LBB2_15:
0x28: {  	_ =	swait.ge [sflag:s21], $0x2800  }
0x29: {  	[sflag:s21] =	ssyncset.done $0x0  }
0x2a: {  	s24 =	sadd.s32 $0x1, s24;
	[sflag:s21] =	ssyncadd.s32 $0xFFFFD800  }
0x2b: {  	p0 =	sne.s32 s24, s14;
	[bflag:$0x0] =	sbarrier.arrive $0xFFFF  }
0x2c: {  	[hbm:s13], [sflag:s17] =	dma.local [spmem:s18], $0x1400  }
.Ltmp1:
0x2d: {  	_ =	swait.ge [sflag:s16], $0x1400;
	(pc) =	sbr.rel @!p0 .LBB2_16-.Ltmp1, $3  }
0x2e: {  	[sflag:s16] =	ssyncset.done $0x0  }
0x2f: {  	[sflag:s16] =	ssyncadd.s32 $0xFFFFEC00  }
0x30: {  	[bflag:$0x0] =	sbarrier.arrive $0xFFFF;
	_ =	sdelay $0x1  }
.LBB2_1:
0x31: {  	[tilespmem:s15], [sflag:$0x3] =	stream.linear.gather [hbm4b:s5+s3], $0x80, $0x38;
	[tilespmem:$0x170C0] =	vst v63  }
0x32: {  	_ =	swait.ge [sflag:s16], $0x80  }
0x33: {  	[sflag:s16] =	ssyncset.done $0x0  }
0x34: {  	[sflag:s16] =	ssyncadd.s32 $0xFFFFFF80  }
0x35: {  	v0 =	vld [tilespmem:$0x8000];
	[tilespmem:s3], [sflag:$0x3] =	stream.linear.gather [hbm4b:s6+s3], $0x3F80, $0x38  }
0x36: {  	_ =	swait.ge [sflag:s16], $0x3F80  }
0x37: {  	[sflag:s16] =	ssyncset.done $0x0  }
0x38: {  	s25 =	simm.s32 $0x4000;
	[sflag:s16] =	ssyncadd.s32 $0xFFFFC080  }
0x39: {  	[tilespmem:s25], [sflag:$0x3] =	stream.linear.gather [hbm4b:s7+s3], $0x3F80, $0x38;
	[tilespmem:$0x170C0] =	vst v63  }
0x3a: {  	_ =	swait.ge [sflag:s16], $0x3F80;
	v1 =	vnsel vm0, $0x0, v0  }
0x3b: {  	(xrf0) =	vadd.scan.msk.s32 $0xffff, v1;
	_ =	sdelay $0x5  }
0x3c: {  	v1, _, _ =	vpop (xrf0)  }
0x3d: {  	(v2sf) =	vpush v1, $0xF;
	_ =	sdelay $0xd  }
0x3e: {  	[sflag:s16] =	ssyncset.done $0x0  }
0x3f: {  	[sflag:s16] =	ssyncadd.s32 $0xFFFFC080;
	s26 =	spop (v2sf)  }
0x40: {  	[spmem:s18], [sflag:s17] =	dma.local [hbm:s8], $0x1400  }
0x41: {  	s28 =	sadd.s32 $0x1, s26;
	p0 =	slt.u32 s26, $0x7FFFFFFF;
	s26 =	simm.s32 $0x1  }
0x42: {  	s26 =	simm.s32 @!p0 $0x0;
	s29 =	sshra.s32 s28, $0x1F  }
0x43: {  	s30 =	sand.u32 $0x1, s28;
	s26 =	sadd.s32 s26, s29  }
0x44: {  	p1 =	seq.s32 s30, $0x1;
	p6 =	sne.s32 s26, $0x1  }
0x45: {  	s31 =	sshrl.u32 s28, $0x1F;
	p0 =	por !p6, !p1  }
0x46: {  	s26 =	sadd.s32 s31, s28;
	s28 =	simm.s32 $0x1;
	p0 =	por !p0, !p0  }
0x47: {  	s26 =	sshra.s32 s26, $0x1;
	s28 =	simm.s32 @!p0 $0x0  }
0x48: {  	s28 =	ssub.s32 s26, s28  }
0x49: {  	_ =	swait.ge [sflag:s16], $0x1400;
	p0 =	slt.s32 s28, $0x1  }
.Ltmp2:
0x4a: {  	[sflag:s16] =	ssyncset.done $0x0;
	(pc) =	sbr.rel @p0 .LBB2_8-.Ltmp2, $4  }
0x4b: {  	[sflag:s16] =	ssyncadd.s32 $0xFFFFEC00  }
0x4c: {  	[bflag:$0x0] =	sbarrier.arrive $0xFFFF  }
0x4d: {  	[tilespmem:s20], [sflag:$0x1] =	stream.indirect.gather [hbm4b:s4+s19], $0x80, s3, s19, $0xb8;
	[tilespmem:$0x170C0] =	vst v63  }
0x4e: {  	s26 =	simm.s32 $0x100  }
0x4f: {  	p1 =	sne.s32 s28, $0x1  }
.Ltmp3:
0x50: {  	_ = 	snop;
	(pc) =	sbr.rel @!p1 .LBB2_3-.Ltmp3, $2  }
0x51: {  	_ =	sdelay $0x2  }
0x52: {  	s28 =	sadd.s32 $0xFFFFFFFF, s28;
	p0 =	por $0x0, $0x0  }
0x53: {  	s29 =	sadd.s32 $0xFFFFFF80, s26  }
0x54: {  	[tilespmem:s22], [sflag:$0x2] =	stream.indirect.gather [hbm4b:s4+s19], $0x80, s29, s19, $0xb8;
	[tilespmem:$0x170C0] =	vst v63  }
0x55: {  	_ =	swait.ge [sflag:s21], $0x2800  }
0x56: {  	[sflag:s21] =	ssyncset.done $0x0  }
0x57: {  	[sflag:s21] =	ssyncadd.s32 $0xFFFFD800  }
0x58: {  	[spmem:s1] =	stream.indirect.scatter.add.f32 [tilespmem:s20], [sflag:$0x3], $0x80, s25, s19, $0xb8;
	[tilespmem:$0x170C0] =	vst v63  }
0x59: {  	_ =	swait.ge [sflag:s16], $0x2800  }
0x5a: {  	[sflag:s16] =	ssyncset.done $0x0  }
0x5b: {  	[sflag:s16] =	ssyncadd.s32 $0xFFFFD800  }
0x5c: {  	[tilespmem:s20], [sflag:$0x1] =	stream.indirect.gather [hbm4b:s4+s19], $0x80, s26, s19, $0xb8;
	[tilespmem:$0x170C0] =	vst v63  }
0x5d: {  	p1 =	sne.s32 s28, $0x1;
	_ =	swait.ge [sflag:s23], $0x2800  }
.Ltmp4:
0x5e: {  	[sflag:s23] =	ssyncset.done $0x0;
	(pc) =	sbr.rel @!p1 .LBB2_5-.Ltmp4, $4  }
0x5f: {  	s29 =	sadd.s32 $0x80, s25;
	[sflag:s23] =	ssyncadd.s32 $0xFFFFD800  }
0x60: {  	[spmem:s1] =	stream.indirect.scatter.add.f32 [tilespmem:s22], [sflag:$0x3], $0x80, s29, s19, $0xb8;
	[tilespmem:$0x170C0] =	vst v63  }
0x61: {  	p0 =	por $0x1, $0x1;
	s26 =	sadd.s32 $0x100, s26;
	_ =	swait.ge [sflag:s16], $0x2800  }
0x62: {  	s29 =	sadd.s32 $0xFFFFFFFF, s28;
	s28 =	simm.s32 $0x4000;
	[sflag:s16] =	ssyncset.done $0x0  }
.LBB2_6:
0x63: {  	s30 =	sadd.s32 $0xFFFFFF80, s26;
	[sflag:s16] =	ssyncadd.s32 $0xFFFFD800;
	s28 =	sadd.s32 $0x100, s28  }
0x64: {  	[tilespmem:s22], [sflag:$0x2] =	stream.indirect.gather [hbm4b:s4+s19], $0x80, s30, s19, $0xb8;
	[tilespmem:$0x170C0] =	vst v63  }
0x65: {  	p1 =	sne.s32 s29, $0x1;
	s29 =	sadd.s32 $0xFFFFFFFF, s29;
	_ =	swait.ge [sflag:s21], $0x2800  }
0x66: {  	[sflag:s21] =	ssyncset.done $0x0  }
0x67: {  	[sflag:s21] =	ssyncadd.s32 $0xFFFFD800  }
0x68: {  	[spmem:s1] =	stream.indirect.scatter.add.f32 [tilespmem:s20], [sflag:$0x3], $0x80, s28, s19, $0xb8;
	[tilespmem:$0x170C0] =	vst v63  }
0x69: {  	_ =	swait.ge [sflag:s16], $0x2800  }
0x6a: {  	[sflag:s16] =	ssyncset.done $0x0  }
0x6b: {  	[sflag:s16] =	ssyncadd.s32 $0xFFFFD800  }
0x6c: {  	[tilespmem:s20], [sflag:$0x1] =	stream.indirect.gather [hbm4b:s4+s19], $0x80, s26, s19, $0xb8;
	[tilespmem:$0x170C0] =	vst v63  }
0x6d: {  	_ =	swait.ge [sflag:s23], $0x2800  }
.Ltmp5:
0x6e: {  	[sflag:s23] =	ssyncset.done $0x0;
	(pc) =	sbr.rel @p1 .LBB2_6-.Ltmp5, $4  }
0x6f: {  	s30 =	sadd.s32 $0x80, s28;
	[sflag:s23] =	ssyncadd.s32 $0xFFFFD800  }
0x70: {  	[spmem:s1] =	stream.indirect.scatter.add.f32 [tilespmem:s22], [sflag:$0x3], $0x80, s30, s19, $0xb8;
	[tilespmem:$0x170C0] =	vst v63  }
0x71: {  	_ =	swait.ge [sflag:s16], $0x2800  }
0x72: {  	s26 =	sadd.s32 $0x100, s26;
	[sflag:s16] =	ssyncset.done $0x0  }
.LBB2_7:
0x73: {  	s29 =	sadd.s32 $0xFFFFFF80, s26;
	[sflag:s16] =	ssyncadd.s32 @p0 $0xFFFFD800  }
0x74: {  	[tilespmem:s22], [sflag:$0x2] =	stream.indirect.gather [hbm4b:s4+s19], $0x80, s29, s19, $0xb8;
	[tilespmem:$0x170C0] =	vst v63  }
0x75: {  	_ =	swait.ge [sflag:s21], $0x2800  }
0x76: {  	s28 =	sadd.s32 @p0 $0x100, s28;
	[sflag:s21] =	ssyncset.done $0x0  }
0x77: {  	s25 =	smov.u32 @p0 s28;
	[sflag:s21] =	ssyncadd.s32 $0xFFFFD800  }
0x78: {  	[spmem:s1] =	stream.indirect.scatter.add.f32 [tilespmem:s20], [sflag:$0x3], $0x80, s25, s19, $0xb8;
	[tilespmem:$0x170C0] =	vst v63  }
0x79: {  	_ =	swait.ge [sflag:s16], $0x2800  }
0x7a: {  	[sflag:s16] =	ssyncset.done $0x0  }
0x7b: {  	[sflag:s16] =	ssyncadd.s32 $0xFFFFD800  }
0x7c: {  	[tilespmem:s20], [sflag:$0x1] =	stream.indirect.gather [hbm4b:s4+s19], $0x80, s26, s19, $0xb8;
	[tilespmem:$0x170C0] =	vst v63  }
0x7d: {  	_ =	swait.ge [sflag:s23], $0x2800  }
0x7e: {  	[sflag:s23] =	ssyncset.done $0x0  }
0x7f: {  	s25 =	sadd.s32 $0x80, s25;
	[sflag:s23] =	ssyncadd.s32 $0xFFFFD800  }
0x80: {  	[spmem:s1] =	stream.indirect.scatter.add.f32 [tilespmem:s22], [sflag:$0x3], $0x80, s25, s19, $0xb8;
	[tilespmem:$0x170C0] =	vst v63  }
0x81: {  	_ =	swait.ge [sflag:s16], $0x2800  }
0x82: {  	[sflag:s16] =	ssyncset.done $0x0  }
0x83: {  	[sflag:s16] =	ssyncadd.s32 $0xFFFFD800  }
.LBB2_8:
0x84: {  	_ =	swait.ge [sflag:s21], $0x2800  }
0x85: {  	[sflag:s21] =	ssyncset.done $0x0  }
0x86: {  	[sflag:s21] =	ssyncadd.s32 $0xFFFFD800  }
0x87: {  	[bflag:$0x0] =	sbarrier.arrive $0xFFFF  }
0x88: {  	[hbm:s9], [sflag:s17] =	dma.local [spmem:s18], $0x1400  }
0x89: {  	_ =	swait.ge [sflag:s16], $0x1400  }
0x8a: {  	[sflag:s16] =	ssyncset.done $0x0  }
0x8b: {  	[sflag:s16] =	ssyncadd.s32 $0xFFFFEC00  }
0x8c: {  	[bflag:$0x0] =	sbarrier.arrive $0xFFFF  }
0x8d: {  	[tilespmem:s3], [sflag:$0x3] =	stream.linear.gather [hbm4b:s10+s3], $0x3F80, $0x38;
	[tilespmem:$0x170C0] =	vst v63  }
0x8e: {  	_ =	swait.ge [sflag:s16], $0x3F80  }
0x8f: {  	[sflag:s16] =	ssyncset.done $0x0  }
0x90: {  	s25 =	simm.s32 $0x4000;
	[sflag:s16] =	ssyncadd.s32 $0xFFFFC080  }
0x91: {  	[tilespmem:s25], [sflag:$0x3] =	stream.linear.gather [hbm4b:s11+s3], $0x3F80, $0x38;
	[tilespmem:$0x170C0] =	vst v63  }
0x92: {  	v0 =	vsel vm1, $0x0, v0;
	_ =	swait.ge [sflag:s16], $0x3F80  }
0x93: {  	(xrf0) =	vadd.scan.msk.s32 $0xffff, v0;
	_ =	sdelay $0x5  }
0x94: {  	v0, _, _ =	vpop (xrf0)  }
0x95: {  	(v2sf) =	vpush v0, $0xF;
	_ =	sdelay $0xd  }
0x96: {  	[sflag:s16] =	ssyncset.done $0x0  }
0x97: {  	[sflag:s16] =	ssyncadd.s32 $0xFFFFC080;
	s26 =	spop (v2sf)  }
0x98: {  	[spmem:s18], [sflag:s17] =	dma.local [hbm:s12], $0x1400  }
0x99: {  	s28 =	sadd.s32 $0x1, s26;
	p0 =	slt.u32 s26, $0x7FFFFFFF;
	s26 =	simm.s32 $0x1  }
0x9a: {  	s26 =	simm.s32 @!p0 $0x0;
	s29 =	sshra.s32 s28, $0x1F  }
0x9b: {  	s30 =	sand.u32 $0x1, s28;
	s26 =	sadd.s32 s26, s29  }
0x9c: {  	p1 =	seq.s32 s30, $0x1;
	p6 =	sne.s32 s26, $0x1  }
0x9d: {  	s31 =	sshrl.u32 s28, $0x1F;
	p0 =	por !p6, !p1  }
0x9e: {  	s26 =	sadd.s32 s31, s28;
	s28 =	simm.s32 $0x1;
	p0 =	por !p0, !p0  }
0x9f: {  	s26 =	sshra.s32 s26, $0x1;
	s28 =	simm.s32 @!p0 $0x0  }
0xa0: {  	s28 =	ssub.s32 s26, s28  }
0xa1: {  	_ =	swait.ge [sflag:s16], $0x1400;
	p0 =	slt.s32 s28, $0x1  }
.Ltmp6:
0xa2: {  	[sflag:s16] =	ssyncset.done $0x0;
	(pc) =	sbr.rel @p0 .LBB2_15-.Ltmp6, $4  }
0xa3: {  	[sflag:s16] =	ssyncadd.s32 $0xFFFFEC00  }
0xa4: {  	[bflag:$0x0] =	sbarrier.arrive $0xFFFF  }
0xa5: {  	[tilespmem:s20], [sflag:$0x1] =	stream.indirect.gather [hbm4b:s4+s19], $0x80, s3, s19, $0xb8;
	[tilespmem:$0x170C0] =	vst v63  }
0xa6: {  	s26 =	simm.s32 $0x100  }
0xa7: {  	p1 =	sne.s32 s28, $0x1  }
.Ltmp7:
0xa8: {  	_ = 	snop;
	(pc) =	sbr.rel @!p1 .LBB2_10-.Ltmp7, $2  }
0xa9: {  	_ =	sdelay $0x2  }
0xaa: {  	s28 =	sadd.s32 $0xFFFFFFFF, s28;
	p0 =	por $0x0, $0x0  }
0xab: {  	s29 =	sadd.s32 $0xFFFFFF80, s26  }
0xac: {  	[tilespmem:s22], [sflag:$0x2] =	stream.indirect.gather [hbm4b:s4+s19], $0x80, s29, s19, $0xb8;
	[tilespmem:$0x170C0] =	vst v63  }
0xad: {  	_ =	swait.ge [sflag:s21], $0x2800  }
0xae: {  	[sflag:s21] =	ssyncset.done $0x0  }
0xaf: {  	[sflag:s21] =	ssyncadd.s32 $0xFFFFD800  }
0xb0: {  	[spmem:s1] =	stream.indirect.scatter.add.f32 [tilespmem:s20], [sflag:$0x3], $0x80, s25, s19, $0xb8;
	[tilespmem:$0x170C0] =	vst v63  }
0xb1: {  	_ =	swait.ge [sflag:s16], $0x2800  }
0xb2: {  	[sflag:s16] =	ssyncset.done $0x0  }
0xb3: {  	[sflag:s16] =	ssyncadd.s32 $0xFFFFD800  }
0xb4: {  	[tilespmem:s20], [sflag:$0x1] =	stream.indirect.gather [hbm4b:s4+s19], $0x80, s26, s19, $0xb8;
	[tilespmem:$0x170C0] =	vst v63  }
0xb5: {  	p1 =	sne.s32 s28, $0x1;
	_ =	swait.ge [sflag:s23], $0x2800  }
.Ltmp8:
0xb6: {  	[sflag:s23] =	ssyncset.done $0x0;
	(pc) =	sbr.rel @!p1 .LBB2_12-.Ltmp8, $4  }
0xb7: {  	s29 =	sadd.s32 $0x80, s25;
	[sflag:s23] =	ssyncadd.s32 $0xFFFFD800  }
0xb8: {  	[spmem:s1] =	stream.indirect.scatter.add.f32 [tilespmem:s22], [sflag:$0x3], $0x80, s29, s19, $0xb8;
	[tilespmem:$0x170C0] =	vst v63  }
0xb9: {  	p0 =	por $0x1, $0x1;
	s26 =	sadd.s32 $0x100, s26;
	_ =	swait.ge [sflag:s16], $0x2800  }
0xba: {  	s29 =	sadd.s32 $0xFFFFFFFF, s28;
	s28 =	simm.s32 $0x4000;
	[sflag:s16] =	ssyncset.done $0x0  }
.LBB2_13:
0xbb: {  	s30 =	sadd.s32 $0xFFFFFF80, s26;
	[sflag:s16] =	ssyncadd.s32 $0xFFFFD800;
	s28 =	sadd.s32 $0x100, s28  }
0xbc: {  	[tilespmem:s22], [sflag:$0x2] =	stream.indirect.gather [hbm4b:s4+s19], $0x80, s30, s19, $0xb8;
	[tilespmem:$0x170C0] =	vst v63  }
0xbd: {  	p1 =	sne.s32 s29, $0x1;
	s29 =	sadd.s32 $0xFFFFFFFF, s29;
	_ =	swait.ge [sflag:s21], $0x2800  }
0xbe: {  	[sflag:s21] =	ssyncset.done $0x0  }
0xbf: {  	[sflag:s21] =	ssyncadd.s32 $0xFFFFD800  }
0xc0: {  	[spmem:s1] =	stream.indirect.scatter.add.f32 [tilespmem:s20], [sflag:$0x3], $0x80, s28, s19, $0xb8;
	[tilespmem:$0x170C0] =	vst v63  }
0xc1: {  	_ =	swait.ge [sflag:s16], $0x2800  }
0xc2: {  	[sflag:s16] =	ssyncset.done $0x0  }
0xc3: {  	[sflag:s16] =	ssyncadd.s32 $0xFFFFD800  }
0xc4: {  	[tilespmem:s20], [sflag:$0x1] =	stream.indirect.gather [hbm4b:s4+s19], $0x80, s26, s19, $0xb8;
	[tilespmem:$0x170C0] =	vst v63  }
0xc5: {  	_ =	swait.ge [sflag:s23], $0x2800  }
.Ltmp9:
0xc6: {  	[sflag:s23] =	ssyncset.done $0x0;
	(pc) =	sbr.rel @p1 .LBB2_13-.Ltmp9, $4  }
0xc7: {  	s30 =	sadd.s32 $0x80, s28;
	[sflag:s23] =	ssyncadd.s32 $0xFFFFD800  }
0xc8: {  	[spmem:s1] =	stream.indirect.scatter.add.f32 [tilespmem:s22], [sflag:$0x3], $0x80, s30, s19, $0xb8;
	[tilespmem:$0x170C0] =	vst v63  }
0xc9: {  	_ =	swait.ge [sflag:s16], $0x2800  }
0xca: {  	s26 =	sadd.s32 $0x100, s26;
	[sflag:s16] =	ssyncset.done $0x0  }
.Ltmp10:
0xcb: {  	_ = 	snop;
	(pc) =	sbr.rel .LBB2_14-.Ltmp10, $1  }
0xcc: {  	_ =	sdelay $0x3  }
.LBB2_3:
.Ltmp11:
0xcd: {  	(pc) =	sbr.rel .LBB2_7-.Ltmp11, $2  }
0xce: {  	_ =	sdelay $0x2  }
0xcf: {  	s28 =	simm.s32 $0x4000  }
.LBB2_5:
.Ltmp12:
0xd0: {  	(pc) =	sbr.rel .LBB2_7-.Ltmp12, $2  }
0xd1: {  	_ =	sdelay $0x2  }
0xd2: {  	s28 =	simm.s32 $0x4000  }
.LBB2_12:
.Ltmp13:
0xd3: {  	(pc) =	sbr.rel .LBB2_14-.Ltmp13, $2  }
0xd4: {  	_ =	sdelay $0x2  }
0xd5: {  	s28 =	simm.s32 $0x4000  }
.LBB2_16:
0xd6: {  	_ =	sfence.sel $0x180000  }
0xd7: {  	[bflag:$0x0] =	sbarrier.arrive $0xFFFF  }
0xd8: {  	p0 =	sne.s32 s2, $0x0;
	_ =	strace $0x9000004A  }
0xd9: {  	s0 =	sadd.s32 @!p0 $0x100000, s0;
	[bflag:$0x2] =	sbarrier.arrive $0xFFFF  }
0xda: {  	[sflag:s0] =	ssyncadd.tile.s32 @!p0 $0x1;
	_ =	shalt  }
.Lfunc_end2:
_tile_overlayer_lowered:
.L_overlay_start_2:
0xdb: {  	(tag) =	ssettag $0x2  }
0xdc: {  	s0 =	rddreg [dreg:$0x0];
	s2 =	stileid.u32  }
0xdd: {  	s1 =	rddreg [dreg:$0x1];
	p0 =	sne.s32 s2, $0x0  }
0xde: {  	s3 =	rddreg [dreg:$0x2];
	[bflag:$0x3] =	sbarrier.arrive $0xFFFF;
	s2 =	simm.s32 @!p0 $0x1C03  }
0xdf: {  	[timem:s3], [sflag:s2] =	dma.local @!p0 [hbm:s0], s1  }
0xe0: {  	s0 =	simm.s32 @!p0 $0x3  }
0xe1: {  	_ =	swait.ge @!p0 [sflag:s0], s1  }
0xe2: {  	s1 =	ssub.s32 @!p0 $0x0, s1;
	[sflag:s0] =	ssyncset.done @!p0 $0x0  }
0xe3: {  	[sflag:s0] =	ssyncadd.s32 @!p0 s1  }
0xe4: {  	[bflag:$0x3] =	sbarrier.arrive $0xFFFF  }
0xe5: {  	_ =	shalt  }

// kernel: kernel.16.cloned.1.call-start
scs
__scs_entry_jumppad:
0x0: {  	(pc) =	sbr.rel $0x88, $3  }
0x1: {  	(tag) =	ssettag $0x0;
	lr =	simm.s32 $0x1  }
0x2: {  	[smem:$0x3F90] =	sst lr;
	_ =	strace $0xD0000000  }
0x3: {  	_ = 	snop  }
0x4: {  	_ = 	snop  }
0x5: {  	_ = 	snop  }
0x6: {  	_ = 	snop  }
0x7: {  	_ = 	snop  }
__scs_overlays_trampoline_lowered:
0x8: {  	[smem:$0x3F9F] =	sst s0  }
0x9: {  	[smem:$0x3FA0] =	sst s1  }
0xa: {  	[smem:$0x3FA1] =	sst s2  }
0xb: {  	[smem:$0x3FA2] =	sst s3  }
0xc: {  	[smem:$0x3FA3] =	sst s4  }
0xd: {  	[smem:$0x3FA4] =	sst s5  }
0xe: {  	[smem:$0x3FA5] =	sst s6  }
0xf: {  	[smem:$0x3FA6] =	sst s7  }
0x10: {  	[smem:$0x3FA7] =	sst s8  }
0x11: {  	[smem:$0x3FA8] =	sst s9;
	s0 =	simm.s32 @!p0 $0x0  }
0x12: {  	s1 =	sld [smem:$0x3F8E];
	s0 =	simm.s32 @p0 $0x1  }
0x13: {  	[smem:$0x3FA9] =	sst s0;
	s0 =	simm.s32 @!p1 $0x0  }
0x14: {  	s2 =	sld [smem:$0x3F8D];
	s0 =	simm.s32 @p1 $0x1  }
0x15: {  	[smem:$0x3FAA] =	sst s0;
	s0 =	simm.s32 @!p2 $0x0  }
0x16: {  	s3 =	sld [smem:$0x3FDB];
	s0 =	simm.s32 @p2 $0x1  }
0x17: {  	s4 =	simm.s32 $0x1BF5;
	[smem:$0x3FAC] =	sst s0  }
0x18: {  	s0 =	sld [smem:$0x3F8F];
	_ =	swait.ge [sflag:s4], $0x0  }
0x19: {  	s7 =	sld [smem:$0x3F90]  }
0x1a: {  	s8 =	sadd.s32 $0xFFFFE003, lr  }
0x1b: {  	s9 =	sadd.s32 $0xFFFFFEF7, lr;
	s5 =	simm.s32 $0xFFFFFFFF;
	p2 =	slt.u32 s8, $0xFFFFF086  }
0x1c: {  	p1 =	slt.u32 s9, $0xF7A;
	s5 =	simm.s32 @!p2 $0x0  }
0x1d: {  	s5 =	simm.s32 @p1 $0x1;
	p0 =	seq.s32 s7, s2  }
0x1e: {  	s7 =	smul.u32 @!p0 $0xF7A, s2;
	p2 =	seq.s32 @!p0 s5, $0x0  }
0x1f: {  	s9 =	smul.u32 $0xF7A, s1;
	s8 =	simm.s32 @!p0 $0x1BF5;
	p2 =	por !p2, p0  }
0x20: {  	[sflag:s8] =	ssyncset.s32 @!p0 $0xFFFFF086;
	s6 =	sadd.s32 @!p0 s3, s7;
	s7 =	simm.s32 @!p0 $0x108  }
0x21: {  	s3 =	sadd.s32 s3, s9;
	s6 =	sadd.s32 @!p0 $0x88, s6;
	s7 =	simm.s32 @p2 $0x1082  }
0x22: {  	[simem:s7], [sflag:s8] =	dma.local @!p0 [hbm:s6], $0xF7A  }
0x23: {  	s9 =	sor.u32 $0xD0000000, s2;
	s6 =	simm.s32 $0x108;
	_ =	swait.ge @!p0 [sflag:s8], $0x0  }
0x24: {  	s3 =	sadd.s32 $0x88, s3;
	s6 =	simm.s32 @!p1 $0x1082;
	[sflag:s4] =	ssyncset.s32 $0xFFFFF086  }
0x25: {  	[simem:s6], [sflag:s4] =	dma.local [hbm:s3], $0xF7A  }
0x26: {  	[smem:$0x3F90] =	sst s1;
	(tag) =	ssettag s2;
	_ =	strace s9  }
0x27: {  	s1 =	sld [smem:$0x3FA0]  }
0x28: {  	s2 =	sld [smem:$0x3FA1]  }
0x29: {  	s4 =	sld [smem:$0x3FA3]  }
0x2a: {  	p0 =	seq.s32 s5, $0x0;
	s5 =	sld [smem:$0x3FA4]  }
0x2b: {  	s6 =	sld [smem:$0x3FA5]  }
0x2c: {  	s7 =	sld [smem:$0x3FA6]  }
0x2d: {  	s3 =	simm.s32 $0x108;
	s8 =	sld [smem:$0x3FA7]  }
0x2e: {  	s3 =	simm.s32 @!p0 $0x1082;
	s9 =	sld [smem:$0x3FA8]  }
0x2f: {  	lr =	sadd.s32 s0, s3;
	s0 =	sld [smem:$0x3F9F]  }
0x30: {  	s3 =	sld [smem:$0x3FA2]  }
0x31: {  	[smem:$0x3FAB] =	sst s10  }
0x32: {  	s10 =	sld [smem:$0x3FA9];
	_ =	sdelay $0x3  }
0x33: {  	p0 =	seq.s32 s10, $0x1;
	s10 =	sld [smem:$0x3FAB];
	_ =	sdelay $0x3  }
0x34: {  	[smem:$0x3FAB] =	sst s10  }
0x35: {  	s10 =	sld [smem:$0x3FAA];
	_ =	sdelay $0x3  }
0x36: {  	p1 =	seq.s32 s10, $0x1;
	s10 =	sld [smem:$0x3FAB];
	_ =	sdelay $0x3  }
0x37: {  	[smem:$0x3FAB] =	sst s10  }
0x38: {  	s10 =	sld [smem:$0x3FAC]  }
0x39: {  	_ = 	snop;
	(pc) =	sbr.ind lr, $3  }
0x3a: {  	_ = 	snop  }
0x3b: {  	_ = 	snop  }
0x3c: {  	p2 =	seq.s32 s10, $0x1;
	s10 =	sld [smem:$0x3FAB]  }
0x3d: {  	_ =	shalt  }
0x3e: {  	_ =	shalt  }
0x3f: {  	_ =	shalt  }
0x40: {  	_ =	shalt  }
0x41: {  	_ =	shalt  }
0x42: {  	_ =	shalt  }
0x43: {  	_ =	shalt  }
0x44: {  	_ =	shalt  }
0x45: {  	_ =	shalt  }
0x46: {  	_ =	shalt  }
0x47: {  	_ =	shalt  }
0x48: {  	_ =	shalt  }
0x49: {  	_ =	shalt  }
0x4a: {  	_ =	shalt  }
0x4b: {  	_ =	shalt  }
0x4c: {  	_ =	shalt  }
0x4d: {  	_ =	shalt  }
0x4e: {  	_ =	shalt  }
0x4f: {  	_ =	shalt  }
0x50: {  	_ =	shalt  }
0x51: {  	_ =	shalt  }
0x52: {  	_ =	shalt  }
0x53: {  	_ =	shalt  }
0x54: {  	_ =	shalt  }
0x55: {  	_ =	shalt  }
0x56: {  	_ =	shalt  }
0x57: {  	_ =	shalt  }
0x58: {  	_ =	shalt  }
0x59: {  	_ =	shalt  }
0x5a: {  	_ =	shalt  }
0x5b: {  	_ =	shalt  }
0x5c: {  	_ =	shalt  }
0x5d: {  	_ =	shalt  }
0x5e: {  	_ =	shalt  }
0x5f: {  	_ =	shalt  }
0x60: {  	_ =	shalt  }
0x61: {  	_ =	shalt  }
0x62: {  	_ =	shalt  }
0x63: {  	_ =	shalt  }
0x64: {  	_ =	shalt  }
0x65: {  	_ =	shalt  }
0x66: {  	_ =	shalt  }
0x67: {  	_ =	shalt  }
0x68: {  	_ =	shalt  }
0x69: {  	_ =	shalt  }
0x6a: {  	_ =	shalt  }
0x6b: {  	_ =	shalt  }
0x6c: {  	_ =	shalt  }
0x6d: {  	_ =	shalt  }
0x6e: {  	_ =	shalt  }
0x6f: {  	_ =	shalt  }
0x70: {  	_ =	shalt  }
0x71: {  	_ =	shalt  }
0x72: {  	_ =	shalt  }
0x73: {  	_ =	shalt  }
0x74: {  	_ =	shalt  }
0x75: {  	_ =	shalt  }
0x76: {  	_ =	shalt  }
0x77: {  	_ =	shalt  }
0x78: {  	_ =	shalt  }
0x79: {  	_ =	shalt  }
0x7a: {  	_ =	shalt  }
0x7b: {  	_ =	shalt  }
0x7c: {  	_ =	shalt  }
0x7d: {  	_ =	shalt  }
0x7e: {  	_ =	shalt  }
0x7f: {  	_ =	shalt  }
0x80: {  	_ =	shalt  }
0x81: {  	_ =	shalt  }
0x82: {  	_ =	shalt  }
0x83: {  	_ =	shalt  }
0x84: {  	_ =	shalt  }
0x85: {  	_ =	shalt  }
0x86: {  	_ =	shalt  }
0x87: {  	_ =	shalt  }
.Lfunc_end0:
.L_simem_size_0:
called_computation.2_lowered:
.L_overlay_start_0:
0x88: {  	s2 =	sld [smem:$0x3FD9]  }
0x89: {  	s3 =	sld [smem:$0x3FFE];
	_ =	sdelay $0x1  }
0x8a: {  	s1 =	srdreg.scid  }
0x8b: {  	s0 =	sand.u32 $0x1, s1  }
0x8c: {  	s16 =	sshll.u32 s0, $0xA;
	s2 =	sadd.s32 s3, s2  }
0x8d: {  	s2 =	sadd.s32 s2, s16  }
0x8e: {  	[smem:$0x3FB7] =	sst s2  }
0x8f: {  	_ = 	snop  }
0x90: {  	(tm) =	ssettm $0x1  }
0x91: {  	s17 =	sld [smem:$0x3FFB];
	_ =	sdelay $0x3  }
0x92: {  	_ =	strace s17  }
0x93: {  	s2 =	sld [smem:$0x3FFC];
	_ =	sdelay $0x3  }
0x94: {  	_ =	strace s2  }
0x95: {  	s2 =	sld [smem:$0x3FFD];
	_ =	sdelay $0x3  }
0x96: {  	_ =	strace s2  }
0x97: {  	_ =	strace $0x8FFFFFFF  }
0x98: {  	s18 =	sld [smem:$0x3FDB];
	_ =	sdelay $0x1  }
0x99: {  	s19 =	simm.s32 $_scs_section_size  }
0x9a: {  	s4 =	simm.s32 $_size__tile_overlayer_lowered;
	s5 =	simm.s32 $_tile_overlayer_lowered  }
0x9b: {  	s22 =	simm.s32 $0x1BFF;
	s21 =	sshll.u32 s5, $0x1;
	s2 =	sadd.s32 s19, s18  }
0x9c: {  	s6 =	simm.s32 $0x0;
	s20 =	sshll.u32 s4, $0x1;
	s4 =	sadd.s32 s21, s2  }
0x9d: {  	[timem:s6], [sflag:s22] =	dma.local [hbm:s4], s20  }
0x9e: {  	_ =	swait.ge [sflag:s22], s20  }
0x9f: {  	s3 =	ssub.s32 $0x0, s20;
	[sflag:s22] =	ssyncset.done $0x0  }
0xa0: {  	[sflag:s22] =	ssyncadd.s32 s3;
	_ =	sdelay $0x1  }
0xa1: {  	s23 =	simm.s32 $0x1B8B  }
0xa2: {  	_ =	swait.ge [sflag:s23], $0x1  }
0xa3: {  	[sflag:s23] =	ssyncset.done $0x0  }
0xa4: {  	s25 =	simm.s32 $0x1B8E;
	s24 =	sld [smem:$0x3FFE];
	[sflag:s23] =	ssyncadd.s32 $0xFFFFFFFF  }
0xa5: {  	s26 =	simm.s32 $execute0_lowered;
	[smem:$0x3FD2] =	sst s25  }
0xa6: {  	s4 =	sshll.u32 s26, $0x1;
	_ =	strace $0x8000004C;
	[dreg:$0x1] =	wrdreg $0xFFFFFFFF  }
0xa7: {  	s28 =	simm.s32 $_size_execute0_lowered;
	s2 =	sadd.s32 s2, s4;
	[dreg:$0x0] =	wrdreg $0x0  }
0xa8: {  	s4 =	sshll.u32 s28, $0x1;
	[dreg:$0x2] =	wrdreg s2  }
0xa9: {  	[dreg:$0x3] =	wrdreg s4  }
0xaa: {  	[dreg:$0x4] =	wrdreg $0xC0  }
0xab: {  	_ =	task [dreg:s6], $0x5FFFF  }
0xac: {  	[dreg:$0x1] =	wrdreg $0xFFFFFFFF  }
0xad: {  	[dreg:$0x0] =	wrdreg $0x60  }
0xae: {  	[dreg:$0x2] =	wrdreg s24  }
0xaf: {  	[dreg:$0x3] =	wrdreg $0xD0800  }
0xb0: {  	[dreg:$0x4] =	wrdreg $0x9  }
0xb1: {  	_ =	task.clear_ibuf [dreg:s6], $0x5FFFF;
	_ =	strace $0x9000004C  }
0xb2: {  	s29 =	simm.s32 $0x9;
	_ =	strace $0x8000004E  }
0xb3: {  	_ =	swait.ge [sflag:s29], $0x1  }
0xb4: {  	[sflag:s29] =	ssyncadd.s32 $0xFFFFFFFF  }
0xb5: {  	_ =	strace $0x9000004E  }
0xb6: {  	_ =	sfence  }
0xb7: {  	s30 =	sld [smem:$0x0];
	_ =	sdelay $0x2  }
0xb8: {  	s31 =	sshll.u32 s1, $0xD;
	s1 =	sshrl.u32 s1, $0x2  }
0xb9: {  	s3 =	sand.u32 $0x4000, s31;
	s1 =	sadd.s32 s1, s30  }
0xba: {  	s0 =	sor.u32 s3, s0;
	s1 =	sshll.u32 s1, $0x11  }
0xbb: {  	s0 =	sor.u32 s1, s0  }
0xbc: {  	s0 =	sadd.s32 $0x8F2B, s0  }
0xbd: {  	[sflag:s0] =	ssyncadd.remote.s32 $0x1  }
0xbe: {  	_ =	sfence.sel $0xFFFF  }
0xbf: {  	[dreg:$0x0] =	wrdreg $0xFFFFFFFF;
	(pc) =	sbr.abs _section_cstart, $3  }
0xc0: {  	[dreg:$0x1] =	wrdreg $0xFFFFFFFF  }
0xc1: {  	_ =	task.clear_ibuf [dreg:s6], $0x2FFFF;
	_ =	strace $0x9FFFFFFF  }
0xc2: {  	(tm) =	ssettm $0x7FFFFFFF  }
0xc3: {  	_ =	shalt  }
tec
execute0_lowered:
.L_overlay_start_1:
0x0: {  	(tag) =	ssettag $0x1  }
0x1: {  	s5 =	rddreg [dreg:$0x0]  }
0x2: {  	s1 =	rddreg [dreg:$0x1]  }
0x3: {  	s2 =	srdreg.scid;
	s0 =	rddreg [dreg:$0x2]  }
0x4: {  	s3 =	simm.s32 $0x0;
	s16 =	simm.s32 $0x3;
	s19 =	simm.s32 $0x50  }
0x5: {  	s20 =	simm.s32 $0x8080;
	s21 =	simm.s32 $0x1;
	s22 =	simm.s32 $0xA880  }
0x6: {  	s6 =	sand.u32 $0x1, s2;
	[smem:$0x7FF] =	sst s3;
	s2 =	stileid.u32  }
0x7: {  	s13 =	sadd.s32 $0xA9200, s5;
	s4 =	sshll.u32 s6, $0x4;
	s24 =	smul.u32 $0x28000, s2  }
0x8: {  	_ =	strace $0x8000004D;
	s8 =	sshll.u32 s2, $0x4;
	s12 =	smul.u32 $0xA000, s2  }
0x9: {  	s23 =	ssub.s32 $0x2, s6;
	s26 =	smul.u32 $0x140000, s6;
	s17 =	sshll.u32 s2, $0x6  }
0xa: {  	s7 =	sor.u32 s2, s4;
	s4 =	sadd.s32 $0x41200, s5;
	s8 =	sand.u32 $0x70, s8  }
0xb: {  	s10 =	sshrl.u32 s23, $0x1;
	s17 =	sor.u32 $0x1C03, s17;
	s9 =	sshll.u32 s7, $0xB  }
0xc: {  	s8 =	sadd.s32 s8, s5;
	s7 =	sshll.u32 s7, $0x4;
	s14 =	ssub.s32 s23, s10  }
0xd: {  	s28 =	sshrl.u32 s24, $0x2;
	s29 =	sadd.s32 s12, s26;
	s30 =	sshrl.u32 s12, $0x3  }
0xe: {  	s12 =	sadd.s32 $0xA0000, s12;
	s23 =	simm.s32 $0x2;
	s24 =	simm.s32 $0x0  }
0xf: {  	s11 =	sadd.s32 s9, s5;
	s7 =	sand.u32 $0x180, s7;
	s18 =	sadd.s32 s28, s1  }
0x10: {  	s15 =	sshrl.u32 s29, $0x3;
	s31 =	sadd.s32 s26, s12;
	s12 =	sshrl.u32 s12, $0x3  }
.Ltmp0:
0x11: {  	s14 =	smax.u32 s14, $0x1;
	s25 =	sadd.s32 s7, s8;
	(pc) =	sbr.rel .LBB2_1-.Ltmp0, $4  }
0x12: {  	s6 =	sadd.s32 $0x69200, s11;
	s7 =	sadd.s32 $0x79200, s11;
	s8 =	sadd.s32 s4, s30  }
0x13: {  	s9 =	sadd.s32 s13, s15;
	s10 =	sadd.s32 $0x89200, s11;
	s15 =	sshrl.u32 s31, $0x3  }
0x14: {  	s11 =	sadd.s32 $0x99200, s11;
	s12 =	sadd.s32 s4, s12;
	s18 =	sshrl.u32 s18, $0x3  }
0x15: {  	vm0 =	vmmov $0x1;
	vm1 =	vcmask $0x308;
	s5 =	sadd.s32 $0x41000, s25;
	s13 =	sadd.s32 s13, s15;
	s15 =	simm.s32 $0x8000  }
.LBB2_10:
0x16: {  	s28 =	simm.s32 $0x4000  }
.LBB2_14:
0x17: {  	s29 =	sadd.s32 $0xFFFFFF80, s26;
	[sflag:s16] =	ssyncadd.s32 @p0 $0xFFFFD800  }
0x18: {  	[tilespmem:s22], [sflag:$0x2] =	stream.indirect.gather [hbm4b:s4+s19], $0x80, s29, s19, $0xb8;
	[tilespmem:$0x170C0] =	vst v63  }
0x19: {  	_ =	swait.ge [sflag:s21], $0x2800  }
0x1a: {  	s28 =	sadd.s32 @p0 $0x100, s28;
	[sflag:s21] =	ssyncset.done $0x0  }
0x1b: {  	s25 =	smov.u32 @p0 s28;
	[sflag:s21] =	ssyncadd.s32 $0xFFFFD800  }
0x1c: {  	[spmem:s1] =	stream.indirect.scatter.add.f32 [tilespmem:s20], [sflag:$0x3], $0x80, s25, s19, $0xb8;
	[tilespmem:$0x170C0] =	vst v63  }
0x1d: {  	_ =	swait.ge [sflag:s16], $0x2800  }
0x1e: {  	[sflag:s16] =	ssyncset.done $0x0  }
0x1f: {  	[sflag:s16] =	ssyncadd.s32 $0xFFFFD800  }
0x20: {  	[tilespmem:s20], [sflag:$0x1] =	stream.indirect.gather [hbm4b:s4+s19], $0x80, s26, s19, $0xb8;
	[tilespmem:$0x170C0] =	vst v63  }
0x21: {  	_ =	swait.ge [sflag:s23], $0x2800  }
0x22: {  	[sflag:s23] =	ssyncset.done $0x0  }
0x23: {  	s25 =	sadd.s32 $0x80, s25;
	[sflag:s23] =	ssyncadd.s32 $0xFFFFD800  }
0x24: {  	[spmem:s1] =	stream.indirect.scatter.add.f32 [tilespmem:s22], [sflag:$0x3], $0x80, s25, s19, $0xb8;
	[tilespmem:$0x170C0] =	vst v63  }
0x25: {  	_ =	swait.ge [sflag:s16], $0x2800  }
0x26: {  	[sflag:s16] =	ssyncset.done $0x0  }
0x27: {  	[sflag:s16] =	ssyncadd.s32 $0xFFFFD800  }
.LBB2_15:
0x28: {  	_ =	swait.ge [sflag:s21], $0x2800  }
0x29: {  	[sflag:s21] =	ssyncset.done $0x0  }
0x2a: {  	s24 =	sadd.s32 $0x1, s24;
	[sflag:s21] =	ssyncadd.s32 $0xFFFFD800  }
0x2b: {  	p0 =	sne.s32 s24, s14;
	[bflag:$0x0] =	sbarrier.arrive $0xFFFF  }
0x2c: {  	[hbm:s13], [sflag:s17] =	dma.local [spmem:s18], $0x1400  }
.Ltmp1:
0x2d: {  	_ =	swait.ge [sflag:s16], $0x1400;
	(pc) =	sbr.rel @!p0 .LBB2_16-.Ltmp1, $3  }
0x2e: {  	[sflag:s16] =	ssyncset.done $0x0  }
0x2f: {  	[sflag:s16] =	ssyncadd.s32 $0xFFFFEC00  }
0x30: {  	[bflag:$0x0] =	sbarrier.arrive $0xFFFF;
	_ =	sdelay $0x1  }
.LBB2_1:
0x31: {  	[tilespmem:s15], [sflag:$0x3] =	stream.linear.gather [hbm4b:s5+s3], $0x80, $0x38;
	[tilespmem:$0x170C0] =	vst v63  }
0x32: {  	_ =	swait.ge [sflag:s16], $0x80  }
0x33: {  	[sflag:s16] =	ssyncset.done $0x0  }
0x34: {  	[sflag:s16] =	ssyncadd.s32 $0xFFFFFF80  }
0x35: {  	v0 =	vld [tilespmem:$0x8000];
	[tilespmem:s3], [sflag:$0x3] =	stream.linear.gather [hbm4b:s6+s3], $0x3F80, $0x38  }
0x36: {  	_ =	swait.ge [sflag:s16], $0x3F80  }
0x37: {  	[sflag:s16] =	ssyncset.done $0x0  }
0x38: {  	s25 =	simm.s32 $0x4000;
	[sflag:s16] =	ssyncadd.s32 $0xFFFFC080  }
0x39: {  	[tilespmem:s25], [sflag:$0x3] =	stream.linear.gather [hbm4b:s7+s3], $0x3F80, $0x38;
	[tilespmem:$0x170C0] =	vst v63  }
0x3a: {  	_ =	swait.ge [sflag:s16], $0x3F80;
	v1 =	vnsel vm0, $0x0, v0  }
0x3b: {  	(xrf0) =	vadd.scan.msk.s32 $0xffff, v1;
	_ =	sdelay $0x5  }
0x3c: {  	v1, _, _ =	vpop (xrf0)  }
0x3d: {  	(v2sf) =	vpush v1, $0xF;
	_ =	sdelay $0xd  }
0x3e: {  	[sflag:s16] =	ssyncset.done $0x0  }
0x3f: {  	[sflag:s16] =	ssyncadd.s32 $0xFFFFC080;
	s26 =	spop (v2sf)  }
0x40: {  	[spmem:s18], [sflag:s17] =	dma.local [hbm:s8], $0x1400  }
0x41: {  	s28 =	sadd.s32 $0x1, s26;
	p0 =	slt.u32 s26, $0x7FFFFFFF;
	s26 =	simm.s32 $0x1  }
0x42: {  	s26 =	simm.s32 @!p0 $0x0;
	s29 =	sshra.s32 s28, $0x1F  }
0x43: {  	s30 =	sand.u32 $0x1, s28;
	s26 =	sadd.s32 s26, s29  }
0x44: {  	p1 =	seq.s32 s30, $0x1;
	p6 =	sne.s32 s26, $0x1  }
0x45: {  	s31 =	sshrl.u32 s28, $0x1F;
	p0 =	por !p6, !p1  }
0x46: {  	s26 =	sadd.s32 s31, s28;
	s28 =	simm.s32 $0x1;
	p0 =	por !p0, !p0  }
0x47: {  	s26 =	sshra.s32 s26, $0x1;
	s28 =	simm.s32 @!p0 $0x0  }
0x48: {  	s28 =	ssub.s32 s26, s28  }
0x49: {  	_ =	swait.ge [sflag:s16], $0x1400;
	p0 =	slt.s32 s28, $0x1  }
.Ltmp2:
0x4a: {  	[sflag:s16] =	ssyncset.done $0x0;
	(pc) =	sbr.rel @p0 .LBB2_8-.Ltmp2, $4  }
0x4b: {  	[sflag:s16] =	ssyncadd.s32 $0xFFFFEC00  }
0x4c: {  	[bflag:$0x0] =	sbarrier.arrive $0xFFFF  }
0x4d: {  	[tilespmem:s20], [sflag:$0x1] =	stream.indirect.gather [hbm4b:s4+s19], $0x80, s3, s19, $0xb8;
	[tilespmem:$0x170C0] =	vst v63  }
0x4e: {  	s26 =	simm.s32 $0x100  }
0x4f: {  	p1 =	sne.s32 s28, $0x1  }
.Ltmp3:
0x50: {  	_ = 	snop;
	(pc) =	sbr.rel @!p1 .LBB2_3-.Ltmp3, $2  }
0x51: {  	_ =	sdelay $0x2  }
0x52: {  	s28 =	sadd.s32 $0xFFFFFFFF, s28;
	p0 =	por $0x0, $0x0  }
0x53: {  	s29 =	sadd.s32 $0xFFFFFF80, s26  }
0x54: {  	[tilespmem:s22], [sflag:$0x2] =	stream.indirect.gather [hbm4b:s4+s19], $0x80, s29, s19, $0xb8;
	[tilespmem:$0x170C0] =	vst v63  }
0x55: {  	_ =	swait.ge [sflag:s21], $0x2800  }
0x56: {  	[sflag:s21] =	ssyncset.done $0x0  }
0x57: {  	[sflag:s21] =	ssyncadd.s32 $0xFFFFD800  }
0x58: {  	[spmem:s1] =	stream.indirect.scatter.add.f32 [tilespmem:s20], [sflag:$0x3], $0x80, s25, s19, $0xb8;
	[tilespmem:$0x170C0] =	vst v63  }
0x59: {  	_ =	swait.ge [sflag:s16], $0x2800  }
0x5a: {  	[sflag:s16] =	ssyncset.done $0x0  }
0x5b: {  	[sflag:s16] =	ssyncadd.s32 $0xFFFFD800  }
0x5c: {  	[tilespmem:s20], [sflag:$0x1] =	stream.indirect.gather [hbm4b:s4+s19], $0x80, s26, s19, $0xb8;
	[tilespmem:$0x170C0] =	vst v63  }
0x5d: {  	p1 =	sne.s32 s28, $0x1;
	_ =	swait.ge [sflag:s23], $0x2800  }
.Ltmp4:
0x5e: {  	[sflag:s23] =	ssyncset.done $0x0;
	(pc) =	sbr.rel @!p1 .LBB2_5-.Ltmp4, $4  }
0x5f: {  	s29 =	sadd.s32 $0x80, s25;
	[sflag:s23] =	ssyncadd.s32 $0xFFFFD800  }
0x60: {  	[spmem:s1] =	stream.indirect.scatter.add.f32 [tilespmem:s22], [sflag:$0x3], $0x80, s29, s19, $0xb8;
	[tilespmem:$0x170C0] =	vst v63  }
0x61: {  	p0 =	por $0x1, $0x1;
	s26 =	sadd.s32 $0x100, s26;
	_ =	swait.ge [sflag:s16], $0x2800  }
0x62: {  	s29 =	sadd.s32 $0xFFFFFFFF, s28;
	s28 =	simm.s32 $0x4000;
	[sflag:s16] =	ssyncset.done $0x0  }
.LBB2_6:
0x63: {  	s30 =	sadd.s32 $0xFFFFFF80, s26;
	[sflag:s16] =	ssyncadd.s32 $0xFFFFD800;
	s28 =	sadd.s32 $0x100, s28  }
0x64: {  	[tilespmem:s22], [sflag:$0x2] =	stream.indirect.gather [hbm4b:s4+s19], $0x80, s30, s19, $0xb8;
	[tilespmem:$0x170C0] =	vst v63  }
0x65: {  	p1 =	sne.s32 s29, $0x1;
	s29 =	sadd.s32 $0xFFFFFFFF, s29;
	_ =	swait.ge [sflag:s21], $0x2800  }
0x66: {  	[sflag:s21] =	ssyncset.done $0x0  }
0x67: {  	[sflag:s21] =	ssyncadd.s32 $0xFFFFD800  }
0x68: {  	[spmem:s1] =	stream.indirect.scatter.add.f32 [tilespmem:s20], [sflag:$0x3], $0x80, s28, s19, $0xb8;
	[tilespmem:$0x170C0] =	vst v63  }
0x69: {  	_ =	swait.ge [sflag:s16], $0x2800  }
0x6a: {  	[sflag:s16] =	ssyncset.done $0x0  }
0x6b: {  	[sflag:s16] =	ssyncadd.s32 $0xFFFFD800  }
0x6c: {  	[tilespmem:s20], [sflag:$0x1] =	stream.indirect.gather [hbm4b:s4+s19], $0x80, s26, s19, $0xb8;
	[tilespmem:$0x170C0] =	vst v63  }
0x6d: {  	_ =	swait.ge [sflag:s23], $0x2800  }
.Ltmp5:
0x6e: {  	[sflag:s23] =	ssyncset.done $0x0;
	(pc) =	sbr.rel @p1 .LBB2_6-.Ltmp5, $4  }
0x6f: {  	s30 =	sadd.s32 $0x80, s28;
	[sflag:s23] =	ssyncadd.s32 $0xFFFFD800  }
0x70: {  	[spmem:s1] =	stream.indirect.scatter.add.f32 [tilespmem:s22], [sflag:$0x3], $0x80, s30, s19, $0xb8;
	[tilespmem:$0x170C0] =	vst v63  }
0x71: {  	_ =	swait.ge [sflag:s16], $0x2800  }
0x72: {  	s26 =	sadd.s32 $0x100, s26;
	[sflag:s16] =	ssyncset.done $0x0  }
.LBB2_7:
0x73: {  	s29 =	sadd.s32 $0xFFFFFF80, s26;
	[sflag:s16] =	ssyncadd.s32 @p0 $0xFFFFD800  }
0x74: {  	[tilespmem:s22], [sflag:$0x2] =	stream.indirect.gather [hbm4b:s4+s19], $0x80, s29, s19, $0xb8;
	[tilespmem:$0x170C0] =	vst v63  }
0x75: {  	_ =	swait.ge [sflag:s21], $0x2800  }
0x76: {  	s28 =	sadd.s32 @p0 $0x100, s28;
	[sflag:s21] =	ssyncset.done $0x0  }
0x77: {  	s25 =	smov.u32 @p0 s28;
	[sflag:s21] =	ssyncadd.s32 $0xFFFFD800  }
0x78: {  	[spmem:s1] =	stream.indirect.scatter.add.f32 [tilespmem:s20], [sflag:$0x3], $0x80, s25, s19, $0xb8;
	[tilespmem:$0x170C0] =	vst v63  }
0x79: {  	_ =	swait.ge [sflag:s16], $0x2800  }
0x7a: {  	[sflag:s16] =	ssyncset.done $0x0  }
0x7b: {  	[sflag:s16] =	ssyncadd.s32 $0xFFFFD800  }
0x7c: {  	[tilespmem:s20], [sflag:$0x1] =	stream.indirect.gather [hbm4b:s4+s19], $0x80, s26, s19, $0xb8;
	[tilespmem:$0x170C0] =	vst v63  }
0x7d: {  	_ =	swait.ge [sflag:s23], $0x2800  }
0x7e: {  	[sflag:s23] =	ssyncset.done $0x0  }
0x7f: {  	s25 =	sadd.s32 $0x80, s25;
	[sflag:s23] =	ssyncadd.s32 $0xFFFFD800  }
0x80: {  	[spmem:s1] =	stream.indirect.scatter.add.f32 [tilespmem:s22], [sflag:$0x3], $0x80, s25, s19, $0xb8;
	[tilespmem:$0x170C0] =	vst v63  }
0x81: {  	_ =	swait.ge [sflag:s16], $0x2800  }
0x82: {  	[sflag:s16] =	ssyncset.done $0x0  }
0x83: {  	[sflag:s16] =	ssyncadd.s32 $0xFFFFD800  }
.LBB2_8:
0x84: {  	_ =	swait.ge [sflag:s21], $0x2800  }
0x85: {  	[sflag:s21] =	ssyncset.done $0x0  }
0x86: {  	[sflag:s21] =	ssyncadd.s32 $0xFFFFD800  }
0x87: {  	[bflag:$0x0] =	sbarrier.arrive $0xFFFF  }
0x88: {  	[hbm:s9], [sflag:s17] =	dma.local [spmem:s18], $0x1400  }
0x89: {  	_ =	swait.ge [sflag:s16], $0x1400  }
0x8a: {  	[sflag:s16] =	ssyncset.done $0x0  }
0x8b: {  	[sflag:s16] =	ssyncadd.s32 $0xFFFFEC00  }
0x8c: {  	[bflag:$0x0] =	sbarrier.arrive $0xFFFF  }
0x8d: {  	[tilespmem:s3], [sflag:$0x3] =	stream.linear.gather [hbm4b:s10+s3], $0x3F80, $0x38;
	[tilespmem:$0x170C0] =	vst v63  }
0x8e: {  	_ =	swait.ge [sflag:s16], $0x3F80  }
0x8f: {  	[sflag:s16] =	ssyncset.done $0x0  }
0x90: {  	s25 =	simm.s32 $0x4000;
	[sflag:s16] =	ssyncadd.s32 $0xFFFFC080  }
0x91: {  	[tilespmem:s25], [sflag:$0x3] =	stream.linear.gather [hbm4b:s11+s3], $0x3F80, $0x38;
	[tilespmem:$0x170C0] =	vst v63  }
0x92: {  	v0 =	vsel vm1, $0x0, v0;
	_ =	swait.ge [sflag:s16], $0x3F80  }
0x93: {  	(xrf0) =	vadd.scan.msk.s32 $0xffff, v0;
	_ =	sdelay $0x5  }
0x94: {  	v0, _, _ =	vpop (xrf0)  }
0x95: {  	(v2sf) =	vpush v0, $0xF;
	_ =	sdelay $0xd  }
0x96: {  	[sflag:s16] =	ssyncset.done $0x0  }
0x97: {  	[sflag:s16] =	ssyncadd.s32 $0xFFFFC080;
	s26 =	spop (v2sf)  }
0x98: {  	[spmem:s18], [sflag:s17] =	dma.local [hbm:s12], $0x1400  }
0x99: {  	s28 =	sadd.s32 $0x1, s26;
	p0 =	slt.u32 s26, $0x7FFFFFFF;
	s26 =	simm.s32 $0x1  }
0x9a: {  	s26 =	simm.s32 @!p0 $0x0;
	s29 =	sshra.s32 s28, $0x1F  }
0x9b: {  	s30 =	sand.u32 $0x1, s28;
	s26 =	sadd.s32 s26, s29  }
0x9c: {  	p1 =	seq.s32 s30, $0x1;
	p6 =	sne.s32 s26, $0x1  }
0x9d: {  	s31 =	sshrl.u32 s28, $0x1F;
	p0 =	por !p6, !p1  }
0x9e: {  	s26 =	sadd.s32 s31, s28;
	s28 =	simm.s32 $0x1;
	p0 =	por !p0, !p0  }
0x9f: {  	s26 =	sshra.s32 s26, $0x1;
	s28 =	simm.s32 @!p0 $0x0  }
0xa0: {  	s28 =	ssub.s32 s26, s28  }
0xa1: {  	_ =	swait.ge [sflag:s16], $0x1400;
	p0 =	slt.s32 s28, $0x1  }
.Ltmp6:
0xa2: {  	[sflag:s16] =	ssyncset.done $0x0;
	(pc) =	sbr.rel @p0 .LBB2_15-.Ltmp6, $4  }
0xa3: {  	[sflag:s16] =	ssyncadd.s32 $0xFFFFEC00  }
0xa4: {  	[bflag:$0x0] =	sbarrier.arrive $0xFFFF  }
0xa5: {  	[tilespmem:s20], [sflag:$0x1] =	stream.indirect.gather [hbm4b:s4+s19], $0x80, s3, s19, $0xb8;
	[tilespmem:$0x170C0] =	vst v63  }
0xa6: {  	s26 =	simm.s32 $0x100  }
0xa7: {  	p1 =	sne.s32 s28, $0x1  }
.Ltmp7:
0xa8: {  	_ = 	snop;
	(pc) =	sbr.rel @!p1 .LBB2_10-.Ltmp7, $2  }
0xa9: {  	_ =	sdelay $0x2  }
0xaa: {  	s28 =	sadd.s32 $0xFFFFFFFF, s28;
	p0 =	por $0x0, $0x0  }
0xab: {  	s29 =	sadd.s32 $0xFFFFFF80, s26  }
0xac: {  	[tilespmem:s22], [sflag:$0x2] =	stream.indirect.gather [hbm4b:s4+s19], $0x80, s29, s19, $0xb8;
	[tilespmem:$0x170C0] =	vst v63  }
0xad: {  	_ =	swait.ge [sflag:s21], $0x2800  }
0xae: {  	[sflag:s21] =	ssyncset.done $0x0  }
0xaf: {  	[sflag:s21] =	ssyncadd.s32 $0xFFFFD800  }
0xb0: {  	[spmem:s1] =	stream.indirect.scatter.add.f32 [tilespmem:s20], [sflag:$0x3], $0x80, s25, s19, $0xb8;
	[tilespmem:$0x170C0] =	vst v63  }
0xb1: {  	_ =	swait.ge [sflag:s16], $0x2800  }
0xb2: {  	[sflag:s16] =	ssyncset.done $0x0  }
0xb3: {  	[sflag:s16] =	ssyncadd.s32 $0xFFFFD800  }
0xb4: {  	[tilespmem:s20], [sflag:$0x1] =	stream.indirect.gather [hbm4b:s4+s19], $0x80, s26, s19, $0xb8;
	[tilespmem:$0x170C0] =	vst v63  }
0xb5: {  	p1 =	sne.s32 s28, $0x1;
	_ =	swait.ge [sflag:s23], $0x2800  }
.Ltmp8:
0xb6: {  	[sflag:s23] =	ssyncset.done $0x0;
	(pc) =	sbr.rel @!p1 .LBB2_12-.Ltmp8, $4  }
0xb7: {  	s29 =	sadd.s32 $0x80, s25;
	[sflag:s23] =	ssyncadd.s32 $0xFFFFD800  }
0xb8: {  	[spmem:s1] =	stream.indirect.scatter.add.f32 [tilespmem:s22], [sflag:$0x3], $0x80, s29, s19, $0xb8;
	[tilespmem:$0x170C0] =	vst v63  }
0xb9: {  	p0 =	por $0x1, $0x1;
	s26 =	sadd.s32 $0x100, s26;
	_ =	swait.ge [sflag:s16], $0x2800  }
0xba: {  	s29 =	sadd.s32 $0xFFFFFFFF, s28;
	s28 =	simm.s32 $0x4000;
	[sflag:s16] =	ssyncset.done $0x0  }
.LBB2_13:
0xbb: {  	s30 =	sadd.s32 $0xFFFFFF80, s26;
	[sflag:s16] =	ssyncadd.s32 $0xFFFFD800;
	s28 =	sadd.s32 $0x100, s28  }
0xbc: {  	[tilespmem:s22], [sflag:$0x2] =	stream.indirect.gather [hbm4b:s4+s19], $0x80, s30, s19, $0xb8;
	[tilespmem:$0x170C0] =	vst v63  }
0xbd: {  	p1 =	sne.s32 s29, $0x1;
	s29 =	sadd.s32 $0xFFFFFFFF, s29;
	_ =	swait.ge [sflag:s21], $0x2800  }
0xbe: {  	[sflag:s21] =	ssyncset.done $0x0  }
0xbf: {  	[sflag:s21] =	ssyncadd.s32 $0xFFFFD800  }
0xc0: {  	[spmem:s1] =	stream.indirect.scatter.add.f32 [tilespmem:s20], [sflag:$0x3], $0x80, s28, s19, $0xb8;
	[tilespmem:$0x170C0] =	vst v63  }
0xc1: {  	_ =	swait.ge [sflag:s16], $0x2800  }
0xc2: {  	[sflag:s16] =	ssyncset.done $0x0  }
0xc3: {  	[sflag:s16] =	ssyncadd.s32 $0xFFFFD800  }
0xc4: {  	[tilespmem:s20], [sflag:$0x1] =	stream.indirect.gather [hbm4b:s4+s19], $0x80, s26, s19, $0xb8;
	[tilespmem:$0x170C0] =	vst v63  }
0xc5: {  	_ =	swait.ge [sflag:s23], $0x2800  }
.Ltmp9:
0xc6: {  	[sflag:s23] =	ssyncset.done $0x0;
	(pc) =	sbr.rel @p1 .LBB2_13-.Ltmp9, $4  }
0xc7: {  	s30 =	sadd.s32 $0x80, s28;
	[sflag:s23] =	ssyncadd.s32 $0xFFFFD800  }
0xc8: {  	[spmem:s1] =	stream.indirect.scatter.add.f32 [tilespmem:s22], [sflag:$0x3], $0x80, s30, s19, $0xb8;
	[tilespmem:$0x170C0] =	vst v63  }
0xc9: {  	_ =	swait.ge [sflag:s16], $0x2800  }
0xca: {  	s26 =	sadd.s32 $0x100, s26;
	[sflag:s16] =	ssyncset.done $0x0  }
.Ltmp10:
0xcb: {  	_ = 	snop;
	(pc) =	sbr.rel .LBB2_14-.Ltmp10, $1  }
0xcc: {  	_ =	sdelay $0x3  }
.LBB2_3:
.Ltmp11:
0xcd: {  	(pc) =	sbr.rel .LBB2_7-.Ltmp11, $2  }
0xce: {  	_ =	sdelay $0x2  }
0xcf: {  	s28 =	simm.s32 $0x4000  }
.LBB2_5:
.Ltmp12:
0xd0: {  	(pc) =	sbr.rel .LBB2_7-.Ltmp12, $2  }
0xd1: {  	_ =	sdelay $0x2  }
0xd2: {  	s28 =	simm.s32 $0x4000  }
.LBB2_12:
.Ltmp13:
0xd3: {  	(pc) =	sbr.rel .LBB2_14-.Ltmp13, $2  }
0xd4: {  	_ =	sdelay $0x2  }
0xd5: {  	s28 =	simm.s32 $0x4000  }
.LBB2_16:
0xd6: {  	_ =	sfence.sel $0x180000  }
0xd7: {  	[bflag:$0x0] =	sbarrier.arrive $0xFFFF  }
0xd8: {  	p0 =	sne.s32 s2, $0x0;
	_ =	strace $0x9000004D  }
0xd9: {  	s0 =	sadd.s32 @!p0 $0x100000, s0;
	[bflag:$0x2] =	sbarrier.arrive $0xFFFF  }
0xda: {  	[sflag:s0] =	ssyncadd.tile.s32 @!p0 $0x1;
	_ =	shalt  }
.Lfunc_end2:
_tile_overlayer_lowered:
.L_overlay_start_2:
0xdb: {  	(tag) =	ssettag $0x2  }
0xdc: {  	s0 =	rddreg [dreg:$0x0];
	s2 =	stileid.u32  }
0xdd: {  	s1 =	rddreg [dreg:$0x1];
	p0 =	sne.s32 s2, $0x0  }
0xde: {  	s3 =	rddreg [dreg:$0x2];
	[bflag:$0x3] =	sbarrier.arrive $0xFFFF;
	s2 =	simm.s32 @!p0 $0x1C03  }
0xdf: {  	[timem:s3], [sflag:s2] =	dma.local @!p0 [hbm:s0], s1  }
0xe0: {  	s0 =	simm.s32 @!p0 $0x3  }
0xe1: {  	_ =	swait.ge @!p0 [sflag:s0], s1  }
0xe2: {  	s1 =	ssub.s32 @!p0 $0x0, s1;
	[sflag:s0] =	ssyncset.done @!p0 $0x0  }
0xe3: {  	[sflag:s0] =	ssyncadd.s32 @!p0 s1  }
0xe4: {  	[bflag:$0x3] =	sbarrier.arrive $0xFFFF  }
0xe5: {  	_ =	shalt  }

// kernel: kernel.19.cloned.1.call-start
scs
__scs_entry_jumppad:
0x0: {  	(pc) =	sbr.rel $0x88, $3  }
0x1: {  	(tag) =	ssettag $0x0;
	lr =	simm.s32 $0x1  }
0x2: {  	[smem:$0x3F90] =	sst lr;
	_ =	strace $0xD0000000  }
0x3: {  	_ = 	snop  }
0x4: {  	_ = 	snop  }
0x5: {  	_ = 	snop  }
0x6: {  	_ = 	snop  }
0x7: {  	_ = 	snop  }
__scs_overlays_trampoline_lowered:
0x8: {  	[smem:$0x3F9F] =	sst s0  }
0x9: {  	[smem:$0x3FA0] =	sst s1  }
0xa: {  	[smem:$0x3FA1] =	sst s2  }
0xb: {  	[smem:$0x3FA2] =	sst s3  }
0xc: {  	[smem:$0x3FA3] =	sst s4  }
0xd: {  	[smem:$0x3FA4] =	sst s5  }
0xe: {  	[smem:$0x3FA5] =	sst s6  }
0xf: {  	[smem:$0x3FA6] =	sst s7  }
0x10: {  	[smem:$0x3FA7] =	sst s8  }
0x11: {  	[smem:$0x3FA8] =	sst s9;
	s0 =	simm.s32 @!p0 $0x0  }
0x12: {  	s1 =	sld [smem:$0x3F8E];
	s0 =	simm.s32 @p0 $0x1  }
0x13: {  	[smem:$0x3FA9] =	sst s0;
	s0 =	simm.s32 @!p1 $0x0  }
0x14: {  	s2 =	sld [smem:$0x3F8D];
	s0 =	simm.s32 @p1 $0x1  }
0x15: {  	[smem:$0x3FAA] =	sst s0;
	s0 =	simm.s32 @!p2 $0x0  }
0x16: {  	s3 =	sld [smem:$0x3FDB];
	s0 =	simm.s32 @p2 $0x1  }
0x17: {  	s4 =	simm.s32 $0x1BF5;
	[smem:$0x3FAC] =	sst s0  }
0x18: {  	s0 =	sld [smem:$0x3F8F];
	_ =	swait.ge [sflag:s4], $0x0  }
0x19: {  	s7 =	sld [smem:$0x3F90]  }
0x1a: {  	s8 =	sadd.s32 $0xFFFFE003, lr  }
0x1b: {  	s9 =	sadd.s32 $0xFFFFFEF7, lr;
	s5 =	simm.s32 $0xFFFFFFFF;
	p2 =	slt.u32 s8, $0xFFFFF086  }
0x1c: {  	p1 =	slt.u32 s9, $0xF7A;
	s5 =	simm.s32 @!p2 $0x0  }
0x1d: {  	s5 =	simm.s32 @p1 $0x1;
	p0 =	seq.s32 s7, s2  }
0x1e: {  	s7 =	smul.u32 @!p0 $0xF7A, s2;
	p2 =	seq.s32 @!p0 s5, $0x0  }
0x1f: {  	s9 =	smul.u32 $0xF7A, s1;
	s8 =	simm.s32 @!p0 $0x1BF5;
	p2 =	por !p2, p0  }
0x20: {  	[sflag:s8] =	ssyncset.s32 @!p0 $0xFFFFF086;
	s6 =	sadd.s32 @!p0 s3, s7;
	s7 =	simm.s32 @!p0 $0x108  }
0x21: {  	s3 =	sadd.s32 s3, s9;
	s6 =	sadd.s32 @!p0 $0x88, s6;
	s7 =	simm.s32 @p2 $0x1082  }
0x22: {  	[simem:s7], [sflag:s8] =	dma.local @!p0 [hbm:s6], $0xF7A  }
0x23: {  	s9 =	sor.u32 $0xD0000000, s2;
	s6 =	simm.s32 $0x108;
	_ =	swait.ge @!p0 [sflag:s8], $0x0  }
0x24: {  	s3 =	sadd.s32 $0x88, s3;
	s6 =	simm.s32 @!p1 $0x1082;
	[sflag:s4] =	ssyncset.s32 $0xFFFFF086  }
0x25: {  	[simem:s6], [sflag:s4] =	dma.local [hbm:s3], $0xF7A  }
0x26: {  	[smem:$0x3F90] =	sst s1;
	(tag) =	ssettag s2;
	_ =	strace s9  }
0x27: {  	s1 =	sld [smem:$0x3FA0]  }
0x28: {  	s2 =	sld [smem:$0x3FA1]  }
0x29: {  	s4 =	sld [smem:$0x3FA3]  }
0x2a: {  	p0 =	seq.s32 s5, $0x0;
	s5 =	sld [smem:$0x3FA4]  }
0x2b: {  	s6 =	sld [smem:$0x3FA5]  }
0x2c: {  	s7 =	sld [smem:$0x3FA6]  }
0x2d: {  	s3 =	simm.s32 $0x108;
	s8 =	sld [smem:$0x3FA7]  }
0x2e: {  	s3 =	simm.s32 @!p0 $0x1082;
	s9 =	sld [smem:$0x3FA8]  }
0x2f: {  	lr =	sadd.s32 s0, s3;
	s0 =	sld [smem:$0x3F9F]  }
0x30: {  	s3 =	sld [smem:$0x3FA2]  }
0x31: {  	[smem:$0x3FAB] =	sst s10  }
0x32: {  	s10 =	sld [smem:$0x3FA9];
	_ =	sdelay $0x3  }
0x33: {  	p0 =	seq.s32 s10, $0x1;
	s10 =	sld [smem:$0x3FAB];
	_ =	sdelay $0x3  }
0x34: {  	[smem:$0x3FAB] =	sst s10  }
0x35: {  	s10 =	sld [smem:$0x3FAA];
	_ =	sdelay $0x3  }
0x36: {  	p1 =	seq.s32 s10, $0x1;
	s10 =	sld [smem:$0x3FAB];
	_ =	sdelay $0x3  }
0x37: {  	[smem:$0x3FAB] =	sst s10  }
0x38: {  	s10 =	sld [smem:$0x3FAC]  }
0x39: {  	_ = 	snop;
	(pc) =	sbr.ind lr, $3  }
0x3a: {  	_ = 	snop  }
0x3b: {  	_ = 	snop  }
0x3c: {  	p2 =	seq.s32 s10, $0x1;
	s10 =	sld [smem:$0x3FAB]  }
0x3d: {  	_ =	shalt  }
0x3e: {  	_ =	shalt  }
0x3f: {  	_ =	shalt  }
0x40: {  	_ =	shalt  }
0x41: {  	_ =	shalt  }
0x42: {  	_ =	shalt  }
0x43: {  	_ =	shalt  }
0x44: {  	_ =	shalt  }
0x45: {  	_ =	shalt  }
0x46: {  	_ =	shalt  }
0x47: {  	_ =	shalt  }
0x48: {  	_ =	shalt  }
0x49: {  	_ =	shalt  }
0x4a: {  	_ =	shalt  }
0x4b: {  	_ =	shalt  }
0x4c: {  	_ =	shalt  }
0x4d: {  	_ =	shalt  }
0x4e: {  	_ =	shalt  }
0x4f: {  	_ =	shalt  }
0x50: {  	_ =	shalt  }
0x51: {  	_ =	shalt  }
0x52: {  	_ =	shalt  }
0x53: {  	_ =	shalt  }
0x54: {  	_ =	shalt  }
0x55: {  	_ =	shalt  }
0x56: {  	_ =	shalt  }
0x57: {  	_ =	shalt  }
0x58: {  	_ =	shalt  }
0x59: {  	_ =	shalt  }
0x5a: {  	_ =	shalt  }
0x5b: {  	_ =	shalt  }
0x5c: {  	_ =	shalt  }
0x5d: {  	_ =	shalt  }
0x5e: {  	_ =	shalt  }
0x5f: {  	_ =	shalt  }
0x60: {  	_ =	shalt  }
0x61: {  	_ =	shalt  }
0x62: {  	_ =	shalt  }
0x63: {  	_ =	shalt  }
0x64: {  	_ =	shalt  }
0x65: {  	_ =	shalt  }
0x66: {  	_ =	shalt  }
0x67: {  	_ =	shalt  }
0x68: {  	_ =	shalt  }
0x69: {  	_ =	shalt  }
0x6a: {  	_ =	shalt  }
0x6b: {  	_ =	shalt  }
0x6c: {  	_ =	shalt  }
0x6d: {  	_ =	shalt  }
0x6e: {  	_ =	shalt  }
0x6f: {  	_ =	shalt  }
0x70: {  	_ =	shalt  }
0x71: {  	_ =	shalt  }
0x72: {  	_ =	shalt  }
0x73: {  	_ =	shalt  }
0x74: {  	_ =	shalt  }
0x75: {  	_ =	shalt  }
0x76: {  	_ =	shalt  }
0x77: {  	_ =	shalt  }
0x78: {  	_ =	shalt  }
0x79: {  	_ =	shalt  }
0x7a: {  	_ =	shalt  }
0x7b: {  	_ =	shalt  }
0x7c: {  	_ =	shalt  }
0x7d: {  	_ =	shalt  }
0x7e: {  	_ =	shalt  }
0x7f: {  	_ =	shalt  }
0x80: {  	_ =	shalt  }
0x81: {  	_ =	shalt  }
0x82: {  	_ =	shalt  }
0x83: {  	_ =	shalt  }
0x84: {  	_ =	shalt  }
0x85: {  	_ =	shalt  }
0x86: {  	_ =	shalt  }
0x87: {  	_ =	shalt  }
.Lfunc_end0:
.L_simem_size_0:
called_computation.3_lowered:
.L_overlay_start_0:
0x88: {  	s2 =	sld [smem:$0x3FD9]  }
0x89: {  	s3 =	sld [smem:$0x3FFE];
	_ =	sdelay $0x1  }
0x8a: {  	s1 =	srdreg.scid  }
0x8b: {  	s0 =	sand.u32 $0x1, s1  }
0x8c: {  	s16 =	sshll.u32 s0, $0xA;
	s2 =	sadd.s32 s3, s2  }
0x8d: {  	s2 =	sadd.s32 s2, s16  }
0x8e: {  	[smem:$0x3FB7] =	sst s2  }
0x8f: {  	_ = 	snop  }
0x90: {  	(tm) =	ssettm $0x1  }
0x91: {  	s17 =	sld [smem:$0x3FFB];
	_ =	sdelay $0x3  }
0x92: {  	_ =	strace s17  }
0x93: {  	s2 =	sld [smem:$0x3FFC];
	_ =	sdelay $0x3  }
0x94: {  	_ =	strace s2  }
0x95: {  	s2 =	sld [smem:$0x3FFD];
	_ =	sdelay $0x3  }
0x96: {  	_ =	strace s2  }
0x97: {  	_ =	strace $0x8FFFFFFF  }
0x98: {  	s18 =	sld [smem:$0x3FDB];
	_ =	sdelay $0x1  }
0x99: {  	s19 =	simm.s32 $_scs_section_size  }
0x9a: {  	s4 =	simm.s32 $_size__tile_overlayer_lowered;
	s5 =	simm.s32 $_tile_overlayer_lowered  }
0x9b: {  	s22 =	simm.s32 $0x1BFF;
	s21 =	sshll.u32 s5, $0x1;
	s2 =	sadd.s32 s19, s18  }
0x9c: {  	s6 =	simm.s32 $0x0;
	s20 =	sshll.u32 s4, $0x1;
	s4 =	sadd.s32 s21, s2  }
0x9d: {  	[timem:s6], [sflag:s22] =	dma.local [hbm:s4], s20  }
0x9e: {  	_ =	swait.ge [sflag:s22], s20  }
0x9f: {  	s3 =	ssub.s32 $0x0, s20;
	[sflag:s22] =	ssyncset.done $0x0  }
0xa0: {  	[sflag:s22] =	ssyncadd.s32 s3;
	_ =	sdelay $0x1  }
0xa1: {  	s23 =	simm.s32 $0x1B8B  }
0xa2: {  	_ =	swait.ge [sflag:s23], $0x1  }
0xa3: {  	[sflag:s23] =	ssyncset.done $0x0  }
0xa4: {  	s25 =	simm.s32 $0x1B8E;
	s24 =	sld [smem:$0x3FFE];
	[sflag:s23] =	ssyncadd.s32 $0xFFFFFFFF  }
0xa5: {  	s26 =	simm.s32 $execute0_lowered;
	[smem:$0x3FD2] =	sst s25  }
0xa6: {  	s4 =	sshll.u32 s26, $0x1;
	_ =	strace $0x8000004F;
	[dreg:$0x1] =	wrdreg $0xFFFFFFFF  }
0xa7: {  	s28 =	simm.s32 $_size_execute0_lowered;
	s2 =	sadd.s32 s2, s4;
	[dreg:$0x0] =	wrdreg $0x0  }
0xa8: {  	s4 =	sshll.u32 s28, $0x1;
	[dreg:$0x2] =	wrdreg s2  }
0xa9: {  	[dreg:$0x3] =	wrdreg s4  }
0xaa: {  	[dreg:$0x4] =	wrdreg $0xC0  }
0xab: {  	_ =	task [dreg:s6], $0x5FFFF  }
0xac: {  	[dreg:$0x1] =	wrdreg $0xFFFFFFFF  }
0xad: {  	[dreg:$0x0] =	wrdreg $0x60  }
0xae: {  	[dreg:$0x2] =	wrdreg s24  }
0xaf: {  	[dreg:$0x3] =	wrdreg $0xD0800  }
0xb0: {  	[dreg:$0x4] =	wrdreg $0x9  }
0xb1: {  	_ =	task.clear_ibuf [dreg:s6], $0x5FFFF;
	_ =	strace $0x9000004F  }
0xb2: {  	s29 =	simm.s32 $0x9;
	_ =	strace $0x80000051  }
0xb3: {  	_ =	swait.ge [sflag:s29], $0x1  }
0xb4: {  	[sflag:s29] =	ssyncadd.s32 $0xFFFFFFFF  }
0xb5: {  	_ =	strace $0x90000051  }
0xb6: {  	_ =	sfence  }
0xb7: {  	s30 =	sld [smem:$0x0];
	_ =	sdelay $0x2  }
0xb8: {  	s31 =	sshll.u32 s1, $0xD;
	s1 =	sshrl.u32 s1, $0x2  }
0xb9: {  	s3 =	sand.u32 $0x4000, s31;
	s1 =	sadd.s32 s1, s30  }
0xba: {  	s0 =	sor.u32 s3, s0;
	s1 =	sshll.u32 s1, $0x11  }
0xbb: {  	s0 =	sor.u32 s1, s0  }
0xbc: {  	s0 =	sadd.s32 $0x8F2B, s0  }
0xbd: {  	[sflag:s0] =	ssyncadd.remote.s32 $0x1  }
0xbe: {  	_ =	sfence.sel $0xFFFF  }
0xbf: {  	[dreg:$0x0] =	wrdreg $0xFFFFFFFF;
	(pc) =	sbr.abs _section_cstart, $3  }
0xc0: {  	[dreg:$0x1] =	wrdreg $0xFFFFFFFF  }
0xc1: {  	_ =	task.clear_ibuf [dreg:s6], $0x2FFFF;
	_ =	strace $0x9FFFFFFF  }
0xc2: {  	(tm) =	ssettm $0x7FFFFFFF  }
0xc3: {  	_ =	shalt  }
tec
execute0_lowered:
.L_overlay_start_1:
0x0: {  	(tag) =	ssettag $0x1  }
0x1: {  	s5 =	rddreg [dreg:$0x0]  }
0x2: {  	s1 =	rddreg [dreg:$0x1]  }
0x3: {  	s2 =	srdreg.scid;
	s0 =	rddreg [dreg:$0x2]  }
0x4: {  	s3 =	simm.s32 $0x0;
	s16 =	simm.s32 $0x3;
	s19 =	simm.s32 $0x50  }
0x5: {  	s20 =	simm.s32 $0x8080;
	s21 =	simm.s32 $0x1;
	s22 =	simm.s32 $0xA880  }
0x6: {  	s6 =	sand.u32 $0x1, s2;
	[smem:$0x7FF] =	sst s3;
	s2 =	stileid.u32  }
0x7: {  	s13 =	sadd.s32 $0xA9200, s5;
	s4 =	sshll.u32 s6, $0x4;
	s24 =	smul.u32 $0x28000, s2  }
0x8: {  	_ =	strace $0x80000050;
	s8 =	sshll.u32 s2, $0x4;
	s12 =	smul.u32 $0xA000, s2  }
0x9: {  	s23 =	ssub.s32 $0x2, s6;
	s26 =	smul.u32 $0x140000, s6;
	s17 =	sshll.u32 s2, $0x6  }
0xa: {  	s7 =	sor.u32 s2, s4;
	s4 =	sadd.s32 $0x41200, s5;
	s8 =	sand.u32 $0x70, s8  }
0xb: {  	s10 =	sshrl.u32 s23, $0x1;
	s17 =	sor.u32 $0x1C03, s17;
	s9 =	sshll.u32 s7, $0xB  }
0xc: {  	s8 =	sadd.s32 s8, s5;
	s7 =	sshll.u32 s7, $0x4;
	s14 =	ssub.s32 s23, s10  }
0xd: {  	s28 =	sshrl.u32 s24, $0x2;
	s29 =	sadd.s32 s12, s26;
	s30 =	sshrl.u32 s12, $0x3  }
0xe: {  	s12 =	sadd.s32 $0xA0000, s12;
	s23 =	simm.s32 $0x2;
	s24 =	simm.s32 $0x0  }
0xf: {  	s11 =	sadd.s32 s9, s5;
	s7 =	sand.u32 $0x180, s7;
	s18 =	sadd.s32 s28, s1  }
0x10: {  	s15 =	sshrl.u32 s29, $0x3;
	s31 =	sadd.s32 s26, s12;
	s12 =	sshrl.u32 s12, $0x3  }
.Ltmp0:
0x11: {  	s14 =	smax.u32 s14, $0x1;
	s25 =	sadd.s32 s7, s8;
	(pc) =	sbr.rel .LBB2_1-.Ltmp0, $4  }
0x12: {  	s6 =	sadd.s32 $0x69200, s11;
	s7 =	sadd.s32 $0x79200, s11;
	s8 =	sadd.s32 s4, s30  }
0x13: {  	s9 =	sadd.s32 s13, s15;
	s10 =	sadd.s32 $0x89200, s11;
	s15 =	sshrl.u32 s31, $0x3  }
0x14: {  	s11 =	sadd.s32 $0x99200, s11;
	s12 =	sadd.s32 s4, s12;
	s18 =	sshrl.u32 s18, $0x3  }
0x15: {  	vm0 =	vmmov $0x1;
	vm1 =	vcmask $0x308;
	s5 =	sadd.s32 $0x41000, s25;
	s13 =	sadd.s32 s13, s15;
	s15 =	simm.s32 $0x8000  }
.LBB2_10:
0x16: {  	s28 =	simm.s32 $0x4000  }
.LBB2_14:
0x17: {  	s29 =	sadd.s32 $0xFFFFFF80, s26;
	[sflag:s16] =	ssyncadd.s32 @p0 $0xFFFFD800  }
0x18: {  	[tilespmem:s22], [sflag:$0x2] =	stream.indirect.gather [hbm4b:s4+s19], $0x80, s29, s19, $0xb8;
	[tilespmem:$0x170C0] =	vst v63  }
0x19: {  	_ =	swait.ge [sflag:s21], $0x2800  }
0x1a: {  	s28 =	sadd.s32 @p0 $0x100, s28;
	[sflag:s21] =	ssyncset.done $0x0  }
0x1b: {  	s25 =	smov.u32 @p0 s28;
	[sflag:s21] =	ssyncadd.s32 $0xFFFFD800  }
0x1c: {  	[spmem:s1] =	stream.indirect.scatter.add.f32 [tilespmem:s20], [sflag:$0x3], $0x80, s25, s19, $0xb8;
	[tilespmem:$0x170C0] =	vst v63  }
0x1d: {  	_ =	swait.ge [sflag:s16], $0x2800  }
0x1e: {  	[sflag:s16] =	ssyncset.done $0x0  }
0x1f: {  	[sflag:s16] =	ssyncadd.s32 $0xFFFFD800  }
0x20: {  	[tilespmem:s20], [sflag:$0x1] =	stream.indirect.gather [hbm4b:s4+s19], $0x80, s26, s19, $0xb8;
	[tilespmem:$0x170C0] =	vst v63  }
0x21: {  	_ =	swait.ge [sflag:s23], $0x2800  }
0x22: {  	[sflag:s23] =	ssyncset.done $0x0  }
0x23: {  	s25 =	sadd.s32 $0x80, s25;
	[sflag:s23] =	ssyncadd.s32 $0xFFFFD800  }
0x24: {  	[spmem:s1] =	stream.indirect.scatter.add.f32 [tilespmem:s22], [sflag:$0x3], $0x80, s25, s19, $0xb8;
	[tilespmem:$0x170C0] =	vst v63  }
0x25: {  	_ =	swait.ge [sflag:s16], $0x2800  }
0x26: {  	[sflag:s16] =	ssyncset.done $0x0  }
0x27: {  	[sflag:s16] =	ssyncadd.s32 $0xFFFFD800  }
.LBB2_15:
0x28: {  	_ =	swait.ge [sflag:s21], $0x2800  }
0x29: {  	[sflag:s21] =	ssyncset.done $0x0  }
0x2a: {  	s24 =	sadd.s32 $0x1, s24;
	[sflag:s21] =	ssyncadd.s32 $0xFFFFD800  }
0x2b: {  	p0 =	sne.s32 s24, s14;
	[bflag:$0x0] =	sbarrier.arrive $0xFFFF  }
0x2c: {  	[hbm:s13], [sflag:s17] =	dma.local [spmem:s18], $0x1400  }
.Ltmp1:
0x2d: {  	_ =	swait.ge [sflag:s16], $0x1400;
	(pc) =	sbr.rel @!p0 .LBB2_16-.Ltmp1, $3  }
0x2e: {  	[sflag:s16] =	ssyncset.done $0x0  }
0x2f: {  	[sflag:s16] =	ssyncadd.s32 $0xFFFFEC00  }
0x30: {  	[bflag:$0x0] =	sbarrier.arrive $0xFFFF;
	_ =	sdelay $0x1  }
.LBB2_1:
0x31: {  	[tilespmem:s15], [sflag:$0x3] =	stream.linear.gather [hbm4b:s5+s3], $0x80, $0x38;
	[tilespmem:$0x170C0] =	vst v63  }
0x32: {  	_ =	swait.ge [sflag:s16], $0x80  }
0x33: {  	[sflag:s16] =	ssyncset.done $0x0  }
0x34: {  	[sflag:s16] =	ssyncadd.s32 $0xFFFFFF80  }
0x35: {  	v0 =	vld [tilespmem:$0x8000];
	[tilespmem:s3], [sflag:$0x3] =	stream.linear.gather [hbm4b:s6+s3], $0x3F80, $0x38  }
0x36: {  	_ =	swait.ge [sflag:s16], $0x3F80  }
0x37: {  	[sflag:s16] =	ssyncset.done $0x0  }
0x38: {  	s25 =	simm.s32 $0x4000;
	[sflag:s16] =	ssyncadd.s32 $0xFFFFC080  }
0x39: {  	[tilespmem:s25], [sflag:$0x3] =	stream.linear.gather [hbm4b:s7+s3], $0x3F80, $0x38;
	[tilespmem:$0x170C0] =	vst v63  }
0x3a: {  	_ =	swait.ge [sflag:s16], $0x3F80;
	v1 =	vnsel vm0, $0x0, v0  }
0x3b: {  	(xrf0) =	vadd.scan.msk.s32 $0xffff, v1;
	_ =	sdelay $0x5  }
0x3c: {  	v1, _, _ =	vpop (xrf0)  }
0x3d: {  	(v2sf) =	vpush v1, $0xF;
	_ =	sdelay $0xd  }
0x3e: {  	[sflag:s16] =	ssyncset.done $0x0  }
0x3f: {  	[sflag:s16] =	ssyncadd.s32 $0xFFFFC080;
	s26 =	spop (v2sf)  }
0x40: {  	[spmem:s18], [sflag:s17] =	dma.local [hbm:s8], $0x1400  }
0x41: {  	s28 =	sadd.s32 $0x1, s26;
	p0 =	slt.u32 s26, $0x7FFFFFFF;
	s26 =	simm.s32 $0x1  }
0x42: {  	s26 =	simm.s32 @!p0 $0x0;
	s29 =	sshra.s32 s28, $0x1F  }
0x43: {  	s30 =	sand.u32 $0x1, s28;
	s26 =	sadd.s32 s26, s29  }
0x44: {  	p1 =	seq.s32 s30, $0x1;
	p6 =	sne.s32 s26, $0x1  }
0x45: {  	s31 =	sshrl.u32 s28, $0x1F;
	p0 =	por !p6, !p1  }
0x46: {  	s26 =	sadd.s32 s31, s28;
	s28 =	simm.s32 $0x1;
	p0 =	por !p0, !p0  }
0x47: {  	s26 =	sshra.s32 s26, $0x1;
	s28 =	simm.s32 @!p0 $0x0  }
0x48: {  	s28 =	ssub.s32 s26, s28  }
0x49: {  	_ =	swait.ge [sflag:s16], $0x1400;
	p0 =	slt.s32 s28, $0x1  }
.Ltmp2:
0x4a: {  	[sflag:s16] =	ssyncset.done $0x0;
	(pc) =	sbr.rel @p0 .LBB2_8-.Ltmp2, $4  }
0x4b: {  	[sflag:s16] =	ssyncadd.s32 $0xFFFFEC00  }
0x4c: {  	[bflag:$0x0] =	sbarrier.arrive $0xFFFF  }
0x4d: {  	[tilespmem:s20], [sflag:$0x1] =	stream.indirect.gather [hbm4b:s4+s19], $0x80, s3, s19, $0xb8;
	[tilespmem:$0x170C0] =	vst v63  }
0x4e: {  	s26 =	simm.s32 $0x100  }
0x4f: {  	p1 =	sne.s32 s28, $0x1  }
.Ltmp3:
0x50: {  	_ = 	snop;
	(pc) =	sbr.rel @!p1 .LBB2_3-.Ltmp3, $2  }
0x51: {  	_ =	sdelay $0x2  }
0x52: {  	s28 =	sadd.s32 $0xFFFFFFFF, s28;
	p0 =	por $0x0, $0x0  }
0x53: {  	s29 =	sadd.s32 $0xFFFFFF80, s26  }
0x54: {  	[tilespmem:s22], [sflag:$0x2] =	stream.indirect.gather [hbm4b:s4+s19], $0x80, s29, s19, $0xb8;
	[tilespmem:$0x170C0] =	vst v63  }
0x55: {  	_ =	swait.ge [sflag:s21], $0x2800  }
0x56: {  	[sflag:s21] =	ssyncset.done $0x0  }
0x57: {  	[sflag:s21] =	ssyncadd.s32 $0xFFFFD800  }
0x58: {  	[spmem:s1] =	stream.indirect.scatter.add.f32 [tilespmem:s20], [sflag:$0x3], $0x80, s25, s19, $0xb8;
	[tilespmem:$0x170C0] =	vst v63  }
0x59: {  	_ =	swait.ge [sflag:s16], $0x2800  }
0x5a: {  	[sflag:s16] =	ssyncset.done $0x0  }
0x5b: {  	[sflag:s16] =	ssyncadd.s32 $0xFFFFD800  }
0x5c: {  	[tilespmem:s20], [sflag:$0x1] =	stream.indirect.gather [hbm4b:s4+s19], $0x80, s26, s19, $0xb8;
	[tilespmem:$0x170C0] =	vst v63  }
0x5d: {  	p1 =	sne.s32 s28, $0x1;
	_ =	swait.ge [sflag:s23], $0x2800  }
.Ltmp4:
0x5e: {  	[sflag:s23] =	ssyncset.done $0x0;
	(pc) =	sbr.rel @!p1 .LBB2_5-.Ltmp4, $4  }
0x5f: {  	s29 =	sadd.s32 $0x80, s25;
	[sflag:s23] =	ssyncadd.s32 $0xFFFFD800  }
0x60: {  	[spmem:s1] =	stream.indirect.scatter.add.f32 [tilespmem:s22], [sflag:$0x3], $0x80, s29, s19, $0xb8;
	[tilespmem:$0x170C0] =	vst v63  }
0x61: {  	p0 =	por $0x1, $0x1;
	s26 =	sadd.s32 $0x100, s26;
	_ =	swait.ge [sflag:s16], $0x2800  }
0x62: {  	s29 =	sadd.s32 $0xFFFFFFFF, s28;
	s28 =	simm.s32 $0x4000;
	[sflag:s16] =	ssyncset.done $0x0  }
.LBB2_6:
0x63: {  	s30 =	sadd.s32 $0xFFFFFF80, s26;
	[sflag:s16] =	ssyncadd.s32 $0xFFFFD800;
	s28 =	sadd.s32 $0x100, s28  }
0x64: {  	[tilespmem:s22], [sflag:$0x2] =	stream.indirect.gather [hbm4b:s4+s19], $0x80, s30, s19, $0xb8;
	[tilespmem:$0x170C0] =	vst v63  }
0x65: {  	p1 =	sne.s32 s29, $0x1;
	s29 =	sadd.s32 $0xFFFFFFFF, s29;
	_ =	swait.ge [sflag:s21], $0x2800  }
0x66: {  	[sflag:s21] =	ssyncset.done $0x0  }
0x67: {  	[sflag:s21] =	ssyncadd.s32 $0xFFFFD800  }
0x68: {  	[spmem:s1] =	stream.indirect.scatter.add.f32 [tilespmem:s20], [sflag:$0x3], $0x80, s28, s19, $0xb8;
	[tilespmem:$0x170C0] =	vst v63  }
0x69: {  	_ =	swait.ge [sflag:s16], $0x2800  }
0x6a: {  	[sflag:s16] =	ssyncset.done $0x0  }
0x6b: {  	[sflag:s16] =	ssyncadd.s32 $0xFFFFD800  }
0x6c: {  	[tilespmem:s20], [sflag:$0x1] =	stream.indirect.gather [hbm4b:s4+s19], $0x80, s26, s19, $0xb8;
	[tilespmem:$0x170C0] =	vst v63  }
0x6d: {  	_ =	swait.ge [sflag:s23], $0x2800  }
.Ltmp5:
0x6e: {  	[sflag:s23] =	ssyncset.done $0x0;
	(pc) =	sbr.rel @p1 .LBB2_6-.Ltmp5, $4  }
0x6f: {  	s30 =	sadd.s32 $0x80, s28;
	[sflag:s23] =	ssyncadd.s32 $0xFFFFD800  }
0x70: {  	[spmem:s1] =	stream.indirect.scatter.add.f32 [tilespmem:s22], [sflag:$0x3], $0x80, s30, s19, $0xb8;
	[tilespmem:$0x170C0] =	vst v63  }
0x71: {  	_ =	swait.ge [sflag:s16], $0x2800  }
0x72: {  	s26 =	sadd.s32 $0x100, s26;
	[sflag:s16] =	ssyncset.done $0x0  }
.LBB2_7:
0x73: {  	s29 =	sadd.s32 $0xFFFFFF80, s26;
	[sflag:s16] =	ssyncadd.s32 @p0 $0xFFFFD800  }
0x74: {  	[tilespmem:s22], [sflag:$0x2] =	stream.indirect.gather [hbm4b:s4+s19], $0x80, s29, s19, $0xb8;
	[tilespmem:$0x170C0] =	vst v63  }
0x75: {  	_ =	swait.ge [sflag:s21], $0x2800  }
0x76: {  	s28 =	sadd.s32 @p0 $0x100, s28;
	[sflag:s21] =	ssyncset.done $0x0  }
0x77: {  	s25 =	smov.u32 @p0 s28;
	[sflag:s21] =	ssyncadd.s32 $0xFFFFD800  }
0x78: {  	[spmem:s1] =	stream.indirect.scatter.add.f32 [tilespmem:s20], [sflag:$0x3], $0x80, s25, s19, $0xb8;
	[tilespmem:$0x170C0] =	vst v63  }
0x79: {  	_ =	swait.ge [sflag:s16], $0x2800  }
0x7a: {  	[sflag:s16] =	ssyncset.done $0x0  }
0x7b: {  	[sflag:s16] =	ssyncadd.s32 $0xFFFFD800  }
0x7c: {  	[tilespmem:s20], [sflag:$0x1] =	stream.indirect.gather [hbm4b:s4+s19], $0x80, s26, s19, $0xb8;
	[tilespmem:$0x170C0] =	vst v63  }
0x7d: {  	_ =	swait.ge [sflag:s23], $0x2800  }
0x7e: {  	[sflag:s23] =	ssyncset.done $0x0  }
0x7f: {  	s25 =	sadd.s32 $0x80, s25;
	[sflag:s23] =	ssyncadd.s32 $0xFFFFD800  }
0x80: {  	[spmem:s1] =	stream.indirect.scatter.add.f32 [tilespmem:s22], [sflag:$0x3], $0x80, s25, s19, $0xb8;
	[tilespmem:$0x170C0] =	vst v63  }
0x81: {  	_ =	swait.ge [sflag:s16], $0x2800  }
0x82: {  	[sflag:s16] =	ssyncset.done $0x0  }
0x83: {  	[sflag:s16] =	ssyncadd.s32 $0xFFFFD800  }
.LBB2_8:
0x84: {  	_ =	swait.ge [sflag:s21], $0x2800  }
0x85: {  	[sflag:s21] =	ssyncset.done $0x0  }
0x86: {  	[sflag:s21] =	ssyncadd.s32 $0xFFFFD800  }
0x87: {  	[bflag:$0x0] =	sbarrier.arrive $0xFFFF  }
0x88: {  	[hbm:s9], [sflag:s17] =	dma.local [spmem:s18], $0x1400  }
0x89: {  	_ =	swait.ge [sflag:s16], $0x1400  }
0x8a: {  	[sflag:s16] =	ssyncset.done $0x0  }
0x8b: {  	[sflag:s16] =	ssyncadd.s32 $0xFFFFEC00  }
0x8c: {  	[bflag:$0x0] =	sbarrier.arrive $0xFFFF  }
0x8d: {  	[tilespmem:s3], [sflag:$0x3] =	stream.linear.gather [hbm4b:s10+s3], $0x3F80, $0x38;
	[tilespmem:$0x170C0] =	vst v63  }
0x8e: {  	_ =	swait.ge [sflag:s16], $0x3F80  }
0x8f: {  	[sflag:s16] =	ssyncset.done $0x0  }
0x90: {  	s25 =	simm.s32 $0x4000;
	[sflag:s16] =	ssyncadd.s32 $0xFFFFC080  }
0x91: {  	[tilespmem:s25], [sflag:$0x3] =	stream.linear.gather [hbm4b:s11+s3], $0x3F80, $0x38;
	[tilespmem:$0x170C0] =	vst v63  }
0x92: {  	v0 =	vsel vm1, $0x0, v0;
	_ =	swait.ge [sflag:s16], $0x3F80  }
0x93: {  	(xrf0) =	vadd.scan.msk.s32 $0xffff, v0;
	_ =	sdelay $0x5  }
0x94: {  	v0, _, _ =	vpop (xrf0)  }
0x95: {  	(v2sf) =	vpush v0, $0xF;
	_ =	sdelay $0xd  }
0x96: {  	[sflag:s16] =	ssyncset.done $0x0  }
0x97: {  	[sflag:s16] =	ssyncadd.s32 $0xFFFFC080;
	s26 =	spop (v2sf)  }
0x98: {  	[spmem:s18], [sflag:s17] =	dma.local [hbm:s12], $0x1400  }
0x99: {  	s28 =	sadd.s32 $0x1, s26;
	p0 =	slt.u32 s26, $0x7FFFFFFF;
	s26 =	simm.s32 $0x1  }
0x9a: {  	s26 =	simm.s32 @!p0 $0x0;
	s29 =	sshra.s32 s28, $0x1F  }
0x9b: {  	s30 =	sand.u32 $0x1, s28;
	s26 =	sadd.s32 s26, s29  }
0x9c: {  	p1 =	seq.s32 s30, $0x1;
	p6 =	sne.s32 s26, $0x1  }
0x9d: {  	s31 =	sshrl.u32 s28, $0x1F;
	p0 =	por !p6, !p1  }
0x9e: {  	s26 =	sadd.s32 s31, s28;
	s28 =	simm.s32 $0x1;
	p0 =	por !p0, !p0  }
0x9f: {  	s26 =	sshra.s32 s26, $0x1;
	s28 =	simm.s32 @!p0 $0x0  }
0xa0: {  	s28 =	ssub.s32 s26, s28  }
0xa1: {  	_ =	swait.ge [sflag:s16], $0x1400;
	p0 =	slt.s32 s28, $0x1  }
.Ltmp6:
0xa2: {  	[sflag:s16] =	ssyncset.done $0x0;
	(pc) =	sbr.rel @p0 .LBB2_15-.Ltmp6, $4  }
0xa3: {  	[sflag:s16] =	ssyncadd.s32 $0xFFFFEC00  }
0xa4: {  	[bflag:$0x0] =	sbarrier.arrive $0xFFFF  }
0xa5: {  	[tilespmem:s20], [sflag:$0x1] =	stream.indirect.gather [hbm4b:s4+s19], $0x80, s3, s19, $0xb8;
	[tilespmem:$0x170C0] =	vst v63  }
0xa6: {  	s26 =	simm.s32 $0x100  }
0xa7: {  	p1 =	sne.s32 s28, $0x1  }
.Ltmp7:
0xa8: {  	_ = 	snop;
	(pc) =	sbr.rel @!p1 .LBB2_10-.Ltmp7, $2  }
0xa9: {  	_ =	sdelay $0x2  }
0xaa: {  	s28 =	sadd.s32 $0xFFFFFFFF, s28;
	p0 =	por $0x0, $0x0  }
0xab: {  	s29 =	sadd.s32 $0xFFFFFF80, s26  }
0xac: {  	[tilespmem:s22], [sflag:$0x2] =	stream.indirect.gather [hbm4b:s4+s19], $0x80, s29, s19, $0xb8;
	[tilespmem:$0x170C0] =	vst v63  }
0xad: {  	_ =	swait.ge [sflag:s21], $0x2800  }
0xae: {  	[sflag:s21] =	ssyncset.done $0x0  }
0xaf: {  	[sflag:s21] =	ssyncadd.s32 $0xFFFFD800  }
0xb0: {  	[spmem:s1] =	stream.indirect.scatter.add.f32 [tilespmem:s20], [sflag:$0x3], $0x80, s25, s19, $0xb8;
	[tilespmem:$0x170C0] =	vst v63  }
0xb1: {  	_ =	swait.ge [sflag:s16], $0x2800  }
0xb2: {  	[sflag:s16] =	ssyncset.done $0x0  }
0xb3: {  	[sflag:s16] =	ssyncadd.s32 $0xFFFFD800  }
0xb4: {  	[tilespmem:s20], [sflag:$0x1] =	stream.indirect.gather [hbm4b:s4+s19], $0x80, s26, s19, $0xb8;
	[tilespmem:$0x170C0] =	vst v63  }
0xb5: {  	p1 =	sne.s32 s28, $0x1;
	_ =	swait.ge [sflag:s23], $0x2800  }
.Ltmp8:
0xb6: {  	[sflag:s23] =	ssyncset.done $0x0;
	(pc) =	sbr.rel @!p1 .LBB2_12-.Ltmp8, $4  }
0xb7: {  	s29 =	sadd.s32 $0x80, s25;
	[sflag:s23] =	ssyncadd.s32 $0xFFFFD800  }
0xb8: {  	[spmem:s1] =	stream.indirect.scatter.add.f32 [tilespmem:s22], [sflag:$0x3], $0x80, s29, s19, $0xb8;
	[tilespmem:$0x170C0] =	vst v63  }
0xb9: {  	p0 =	por $0x1, $0x1;
	s26 =	sadd.s32 $0x100, s26;
	_ =	swait.ge [sflag:s16], $0x2800  }
0xba: {  	s29 =	sadd.s32 $0xFFFFFFFF, s28;
	s28 =	simm.s32 $0x4000;
	[sflag:s16] =	ssyncset.done $0x0  }
.LBB2_13:
0xbb: {  	s30 =	sadd.s32 $0xFFFFFF80, s26;
	[sflag:s16] =	ssyncadd.s32 $0xFFFFD800;
	s28 =	sadd.s32 $0x100, s28  }
0xbc: {  	[tilespmem:s22], [sflag:$0x2] =	stream.indirect.gather [hbm4b:s4+s19], $0x80, s30, s19, $0xb8;
	[tilespmem:$0x170C0] =	vst v63  }
0xbd: {  	p1 =	sne.s32 s29, $0x1;
	s29 =	sadd.s32 $0xFFFFFFFF, s29;
	_ =	swait.ge [sflag:s21], $0x2800  }
0xbe: {  	[sflag:s21] =	ssyncset.done $0x0  }
0xbf: {  	[sflag:s21] =	ssyncadd.s32 $0xFFFFD800  }
0xc0: {  	[spmem:s1] =	stream.indirect.scatter.add.f32 [tilespmem:s20], [sflag:$0x3], $0x80, s28, s19, $0xb8;
	[tilespmem:$0x170C0] =	vst v63  }
0xc1: {  	_ =	swait.ge [sflag:s16], $0x2800  }
0xc2: {  	[sflag:s16] =	ssyncset.done $0x0  }
0xc3: {  	[sflag:s16] =	ssyncadd.s32 $0xFFFFD800  }
0xc4: {  	[tilespmem:s20], [sflag:$0x1] =	stream.indirect.gather [hbm4b:s4+s19], $0x80, s26, s19, $0xb8;
	[tilespmem:$0x170C0] =	vst v63  }
0xc5: {  	_ =	swait.ge [sflag:s23], $0x2800  }
.Ltmp9:
0xc6: {  	[sflag:s23] =	ssyncset.done $0x0;
	(pc) =	sbr.rel @p1 .LBB2_13-.Ltmp9, $4  }
0xc7: {  	s30 =	sadd.s32 $0x80, s28;
	[sflag:s23] =	ssyncadd.s32 $0xFFFFD800  }
0xc8: {  	[spmem:s1] =	stream.indirect.scatter.add.f32 [tilespmem:s22], [sflag:$0x3], $0x80, s30, s19, $0xb8;
	[tilespmem:$0x170C0] =	vst v63  }
0xc9: {  	_ =	swait.ge [sflag:s16], $0x2800  }
0xca: {  	s26 =	sadd.s32 $0x100, s26;
	[sflag:s16] =	ssyncset.done $0x0  }
.Ltmp10:
0xcb: {  	_ = 	snop;
	(pc) =	sbr.rel .LBB2_14-.Ltmp10, $1  }
0xcc: {  	_ =	sdelay $0x3  }
.LBB2_3:
.Ltmp11:
0xcd: {  	(pc) =	sbr.rel .LBB2_7-.Ltmp11, $2  }
0xce: {  	_ =	sdelay $0x2  }
0xcf: {  	s28 =	simm.s32 $0x4000  }
.LBB2_5:
.Ltmp12:
0xd0: {  	(pc) =	sbr.rel .LBB2_7-.Ltmp12, $2  }
0xd1: {  	_ =	sdelay $0x2  }
0xd2: {  	s28 =	simm.s32 $0x4000  }
.LBB2_12:
.Ltmp13:
0xd3: {  	(pc) =	sbr.rel .LBB2_14-.Ltmp13, $2  }
0xd4: {  	_ =	sdelay $0x2  }
0xd5: {  	s28 =	simm.s32 $0x4000  }
.LBB2_16:
0xd6: {  	_ =	sfence.sel $0x180000  }
0xd7: {  	[bflag:$0x0] =	sbarrier.arrive $0xFFFF  }
0xd8: {  	p0 =	sne.s32 s2, $0x0;
	_ =	strace $0x90000050  }
0xd9: {  	s0 =	sadd.s32 @!p0 $0x100000, s0;
	[bflag:$0x2] =	sbarrier.arrive $0xFFFF  }
0xda: {  	[sflag:s0] =	ssyncadd.tile.s32 @!p0 $0x1;
	_ =	shalt  }
.Lfunc_end2:
_tile_overlayer_lowered:
.L_overlay_start_2:
0xdb: {  	(tag) =	ssettag $0x2  }
0xdc: {  	s0 =	rddreg [dreg:$0x0];
	s2 =	stileid.u32  }
0xdd: {  	s1 =	rddreg [dreg:$0x1];
	p0 =	sne.s32 s2, $0x0  }
0xde: {  	s3 =	rddreg [dreg:$0x2];
	[bflag:$0x3] =	sbarrier.arrive $0xFFFF;
	s2 =	simm.s32 @!p0 $0x1C03  }
0xdf: {  	[timem:s3], [sflag:s2] =	dma.local @!p0 [hbm:s0], s1  }
0xe0: {  	s0 =	simm.s32 @!p0 $0x3  }
0xe1: {  	_ =	swait.ge @!p0 [sflag:s0], s1  }
0xe2: {  	s1 =	ssub.s32 @!p0 $0x0, s1;
	[sflag:s0] =	ssyncset.done @!p0 $0x0  }
0xe3: {  	[sflag:s0] =	ssyncadd.s32 @!p0 s1  }
0xe4: {  	[bflag:$0x3] =	sbarrier.arrive $0xFFFF  }
0xe5: {  	_ =	shalt  }

</sc_bundles>
